<compile_context>
chip_gen: v7x
topology: tpu7x:2x2x1
jax: 0.10.2.dev20260603
libtpu: 0.0.44.dev20260713+nightly
codegen_flags: <defaults>
</compile_context>

<pallas_src>
import jax
import jax.numpy as jnp
from jax.experimental import pallas as pl
from jax.experimental.pallas import tpu as pltpu
from jax.experimental.pallas import tpu_sc as plsc

_P = 8732
_PP = 8960
_ROWS = 70
_LANES = 128
_C = 21
_O = 8
_NEGPOS = 3


def _stage1_body(pc_ref, loc_ref, pr_ref, tg_ref, keys_ref, keysi_ref,
                 scal_ref):
    f32 = jnp.float32
    cx = pr_ref[0]
    cy = pr_ref[1]
    w = pr_ref[2]
    h = pr_ref[3]
    pfx1 = cx - w * 0.5
    pfy1 = cy - h * 0.5
    pfx2 = cx + w * 0.5
    pfy2 = cy + h * 0.5
    area_p = w * h

    pidx = (jax.lax.broadcasted_iota(jnp.int32, (_ROWS, _LANES), 0) * _LANES
            + jax.lax.broadcasted_iota(jnp.int32, (_ROWS, _LANES), 1))
    valid = pidx < _P

    for rf in range(2):
        bt_over = jnp.full((_ROWS, _LANES), -1.0, f32)
        bt_idx = jnp.zeros((_ROWS, _LANES), jnp.int32)
        tboxes = []
        bp_idx = []
        for t in range(_O):
            tx1 = tg_ref[rf, 0, t, 0]
            ty1 = tg_ref[rf, 0, t, 1]
            tx2 = tg_ref[rf, 0, t, 2]
            ty2 = tg_ref[rf, 0, t, 3]
            tlab = tg_ref[rf, 0, t, 4]
            tboxes.append((tx1, ty1, tx2, ty2, tlab))
            iw = jnp.maximum(
                jnp.minimum(tx2, pfx2) - jnp.maximum(tx1, pfx1), 0.0)
            ih = jnp.maximum(
                jnp.minimum(ty2, pfy2) - jnp.maximum(ty1, pfy1), 0.0)
            inter = iw * ih
            area_t = (tx2 - tx1) * (ty2 - ty1)
            iou = inter / (area_t + area_p - inter)
            upd = iou > bt_over
            bt_over = jnp.where(upd, iou, bt_over)
            bt_idx = jnp.where(upd, t, bt_idx)
            iouv = jnp.where(valid, iou, -1.0)
            m = jnp.max(iouv)
            bp_idx.append(
                jnp.min(jnp.where(iouv == m, pidx, jnp.int32(2**30))))

        for t in range(_O):
            force = pidx == bp_idx[t]
            bt_over = jnp.where(force, 2.0, bt_over)
            bt_idx = jnp.where(force, t, bt_idx)

        pos = bt_over >= 0.5
        npos = jnp.sum(jnp.where(pos, 1, 0)).astype(jnp.int32)

        mx1 = jnp.zeros((_ROWS, _LANES), f32)
        my1 = jnp.zeros((_ROWS, _LANES), f32)
        mx2 = jnp.zeros((_ROWS, _LANES), f32)
        my2 = jnp.zeros((_ROWS, _LANES), f32)
        lab = jnp.zeros((_ROWS, _LANES), f32)
        for t in range(_O):
            sel = bt_idx == t
            tx1, ty1, tx2, ty2, tlab = tboxes[t]
            mx1 = jnp.where(sel, tx1, mx1)
            my1 = jnp.where(sel, ty1, my1)
            mx2 = jnp.where(sel, tx2, mx2)
            my2 = jnp.where(sel, ty2, my2)
            lab = jnp.where(sel, tlab + 1.0, lab)
        cls = jnp.where(pos, lab, 0.0)

        g_cx = ((mx1 + mx2) * 0.5 - cx) / (0.1 * w)
        g_cy = ((my1 + my2) * 0.5 - cy) / (0.1 * h)
        g_w = jnp.log((mx2 - mx1) / w) / 0.2
        g_h = jnp.log((my2 - my1) / h) / 0.2
        loss_l = jnp.float32(0.0)
        for c, g in enumerate((g_cx, g_cy, g_w, g_h)):
            d = loc_ref[0, rf, c] - g
            ad = jnp.abs(d)
            s = jnp.where(ad < 1.0, 0.5 * d * d, ad - 0.5)
            loss_l = loss_l + jnp.sum(jnp.where(pos, s, 0.0))

        mx = jnp.full((_ROWS, _LANES), -3.0e38, f32)
        for c in range(_C):
            mx = jnp.maximum(mx, pc_ref[0, rf, c])
        ssum = jnp.zeros((_ROWS, _LANES), f32)
        gat = jnp.zeros((_ROWS, _LANES), f32)
        for c in range(_C):
            x = pc_ref[0, rf, c]
            ssum = ssum + jnp.exp(x - mx)
            gat = jnp.where(cls == float(c), x, gat)
        ce = jnp.log(ssum) + mx - gat

        ce_pos = jnp.sum(jnp.where(pos, ce, 0.0))
        masked = jnp.where(pos, 0.0, ce)
        masked = jnp.where(valid, masked, -1.0)
        keys_ref[rf] = masked
        keysi_ref[rf] = jax.lax.bitcast_convert_type(masked, jnp.int32)
        scal_ref[rf, 0, 0] = npos.astype(f32)
        scal_ref[rf, 0, 1] = loss_l
        scal_ref[rf, 0, 2] = ce_pos


def _sc_mine_body(keysf_hbm, keysi_hbm, kin_hbm,
                  outf_hbm, outlo_hbm, outn_hbm,
                  rowf_v, rowi_v, kv_v, outf_v, outlo_v, outn_v):
    wid = jax.lax.axis_index("s") * 2 + jax.lax.axis_index("c")
    nvreg = _PP // 16

    for r in range(2):
        row = wid * 2 + r
        pltpu.sync_copy(keysf_hbm.at[row], rowf_v)
        pltpu.sync_copy(keysi_hbm.at[row], rowi_v)
        pltpu.sync_copy(kin_hbm.at[row], kv_v)
        kv = kv_v[...]
        onesi = jnp.ones((16,), jnp.int32)
        zerosi = jnp.zeros((16,), jnp.int32)
        zerosf = jnp.zeros((16,), jnp.float32)
        iota16 = jax.lax.iota(jnp.int32, 16)
        gdn = jax.lax.GatherDimensionNumbers(
            offset_dims=(), collapsed_slice_dims=(0,), start_index_map=(0,))

        def splat_sum(x):
            for sh in (1, 2, 4, 8):
                perm = jnp.bitwise_xor(iota16, jnp.full((16,), sh, jnp.int32))
                x = x + jax.lax.gather(
                    x, perm[:, None], gdn, (1,),
                    mode=jax.lax.GatherScatterMode.PROMISE_IN_BOUNDS)
            return x

        def bs_step(_, lohi):
            lo, hi = lohi
            span = hi - lo
            mid = lo + (span >> 1) + (span & 1)

            def cbody(j, cnt):
                acc = cnt
                for u in range(8):
                    bits = rowi_v[pl.ds(j * 128 + u * 16, 16)]
                    acc = acc + jnp.where(bits >= mid, onesi, zerosi)
                return acc

            cnt = jax.lax.fori_loop(0, nvreg // 8, cbody, zerosi)
            pred = splat_sum(cnt) >= kv
            return (jnp.where(pred, mid, lo), jnp.where(pred, hi, mid - 1))

        lo, _ = jax.lax.fori_loop(
            0, 31, bs_step,
            (jnp.zeros((16,), jnp.int32),
             jnp.full((16,), 2**31 - 1, jnp.int32)))

        def tbody(j, carry):
            ngt, sgt = carry
            for u in range(8):
                bits = rowi_v[pl.ds(j * 128 + u * 16, 16)]
                x = rowf_v[pl.ds(j * 128 + u * 16, 16)]
                gt = bits > lo
                ngt = ngt + jnp.where(gt, onesi, zerosi)
                sgt = sgt + jnp.where(gt, x, zerosf)
            return ngt, sgt

        ngt, sgt = jax.lax.fori_loop(
            0, nvreg // 8, tbody,
            (jnp.zeros((16,), jnp.int32), jnp.zeros((16,), jnp.float32)))
        outf_v[...] = sgt
        outlo_v[...] = lo
        outn_v[...] = ngt
        pltpu.sync_copy(outf_v, outf_hbm.at[row])
        pltpu.sync_copy(outlo_v, outlo_hbm.at[row])
        pltpu.sync_copy(outn_v, outn_hbm.at[row])


@jax.jit
def kernel(loc_datas, p_m_datas, p_c_datas, priors, targets):
    del p_m_datas
    B, F, P, _ = loc_datas.shape
    nrows = B * F
    pad = _PP - P

    pc = jnp.pad(p_c_datas, ((0, 0), (0, 0), (0, pad), (0, 0)))
    pc = jnp.transpose(pc, (0, 1, 3, 2)).reshape(B, F, _C, _ROWS, _LANES)
    loc = jnp.pad(loc_datas, ((0, 0), (0, 0), (0, pad), (0, 0)))
    loc = jnp.transpose(loc, (0, 1, 3, 2)).reshape(B, F, 4, _ROWS, _LANES)
    pr = jnp.pad(jnp.transpose(priors, (1, 0)), ((0, 0), (0, pad)))
    pr = pr.reshape(4, _ROWS, _LANES)

    FH = F // 2
    keys, keysi, scal = pl.pallas_call(
        _stage1_body,
        grid=(B, FH),
        compiler_params=pltpu.CompilerParams(
            dimension_semantics=("parallel", "parallel")),
        in_specs=[
            pl.BlockSpec((1, 2, _C, _ROWS, _LANES), lambda b, f: (b, f, 0, 0, 0)),
            pl.BlockSpec((1, 2, 4, _ROWS, _LANES), lambda b, f: (b, f, 0, 0, 0)),
            pl.BlockSpec((4, _ROWS, _LANES), lambda b, f: (0, 0, 0)),
            pl.BlockSpec((2, 1, _O, 6), lambda b, f: (f, b, 0, 0),
                         memory_space=pltpu.SMEM),
        ],
        out_specs=[
            pl.BlockSpec((2, _ROWS, _LANES), lambda b, f: (b * FH + f, 0, 0)),
            pl.BlockSpec((2, _ROWS, _LANES), lambda b, f: (b * FH + f, 0, 0)),
            pl.BlockSpec((2, 1, 8), lambda b, f: (b * FH + f, 0, 0),
                         memory_space=pltpu.SMEM),
        ],
        out_shape=[
            jax.ShapeDtypeStruct((nrows, _ROWS, _LANES), jnp.float32),
            jax.ShapeDtypeStruct((nrows, _ROWS, _LANES), jnp.int32),
            jax.ShapeDtypeStruct((nrows, 1, 8), jnp.float32),
        ],
    )(pc, loc, pr, targets)

    kf = jnp.minimum(scal[:, 0, 0] * _NEGPOS, float(_P - 1))
    k = kf.astype(jnp.int32)
    kin = jnp.broadcast_to(k[:, None], (nrows, 16))
    keysf = keys.reshape(nrows, _PP)
    keysi = keysi.reshape(nrows, _PP)
    mine = pl.kernel(
        _sc_mine_body,
        mesh=plsc.VectorSubcoreMesh(core_axis_name="c", subcore_axis_name="s"),
        out_type=[
            jax.ShapeDtypeStruct((nrows, 16), jnp.float32),
            jax.ShapeDtypeStruct((nrows, 16), jnp.int32),
            jax.ShapeDtypeStruct((nrows, 16), jnp.int32),
        ],
        scratch_types=[
            pltpu.VMEM((_PP,), jnp.float32),
            pltpu.VMEM((_PP,), jnp.int32),
            pltpu.VMEM((16,), jnp.int32),
            pltpu.VMEM((16,), jnp.float32),
            pltpu.VMEM((16,), jnp.int32),
            pltpu.VMEM((16,), jnp.int32),
        ],
    )
    sgt, lo, ngt = mine(keysf, keysi, kin)

    vf = jax.lax.bitcast_convert_type(lo[:, 0], jnp.float32)
    tie = (k - jnp.sum(ngt, axis=1)).astype(jnp.float32) * vf
    neg = jnp.where(k > 0, jnp.sum(sgt, axis=1) + tie, 0.0)

    np_tot = jnp.sum(scal[:, 0, 0])
    loss_l = jnp.sum(scal[:, 0, 1])
    loss_c = jnp.sum(scal[:, 0, 2]) + jnp.sum(neg)
    n = np_tot * jnp.float32(F * B)
    return (loss_l / n, loss_c / n)

# --- scband reference (transcript-rebuilt; emitter-appended) ---
"""Pipeline reference for scband-multi-box-loss-5334349381819 (READ-ONLY COPY).

The authoritative reference and input builder live on the scoring server;
editing this copy changes nothing except your own understanding.
"""

import jax, jax.numpy as jnp
import numpy as np

NUM_CLASSES = 21
THRESHOLD = 0.5
NEGPOS_RATIO = 3
VAR0 = 0.1
VAR1 = 0.2


def point_form(boxes):
    return jnp.concatenate([boxes[:, :2] - boxes[:, 2:] / 2.0, boxes[:, :2] + boxes[:, 2:] / 2.0], axis=1)


def intersect(box_a, box_b):
    max_xy = jnp.minimum(box_a[:, None, 2:], box_b[None, :, 2:])
    min_xy = jnp.maximum(box_a[:, None, :2], box_b[None, :, :2])
    inter = jnp.clip(max_xy - min_xy, 0.0, None)
    return inter[..., 0] * inter[..., 1]


def jaccard(box_a, box_b):
    inter = intersect(box_a, box_b)
    area_a = ((box_a[:, 2] - box_a[:, 0]) * (box_a[:, 3] - box_a[:, 1]))[:, None]
    area_b = ((box_b[:, 2] - box_b[:, 0]) * (box_b[:, 3] - box_b[:, 1]))[None, :]
    return inter / (area_a + area_b - inter)


def encode(matched, priors):
    g_cxcy = (matched[:, :2] + matched[:, 2:]) / 2.0 - priors[:, :2]
    g_cxcy = g_cxcy / (VAR0 * priors[:, 2:])
    g_wh = (matched[:, 2:] - matched[:, :2]) / priors[:, 2:]
    g_wh = jnp.log(g_wh) / VAR1
    return jnp.concatenate([g_cxcy, g_wh], axis=1)


def match_one(truths, labels, priors):
    overlaps = jaccard(truths, point_form(priors))
    best_prior_idx = jnp.argmax(overlaps, axis=1)
    best_truth_overlap = jnp.max(overlaps, axis=0)
    best_truth_idx = jnp.argmax(overlaps, axis=0)
    best_truth_overlap = best_truth_overlap.at[best_prior_idx].set(2.0)
    best_truth_idx = best_truth_idx.at[best_prior_idx].set(jnp.arange(truths.shape[0]))
    matches = truths[best_truth_idx]
    conf = labels[best_truth_idx].astype(jnp.int32) + 1
    conf = jnp.where(best_truth_overlap < THRESHOLD, 0, conf)
    loc = encode(matches, priors)
    return loc, conf


def _forward(loc_datas, p_m_datas, p_c_datas, priors, targets):
    num, num_frames, num_priors, _ = loc_datas.shape
    num_classes = p_c_datas.shape[-1]
    truths_all = targets[..., :4]
    labels_all = targets[..., 4]
    m = jax.vmap(jax.vmap(lambda t, l: match_one(t, l, priors)))
    loc_ts, conf_ts = m(truths_all, labels_all)
    loc_ts = jax.lax.stop_gradient(jnp.transpose(loc_ts, (1, 0, 2, 3)))
    conf_ts = jax.lax.stop_gradient(jnp.transpose(conf_ts, (1, 0, 2)))
    pos = conf_ts > 0
    diff = loc_datas - loc_ts
    ad = jnp.abs(diff)
    sl1 = jnp.where(ad < 1.0, 0.5 * diff * diff, ad - 0.5)
    loss_l = jnp.sum(sl1 * pos[..., None].astype(sl1.dtype))
    batch_conf = p_c_datas.reshape(-1, num_classes)
    x_max = jax.lax.stop_gradient(jnp.max(batch_conf))
    lse = jnp.log(jnp.sum(jnp.exp(batch_conf - x_max), axis=1, keepdims=True)) + x_max
    gathered = jnp.take_along_axis(batch_conf, conf_ts.reshape(-1, 1), axis=1)
    loss_c_elem = (lse - gathered).reshape(num, num_frames, num_priors)
    loss_c_elem = jnp.where(pos, 0.0, loss_c_elem)
    loss_idx = jnp.argsort(-loss_c_elem, axis=2)
    idx_rank = jnp.argsort(loss_idx, axis=2)
    num_pos = jnp.sum(pos.astype(jnp.int32), axis=2, keepdims=True)
    num_neg = jnp.minimum(NEGPOS_RATIO * num_pos, num_priors - 1)
    neg = idx_rank < num_neg
    sel = (pos | neg).astype(batch_conf.dtype)
    row_lse = jax.nn.logsumexp(batch_conf, axis=1)
    ce = (row_lse - gathered[:, 0]).reshape(num, num_frames, num_priors)
    loss_c = jnp.sum(ce * sel)
    N = (jnp.sum(num_pos) * num_frames * num).astype(jnp.float32)
    return (loss_l / N, loss_c / N)


def setup_inputs(seed: int = 0) -> dict:
    key = jax.random.key(seed)
    ks = jax.random.split(key, 8)
    B, F, P, C, O = 16, 4, 8732, 21, 8
    loc_datas = jax.random.normal(ks[0], (B, F, P, 4), dtype=jnp.float32) * 0.1
    p_m_datas = jax.random.normal(ks[1], (B, F, P, 2), dtype=jnp.float32)
    p_c_datas = jax.random.normal(ks[2], (B, F, P, C), dtype=jnp.float32)
    cxy = jax.random.uniform(ks[3], (P, 2), minval=0.0, maxval=1.0)
    wh = jax.random.uniform(ks[4], (P, 2), minval=0.05, maxval=0.5)
    priors = jnp.concatenate([cxy, wh], axis=1).astype(jnp.float32)
    centers = jax.random.uniform(ks[5], (F, B, O, 2), minval=0.1, maxval=0.9)
    half = jax.random.uniform(ks[6], (F, B, O, 2), minval=0.02, maxval=0.1)
    labels = jax.random.randint(ks[7], (F, B, O, 1), 0, C - 1).astype(jnp.float32)
    extra = jnp.zeros((F, B, O, 1), jnp.float32)
    targets = jnp.concatenate([centers - half, centers + half, labels, extra], axis=-1).astype(jnp.float32)
    return {"loc_datas": loc_datas, "p_m_datas": p_m_datas, "p_c_datas": p_c_datas, "priors": priors, "targets": targets}


def reference(loc_datas, p_m_datas, p_c_datas, priors, targets):
    return _forward(loc_datas, p_m_datas, p_c_datas, priors, targets)

if __name__ == "__main__":
    import jax
    _d = setup_inputs()
    print(jax.jit(kernel)(*tuple(_d.values())))

</pallas_src>

<mosaic_0001>
#map = affine_map<(d0, d1) -> (0, 0)>
module attributes {stable_mosaic.version = 14 : i64} {
  func.func @_sc_mine_body(%arg0: i32, %arg1: i32, %arg2: memref<64x8960xf32, #tpu.memory_space<hbm>>, %arg3: memref<64x8960xi32, #tpu.memory_space<hbm>>, %arg4: memref<64x16xi32, #tpu.memory_space<hbm>>, %arg5: memref<64x16xf32, #tpu.memory_space<hbm>>, %arg6: memref<64x16xi32, #tpu.memory_space<hbm>>, %arg7: memref<64x16xi32, #tpu.memory_space<hbm>>, %arg8: memref<8960xf32, #tpu.memory_space<vmem>>, %arg9: memref<8960xi32, #tpu.memory_space<vmem>>, %arg10: memref<16xi32, #tpu.memory_space<vmem>>, %arg11: memref<16xf32, #tpu.memory_space<vmem>>, %arg12: memref<16xi32, #tpu.memory_space<vmem>>, %arg13: memref<16xi32, #tpu.memory_space<vmem>>) attributes {dimension_semantics = [#tpu.dimension_semantics<core_parallel>, #tpu.dimension_semantics<subcore_parallel>], iteration_bounds = array<i64: 2, 16>, scalar_prefetch = 0 : i64, scratch_operands = 6 : i64, tpu.core_type = #tpu.core_type<sc_vector_subcore>, window_params = [{transform_indices = #map}, {transform_indices = #map}, {transform_indices = #map}, {transform_indices = #map}, {transform_indices = #map}, {transform_indices = #map}]} {
    %mul3A = arith.constant 2 : i32
    %mul3A_0 = arith.muli %arg1, %mul3A : i32
    %add3A = arith.addi %mul3A_0, %arg0 : i32
    %mul3A_1 = arith.constant 2 : i32
    %mul3A_2 = arith.muli %add3A, %mul3A_1 : i32
    %add3A_3 = arith.constant 0 : i32
    %add3A_4 = arith.addi %mul3A_2, %add3A_3 : i32
    "tpu.region"() ({
      %run_scoped3A = tpu.sem_alloc : memref<!tpu.dma_semaphore, #tpu.memory_space<semaphore_mem>>
      %dma_start3A = arith.constant 0 : i32
      %dma_start3A_88 = tpu.memref_slice %arg2[%add3A_4, %dma_start3A] : memref<64x8960xf32, #tpu.memory_space<hbm>> -> memref<1x8960xf32, #tpu.memory_space<hbm>>
      %dma_start3A_89 = tpu.memref_squeeze %dma_start3A_88 : memref<1x8960xf32, #tpu.memory_space<hbm>> -> memref<8960xf32, #tpu.memory_space<hbm>>
      %dma_start3A_90 = arith.constant 0 : i32
      %dma_start3A_91 = tpu.memref_slice %arg2[%add3A_4, %dma_start3A_90] : memref<64x8960xf32, #tpu.memory_space<hbm>> -> memref<1x8960xf32, #tpu.memory_space<hbm>>
      %dma_start3A_92 = tpu.memref_squeeze %dma_start3A_91 : memref<1x8960xf32, #tpu.memory_space<hbm>> -> memref<8960xf32, #tpu.memory_space<hbm>>
      tpu.enqueue_dma source(%dma_start3A_92 : memref<8960xf32, #tpu.memory_space<hbm>>) target(%arg8 : memref<8960xf32, #tpu.memory_space<vmem>>) target_semaphore(%run_scoped3A : memref<!tpu.dma_semaphore, #tpu.memory_space<semaphore_mem>>)
      %dma_wait3A = arith.constant 0 : i32
      %dma_wait3A_93 = tpu.memref_slice %arg2[%add3A_4, %dma_wait3A] : memref<64x8960xf32, #tpu.memory_space<hbm>> -> memref<1x8960xf32, #tpu.memory_space<hbm>>
      %dma_wait3A_94 = tpu.memref_squeeze %dma_wait3A_93 : memref<1x8960xf32, #tpu.memory_space<hbm>> -> memref<8960xf32, #tpu.memory_space<hbm>>
      %dma_wait3A_95 = arith.constant 0 : i32
      %dma_wait3A_96 = tpu.memref_slice %arg2[%add3A_4, %dma_wait3A_95] : memref<64x8960xf32, #tpu.memory_space<hbm>> -> memref<1x8960xf32, #tpu.memory_space<hbm>>
      %dma_wait3A_97 = tpu.memref_squeeze %dma_wait3A_96 : memref<1x8960xf32, #tpu.memory_space<hbm>> -> memref<8960xf32, #tpu.memory_space<hbm>>
      tpu.wait_dma2 semaphore(%run_scoped3A : memref<!tpu.dma_semaphore, #tpu.memory_space<semaphore_mem>>) src(%dma_wait3A_97 : memref<8960xf32, #tpu.memory_space<hbm>>) dst(%arg8 : memref<8960xf32, #tpu.memory_space<vmem>>)
      tpu.yield
    }) : () -> ()
    "tpu.region"() ({
      %run_scoped3A = tpu.sem_alloc : memref<!tpu.dma_semaphore, #tpu.memory_space<semaphore_mem>>
      %dma_start3A = arith.constant 0 : i32
      %dma_start3A_88 = tpu.memref_slice %arg3[%add3A_4, %dma_start3A] : memref<64x8960xi32, #tpu.memory_space<hbm>> -> memref<1x8960xi32, #tpu.memory_space<hbm>>
      %dma_start3A_89 = tpu.memref_squeeze %dma_start3A_88 : memref<1x8960xi32, #tpu.memory_space<hbm>> -> memref<8960xi32, #tpu.memory_space<hbm>>
      %dma_start3A_90 = arith.constant 0 : i32
      %dma_start3A_91 = tpu.memref_slice %arg3[%add3A_4, %dma_start3A_90] : memref<64x8960xi32, #tpu.memory_space<hbm>> -> memref<1x8960xi32, #tpu.memory_space<hbm>>
      %dma_start3A_92 = tpu.memref_squeeze %dma_start3A_91 : memref<1x8960xi32, #tpu.memory_space<hbm>> -> memref<8960xi32, #tpu.memory_space<hbm>>
      tpu.enqueue_dma source(%dma_start3A_92 : memref<8960xi32, #tpu.memory_space<hbm>>) target(%arg9 : memref<8960xi32, #tpu.memory_space<vmem>>) target_semaphore(%run_scoped3A : memref<!tpu.dma_semaphore, #tpu.memory_space<semaphore_mem>>)
      %dma_wait3A = arith.constant 0 : i32
      %dma_wait3A_93 = tpu.memref_slice %arg3[%add3A_4, %dma_wait3A] : memref<64x8960xi32, #tpu.memory_space<hbm>> -> memref<1x8960xi32, #tpu.memory_space<hbm>>
      %dma_wait3A_94 = tpu.memref_squeeze %dma_wait3A_93 : memref<1x8960xi32, #tpu.memory_space<hbm>> -> memref<8960xi32, #tpu.memory_space<hbm>>
      %dma_wait3A_95 = arith.constant 0 : i32
      %dma_wait3A_96 = tpu.memref_slice %arg3[%add3A_4, %dma_wait3A_95] : memref<64x8960xi32, #tpu.memory_space<hbm>> -> memref<1x8960xi32, #tpu.memory_space<hbm>>
      %dma_wait3A_97 = tpu.memref_squeeze %dma_wait3A_96 : memref<1x8960xi32, #tpu.memory_space<hbm>> -> memref<8960xi32, #tpu.memory_space<hbm>>
      tpu.wait_dma2 semaphore(%run_scoped3A : memref<!tpu.dma_semaphore, #tpu.memory_space<semaphore_mem>>) src(%dma_wait3A_97 : memref<8960xi32, #tpu.memory_space<hbm>>) dst(%arg9 : memref<8960xi32, #tpu.memory_space<vmem>>)
      tpu.yield
    }) : () -> ()
    "tpu.region"() ({
      %run_scoped3A = tpu.sem_alloc : memref<!tpu.dma_semaphore, #tpu.memory_space<semaphore_mem>>
      %dma_start3A = arith.constant 0 : i32
      %dma_start3A_88 = tpu.memref_slice %arg4[%add3A_4, %dma_start3A] : memref<64x16xi32, #tpu.memory_space<hbm>> -> memref<1x16xi32, #tpu.memory_space<hbm>>
      %dma_start3A_89 = tpu.memref_squeeze %dma_start3A_88 : memref<1x16xi32, #tpu.memory_space<hbm>> -> memref<16xi32, #tpu.memory_space<hbm>>
      %dma_start3A_90 = arith.constant 0 : i32
      %dma_start3A_91 = tpu.memref_slice %arg4[%add3A_4, %dma_start3A_90] : memref<64x16xi32, #tpu.memory_space<hbm>> -> memref<1x16xi32, #tpu.memory_space<hbm>>
      %dma_start3A_92 = tpu.memref_squeeze %dma_start3A_91 : memref<1x16xi32, #tpu.memory_space<hbm>> -> memref<16xi32, #tpu.memory_space<hbm>>
      tpu.enqueue_dma source(%dma_start3A_92 : memref<16xi32, #tpu.memory_space<hbm>>) target(%arg10 : memref<16xi32, #tpu.memory_space<vmem>>) target_semaphore(%run_scoped3A : memref<!tpu.dma_semaphore, #tpu.memory_space<semaphore_mem>>)
      %dma_wait3A = arith.constant 0 : i32
      %dma_wait3A_93 = tpu.memref_slice %arg4[%add3A_4, %dma_wait3A] : memref<64x16xi32, #tpu.memory_space<hbm>> -> memref<1x16xi32, #tpu.memory_space<hbm>>
      %dma_wait3A_94 = tpu.memref_squeeze %dma_wait3A_93 : memref<1x16xi32, #tpu.memory_space<hbm>> -> memref<16xi32, #tpu.memory_space<hbm>>
      %dma_wait3A_95 = arith.constant 0 : i32
      %dma_wait3A_96 = tpu.memref_slice %arg4[%add3A_4, %dma_wait3A_95] : memref<64x16xi32, #tpu.memory_space<hbm>> -> memref<1x16xi32, #tpu.memory_space<hbm>>
      %dma_wait3A_97 = tpu.memref_squeeze %dma_wait3A_96 : memref<1x16xi32, #tpu.memory_space<hbm>> -> memref<16xi32, #tpu.memory_space<hbm>>
      tpu.wait_dma2 semaphore(%run_scoped3A : memref<!tpu.dma_semaphore, #tpu.memory_space<semaphore_mem>>) src(%dma_wait3A_97 : memref<16xi32, #tpu.memory_space<hbm>>) dst(%arg10 : memref<16xi32, #tpu.memory_space<vmem>>)
      tpu.yield
    }) : () -> ()
    %get3A = arith.constant 0 : index
    %get3A_5 = tpu.vector_load %arg10[%get3A] {strides = array<i32>} : memref<16xi32, #tpu.memory_space<vmem>>, vector<16xi32>,
    %get3A_6 = vector.shape_cast %get3A_5 : vector<16xi32> to vector<16xi32>
    %broadcast_in_dim3A = arith.constant 1 : i32
    %broadcast_in_dim3A_7 = vector.broadcast %broadcast_in_dim3A : i32 to vector<16xi32>
    %broadcast_in_dim3A_8 = arith.constant 0 : i32
    %broadcast_in_dim3A_9 = vector.broadcast %broadcast_in_dim3A_8 : i32 to vector<16xi32>
    %broadcast_in_dim3A_10 = arith.constant 0.000000e+00 : f32
    %broadcast_in_dim3A_11 = vector.broadcast %broadcast_in_dim3A_10 : f32 to vector<16xf32>
    %iota3A = tpu.iota {dimensions = array<i32: 0>} : vector<16xi32>
    %broadcast_in_dim3A_12 = arith.constant 0 : i32
    %broadcast_in_dim3A_13 = vector.broadcast %broadcast_in_dim3A_12 : i32 to vector<16xi32>
    %broadcast_in_dim3A_14 = arith.constant 2147483647 : i32
    %broadcast_in_dim3A_15 = vector.broadcast %broadcast_in_dim3A_14 : i32 to vector<16xi32>
    %scan3A = arith.constant 0 : i32
    %scan3A_16 = arith.constant 31 : i32
    %scan3A_17 = arith.addi %scan3A, %scan3A_16 : i32
    %scan3A_18 = arith.constant 1 : i32
    %scan3A_19:2 = scf.for %scan3A_88 = %scan3A to %scan3A_17 step %scan3A_18 iter_args(%scan3A_89 = %broadcast_in_dim3A_13, %scan3A_90 = %broadcast_in_dim3A_15) -> (vector<16xi32>, vector<16xi32>)  : i32 {
      %sub3A = arith.subi %scan3A_90, %scan3A_89 : vector<16xi32>
      %shift_right_arithmetic3A = arith.constant 1 : i32
      %shift_right_arithmetic3A_91 = vector.broadcast %shift_right_arithmetic3A : i32 to vector<16xi32>
      %shift_right_arithmetic3A_92 = arith.shrsi %sub3A, %shift_right_arithmetic3A_91 : vector<16xi32>
      %add3A_93 = arith.addi %scan3A_89, %shift_right_arithmetic3A_92 : vector<16xi32>
      %and3A = arith.constant 1 : i32
      %and3A_94 = vector.broadcast %and3A : i32 to vector<16xi32>
      %and3A_95 = arith.andi %sub3A, %and3A_94 : vector<16xi32>
      %add3A_96 = arith.addi %add3A_93, %and3A_95 : vector<16xi32>
      %scan3A_97 = arith.constant 0 : i32
      %scan3A_98 = arith.constant 70 : i32
      %scan3A_99 = arith.addi %scan3A_97, %scan3A_98 : i32
      %scan3A_100 = arith.constant 1 : i32
      %scan3A_101 = scf.for %scan3A_133 = %scan3A_97 to %scan3A_99 step %scan3A_100 iter_args(%scan3A_134 = %broadcast_in_dim3A_9) -> (vector<16xi32>)  : i32 {
        %mul3A_135 = arith.constant 128 : i32
        %mul3A_136 = arith.muli %scan3A_133, %mul3A_135 : i32
        %add3A_137 = arith.constant 0 : i32
        %add3A_138 = arith.addi %mul3A_136, %add3A_137 : i32
        %get3A_139 = arith.index_cast %add3A_138 : i32 to index
        %get3A_140 = tpu.vector_load %arg9[%get3A_139] {strides = array<i32>} : memref<8960xi32, #tpu.memory_space<vmem>>, vector<16xi32>,
        %get3A_141 = vector.shape_cast %get3A_140 : vector<16xi32> to vector<16xi32>
        %ge3A_142 = arith.cmpi sge, %get3A_141, %add3A_96 : vector<16xi32>
        %select_n3A_143 = arith.select %ge3A_142, %broadcast_in_dim3A_7, %broadcast_in_dim3A_9 : vector<16xi1>, vector<16xi32>
        %add3A_144 = arith.addi %scan3A_134, %select_n3A_143 : vector<16xi32>
        %mul3A_145 = arith.constant 128 : i32
        %mul3A_146 = arith.muli %scan3A_133, %mul3A_145 : i32
        %add3A_147 = arith.constant 16 : i32
        %add3A_148 = arith.addi %mul3A_146, %add3A_147 : i32
        %get3A_149 = arith.index_cast %add3A_148 : i32 to index
        %get3A_150 = tpu.vector_load %arg9[%get3A_149] {strides = array<i32>} : memref<8960xi32, #tpu.memory_space<vmem>>, vector<16xi32>,
        %get3A_151 = vector.shape_cast %get3A_150 : vector<16xi32> to vector<16xi32>
        %ge3A_152 = arith.cmpi sge, %get3A_151, %add3A_96 : vector<16xi32>
        %select_n3A_153 = arith.select %ge3A_152, %broadcast_in_dim3A_7, %broadcast_in_dim3A_9 : vector<16xi1>, vector<16xi32>
        %add3A_154 = arith.addi %add3A_144, %select_n3A_153 : vector<16xi32>
        %mul3A_155 = arith.constant 128 : i32
        %mul3A_156 = arith.muli %scan3A_133, %mul3A_155 : i32
        %add3A_157 = arith.constant 32 : i32
        %add3A_158 = arith.addi %mul3A_156, %add3A_157 : i32
        %get3A_159 = arith.index_cast %add3A_158 : i32 to index
        %get3A_160 = tpu.vector_load %arg9[%get3A_159] {strides = array<i32>} : memref<8960xi32, #tpu.memory_space<vmem>>, vector<16xi32>,
        %get3A_161 = vector.shape_cast %get3A_160 : vector<16xi32> to vector<16xi32>
        %ge3A_162 = arith.cmpi sge, %get3A_161, %add3A_96 : vector<16xi32>
        %select_n3A_163 = arith.select %ge3A_162, %broadcast_in_dim3A_7, %broadcast_in_dim3A_9 : vector<16xi1>, vector<16xi32>
        %add3A_164 = arith.addi %add3A_154, %select_n3A_163 : vector<16xi32>
        %mul3A_165 = arith.constant 128 : i32
        %mul3A_166 = arith.muli %scan3A_133, %mul3A_165 : i32
        %add3A_167 = arith.constant 48 : i32
        %add3A_168 = arith.addi %mul3A_166, %add3A_167 : i32
        %get3A_169 = arith.index_cast %add3A_168 : i32 to index
        %get3A_170 = tpu.vector_load %arg9[%get3A_169] {strides = array<i32>} : memref<8960xi32, #tpu.memory_space<vmem>>, vector<16xi32>,
        %get3A_171 = vector.shape_cast %get3A_170 : vector<16xi32> to vector<16xi32>
        %ge3A_172 = arith.cmpi sge, %get3A_171, %add3A_96 : vector<16xi32>
        %select_n3A_173 = arith.select %ge3A_172, %broadcast_in_dim3A_7, %broadcast_in_dim3A_9 : vector<16xi1>, vector<16xi32>
        %add3A_174 = arith.addi %add3A_164, %select_n3A_173 : vector<16xi32>
        %mul3A_175 = arith.constant 128 : i32
        %mul3A_176 = arith.muli %scan3A_133, %mul3A_175 : i32
        %add3A_177 = arith.constant 64 : i32
        %add3A_178 = arith.addi %mul3A_176, %add3A_177 : i32
        %get3A_179 = arith.index_cast %add3A_178 : i32 to index
        %get3A_180 = tpu.vector_load %arg9[%get3A_179] {strides = array<i32>} : memref<8960xi32, #tpu.memory_space<vmem>>, vector<16xi32>,
        %get3A_181 = vector.shape_cast %get3A_180 : vector<16xi32> to vector<16xi32>
        %ge3A_182 = arith.cmpi sge, %get3A_181, %add3A_96 : vector<16xi32>
        %select_n3A_183 = arith.select %ge3A_182, %broadcast_in_dim3A_7, %broadcast_in_dim3A_9 : vector<16xi1>, vector<16xi32>
        %add3A_184 = arith.addi %add3A_174, %select_n3A_183 : vector<16xi32>
        %mul3A_185 = arith.constant 128 : i32
        %mul3A_186 = arith.muli %scan3A_133, %mul3A_185 : i32
        %add3A_187 = arith.constant 80 : i32
        %add3A_188 = arith.addi %mul3A_186, %add3A_187 : i32
        %get3A_189 = arith.index_cast %add3A_188 : i32 to index
        %get3A_190 = tpu.vector_load %arg9[%get3A_189] {strides = array<i32>} : memref<8960xi32, #tpu.memory_space<vmem>>, vector<16xi32>,
        %get3A_191 = vector.shape_cast %get3A_190 : vector<16xi32> to vector<16xi32>
        %ge3A_192 = arith.cmpi sge, %get3A_191, %add3A_96 : vector<16xi32>
        %select_n3A_193 = arith.select %ge3A_192, %broadcast_in_dim3A_7, %broadcast_in_dim3A_9 : vector<16xi1>, vector<16xi32>
        %add3A_194 = arith.addi %add3A_184, %select_n3A_193 : vector<16xi32>
        %mul3A_195 = arith.constant 128 : i32
        %mul3A_196 = arith.muli %scan3A_133, %mul3A_195 : i32
        %add3A_197 = arith.constant 96 : i32
        %add3A_198 = arith.addi %mul3A_196, %add3A_197 : i32
        %get3A_199 = arith.index_cast %add3A_198 : i32 to index
        %get3A_200 = tpu.vector_load %arg9[%get3A_199] {strides = array<i32>} : memref<8960xi32, #tpu.memory_space<vmem>>, vector<16xi32>,
        %get3A_201 = vector.shape_cast %get3A_200 : vector<16xi32> to vector<16xi32>
        %ge3A_202 = arith.cmpi sge, %get3A_201, %add3A_96 : vector<16xi32>
        %select_n3A_203 = arith.select %ge3A_202, %broadcast_in_dim3A_7, %broadcast_in_dim3A_9 : vector<16xi1>, vector<16xi32>
        %add3A_204 = arith.addi %add3A_194, %select_n3A_203 : vector<16xi32>
        %mul3A_205 = arith.constant 128 : i32
        %mul3A_206 = arith.muli %scan3A_133, %mul3A_205 : i32
        %add3A_207 = arith.constant 112 : i32
        %add3A_208 = arith.addi %mul3A_206, %add3A_207 : i32
        %get3A_209 = arith.index_cast %add3A_208 : i32 to index
        %get3A_210 = tpu.vector_load %arg9[%get3A_209] {strides = array<i32>} : memref<8960xi32, #tpu.memory_space<vmem>>, vector<16xi32>,
        %get3A_211 = vector.shape_cast %get3A_210 : vector<16xi32> to vector<16xi32>
        %ge3A_212 = arith.cmpi sge, %get3A_211, %add3A_96 : vector<16xi32>
        %select_n3A_213 = arith.select %ge3A_212, %broadcast_in_dim3A_7, %broadcast_in_dim3A_9 : vector<16xi1>, vector<16xi32>
        %add3A_214 = arith.addi %add3A_204, %select_n3A_213 : vector<16xi32>
        scf.yield %add3A_214 : vector<16xi32>
      }
      %scan3A_102 = arith.constant 70 : i32
      %broadcast_in_dim3A_103 = arith.constant 1 : i32
      %broadcast_in_dim3A_104 = vector.broadcast %broadcast_in_dim3A_103 : i32 to vector<16xi32>
      %xor3A = arith.xori %iota3A, %broadcast_in_dim3A_104 : vector<16xi32>
      %broadcast_in_dim3A_105 = vector.shape_cast %xor3A : vector<16xi32> to vector<16x1xi32>
      %gather3A = vector.shape_cast %broadcast_in_dim3A_105 : vector<16x1xi32> to vector<16xi32>
      %gather3A_106 = tpu.dynamic_gather %scan3A_101[%gather3A] in [0] : vector<16xi32>, vector<16xi32> -> vector<16xi32>
      %add3A_107 = arith.addi %scan3A_101, %gather3A_106 : vector<16xi32>
      %broadcast_in_dim3A_108 = arith.constant 2 : i32
      %broadcast_in_dim3A_109 = vector.broadcast %broadcast_in_dim3A_108 : i32 to vector<16xi32>
      %xor3A_110 = arith.xori %iota3A, %broadcast_in_dim3A_109 : vector<16xi32>
      %broadcast_in_dim3A_111 = vector.shape_cast %xor3A_110 : vector<16xi32> to vector<16x1xi32>
      %gather3A_112 = vector.shape_cast %broadcast_in_dim3A_111 : vector<16x1xi32> to vector<16xi32>
      %gather3A_113 = tpu.dynamic_gather %add3A_107[%gather3A_112] in [0] : vector<16xi32>, vector<16xi32> -> vector<16xi32>
      %add3A_114 = arith.addi %add3A_107, %gather3A_113 : vector<16xi32>
      %broadcast_in_dim3A_115 = arith.constant 4 : i32
      %broadcast_in_dim3A_116 = vector.broadcast %broadcast_in_dim3A_115 : i32 to vector<16xi32>
      %xor3A_117 = arith.xori %iota3A, %broadcast_in_dim3A_116 : vector<16xi32>
      %broadcast_in_dim3A_118 = vector.shape_cast %xor3A_117 : vector<16xi32> to vector<16x1xi32>
      %gather3A_119 = vector.shape_cast %broadcast_in_dim3A_118 : vector<16x1xi32> to vector<16xi32>
      %gather3A_120 = tpu.dynamic_gather %add3A_114[%gather3A_119] in [0] : vector<16xi32>, vector<16xi32> -> vector<16xi32>
      %add3A_121 = arith.addi %add3A_114, %gather3A_120 : vector<16xi32>
      %broadcast_in_dim3A_122 = arith.constant 8 : i32
      %broadcast_in_dim3A_123 = vector.broadcast %broadcast_in_dim3A_122 : i32 to vector<16xi32>
      %xor3A_124 = arith.xori %iota3A, %broadcast_in_dim3A_123 : vector<16xi32>
      %broadcast_in_dim3A_125 = vector.shape_cast %xor3A_124 : vector<16xi32> to vector<16x1xi32>
      %gather3A_126 = vector.shape_cast %broadcast_in_dim3A_125 : vector<16x1xi32> to vector<16xi32>
      %gather3A_127 = tpu.dynamic_gather %add3A_121[%gather3A_126] in [0] : vector<16xi32>, vector<16xi32> -> vector<16xi32>
      %add3A_128 = arith.addi %add3A_121, %gather3A_127 : vector<16xi32>
      %ge3A = arith.cmpi sge, %add3A_128, %get3A_6 : vector<16xi32>
      %select_n3A = arith.select %ge3A, %add3A_96, %scan3A_89 : vector<16xi1>, vector<16xi32>
      %sub3A_129 = arith.constant 1 : i32
      %sub3A_130 = vector.broadcast %sub3A_129 : i32 to vector<16xi32>
      %sub3A_131 = arith.subi %add3A_96, %sub3A_130 : vector<16xi32>
      %select_n3A_132 = arith.select %ge3A, %scan3A_90, %sub3A_131 : vector<16xi1>, vector<16xi32>
      scf.yield %select_n3A, %select_n3A_132 : vector<16xi32>, vector<16xi32>
    }
    %scan3A_20 = arith.constant 31 : i32
    %broadcast_in_dim3A_21 = arith.constant 0 : i32
    %broadcast_in_dim3A_22 = vector.broadcast %broadcast_in_dim3A_21 : i32 to vector<16xi32>
    %broadcast_in_dim3A_23 = arith.constant 0.000000e+00 : f32
    %broadcast_in_dim3A_24 = vector.broadcast %broadcast_in_dim3A_23 : f32 to vector<16xf32>
    %scan3A_25 = arith.constant 0 : i32
    %scan3A_26 = arith.constant 70 : i32
    %scan3A_27 = arith.addi %scan3A_25, %scan3A_26 : i32
    %scan3A_28 = arith.constant 1 : i32
    %scan3A_29:2 = scf.for %scan3A_88 = %scan3A_25 to %scan3A_27 step %scan3A_28 iter_args(%scan3A_89 = %broadcast_in_dim3A_22, %scan3A_90 = %broadcast_in_dim3A_24) -> (vector<16xi32>, vector<16xf32>)  : i32 {
      %mul3A_91 = arith.constant 128 : i32
      %mul3A_92 = arith.muli %scan3A_88, %mul3A_91 : i32
      %add3A_93 = arith.constant 0 : i32
      %add3A_94 = arith.addi %mul3A_92, %add3A_93 : i32
      %get3A_95 = arith.index_cast %add3A_94 : i32 to index
      %get3A_96 = tpu.vector_load %arg9[%get3A_95] {strides = array<i32>} : memref<8960xi32, #tpu.memory_space<vmem>>, vector<16xi32>,
      %get3A_97 = vector.shape_cast %get3A_96 : vector<16xi32> to vector<16xi32>
      %mul3A_98 = arith.constant 128 : i32
      %mul3A_99 = arith.muli %scan3A_88, %mul3A_98 : i32
      %add3A_100 = arith.constant 0 : i32
      %add3A_101 = arith.addi %mul3A_99, %add3A_100 : i32
      %get3A_102 = arith.index_cast %add3A_101 : i32 to index
      %get3A_103 = tpu.vector_load %arg8[%get3A_102] {strides = array<i32>} : memref<8960xf32, #tpu.memory_space<vmem>>, vector<16xf32>,
      %get3A_104 = vector.shape_cast %get3A_103 : vector<16xf32> to vector<16xf32>
      %gt3A = arith.cmpi sgt, %get3A_97, %scan3A_19#0 : vector<16xi32>
      %select_n3A = arith.select %gt3A, %broadcast_in_dim3A_7, %broadcast_in_dim3A_9 : vector<16xi1>, vector<16xi32>
      %add3A_105 = arith.addi %scan3A_89, %select_n3A : vector<16xi32>
      %select_n3A_106 = arith.select %gt3A, %get3A_104, %broadcast_in_dim3A_11 : vector<16xi1>, vector<16xf32>
      %add3A_107 = arith.addf %scan3A_90, %select_n3A_106 : vector<16xf32>
      %mul3A_108 = arith.constant 128 : i32
      %mul3A_109 = arith.muli %scan3A_88, %mul3A_108 : i32
      %add3A_110 = arith.constant 16 : i32
      %add3A_111 = arith.addi %mul3A_109, %add3A_110 : i32
      %get3A_112 = arith.index_cast %add3A_111 : i32 to index
      %get3A_113 = tpu.vector_load %arg9[%get3A_112] {strides = array<i32>} : memref<8960xi32, #tpu.memory_space<vmem>>, vector<16xi32>,
      %get3A_114 = vector.shape_cast %get3A_113 : vector<16xi32> to vector<16xi32>
      %mul3A_115 = arith.constant 128 : i32
      %mul3A_116 = arith.muli %scan3A_88, %mul3A_115 : i32
      %add3A_117 = arith.constant 16 : i32
      %add3A_118 = arith.addi %mul3A_116, %add3A_117 : i32
      %get3A_119 = arith.index_cast %add3A_118 : i32 to index
      %get3A_120 = tpu.vector_load %arg8[%get3A_119] {strides = array<i32>} : memref<8960xf32, #tpu.memory_space<vmem>>, vector<16xf32>,
      %get3A_121 = vector.shape_cast %get3A_120 : vector<16xf32> to vector<16xf32>
      %gt3A_122 = arith.cmpi sgt, %get3A_114, %scan3A_19#0 : vector<16xi32>
      %select_n3A_123 = arith.select %gt3A_122, %broadcast_in_dim3A_7, %broadcast_in_dim3A_9 : vector<16xi1>, vector<16xi32>
      %add3A_124 = arith.addi %add3A_105, %select_n3A_123 : vector<16xi32>
      %select_n3A_125 = arith.select %gt3A_122, %get3A_121, %broadcast_in_dim3A_11 : vector<16xi1>, vector<16xf32>
      %add3A_126 = arith.addf %add3A_107, %select_n3A_125 : vector<16xf32>
      %mul3A_127 = arith.constant 128 : i32
      %mul3A_128 = arith.muli %scan3A_88, %mul3A_127 : i32
      %add3A_129 = arith.constant 32 : i32
      %add3A_130 = arith.addi %mul3A_128, %add3A_129 : i32
      %get3A_131 = arith.index_cast %add3A_130 : i32 to index
      %get3A_132 = tpu.vector_load %arg9[%get3A_131] {strides = array<i32>} : memref<8960xi32, #tpu.memory_space<vmem>>, vector<16xi32>,
      %get3A_133 = vector.shape_cast %get3A_132 : vector<16xi32> to vector<16xi32>
      %mul3A_134 = arith.constant 128 : i32
      %mul3A_135 = arith.muli %scan3A_88, %mul3A_134 : i32
      %add3A_136 = arith.constant 32 : i32
      %add3A_137 = arith.addi %mul3A_135, %add3A_136 : i32
      %get3A_138 = arith.index_cast %add3A_137 : i32 to index
      %get3A_139 = tpu.vector_load %arg8[%get3A_138] {strides = array<i32>} : memref<8960xf32, #tpu.memory_space<vmem>>, vector<16xf32>,
      %get3A_140 = vector.shape_cast %get3A_139 : vector<16xf32> to vector<16xf32>
      %gt3A_141 = arith.cmpi sgt, %get3A_133, %scan3A_19#0 : vector<16xi32>
      %select_n3A_142 = arith.select %gt3A_141, %broadcast_in_dim3A_7, %broadcast_in_dim3A_9 : vector<16xi1>, vector<16xi32>
      %add3A_143 = arith.addi %add3A_124, %select_n3A_142 : vector<16xi32>
      %select_n3A_144 = arith.select %gt3A_141, %get3A_140, %broadcast_in_dim3A_11 : vector<16xi1>, vector<16xf32>
      %add3A_145 = arith.addf %add3A_126, %select_n3A_144 : vector<16xf32>
      %mul3A_146 = arith.constant 128 : i32
      %mul3A_147 = arith.muli %scan3A_88, %mul3A_146 : i32
      %add3A_148 = arith.constant 48 : i32
      %add3A_149 = arith.addi %mul3A_147, %add3A_148 : i32
      %get3A_150 = arith.index_cast %add3A_149 : i32 to index
      %get3A_151 = tpu.vector_load %arg9[%get3A_150] {strides = array<i32>} : memref<8960xi32, #tpu.memory_space<vmem>>, vector<16xi32>,
      %get3A_152 = vector.shape_cast %get3A_151 : vector<16xi32> to vector<16xi32>
      %mul3A_153 = arith.constant 128 : i32
      %mul3A_154 = arith.muli %scan3A_88, %mul3A_153 : i32
      %add3A_155 = arith.constant 48 : i32
      %add3A_156 = arith.addi %mul3A_154, %add3A_155 : i32
      %get3A_157 = arith.index_cast %add3A_156 : i32 to index
      %get3A_158 = tpu.vector_load %arg8[%get3A_157] {strides = array<i32>} : memref<8960xf32, #tpu.memory_space<vmem>>, vector<16xf32>,
      %get3A_159 = vector.shape_cast %get3A_158 : vector<16xf32> to vector<16xf32>
      %gt3A_160 = arith.cmpi sgt, %get3A_152, %scan3A_19#0 : vector<16xi32>
      %select_n3A_161 = arith.select %gt3A_160, %broadcast_in_dim3A_7, %broadcast_in_dim3A_9 : vector<16xi1>, vector<16xi32>
      %add3A_162 = arith.addi %add3A_143, %select_n3A_161 : vector<16xi32>
      %select_n3A_163 = arith.select %gt3A_160, %get3A_159, %broadcast_in_dim3A_11 : vector<16xi1>, vector<16xf32>
      %add3A_164 = arith.addf %add3A_145, %select_n3A_163 : vector<16xf32>
      %mul3A_165 = arith.constant 128 : i32
      %mul3A_166 = arith.muli %scan3A_88, %mul3A_165 : i32
      %add3A_167 = arith.constant 64 : i32
      %add3A_168 = arith.addi %mul3A_166, %add3A_167 : i32
      %get3A_169 = arith.index_cast %add3A_168 : i32 to index
      %get3A_170 = tpu.vector_load %arg9[%get3A_169] {strides = array<i32>} : memref<8960xi32, #tpu.memory_space<vmem>>, vector<16xi32>,
      %get3A_171 = vector.shape_cast %get3A_170 : vector<16xi32> to vector<16xi32>
      %mul3A_172 = arith.constant 128 : i32
      %mul3A_173 = arith.muli %scan3A_88, %mul3A_172 : i32
      %add3A_174 = arith.constant 64 : i32
      %add3A_175 = arith.addi %mul3A_173, %add3A_174 : i32
      %get3A_176 = arith.index_cast %add3A_175 : i32 to index
      %get3A_177 = tpu.vector_load %arg8[%get3A_176] {strides = array<i32>} : memref<8960xf32, #tpu.memory_space<vmem>>, vector<16xf32>,
      %get3A_178 = vector.shape_cast %get3A_177 : vector<16xf32> to vector<16xf32>
      %gt3A_179 = arith.cmpi sgt, %get3A_171, %scan3A_19#0 : vector<16xi32>
      %select_n3A_180 = arith.select %gt3A_179, %broadcast_in_dim3A_7, %broadcast_in_dim3A_9 : vector<16xi1>, vector<16xi32>
      %add3A_181 = arith.addi %add3A_162, %select_n3A_180 : vector<16xi32>
      %select_n3A_182 = arith.select %gt3A_179, %get3A_178, %broadcast_in_dim3A_11 : vector<16xi1>, vector<16xf32>
      %add3A_183 = arith.addf %add3A_164, %select_n3A_182 : vector<16xf32>
      %mul3A_184 = arith.constant 128 : i32
      %mul3A_185 = arith.muli %scan3A_88, %mul3A_184 : i32
      %add3A_186 = arith.constant 80 : i32
      %add3A_187 = arith.addi %mul3A_185, %add3A_186 : i32
      %get3A_188 = arith.index_cast %add3A_187 : i32 to index
      %get3A_189 = tpu.vector_load %arg9[%get3A_188] {strides = array<i32>} : memref<8960xi32, #tpu.memory_space<vmem>>, vector<16xi32>,
      %get3A_190 = vector.shape_cast %get3A_189 : vector<16xi32> to vector<16xi32>
      %mul3A_191 = arith.constant 128 : i32
      %mul3A_192 = arith.muli %scan3A_88, %mul3A_191 : i32
      %add3A_193 = arith.constant 80 : i32
      %add3A_194 = arith.addi %mul3A_192, %add3A_193 : i32
      %get3A_195 = arith.index_cast %add3A_194 : i32 to index
      %get3A_196 = tpu.vector_load %arg8[%get3A_195] {strides = array<i32>} : memref<8960xf32, #tpu.memory_space<vmem>>, vector<16xf32>,
      %get3A_197 = vector.shape_cast %get3A_196 : vector<16xf32> to vector<16xf32>
      %gt3A_198 = arith.cmpi sgt, %get3A_190, %scan3A_19#0 : vector<16xi32>
      %select_n3A_199 = arith.select %gt3A_198, %broadcast_in_dim3A_7, %broadcast_in_dim3A_9 : vector<16xi1>, vector<16xi32>
      %add3A_200 = arith.addi %add3A_181, %select_n3A_199 : vector<16xi32>
      %select_n3A_201 = arith.select %gt3A_198, %get3A_197, %broadcast_in_dim3A_11 : vector<16xi1>, vector<16xf32>
      %add3A_202 = arith.addf %add3A_183, %select_n3A_201 : vector<16xf32>
      %mul3A_203 = arith.constant 128 : i32
      %mul3A_204 = arith.muli %scan3A_88, %mul3A_203 : i32
      %add3A_205 = arith.constant 96 : i32
      %add3A_206 = arith.addi %mul3A_204, %add3A_205 : i32
      %get3A_207 = arith.index_cast %add3A_206 : i32 to index
      %get3A_208 = tpu.vector_load %arg9[%get3A_207] {strides = array<i32>} : memref<8960xi32, #tpu.memory_space<vmem>>, vector<16xi32>,
      %get3A_209 = vector.shape_cast %get3A_208 : vector<16xi32> to vector<16xi32>
      %mul3A_210 = arith.constant 128 : i32
      %mul3A_211 = arith.muli %scan3A_88, %mul3A_210 : i32
      %add3A_212 = arith.constant 96 : i32
      %add3A_213 = arith.addi %mul3A_211, %add3A_212 : i32
      %get3A_214 = arith.index_cast %add3A_213 : i32 to index
      %get3A_215 = tpu.vector_load %arg8[%get3A_214] {strides = array<i32>} : memref<8960xf32, #tpu.memory_space<vmem>>, vector<16xf32>,
      %get3A_216 = vector.shape_cast %get3A_215 : vector<16xf32> to vector<16xf32>
      %gt3A_217 = arith.cmpi sgt, %get3A_209, %scan3A_19#0 : vector<16xi32>
      %select_n3A_218 = arith.select %gt3A_217, %broadcast_in_dim3A_7, %broadcast_in_dim3A_9 : vector<16xi1>, vector<16xi32>
      %add3A_219 = arith.addi %add3A_200, %select_n3A_218 : vector<16xi32>
      %select_n3A_220 = arith.select %gt3A_217, %get3A_216, %broadcast_in_dim3A_11 : vector<16xi1>, vector<16xf32>
      %add3A_221 = arith.addf %add3A_202, %select_n3A_220 : vector<16xf32>
      %mul3A_222 = arith.constant 128 : i32
      %mul3A_223 = arith.muli %scan3A_88, %mul3A_222 : i32
      %add3A_224 = arith.constant 112 : i32
      %add3A_225 = arith.addi %mul3A_223, %add3A_224 : i32
      %get3A_226 = arith.index_cast %add3A_225 : i32 to index
      %get3A_227 = tpu.vector_load %arg9[%get3A_226] {strides = array<i32>} : memref<8960xi32, #tpu.memory_space<vmem>>, vector<16xi32>,
      %get3A_228 = vector.shape_cast %get3A_227 : vector<16xi32> to vector<16xi32>
      %mul3A_229 = arith.constant 128 : i32
      %mul3A_230 = arith.muli %scan3A_88, %mul3A_229 : i32
      %add3A_231 = arith.constant 112 : i32
      %add3A_232 = arith.addi %mul3A_230, %add3A_231 : i32
      %get3A_233 = arith.index_cast %add3A_232 : i32 to index
      %get3A_234 = tpu.vector_load %arg8[%get3A_233] {strides = array<i32>} : memref<8960xf32, #tpu.memory_space<vmem>>, vector<16xf32>,
      %get3A_235 = vector.shape_cast %get3A_234 : vector<16xf32> to vector<16xf32>
      %gt3A_236 = arith.cmpi sgt, %get3A_228, %scan3A_19#0 : vector<16xi32>
      %select_n3A_237 = arith.select %gt3A_236, %broadcast_in_dim3A_7, %broadcast_in_dim3A_9 : vector<16xi1>, vector<16xi32>
      %add3A_238 = arith.addi %add3A_219, %select_n3A_237 : vector<16xi32>
      %select_n3A_239 = arith.select %gt3A_236, %get3A_235, %broadcast_in_dim3A_11 : vector<16xi1>, vector<16xf32>
      %add3A_240 = arith.addf %add3A_221, %select_n3A_239 : vector<16xf32>
      scf.yield %add3A_238, %add3A_240 : vector<16xi32>, vector<16xf32>
    }
    %scan3A_30 = arith.constant 70 : i32
    %swap3A = arith.constant 0 : index
    %swap3A_31 = tpu.vector_load %arg11[%swap3A] {strides = array<i32>} : memref<16xf32, #tpu.memory_space<vmem>>, vector<16xf32>,
    %swap3A_32 = vector.shape_cast %swap3A_31 : vector<16xf32> to vector<16xf32>
    %swap3A_33 = vector.shape_cast %scan3A_29#1 : vector<16xf32> to vector<16xf32>
    tpu.vector_store %arg11[%swap3A], %swap3A_33 {strides = array<i32>} : memref<16xf32, #tpu.memory_space<vmem>>, vector<16xf32>,
    %swap3A_34 = arith.constant 0 : index
    %swap3A_35 = tpu.vector_load %arg12[%swap3A_34] {strides = array<i32>} : memref<16xi32, #tpu.memory_space<vmem>>, vector<16xi32>,
    %swap3A_36 = vector.shape_cast %swap3A_35 : vector<16xi32> to vector<16xi32>
    %swap3A_37 = vector.shape_cast %scan3A_19#0 : vector<16xi32> to vector<16xi32>
    tpu.vector_store %arg12[%swap3A_34], %swap3A_37 {strides = array<i32>} : memref<16xi32, #tpu.memory_space<vmem>>, vector<16xi32>,
    %swap3A_38 = arith.constant 0 : index
    %swap3A_39 = tpu.vector_load %arg13[%swap3A_38] {strides = array<i32>} : memref<16xi32, #tpu.memory_space<vmem>>, vector<16xi32>,
    %swap3A_40 = vector.shape_cast %swap3A_39 : vector<16xi32> to vector<16xi32>
    %swap3A_41 = vector.shape_cast %scan3A_29#0 : vector<16xi32> to vector<16xi32>
    tpu.vector_store %arg13[%swap3A_38], %swap3A_41 {strides = array<i32>} : memref<16xi32, #tpu.memory_space<vmem>>, vector<16xi32>,
    "tpu.region"() ({
      %run_scoped3A = tpu.sem_alloc : memref<!tpu.dma_semaphore, #tpu.memory_space<semaphore_mem>>
      %dma_start3A = arith.constant 0 : i32
      %dma_start3A_88 = tpu.memref_slice %arg5[%add3A_4, %dma_start3A] : memref<64x16xf32, #tpu.memory_space<hbm>> -> memref<1x16xf32, #tpu.memory_space<hbm>>
      %dma_start3A_89 = tpu.memref_squeeze %dma_start3A_88 : memref<1x16xf32, #tpu.memory_space<hbm>> -> memref<16xf32, #tpu.memory_space<hbm>>
      %dma_start3A_90 = arith.constant 0 : i32
      %dma_start3A_91 = tpu.memref_slice %arg5[%add3A_4, %dma_start3A_90] : memref<64x16xf32, #tpu.memory_space<hbm>> -> memref<1x16xf32, #tpu.memory_space<hbm>>
      %dma_start3A_92 = tpu.memref_squeeze %dma_start3A_91 : memref<1x16xf32, #tpu.memory_space<hbm>> -> memref<16xf32, #tpu.memory_space<hbm>>
      tpu.enqueue_dma source(%arg11 : memref<16xf32, #tpu.memory_space<vmem>>) target(%dma_start3A_92 : memref<16xf32, #tpu.memory_space<hbm>>) target_semaphore(%run_scoped3A : memref<!tpu.dma_semaphore, #tpu.memory_space<semaphore_mem>>)
      %dma_wait3A = arith.constant 0 : i32
      %dma_wait3A_93 = tpu.memref_slice %arg5[%add3A_4, %dma_wait3A] : memref<64x16xf32, #tpu.memory_space<hbm>> -> memref<1x16xf32, #tpu.memory_space<hbm>>
      %dma_wait3A_94 = tpu.memref_squeeze %dma_wait3A_93 : memref<1x16xf32, #tpu.memory_space<hbm>> -> memref<16xf32, #tpu.memory_space<hbm>>
      %dma_wait3A_95 = arith.constant 0 : i32
      %dma_wait3A_96 = tpu.memref_slice %arg5[%add3A_4, %dma_wait3A_95] : memref<64x16xf32, #tpu.memory_space<hbm>> -> memref<1x16xf32, #tpu.memory_space<hbm>>
      %dma_wait3A_97 = tpu.memref_squeeze %dma_wait3A_96 : memref<1x16xf32, #tpu.memory_space<hbm>> -> memref<16xf32, #tpu.memory_space<hbm>>
      tpu.wait_dma2 semaphore(%run_scoped3A : memref<!tpu.dma_semaphore, #tpu.memory_space<semaphore_mem>>) src(%arg11 : memref<16xf32, #tpu.memory_space<vmem>>) dst(%dma_wait3A_97 : memref<16xf32, #tpu.memory_space<hbm>>)
      tpu.yield
    }) : () -> ()
    "tpu.region"() ({
      %run_scoped3A = tpu.sem_alloc : memref<!tpu.dma_semaphore, #tpu.memory_space<semaphore_mem>>
      %dma_start3A = arith.constant 0 : i32
      %dma_start3A_88 = tpu.memref_slice %arg6[%add3A_4, %dma_start3A] : memref<64x16xi32, #tpu.memory_space<hbm>> -> memref<1x16xi32, #tpu.memory_space<hbm>>
      %dma_start3A_89 = tpu.memref_squeeze %dma_start3A_88 : memref<1x16xi32, #tpu.memory_space<hbm>> -> memref<16xi32, #tpu.memory_space<hbm>>
      %dma_start3A_90 = arith.constant 0 : i32
      %dma_start3A_91 = tpu.memref_slice %arg6[%add3A_4, %dma_start3A_90] : memref<64x16xi32, #tpu.memory_space<hbm>> -> memref<1x16xi32, #tpu.memory_space<hbm>>
      %dma_start3A_92 = tpu.memref_squeeze %dma_start3A_91 : memref<1x16xi32, #tpu.memory_space<hbm>> -> memref<16xi32, #tpu.memory_space<hbm>>
      tpu.enqueue_dma source(%arg12 : memref<16xi32, #tpu.memory_space<vmem>>) target(%dma_start3A_92 : memref<16xi32, #tpu.memory_space<hbm>>) target_semaphore(%run_scoped3A : memref<!tpu.dma_semaphore, #tpu.memory_space<semaphore_mem>>)
      %dma_wait3A = arith.constant 0 : i32
      %dma_wait3A_93 = tpu.memref_slice %arg6[%add3A_4, %dma_wait3A] : memref<64x16xi32, #tpu.memory_space<hbm>> -> memref<1x16xi32, #tpu.memory_space<hbm>>
      %dma_wait3A_94 = tpu.memref_squeeze %dma_wait3A_93 : memref<1x16xi32, #tpu.memory_space<hbm>> -> memref<16xi32, #tpu.memory_space<hbm>>
      %dma_wait3A_95 = arith.constant 0 : i32
      %dma_wait3A_96 = tpu.memref_slice %arg6[%add3A_4, %dma_wait3A_95] : memref<64x16xi32, #tpu.memory_space<hbm>> -> memref<1x16xi32, #tpu.memory_space<hbm>>
      %dma_wait3A_97 = tpu.memref_squeeze %dma_wait3A_96 : memref<1x16xi32, #tpu.memory_space<hbm>> -> memref<16xi32, #tpu.memory_space<hbm>>
      tpu.wait_dma2 semaphore(%run_scoped3A : memref<!tpu.dma_semaphore, #tpu.memory_space<semaphore_mem>>) src(%arg12 : memref<16xi32, #tpu.memory_space<vmem>>) dst(%dma_wait3A_97 : memref<16xi32, #tpu.memory_space<hbm>>)
      tpu.yield
    }) : () -> ()
    "tpu.region"() ({
      %run_scoped3A = tpu.sem_alloc : memref<!tpu.dma_semaphore, #tpu.memory_space<semaphore_mem>>
      %dma_start3A = arith.constant 0 : i32
      %dma_start3A_88 = tpu.memref_slice %arg7[%add3A_4, %dma_start3A] : memref<64x16xi32, #tpu.memory_space<hbm>> -> memref<1x16xi32, #tpu.memory_space<hbm>>
      %dma_start3A_89 = tpu.memref_squeeze %dma_start3A_88 : memref<1x16xi32, #tpu.memory_space<hbm>> -> memref<16xi32, #tpu.memory_space<hbm>>
      %dma_start3A_90 = arith.constant 0 : i32
      %dma_start3A_91 = tpu.memref_slice %arg7[%add3A_4, %dma_start3A_90] : memref<64x16xi32, #tpu.memory_space<hbm>> -> memref<1x16xi32, #tpu.memory_space<hbm>>
      %dma_start3A_92 = tpu.memref_squeeze %dma_start3A_91 : memref<1x16xi32, #tpu.memory_space<hbm>> -> memref<16xi32, #tpu.memory_space<hbm>>
      tpu.enqueue_dma source(%arg13 : memref<16xi32, #tpu.memory_space<vmem>>) target(%dma_start3A_92 : memref<16xi32, #tpu.memory_space<hbm>>) target_semaphore(%run_scoped3A : memref<!tpu.dma_semaphore, #tpu.memory_space<semaphore_mem>>)
      %dma_wait3A = arith.constant 0 : i32
      %dma_wait3A_93 = tpu.memref_slice %arg7[%add3A_4, %dma_wait3A] : memref<64x16xi32, #tpu.memory_space<hbm>> -> memref<1x16xi32, #tpu.memory_space<hbm>>
      %dma_wait3A_94 = tpu.memref_squeeze %dma_wait3A_93 : memref<1x16xi32, #tpu.memory_space<hbm>> -> memref<16xi32, #tpu.memory_space<hbm>>
      %dma_wait3A_95 = arith.constant 0 : i32
      %dma_wait3A_96 = tpu.memref_slice %arg7[%add3A_4, %dma_wait3A_95] : memref<64x16xi32, #tpu.memory_space<hbm>> -> memref<1x16xi32, #tpu.memory_space<hbm>>
      %dma_wait3A_97 = tpu.memref_squeeze %dma_wait3A_96 : memref<1x16xi32, #tpu.memory_space<hbm>> -> memref<16xi32, #tpu.memory_space<hbm>>
      tpu.wait_dma2 semaphore(%run_scoped3A : memref<!tpu.dma_semaphore, #tpu.memory_space<semaphore_mem>>) src(%arg13 : memref<16xi32, #tpu.memory_space<vmem>>) dst(%dma_wait3A_97 : memref<16xi32, #tpu.memory_space<hbm>>)
      tpu.yield
    }) : () -> ()
    %mul3A_42 = arith.constant 2 : i32
    %mul3A_43 = arith.muli %add3A, %mul3A_42 : i32
    %add3A_44 = arith.constant 1 : i32
    %add3A_45 = arith.addi %mul3A_43, %add3A_44 : i32
    "tpu.region"() ({
      %run_scoped3A = tpu.sem_alloc : memref<!tpu.dma_semaphore, #tpu.memory_space<semaphore_mem>>
      %dma_start3A = arith.constant 0 : i32
      %dma_start3A_88 = tpu.memref_slice %arg2[%add3A_45, %dma_start3A] : memref<64x8960xf32, #tpu.memory_space<hbm>> -> memref<1x8960xf32, #tpu.memory_space<hbm>>
      %dma_start3A_89 = tpu.memref_squeeze %dma_start3A_88 : memref<1x8960xf32, #tpu.memory_space<hbm>> -> memref<8960xf32, #tpu.memory_space<hbm>>
      %dma_start3A_90 = arith.constant 0 : i32
      %dma_start3A_91 = tpu.memref_slice %arg2[%add3A_45, %dma_start3A_90] : memref<64x8960xf32, #tpu.memory_space<hbm>> -> memref<1x8960xf32, #tpu.memory_space<hbm>>
      %dma_start3A_92 = tpu.memref_squeeze %dma_start3A_91 : memref<1x8960xf32, #tpu.memory_space<hbm>> -> memref<8960xf32, #tpu.memory_space<hbm>>
      tpu.enqueue_dma source(%dma_start3A_92 : memref<8960xf32, #tpu.memory_space<hbm>>) target(%arg8 : memref<8960xf32, #tpu.memory_space<vmem>>) target_semaphore(%run_scoped3A : memref<!tpu.dma_semaphore, #tpu.memory_space<semaphore_mem>>)
      %dma_wait3A = arith.constant 0 : i32
      %dma_wait3A_93 = tpu.memref_slice %arg2[%add3A_45, %dma_wait3A] : memref<64x8960xf32, #tpu.memory_space<hbm>> -> memref<1x8960xf32, #tpu.memory_space<hbm>>
      %dma_wait3A_94 = tpu.memref_squeeze %dma_wait3A_93 : memref<1x8960xf32, #tpu.memory_space<hbm>> -> memref<8960xf32, #tpu.memory_space<hbm>>
      %dma_wait3A_95 = arith.constant 0 : i32
      %dma_wait3A_96 = tpu.memref_slice %arg2[%add3A_45, %dma_wait3A_95] : memref<64x8960xf32, #tpu.memory_space<hbm>> -> memref<1x8960xf32, #tpu.memory_space<hbm>>
      %dma_wait3A_97 = tpu.memref_squeeze %dma_wait3A_96 : memref<1x8960xf32, #tpu.memory_space<hbm>> -> memref<8960xf32, #tpu.memory_space<hbm>>
      tpu.wait_dma2 semaphore(%run_scoped3A : memref<!tpu.dma_semaphore, #tpu.memory_space<semaphore_mem>>) src(%dma_wait3A_97 : memref<8960xf32, #tpu.memory_space<hbm>>) dst(%arg8 : memref<8960xf32, #tpu.memory_space<vmem>>)
      tpu.yield
    }) : () -> ()
    "tpu.region"() ({
      %run_scoped3A = tpu.sem_alloc : memref<!tpu.dma_semaphore, #tpu.memory_space<semaphore_mem>>
      %dma_start3A = arith.constant 0 : i32
      %dma_start3A_88 = tpu.memref_slice %arg3[%add3A_45, %dma_start3A] : memref<64x8960xi32, #tpu.memory_space<hbm>> -> memref<1x8960xi32, #tpu.memory_space<hbm>>
      %dma_start3A_89 = tpu.memref_squeeze %dma_start3A_88 : memref<1x8960xi32, #tpu.memory_space<hbm>> -> memref<8960xi32, #tpu.memory_space<hbm>>
      %dma_start3A_90 = arith.constant 0 : i32
      %dma_start3A_91 = tpu.memref_slice %arg3[%add3A_45, %dma_start3A_90] : memref<64x8960xi32, #tpu.memory_space<hbm>> -> memref<1x8960xi32, #tpu.memory_space<hbm>>
      %dma_start3A_92 = tpu.memref_squeeze %dma_start3A_91 : memref<1x8960xi32, #tpu.memory_space<hbm>> -> memref<8960xi32, #tpu.memory_space<hbm>>
      tpu.enqueue_dma source(%dma_start3A_92 : memref<8960xi32, #tpu.memory_space<hbm>>) target(%arg9 : memref<8960xi32, #tpu.memory_space<vmem>>) target_semaphore(%run_scoped3A : memref<!tpu.dma_semaphore, #tpu.memory_space<semaphore_mem>>)
      %dma_wait3A = arith.constant 0 : i32
      %dma_wait3A_93 = tpu.memref_slice %arg3[%add3A_45, %dma_wait3A] : memref<64x8960xi32, #tpu.memory_space<hbm>> -> memref<1x8960xi32, #tpu.memory_space<hbm>>
      %dma_wait3A_94 = tpu.memref_squeeze %dma_wait3A_93 : memref<1x8960xi32, #tpu.memory_space<hbm>> -> memref<8960xi32, #tpu.memory_space<hbm>>
      %dma_wait3A_95 = arith.constant 0 : i32
      %dma_wait3A_96 = tpu.memref_slice %arg3[%add3A_45, %dma_wait3A_95] : memref<64x8960xi32, #tpu.memory_space<hbm>> -> memref<1x8960xi32, #tpu.memory_space<hbm>>
      %dma_wait3A_97 = tpu.memref_squeeze %dma_wait3A_96 : memref<1x8960xi32, #tpu.memory_space<hbm>> -> memref<8960xi32, #tpu.memory_space<hbm>>
      tpu.wait_dma2 semaphore(%run_scoped3A : memref<!tpu.dma_semaphore, #tpu.memory_space<semaphore_mem>>) src(%dma_wait3A_97 : memref<8960xi32, #tpu.memory_space<hbm>>) dst(%arg9 : memref<8960xi32, #tpu.memory_space<vmem>>)
      tpu.yield
    }) : () -> ()
    "tpu.region"() ({
      %run_scoped3A = tpu.sem_alloc : memref<!tpu.dma_semaphore, #tpu.memory_space<semaphore_mem>>
      %dma_start3A = arith.constant 0 : i32
      %dma_start3A_88 = tpu.memref_slice %arg4[%add3A_45, %dma_start3A] : memref<64x16xi32, #tpu.memory_space<hbm>> -> memref<1x16xi32, #tpu.memory_space<hbm>>
      %dma_start3A_89 = tpu.memref_squeeze %dma_start3A_88 : memref<1x16xi32, #tpu.memory_space<hbm>> -> memref<16xi32, #tpu.memory_space<hbm>>
      %dma_start3A_90 = arith.constant 0 : i32
      %dma_start3A_91 = tpu.memref_slice %arg4[%add3A_45, %dma_start3A_90] : memref<64x16xi32, #tpu.memory_space<hbm>> -> memref<1x16xi32, #tpu.memory_space<hbm>>
      %dma_start3A_92 = tpu.memref_squeeze %dma_start3A_91 : memref<1x16xi32, #tpu.memory_space<hbm>> -> memref<16xi32, #tpu.memory_space<hbm>>
      tpu.enqueue_dma source(%dma_start3A_92 : memref<16xi32, #tpu.memory_space<hbm>>) target(%arg10 : memref<16xi32, #tpu.memory_space<vmem>>) target_semaphore(%run_scoped3A : memref<!tpu.dma_semaphore, #tpu.memory_space<semaphore_mem>>)
      %dma_wait3A = arith.constant 0 : i32
      %dma_wait3A_93 = tpu.memref_slice %arg4[%add3A_45, %dma_wait3A] : memref<64x16xi32, #tpu.memory_space<hbm>> -> memref<1x16xi32, #tpu.memory_space<hbm>>
      %dma_wait3A_94 = tpu.memref_squeeze %dma_wait3A_93 : memref<1x16xi32, #tpu.memory_space<hbm>> -> memref<16xi32, #tpu.memory_space<hbm>>
      %dma_wait3A_95 = arith.constant 0 : i32
      %dma_wait3A_96 = tpu.memref_slice %arg4[%add3A_45, %dma_wait3A_95] : memref<64x16xi32, #tpu.memory_space<hbm>> -> memref<1x16xi32, #tpu.memory_space<hbm>>
      %dma_wait3A_97 = tpu.memref_squeeze %dma_wait3A_96 : memref<1x16xi32, #tpu.memory_space<hbm>> -> memref<16xi32, #tpu.memory_space<hbm>>
      tpu.wait_dma2 semaphore(%run_scoped3A : memref<!tpu.dma_semaphore, #tpu.memory_space<semaphore_mem>>) src(%dma_wait3A_97 : memref<16xi32, #tpu.memory_space<hbm>>) dst(%arg10 : memref<16xi32, #tpu.memory_space<vmem>>)
      tpu.yield
    }) : () -> ()
    %get3A_46 = arith.constant 0 : index
    %get3A_47 = tpu.vector_load %arg10[%get3A_46] {strides = array<i32>} : memref<16xi32, #tpu.memory_space<vmem>>, vector<16xi32>,
    %get3A_48 = vector.shape_cast %get3A_47 : vector<16xi32> to vector<16xi32>
    %broadcast_in_dim3A_49 = arith.constant 1 : i32
    %broadcast_in_dim3A_50 = vector.broadcast %broadcast_in_dim3A_49 : i32 to vector<16xi32>
    %broadcast_in_dim3A_51 = arith.constant 0 : i32
    %broadcast_in_dim3A_52 = vector.broadcast %broadcast_in_dim3A_51 : i32 to vector<16xi32>
    %broadcast_in_dim3A_53 = arith.constant 0.000000e+00 : f32
    %broadcast_in_dim3A_54 = vector.broadcast %broadcast_in_dim3A_53 : f32 to vector<16xf32>
    %iota3A_55 = tpu.iota {dimensions = array<i32: 0>} : vector<16xi32>
    %broadcast_in_dim3A_56 = arith.constant 0 : i32
    %broadcast_in_dim3A_57 = vector.broadcast %broadcast_in_dim3A_56 : i32 to vector<16xi32>
    %broadcast_in_dim3A_58 = arith.constant 2147483647 : i32
    %broadcast_in_dim3A_59 = vector.broadcast %broadcast_in_dim3A_58 : i32 to vector<16xi32>
    %scan3A_60 = arith.constant 0 : i32
    %scan3A_61 = arith.constant 31 : i32
    %scan3A_62 = arith.addi %scan3A_60, %scan3A_61 : i32
    %scan3A_63 = arith.constant 1 : i32
    %scan3A_64:2 = scf.for %scan3A_88 = %scan3A_60 to %scan3A_62 step %scan3A_63 iter_args(%scan3A_89 = %broadcast_in_dim3A_57, %scan3A_90 = %broadcast_in_dim3A_59) -> (vector<16xi32>, vector<16xi32>)  : i32 {
      %sub3A = arith.subi %scan3A_90, %scan3A_89 : vector<16xi32>
      %shift_right_arithmetic3A = arith.constant 1 : i32
      %shift_right_arithmetic3A_91 = vector.broadcast %shift_right_arithmetic3A : i32 to vector<16xi32>
      %shift_right_arithmetic3A_92 = arith.shrsi %sub3A, %shift_right_arithmetic3A_91 : vector<16xi32>
      %add3A_93 = arith.addi %scan3A_89, %shift_right_arithmetic3A_92 : vector<16xi32>
      %and3A = arith.constant 1 : i32
      %and3A_94 = vector.broadcast %and3A : i32 to vector<16xi32>
      %and3A_95 = arith.andi %sub3A, %and3A_94 : vector<16xi32>
      %add3A_96 = arith.addi %add3A_93, %and3A_95 : vector<16xi32>
      %scan3A_97 = arith.constant 0 : i32
      %scan3A_98 = arith.constant 70 : i32
      %scan3A_99 = arith.addi %scan3A_97, %scan3A_98 : i32
      %scan3A_100 = arith.constant 1 : i32
      %scan3A_101 = scf.for %scan3A_133 = %scan3A_97 to %scan3A_99 step %scan3A_100 iter_args(%scan3A_134 = %broadcast_in_dim3A_52) -> (vector<16xi32>)  : i32 {
        %mul3A_135 = arith.constant 128 : i32
        %mul3A_136 = arith.muli %scan3A_133, %mul3A_135 : i32
        %add3A_137 = arith.constant 0 : i32
        %add3A_138 = arith.addi %mul3A_136, %add3A_137 : i32
        %get3A_139 = arith.index_cast %add3A_138 : i32 to index
        %get3A_140 = tpu.vector_load %arg9[%get3A_139] {strides = array<i32>} : memref<8960xi32, #tpu.memory_space<vmem>>, vector<16xi32>,
        %get3A_141 = vector.shape_cast %get3A_140 : vector<16xi32> to vector<16xi32>
        %ge3A_142 = arith.cmpi sge, %get3A_141, %add3A_96 : vector<16xi32>
        %select_n3A_143 = arith.select %ge3A_142, %broadcast_in_dim3A_50, %broadcast_in_dim3A_52 : vector<16xi1>, vector<16xi32>
        %add3A_144 = arith.addi %scan3A_134, %select_n3A_143 : vector<16xi32>
        %mul3A_145 = arith.constant 128 : i32
        %mul3A_146 = arith.muli %scan3A_133, %mul3A_145 : i32
        %add3A_147 = arith.constant 16 : i32
        %add3A_148 = arith.addi %mul3A_146, %add3A_147 : i32
        %get3A_149 = arith.index_cast %add3A_148 : i32 to index
        %get3A_150 = tpu.vector_load %arg9[%get3A_149] {strides = array<i32>} : memref<8960xi32, #tpu.memory_space<vmem>>, vector<16xi32>,
        %get3A_151 = vector.shape_cast %get3A_150 : vector<16xi32> to vector<16xi32>
        %ge3A_152 = arith.cmpi sge, %get3A_151, %add3A_96 : vector<16xi32>
        %select_n3A_153 = arith.select %ge3A_152, %broadcast_in_dim3A_50, %broadcast_in_dim3A_52 : vector<16xi1>, vector<16xi32>
        %add3A_154 = arith.addi %add3A_144, %select_n3A_153 : vector<16xi32>
        %mul3A_155 = arith.constant 128 : i32
        %mul3A_156 = arith.muli %scan3A_133, %mul3A_155 : i32
        %add3A_157 = arith.constant 32 : i32
        %add3A_158 = arith.addi %mul3A_156, %add3A_157 : i32
        %get3A_159 = arith.index_cast %add3A_158 : i32 to index
        %get3A_160 = tpu.vector_load %arg9[%get3A_159] {strides = array<i32>} : memref<8960xi32, #tpu.memory_space<vmem>>, vector<16xi32>,
        %get3A_161 = vector.shape_cast %get3A_160 : vector<16xi32> to vector<16xi32>
        %ge3A_162 = arith.cmpi sge, %get3A_161, %add3A_96 : vector<16xi32>
        %select_n3A_163 = arith.select %ge3A_162, %broadcast_in_dim3A_50, %broadcast_in_dim3A_52 : vector<16xi1>, vector<16xi32>
        %add3A_164 = arith.addi %add3A_154, %select_n3A_163 : vector<16xi32>
        %mul3A_165 = arith.constant 128 : i32
        %mul3A_166 = arith.muli %scan3A_133, %mul3A_165 : i32
        %add3A_167 = arith.constant 48 : i32
        %add3A_168 = arith.addi %mul3A_166, %add3A_167 : i32
        %get3A_169 = arith.index_cast %add3A_168 : i32 to index
        %get3A_170 = tpu.vector_load %arg9[%get3A_169] {strides = array<i32>} : memref<8960xi32, #tpu.memory_space<vmem>>, vector<16xi32>,
        %get3A_171 = vector.shape_cast %get3A_170 : vector<16xi32> to vector<16xi32>
        %ge3A_172 = arith.cmpi sge, %get3A_171, %add3A_96 : vector<16xi32>
        %select_n3A_173 = arith.select %ge3A_172, %broadcast_in_dim3A_50, %broadcast_in_dim3A_52 : vector<16xi1>, vector<16xi32>
        %add3A_174 = arith.addi %add3A_164, %select_n3A_173 : vector<16xi32>
        %mul3A_175 = arith.constant 128 : i32
        %mul3A_176 = arith.muli %scan3A_133, %mul3A_175 : i32
        %add3A_177 = arith.constant 64 : i32
        %add3A_178 = arith.addi %mul3A_176, %add3A_177 : i32
        %get3A_179 = arith.index_cast %add3A_178 : i32 to index
        %get3A_180 = tpu.vector_load %arg9[%get3A_179] {strides = array<i32>} : memref<8960xi32, #tpu.memory_space<vmem>>, vector<16xi32>,
        %get3A_181 = vector.shape_cast %get3A_180 : vector<16xi32> to vector<16xi32>
        %ge3A_182 = arith.cmpi sge, %get3A_181, %add3A_96 : vector<16xi32>
        %select_n3A_183 = arith.select %ge3A_182, %broadcast_in_dim3A_50, %broadcast_in_dim3A_52 : vector<16xi1>, vector<16xi32>
        %add3A_184 = arith.addi %add3A_174, %select_n3A_183 : vector<16xi32>
        %mul3A_185 = arith.constant 128 : i32
        %mul3A_186 = arith.muli %scan3A_133, %mul3A_185 : i32
        %add3A_187 = arith.constant 80 : i32
        %add3A_188 = arith.addi %mul3A_186, %add3A_187 : i32
        %get3A_189 = arith.index_cast %add3A_188 : i32 to index
        %get3A_190 = tpu.vector_load %arg9[%get3A_189] {strides = array<i32>} : memref<8960xi32, #tpu.memory_space<vmem>>, vector<16xi32>,
        %get3A_191 = vector.shape_cast %get3A_190 : vector<16xi32> to vector<16xi32>
        %ge3A_192 = arith.cmpi sge, %get3A_191, %add3A_96 : vector<16xi32>
        %select_n3A_193 = arith.select %ge3A_192, %broadcast_in_dim3A_50, %broadcast_in_dim3A_52 : vector<16xi1>, vector<16xi32>
        %add3A_194 = arith.addi %add3A_184, %select_n3A_193 : vector<16xi32>
        %mul3A_195 = arith.constant 128 : i32
        %mul3A_196 = arith.muli %scan3A_133, %mul3A_195 : i32
        %add3A_197 = arith.constant 96 : i32
        %add3A_198 = arith.addi %mul3A_196, %add3A_197 : i32
        %get3A_199 = arith.index_cast %add3A_198 : i32 to index
        %get3A_200 = tpu.vector_load %arg9[%get3A_199] {strides = array<i32>} : memref<8960xi32, #tpu.memory_space<vmem>>, vector<16xi32>,
        %get3A_201 = vector.shape_cast %get3A_200 : vector<16xi32> to vector<16xi32>
        %ge3A_202 = arith.cmpi sge, %get3A_201, %add3A_96 : vector<16xi32>
        %select_n3A_203 = arith.select %ge3A_202, %broadcast_in_dim3A_50, %broadcast_in_dim3A_52 : vector<16xi1>, vector<16xi32>
        %add3A_204 = arith.addi %add3A_194, %select_n3A_203 : vector<16xi32>
        %mul3A_205 = arith.constant 128 : i32
        %mul3A_206 = arith.muli %scan3A_133, %mul3A_205 : i32
        %add3A_207 = arith.constant 112 : i32
        %add3A_208 = arith.addi %mul3A_206, %add3A_207 : i32
        %get3A_209 = arith.index_cast %add3A_208 : i32 to index
        %get3A_210 = tpu.vector_load %arg9[%get3A_209] {strides = array<i32>} : memref<8960xi32, #tpu.memory_space<vmem>>, vector<16xi32>,
        %get3A_211 = vector.shape_cast %get3A_210 : vector<16xi32> to vector<16xi32>
        %ge3A_212 = arith.cmpi sge, %get3A_211, %add3A_96 : vector<16xi32>
        %select_n3A_213 = arith.select %ge3A_212, %broadcast_in_dim3A_50, %broadcast_in_dim3A_52 : vector<16xi1>, vector<16xi32>
        %add3A_214 = arith.addi %add3A_204, %select_n3A_213 : vector<16xi32>
        scf.yield %add3A_214 : vector<16xi32>
      }
      %scan3A_102 = arith.constant 70 : i32
      %broadcast_in_dim3A_103 = arith.constant 1 : i32
      %broadcast_in_dim3A_104 = vector.broadcast %broadcast_in_dim3A_103 : i32 to vector<16xi32>
      %xor3A = arith.xori %iota3A_55, %broadcast_in_dim3A_104 : vector<16xi32>
      %broadcast_in_dim3A_105 = vector.shape_cast %xor3A : vector<16xi32> to vector<16x1xi32>
      %gather3A = vector.shape_cast %broadcast_in_dim3A_105 : vector<16x1xi32> to vector<16xi32>
      %gather3A_106 = tpu.dynamic_gather %scan3A_101[%gather3A] in [0] : vector<16xi32>, vector<16xi32> -> vector<16xi32>
      %add3A_107 = arith.addi %scan3A_101, %gather3A_106 : vector<16xi32>
      %broadcast_in_dim3A_108 = arith.constant 2 : i32
      %broadcast_in_dim3A_109 = vector.broadcast %broadcast_in_dim3A_108 : i32 to vector<16xi32>
      %xor3A_110 = arith.xori %iota3A_55, %broadcast_in_dim3A_109 : vector<16xi32>
      %broadcast_in_dim3A_111 = vector.shape_cast %xor3A_110 : vector<16xi32> to vector<16x1xi32>
      %gather3A_112 = vector.shape_cast %broadcast_in_dim3A_111 : vector<16x1xi32> to vector<16xi32>
      %gather3A_113 = tpu.dynamic_gather %add3A_107[%gather3A_112] in [0] : vector<16xi32>, vector<16xi32> -> vector<16xi32>
      %add3A_114 = arith.addi %add3A_107, %gather3A_113 : vector<16xi32>
      %broadcast_in_dim3A_115 = arith.constant 4 : i32
      %broadcast_in_dim3A_116 = vector.broadcast %broadcast_in_dim3A_115 : i32 to vector<16xi32>
      %xor3A_117 = arith.xori %iota3A_55, %broadcast_in_dim3A_116 : vector<16xi32>
      %broadcast_in_dim3A_118 = vector.shape_cast %xor3A_117 : vector<16xi32> to vector<16x1xi32>
      %gather3A_119 = vector.shape_cast %broadcast_in_dim3A_118 : vector<16x1xi32> to vector<16xi32>
      %gather3A_120 = tpu.dynamic_gather %add3A_114[%gather3A_119] in [0] : vector<16xi32>, vector<16xi32> -> vector<16xi32>
      %add3A_121 = arith.addi %add3A_114, %gather3A_120 : vector<16xi32>
      %broadcast_in_dim3A_122 = arith.constant 8 : i32
      %broadcast_in_dim3A_123 = vector.broadcast %broadcast_in_dim3A_122 : i32 to vector<16xi32>
      %xor3A_124 = arith.xori %iota3A_55, %broadcast_in_dim3A_123 : vector<16xi32>
      %broadcast_in_dim3A_125 = vector.shape_cast %xor3A_124 : vector<16xi32> to vector<16x1xi32>
      %gather3A_126 = vector.shape_cast %broadcast_in_dim3A_125 : vector<16x1xi32> to vector<16xi32>
      %gather3A_127 = tpu.dynamic_gather %add3A_121[%gather3A_126] in [0] : vector<16xi32>, vector<16xi32> -> vector<16xi32>
      %add3A_128 = arith.addi %add3A_121, %gather3A_127 : vector<16xi32>
      %ge3A = arith.cmpi sge, %add3A_128, %get3A_48 : vector<16xi32>
      %select_n3A = arith.select %ge3A, %add3A_96, %scan3A_89 : vector<16xi1>, vector<16xi32>
      %sub3A_129 = arith.constant 1 : i32
      %sub3A_130 = vector.broadcast %sub3A_129 : i32 to vector<16xi32>
      %sub3A_131 = arith.subi %add3A_96, %sub3A_130 : vector<16xi32>
      %select_n3A_132 = arith.select %ge3A, %scan3A_90, %sub3A_131 : vector<16xi1>, vector<16xi32>
      scf.yield %select_n3A, %select_n3A_132 : vector<16xi32>, vector<16xi32>
    }
    %scan3A_65 = arith.constant 31 : i32
    %broadcast_in_dim3A_66 = arith.constant 0 : i32
    %broadcast_in_dim3A_67 = vector.broadcast %broadcast_in_dim3A_66 : i32 to vector<16xi32>
    %broadcast_in_dim3A_68 = arith.constant 0.000000e+00 : f32
    %broadcast_in_dim3A_69 = vector.broadcast %broadcast_in_dim3A_68 : f32 to vector<16xf32>
    %scan3A_70 = arith.constant 0 : i32
    %scan3A_71 = arith.constant 70 : i32
    %scan3A_72 = arith.addi %scan3A_70, %scan3A_71 : i32
    %scan3A_73 = arith.constant 1 : i32
    %scan3A_74:2 = scf.for %scan3A_88 = %scan3A_70 to %scan3A_72 step %scan3A_73 iter_args(%scan3A_89 = %broadcast_in_dim3A_67, %scan3A_90 = %broadcast_in_dim3A_69) -> (vector<16xi32>, vector<16xf32>)  : i32 {
      %mul3A_91 = arith.constant 128 : i32
      %mul3A_92 = arith.muli %scan3A_88, %mul3A_91 : i32
      %add3A_93 = arith.constant 0 : i32
      %add3A_94 = arith.addi %mul3A_92, %add3A_93 : i32
      %get3A_95 = arith.index_cast %add3A_94 : i32 to index
      %get3A_96 = tpu.vector_load %arg9[%get3A_95] {strides = array<i32>} : memref<8960xi32, #tpu.memory_space<vmem>>, vector<16xi32>,
      %get3A_97 = vector.shape_cast %get3A_96 : vector<16xi32> to vector<16xi32>
      %mul3A_98 = arith.constant 128 : i32
      %mul3A_99 = arith.muli %scan3A_88, %mul3A_98 : i32
      %add3A_100 = arith.constant 0 : i32
      %add3A_101 = arith.addi %mul3A_99, %add3A_100 : i32
      %get3A_102 = arith.index_cast %add3A_101 : i32 to index
      %get3A_103 = tpu.vector_load %arg8[%get3A_102] {strides = array<i32>} : memref<8960xf32, #tpu.memory_space<vmem>>, vector<16xf32>,
      %get3A_104 = vector.shape_cast %get3A_103 : vector<16xf32> to vector<16xf32>
      %gt3A = arith.cmpi sgt, %get3A_97, %scan3A_64#0 : vector<16xi32>
      %select_n3A = arith.select %gt3A, %broadcast_in_dim3A_50, %broadcast_in_dim3A_52 : vector<16xi1>, vector<16xi32>
      %add3A_105 = arith.addi %scan3A_89, %select_n3A : vector<16xi32>
      %select_n3A_106 = arith.select %gt3A, %get3A_104, %broadcast_in_dim3A_54 : vector<16xi1>, vector<16xf32>
      %add3A_107 = arith.addf %scan3A_90, %select_n3A_106 : vector<16xf32>
      %mul3A_108 = arith.constant 128 : i32
      %mul3A_109 = arith.muli %scan3A_88, %mul3A_108 : i32
      %add3A_110 = arith.constant 16 : i32
      %add3A_111 = arith.addi %mul3A_109, %add3A_110 : i32
      %get3A_112 = arith.index_cast %add3A_111 : i32 to index
      %get3A_113 = tpu.vector_load %arg9[%get3A_112] {strides = array<i32>} : memref<8960xi32, #tpu.memory_space<vmem>>, vector<16xi32>,
      %get3A_114 = vector.shape_cast %get3A_113 : vector<16xi32> to vector<16xi32>
      %mul3A_115 = arith.constant 128 : i32
      %mul3A_116 = arith.muli %scan3A_88, %mul3A_115 : i32
      %add3A_117 = arith.constant 16 : i32
      %add3A_118 = arith.addi %mul3A_116, %add3A_117 : i32
      %get3A_119 = arith.index_cast %add3A_118 : i32 to index
      %get3A_120 = tpu.vector_load %arg8[%get3A_119] {strides = array<i32>} : memref<8960xf32, #tpu.memory_space<vmem>>, vector<16xf32>,
      %get3A_121 = vector.shape_cast %get3A_120 : vector<16xf32> to vector<16xf32>
      %gt3A_122 = arith.cmpi sgt, %get3A_114, %scan3A_64#0 : vector<16xi32>
      %select_n3A_123 = arith.select %gt3A_122, %broadcast_in_dim3A_50, %broadcast_in_dim3A_52 : vector<16xi1>, vector<16xi32>
      %add3A_124 = arith.addi %add3A_105, %select_n3A_123 : vector<16xi32>
      %select_n3A_125 = arith.select %gt3A_122, %get3A_121, %broadcast_in_dim3A_54 : vector<16xi1>, vector<16xf32>
      %add3A_126 = arith.addf %add3A_107, %select_n3A_125 : vector<16xf32>
      %mul3A_127 = arith.constant 128 : i32
      %mul3A_128 = arith.muli %scan3A_88, %mul3A_127 : i32
      %add3A_129 = arith.constant 32 : i32
      %add3A_130 = arith.addi %mul3A_128, %add3A_129 : i32
      %get3A_131 = arith.index_cast %add3A_130 : i32 to index
      %get3A_132 = tpu.vector_load %arg9[%get3A_131] {strides = array<i32>} : memref<8960xi32, #tpu.memory_space<vmem>>, vector<16xi32>,
      %get3A_133 = vector.shape_cast %get3A_132 : vector<16xi32> to vector<16xi32>
      %mul3A_134 = arith.constant 128 : i32
      %mul3A_135 = arith.muli %scan3A_88, %mul3A_134 : i32
      %add3A_136 = arith.constant 32 : i32
      %add3A_137 = arith.addi %mul3A_135, %add3A_136 : i32
      %get3A_138 = arith.index_cast %add3A_137 : i32 to index
      %get3A_139 = tpu.vector_load %arg8[%get3A_138] {strides = array<i32>} : memref<8960xf32, #tpu.memory_space<vmem>>, vector<16xf32>,
      %get3A_140 = vector.shape_cast %get3A_139 : vector<16xf32> to vector<16xf32>
      %gt3A_141 = arith.cmpi sgt, %get3A_133, %scan3A_64#0 : vector<16xi32>
      %select_n3A_142 = arith.select %gt3A_141, %broadcast_in_dim3A_50, %broadcast_in_dim3A_52 : vector<16xi1>, vector<16xi32>
      %add3A_143 = arith.addi %add3A_124, %select_n3A_142 : vector<16xi32>
      %select_n3A_144 = arith.select %gt3A_141, %get3A_140, %broadcast_in_dim3A_54 : vector<16xi1>, vector<16xf32>
      %add3A_145 = arith.addf %add3A_126, %select_n3A_144 : vector<16xf32>
      %mul3A_146 = arith.constant 128 : i32
      %mul3A_147 = arith.muli %scan3A_88, %mul3A_146 : i32
      %add3A_148 = arith.constant 48 : i32
      %add3A_149 = arith.addi %mul3A_147, %add3A_148 : i32
      %get3A_150 = arith.index_cast %add3A_149 : i32 to index
      %get3A_151 = tpu.vector_load %arg9[%get3A_150] {strides = array<i32>} : memref<8960xi32, #tpu.memory_space<vmem>>, vector<16xi32>,
      %get3A_152 = vector.shape_cast %get3A_151 : vector<16xi32> to vector<16xi32>
      %mul3A_153 = arith.constant 128 : i32
      %mul3A_154 = arith.muli %scan3A_88, %mul3A_153 : i32
      %add3A_155 = arith.constant 48 : i32
      %add3A_156 = arith.addi %mul3A_154, %add3A_155 : i32
      %get3A_157 = arith.index_cast %add3A_156 : i32 to index
      %get3A_158 = tpu.vector_load %arg8[%get3A_157] {strides = array<i32>} : memref<8960xf32, #tpu.memory_space<vmem>>, vector<16xf32>,
      %get3A_159 = vector.shape_cast %get3A_158 : vector<16xf32> to vector<16xf32>
      %gt3A_160 = arith.cmpi sgt, %get3A_152, %scan3A_64#0 : vector<16xi32>
      %select_n3A_161 = arith.select %gt3A_160, %broadcast_in_dim3A_50, %broadcast_in_dim3A_52 : vector<16xi1>, vector<16xi32>
      %add3A_162 = arith.addi %add3A_143, %select_n3A_161 : vector<16xi32>
      %select_n3A_163 = arith.select %gt3A_160, %get3A_159, %broadcast_in_dim3A_54 : vector<16xi1>, vector<16xf32>
      %add3A_164 = arith.addf %add3A_145, %select_n3A_163 : vector<16xf32>
      %mul3A_165 = arith.constant 128 : i32
      %mul3A_166 = arith.muli %scan3A_88, %mul3A_165 : i32
      %add3A_167 = arith.constant 64 : i32
      %add3A_168 = arith.addi %mul3A_166, %add3A_167 : i32
      %get3A_169 = arith.index_cast %add3A_168 : i32 to index
      %get3A_170 = tpu.vector_load %arg9[%get3A_169] {strides = array<i32>} : memref<8960xi32, #tpu.memory_space<vmem>>, vector<16xi32>,
      %get3A_171 = vector.shape_cast %get3A_170 : vector<16xi32> to vector<16xi32>
      %mul3A_172 = arith.constant 128 : i32
      %mul3A_173 = arith.muli %scan3A_88, %mul3A_172 : i32
      %add3A_174 = arith.constant 64 : i32
      %add3A_175 = arith.addi %mul3A_173, %add3A_174 : i32
      %get3A_176 = arith.index_cast %add3A_175 : i32 to index
      %get3A_177 = tpu.vector_load %arg8[%get3A_176] {strides = array<i32>} : memref<8960xf32, #tpu.memory_space<vmem>>, vector<16xf32>,
      %get3A_178 = vector.shape_cast %get3A_177 : vector<16xf32> to vector<16xf32>
      %gt3A_179 = arith.cmpi sgt, %get3A_171, %scan3A_64#0 : vector<16xi32>
      %select_n3A_180 = arith.select %gt3A_179, %broadcast_in_dim3A_50, %broadcast_in_dim3A_52 : vector<16xi1>, vector<16xi32>
      %add3A_181 = arith.addi %add3A_162, %select_n3A_180 : vector<16xi32>
      %select_n3A_182 = arith.select %gt3A_179, %get3A_178, %broadcast_in_dim3A_54 : vector<16xi1>, vector<16xf32>
      %add3A_183 = arith.addf %add3A_164, %select_n3A_182 : vector<16xf32>
      %mul3A_184 = arith.constant 128 : i32
      %mul3A_185 = arith.muli %scan3A_88, %mul3A_184 : i32
      %add3A_186 = arith.constant 80 : i32
      %add3A_187 = arith.addi %mul3A_185, %add3A_186 : i32
      %get3A_188 = arith.index_cast %add3A_187 : i32 to index
      %get3A_189 = tpu.vector_load %arg9[%get3A_188] {strides = array<i32>} : memref<8960xi32, #tpu.memory_space<vmem>>, vector<16xi32>,
      %get3A_190 = vector.shape_cast %get3A_189 : vector<16xi32> to vector<16xi32>
      %mul3A_191 = arith.constant 128 : i32
      %mul3A_192 = arith.muli %scan3A_88, %mul3A_191 : i32
      %add3A_193 = arith.constant 80 : i32
      %add3A_194 = arith.addi %mul3A_192, %add3A_193 : i32
      %get3A_195 = arith.index_cast %add3A_194 : i32 to index
      %get3A_196 = tpu.vector_load %arg8[%get3A_195] {strides = array<i32>} : memref<8960xf32, #tpu.memory_space<vmem>>, vector<16xf32>,
      %get3A_197 = vector.shape_cast %get3A_196 : vector<16xf32> to vector<16xf32>
      %gt3A_198 = arith.cmpi sgt, %get3A_190, %scan3A_64#0 : vector<16xi32>
      %select_n3A_199 = arith.select %gt3A_198, %broadcast_in_dim3A_50, %broadcast_in_dim3A_52 : vector<16xi1>, vector<16xi32>
      %add3A_200 = arith.addi %add3A_181, %select_n3A_199 : vector<16xi32>
      %select_n3A_201 = arith.select %gt3A_198, %get3A_197, %broadcast_in_dim3A_54 : vector<16xi1>, vector<16xf32>
      %add3A_202 = arith.addf %add3A_183, %select_n3A_201 : vector<16xf32>
      %mul3A_203 = arith.constant 128 : i32
      %mul3A_204 = arith.muli %scan3A_88, %mul3A_203 : i32
      %add3A_205 = arith.constant 96 : i32
      %add3A_206 = arith.addi %mul3A_204, %add3A_205 : i32
      %get3A_207 = arith.index_cast %add3A_206 : i32 to index
      %get3A_208 = tpu.vector_load %arg9[%get3A_207] {strides = array<i32>} : memref<8960xi32, #tpu.memory_space<vmem>>, vector<16xi32>,
      %get3A_209 = vector.shape_cast %get3A_208 : vector<16xi32> to vector<16xi32>
      %mul3A_210 = arith.constant 128 : i32
      %mul3A_211 = arith.muli %scan3A_88, %mul3A_210 : i32
      %add3A_212 = arith.constant 96 : i32
      %add3A_213 = arith.addi %mul3A_211, %add3A_212 : i32
      %get3A_214 = arith.index_cast %add3A_213 : i32 to index
      %get3A_215 = tpu.vector_load %arg8[%get3A_214] {strides = array<i32>} : memref<8960xf32, #tpu.memory_space<vmem>>, vector<16xf32>,
      %get3A_216 = vector.shape_cast %get3A_215 : vector<16xf32> to vector<16xf32>
      %gt3A_217 = arith.cmpi sgt, %get3A_209, %scan3A_64#0 : vector<16xi32>
      %select_n3A_218 = arith.select %gt3A_217, %broadcast_in_dim3A_50, %broadcast_in_dim3A_52 : vector<16xi1>, vector<16xi32>
      %add3A_219 = arith.addi %add3A_200, %select_n3A_218 : vector<16xi32>
      %select_n3A_220 = arith.select %gt3A_217, %get3A_216, %broadcast_in_dim3A_54 : vector<16xi1>, vector<16xf32>
      %add3A_221 = arith.addf %add3A_202, %select_n3A_220 : vector<16xf32>
      %mul3A_222 = arith.constant 128 : i32
      %mul3A_223 = arith.muli %scan3A_88, %mul3A_222 : i32
      %add3A_224 = arith.constant 112 : i32
      %add3A_225 = arith.addi %mul3A_223, %add3A_224 : i32
      %get3A_226 = arith.index_cast %add3A_225 : i32 to index
      %get3A_227 = tpu.vector_load %arg9[%get3A_226] {strides = array<i32>} : memref<8960xi32, #tpu.memory_space<vmem>>, vector<16xi32>,
      %get3A_228 = vector.shape_cast %get3A_227 : vector<16xi32> to vector<16xi32>
      %mul3A_229 = arith.constant 128 : i32
      %mul3A_230 = arith.muli %scan3A_88, %mul3A_229 : i32
      %add3A_231 = arith.constant 112 : i32
      %add3A_232 = arith.addi %mul3A_230, %add3A_231 : i32
      %get3A_233 = arith.index_cast %add3A_232 : i32 to index
      %get3A_234 = tpu.vector_load %arg8[%get3A_233] {strides = array<i32>} : memref<8960xf32, #tpu.memory_space<vmem>>, vector<16xf32>,
      %get3A_235 = vector.shape_cast %get3A_234 : vector<16xf32> to vector<16xf32>
      %gt3A_236 = arith.cmpi sgt, %get3A_228, %scan3A_64#0 : vector<16xi32>
      %select_n3A_237 = arith.select %gt3A_236, %broadcast_in_dim3A_50, %broadcast_in_dim3A_52 : vector<16xi1>, vector<16xi32>
      %add3A_238 = arith.addi %add3A_219, %select_n3A_237 : vector<16xi32>
      %select_n3A_239 = arith.select %gt3A_236, %get3A_235, %broadcast_in_dim3A_54 : vector<16xi1>, vector<16xf32>
      %add3A_240 = arith.addf %add3A_221, %select_n3A_239 : vector<16xf32>
      scf.yield %add3A_238, %add3A_240 : vector<16xi32>, vector<16xf32>
    }
    %scan3A_75 = arith.constant 70 : i32
    %swap3A_76 = arith.constant 0 : index
    %swap3A_77 = tpu.vector_load %arg11[%swap3A_76] {strides = array<i32>} : memref<16xf32, #tpu.memory_space<vmem>>, vector<16xf32>,
    %swap3A_78 = vector.shape_cast %swap3A_77 : vector<16xf32> to vector<16xf32>
    %swap3A_79 = vector.shape_cast %scan3A_74#1 : vector<16xf32> to vector<16xf32>
    tpu.vector_store %arg11[%swap3A_76], %swap3A_79 {strides = array<i32>} : memref<16xf32, #tpu.memory_space<vmem>>, vector<16xf32>,
    %swap3A_80 = arith.constant 0 : index
    %swap3A_81 = tpu.vector_load %arg12[%swap3A_80] {strides = array<i32>} : memref<16xi32, #tpu.memory_space<vmem>>, vector<16xi32>,
    %swap3A_82 = vector.shape_cast %swap3A_81 : vector<16xi32> to vector<16xi32>
    %swap3A_83 = vector.shape_cast %scan3A_64#0 : vector<16xi32> to vector<16xi32>
    tpu.vector_store %arg12[%swap3A_80], %swap3A_83 {strides = array<i32>} : memref<16xi32, #tpu.memory_space<vmem>>, vector<16xi32>,
    %swap3A_84 = arith.constant 0 : index
    %swap3A_85 = tpu.vector_load %arg13[%swap3A_84] {strides = array<i32>} : memref<16xi32, #tpu.memory_space<vmem>>, vector<16xi32>,
    %swap3A_86 = vector.shape_cast %swap3A_85 : vector<16xi32> to vector<16xi32>
    %swap3A_87 = vector.shape_cast %scan3A_74#0 : vector<16xi32> to vector<16xi32>
    tpu.vector_store %arg13[%swap3A_84], %swap3A_87 {strides = array<i32>} : memref<16xi32, #tpu.memory_space<vmem>>, vector<16xi32>,
    "tpu.region"() ({
      %run_scoped3A = tpu.sem_alloc : memref<!tpu.dma_semaphore, #tpu.memory_space<semaphore_mem>>
      %dma_start3A = arith.constant 0 : i32
      %dma_start3A_88 = tpu.memref_slice %arg5[%add3A_45, %dma_start3A] : memref<64x16xf32, #tpu.memory_space<hbm>> -> memref<1x16xf32, #tpu.memory_space<hbm>>
      %dma_start3A_89 = tpu.memref_squeeze %dma_start3A_88 : memref<1x16xf32, #tpu.memory_space<hbm>> -> memref<16xf32, #tpu.memory_space<hbm>>
      %dma_start3A_90 = arith.constant 0 : i32
      %dma_start3A_91 = tpu.memref_slice %arg5[%add3A_45, %dma_start3A_90] : memref<64x16xf32, #tpu.memory_space<hbm>> -> memref<1x16xf32, #tpu.memory_space<hbm>>
      %dma_start3A_92 = tpu.memref_squeeze %dma_start3A_91 : memref<1x16xf32, #tpu.memory_space<hbm>> -> memref<16xf32, #tpu.memory_space<hbm>>
      tpu.enqueue_dma source(%arg11 : memref<16xf32, #tpu.memory_space<vmem>>) target(%dma_start3A_92 : memref<16xf32, #tpu.memory_space<hbm>>) target_semaphore(%run_scoped3A : memref<!tpu.dma_semaphore, #tpu.memory_space<semaphore_mem>>)
      %dma_wait3A = arith.constant 0 : i32
      %dma_wait3A_93 = tpu.memref_slice %arg5[%add3A_45, %dma_wait3A] : memref<64x16xf32, #tpu.memory_space<hbm>> -> memref<1x16xf32, #tpu.memory_space<hbm>>
      %dma_wait3A_94 = tpu.memref_squeeze %dma_wait3A_93 : memref<1x16xf32, #tpu.memory_space<hbm>> -> memref<16xf32, #tpu.memory_space<hbm>>
      %dma_wait3A_95 = arith.constant 0 : i32
      %dma_wait3A_96 = tpu.memref_slice %arg5[%add3A_45, %dma_wait3A_95] : memref<64x16xf32, #tpu.memory_space<hbm>> -> memref<1x16xf32, #tpu.memory_space<hbm>>
      %dma_wait3A_97 = tpu.memref_squeeze %dma_wait3A_96 : memref<1x16xf32, #tpu.memory_space<hbm>> -> memref<16xf32, #tpu.memory_space<hbm>>
      tpu.wait_dma2 semaphore(%run_scoped3A : memref<!tpu.dma_semaphore, #tpu.memory_space<semaphore_mem>>) src(%arg11 : memref<16xf32, #tpu.memory_space<vmem>>) dst(%dma_wait3A_97 : memref<16xf32, #tpu.memory_space<hbm>>)
      tpu.yield
    }) : () -> ()
    "tpu.region"() ({
      %run_scoped3A = tpu.sem_alloc : memref<!tpu.dma_semaphore, #tpu.memory_space<semaphore_mem>>
      %dma_start3A = arith.constant 0 : i32
      %dma_start3A_88 = tpu.memref_slice %arg6[%add3A_45, %dma_start3A] : memref<64x16xi32, #tpu.memory_space<hbm>> -> memref<1x16xi32, #tpu.memory_space<hbm>>
      %dma_start3A_89 = tpu.memref_squeeze %dma_start3A_88 : memref<1x16xi32, #tpu.memory_space<hbm>> -> memref<16xi32, #tpu.memory_space<hbm>>
      %dma_start3A_90 = arith.constant 0 : i32
      %dma_start3A_91 = tpu.memref_slice %arg6[%add3A_45, %dma_start3A_90] : memref<64x16xi32, #tpu.memory_space<hbm>> -> memref<1x16xi32, #tpu.memory_space<hbm>>
      %dma_start3A_92 = tpu.memref_squeeze %dma_start3A_91 : memref<1x16xi32, #tpu.memory_space<hbm>> -> memref<16xi32, #tpu.memory_space<hbm>>
      tpu.enqueue_dma source(%arg12 : memref<16xi32, #tpu.memory_space<vmem>>) target(%dma_start3A_92 : memref<16xi32, #tpu.memory_space<hbm>>) target_semaphore(%run_scoped3A : memref<!tpu.dma_semaphore, #tpu.memory_space<semaphore_mem>>)
      %dma_wait3A = arith.constant 0 : i32
      %dma_wait3A_93 = tpu.memref_slice %arg6[%add3A_45, %dma_wait3A] : memref<64x16xi32, #tpu.memory_space<hbm>> -> memref<1x16xi32, #tpu.memory_space<hbm>>
      %dma_wait3A_94 = tpu.memref_squeeze %dma_wait3A_93 : memref<1x16xi32, #tpu.memory_space<hbm>> -> memref<16xi32, #tpu.memory_space<hbm>>
      %dma_wait3A_95 = arith.constant 0 : i32
      %dma_wait3A_96 = tpu.memref_slice %arg6[%add3A_45, %dma_wait3A_95] : memref<64x16xi32, #tpu.memory_space<hbm>> -> memref<1x16xi32, #tpu.memory_space<hbm>>
      %dma_wait3A_97 = tpu.memref_squeeze %dma_wait3A_96 : memref<1x16xi32, #tpu.memory_space<hbm>> -> memref<16xi32, #tpu.memory_space<hbm>>
      tpu.wait_dma2 semaphore(%run_scoped3A : memref<!tpu.dma_semaphore, #tpu.memory_space<semaphore_mem>>) src(%arg12 : memref<16xi32, #tpu.memory_space<vmem>>) dst(%dma_wait3A_97 : memref<16xi32, #tpu.memory_space<hbm>>)
      tpu.yield
    }) : () -> ()
    "tpu.region"() ({
      %run_scoped3A = tpu.sem_alloc : memref<!tpu.dma_semaphore, #tpu.memory_space<semaphore_mem>>
      %dma_start3A = arith.constant 0 : i32
      %dma_start3A_88 = tpu.memref_slice %arg7[%add3A_45, %dma_start3A] : memref<64x16xi32, #tpu.memory_space<hbm>> -> memref<1x16xi32, #tpu.memory_space<hbm>>
      %dma_start3A_89 = tpu.memref_squeeze %dma_start3A_88 : memref<1x16xi32, #tpu.memory_space<hbm>> -> memref<16xi32, #tpu.memory_space<hbm>>
      %dma_start3A_90 = arith.constant 0 : i32
      %dma_start3A_91 = tpu.memref_slice %arg7[%add3A_45, %dma_start3A_90] : memref<64x16xi32, #tpu.memory_space<hbm>> -> memref<1x16xi32, #tpu.memory_space<hbm>>
      %dma_start3A_92 = tpu.memref_squeeze %dma_start3A_91 : memref<1x16xi32, #tpu.memory_space<hbm>> -> memref<16xi32, #tpu.memory_space<hbm>>
      tpu.enqueue_dma source(%arg13 : memref<16xi32, #tpu.memory_space<vmem>>) target(%dma_start3A_92 : memref<16xi32, #tpu.memory_space<hbm>>) target_semaphore(%run_scoped3A : memref<!tpu.dma_semaphore, #tpu.memory_space<semaphore_mem>>)
      %dma_wait3A = arith.constant 0 : i32
      %dma_wait3A_93 = tpu.memref_slice %arg7[%add3A_45, %dma_wait3A] : memref<64x16xi32, #tpu.memory_space<hbm>> -> memref<1x16xi32, #tpu.memory_space<hbm>>
      %dma_wait3A_94 = tpu.memref_squeeze %dma_wait3A_93 : memref<1x16xi32, #tpu.memory_space<hbm>> -> memref<16xi32, #tpu.memory_space<hbm>>
      %dma_wait3A_95 = arith.constant 0 : i32
      %dma_wait3A_96 = tpu.memref_slice %arg7[%add3A_45, %dma_wait3A_95] : memref<64x16xi32, #tpu.memory_space<hbm>> -> memref<1x16xi32, #tpu.memory_space<hbm>>
      %dma_wait3A_97 = tpu.memref_squeeze %dma_wait3A_96 : memref<1x16xi32, #tpu.memory_space<hbm>> -> memref<16xi32, #tpu.memory_space<hbm>>
      tpu.wait_dma2 semaphore(%run_scoped3A : memref<!tpu.dma_semaphore, #tpu.memory_space<semaphore_mem>>) src(%arg13 : memref<16xi32, #tpu.memory_space<vmem>>) dst(%dma_wait3A_97 : memref<16xi32, #tpu.memory_space<hbm>>)
      tpu.yield
    }) : () -> ()
    return
  }
}

module attributes {stable_mosaic.version = 14 : i64} {
  func.func @_stage1_body(%arg0: i32, %arg1: i32, %arg2: memref<1x2x21x70x128xf32, #tpu.memory_space<vmem>>, %arg3: memref<1x2x4x70x128xf32, #tpu.memory_space<vmem>>, %arg4: memref<4x70x128xf32, #tpu.memory_space<vmem>>, %arg5: memref<2x1x8x6xf32, #tpu.memory_space<smem>>, %arg6: memref<2x70x128xf32, #tpu.memory_space<vmem>>, %arg7: memref<2x70x128xi32, #tpu.memory_space<vmem>>, %arg8: memref<2x1x8xf32, #tpu.memory_space<smem>>) attributes {dimension_semantics = [#tpu.dimension_semantics<parallel>, #tpu.dimension_semantics<parallel>], iteration_bounds = array<i64: 16, 2>, scalar_prefetch = 0 : i64, scratch_operands = 0 : i64, tpu.core_type = #tpu.core_type<tc>, window_params = [{transform_indices = @transform_0, window_bounds = array<i64: 1, 2, 21, 70, 128>}, {transform_indices = @transform_1, window_bounds = array<i64: 1, 2, 4, 70, 128>}, {pipeline_mode = #tpu.pipeline_mode<synchronous>, transform_indices = @transform_2, window_bounds = array<i64: 4, 70, 128>}, {transform_indices = @transform_3, window_bounds = array<i64: 2, 1, 8, 6>}, {transform_indices = @transform_4, window_bounds = array<i64: 2, 70, 128>}, {transform_indices = @transform_5, window_bounds = array<i64: 2, 70, 128>}, {transform_indices = @transform_6, window_bounds = array<i64: 2, 1, 8>}]} {
    %get3A = arith.constant 0 : index
    %get3A_0 = arith.constant 0 : index
    %get3A_1 = arith.constant 0 : index
    %get3A_2 = vector.load %arg4[%get3A, %get3A_0, %get3A_1] : memref<4x70x128xf32, #tpu.memory_space<vmem>>, vector<1x70x128xf32>
    %get3A_3 = vector.shape_cast %get3A_2 : vector<1x70x128xf32> to vector<70x128xf32>
    %get3A_4 = arith.constant 1 : index
    %get3A_5 = arith.constant 0 : index
    %get3A_6 = arith.constant 0 : index
    %get3A_7 = vector.load %arg4[%get3A_4, %get3A_5, %get3A_6] : memref<4x70x128xf32, #tpu.memory_space<vmem>>, vector<1x70x128xf32>
    %get3A_8 = vector.shape_cast %get3A_7 : vector<1x70x128xf32> to vector<70x128xf32>
    %get3A_9 = arith.constant 2 : index
    %get3A_10 = arith.constant 0 : index
    %get3A_11 = arith.constant 0 : index
    %get3A_12 = vector.load %arg4[%get3A_9, %get3A_10, %get3A_11] : memref<4x70x128xf32, #tpu.memory_space<vmem>>, vector<1x70x128xf32>
    %get3A_13 = vector.shape_cast %get3A_12 : vector<1x70x128xf32> to vector<70x128xf32>
    %get3A_14 = arith.constant 3 : index
    %get3A_15 = arith.constant 0 : index
    %get3A_16 = arith.constant 0 : index
    %get3A_17 = vector.load %arg4[%get3A_14, %get3A_15, %get3A_16] : memref<4x70x128xf32, #tpu.memory_space<vmem>>, vector<1x70x128xf32>
    %get3A_18 = vector.shape_cast %get3A_17 : vector<1x70x128xf32> to vector<70x128xf32>
    %mul3A = arith.constant 5.000000e-01 : f32
    %mul3A_19 = vector.broadcast %mul3A : f32 to vector<70x128xf32>
    %mul3A_20 = arith.mulf %get3A_13, %mul3A_19 : vector<70x128xf32>
    %sub3A = arith.subf %get3A_3, %mul3A_20 : vector<70x128xf32>
    %mul3A_21 = arith.constant 5.000000e-01 : f32
    %mul3A_22 = vector.broadcast %mul3A_21 : f32 to vector<70x128xf32>
    %mul3A_23 = arith.mulf %get3A_18, %mul3A_22 : vector<70x128xf32>
    %sub3A_24 = arith.subf %get3A_8, %mul3A_23 : vector<70x128xf32>
    %mul3A_25 = arith.constant 5.000000e-01 : f32
    %mul3A_26 = vector.broadcast %mul3A_25 : f32 to vector<70x128xf32>
    %mul3A_27 = arith.mulf %get3A_13, %mul3A_26 : vector<70x128xf32>
    %add3A = arith.addf %get3A_3, %mul3A_27 : vector<70x128xf32>
    %mul3A_28 = arith.constant 5.000000e-01 : f32
    %mul3A_29 = vector.broadcast %mul3A_28 : f32 to vector<70x128xf32>
    %mul3A_30 = arith.mulf %get3A_18, %mul3A_29 : vector<70x128xf32>
    %add3A_31 = arith.addf %get3A_8, %mul3A_30 : vector<70x128xf32>
    %mul3A_32 = arith.mulf %get3A_13, %get3A_18 : vector<70x128xf32>
    %iota3A = tpu.iota {dimensions = array<i32: 0>} : vector<70x128xi32>
    %mul3A_33 = arith.constant 128 : i32
    %mul3A_34 = vector.broadcast %mul3A_33 : i32 to vector<70x128xi32>
    %mul3A_35 = arith.muli %iota3A, %mul3A_34 : vector<70x128xi32>
    %iota3A_36 = tpu.iota {dimensions = array<i32: 1>} : vector<70x128xi32>
    %add3A_37 = arith.addi %mul3A_35, %iota3A_36 : vector<70x128xi32>
    %lt3A = arith.constant 8732 : i32
    %lt3A_38 = vector.broadcast %lt3A : i32 to vector<70x128xi32>
    %lt3A_39 = arith.cmpi slt, %add3A_37, %lt3A_38 : vector<70x128xi32>
    %broadcast_in_dim3A = arith.constant -1.000000e+00 : f32
    %broadcast_in_dim3A_40 = vector.broadcast %broadcast_in_dim3A : f32 to vector<70x128xf32>
    %broadcast_in_dim3A_41 = arith.constant 0 : i32
    %broadcast_in_dim3A_42 = vector.broadcast %broadcast_in_dim3A_41 : i32 to vector<70x128xi32>
    %get3A_43 = arith.constant 0 : index
    %get3A_44 = arith.constant 0 : index
    %get3A_45 = arith.constant 0 : index
    %get3A_46 = arith.constant 0 : index
    %get3A_47 = memref.load %arg5[%get3A_43, %get3A_44, %get3A_45, %get3A_46] : memref<2x1x8x6xf32, #tpu.memory_space<smem>>
    %get3A_48 = arith.constant 0 : index
    %get3A_49 = arith.constant 0 : index
    %get3A_50 = arith.constant 0 : index
    %get3A_51 = arith.constant 1 : index
    %get3A_52 = memref.load %arg5[%get3A_48, %get3A_49, %get3A_50, %get3A_51] : memref<2x1x8x6xf32, #tpu.memory_space<smem>>
    %get3A_53 = arith.constant 0 : index
    %get3A_54 = arith.constant 0 : index
    %get3A_55 = arith.constant 0 : index
    %get3A_56 = arith.constant 2 : index
    %get3A_57 = memref.load %arg5[%get3A_53, %get3A_54, %get3A_55, %get3A_56] : memref<2x1x8x6xf32, #tpu.memory_space<smem>>
    %get3A_58 = arith.constant 0 : index
    %get3A_59 = arith.constant 0 : index
    %get3A_60 = arith.constant 0 : index
    %get3A_61 = arith.constant 3 : index
    %get3A_62 = memref.load %arg5[%get3A_58, %get3A_59, %get3A_60, %get3A_61] : memref<2x1x8x6xf32, #tpu.memory_space<smem>>
    %get3A_63 = arith.constant 0 : index
    %get3A_64 = arith.constant 0 : index
    %get3A_65 = arith.constant 0 : index
    %get3A_66 = arith.constant 4 : index
    %get3A_67 = memref.load %arg5[%get3A_63, %get3A_64, %get3A_65, %get3A_66] : memref<2x1x8x6xf32, #tpu.memory_space<smem>>
    %min3A = vector.broadcast %get3A_57 : f32 to vector<70x128xf32>
    %min3A_68 = arith.minimumf %min3A, %add3A : vector<70x128xf32>
    %max3A = vector.broadcast %get3A_47 : f32 to vector<70x128xf32>
    %max3A_69 = arith.maximumf %max3A, %sub3A : vector<70x128xf32>
    %sub3A_70 = arith.subf %min3A_68, %max3A_69 : vector<70x128xf32>
    %max3A_71 = arith.constant 0.000000e+00 : f32
    %max3A_72 = vector.broadcast %max3A_71 : f32 to vector<70x128xf32>
    %max3A_73 = arith.maximumf %sub3A_70, %max3A_72 : vector<70x128xf32>
    %min3A_74 = vector.broadcast %get3A_62 : f32 to vector<70x128xf32>
    %min3A_75 = arith.minimumf %min3A_74, %add3A_31 : vector<70x128xf32>
    %max3A_76 = vector.broadcast %get3A_52 : f32 to vector<70x128xf32>
    %max3A_77 = arith.maximumf %max3A_76, %sub3A_24 : vector<70x128xf32>
    %sub3A_78 = arith.subf %min3A_75, %max3A_77 : vector<70x128xf32>
    %max3A_79 = arith.constant 0.000000e+00 : f32
    %max3A_80 = vector.broadcast %max3A_79 : f32 to vector<70x128xf32>
    %max3A_81 = arith.maximumf %sub3A_78, %max3A_80 : vector<70x128xf32>
    %mul3A_82 = arith.mulf %max3A_73, %max3A_81 : vector<70x128xf32>
    %sub3A_83 = arith.subf %get3A_57, %get3A_47 : f32
    %sub3A_84 = arith.subf %get3A_62, %get3A_52 : f32
    %mul3A_85 = arith.mulf %sub3A_83, %sub3A_84 : f32
    %add3A_86 = vector.broadcast %mul3A_85 : f32 to vector<70x128xf32>
    %add3A_87 = arith.addf %add3A_86, %mul3A_32 : vector<70x128xf32>
    %sub3A_88 = arith.subf %add3A_87, %mul3A_82 : vector<70x128xf32>
    %div3A = arith.divf %mul3A_82, %sub3A_88 : vector<70x128xf32>
    %gt3A = arith.cmpf ogt, %div3A, %broadcast_in_dim3A_40 : vector<70x128xf32>
    %select_n3A = arith.select %gt3A, %div3A, %broadcast_in_dim3A_40 : vector<70x128xi1>, vector<70x128xf32>
    %jit3A = arith.constant 0 : i32
    %broadcast_in_dim3A_89 = vector.broadcast %jit3A : i32 to vector<70x128xi32>
    %select_n3A_90 = arith.select %gt3A, %broadcast_in_dim3A_89, %broadcast_in_dim3A_42 : vector<70x128xi1>, vector<70x128xi32>
    %jit3A_91 = arith.constant -1.000000e+00 : f32
    %broadcast_in_dim3A_92 = vector.broadcast %jit3A_91 : f32 to vector<70x128xf32>
    %select_n3A_93 = arith.select %lt3A_39, %div3A, %broadcast_in_dim3A_92 : vector<70x128xi1>, vector<70x128xf32>
    %reduce_max3A = vector.shape_cast %select_n3A_93 : vector<70x128xf32> to vector<1x70x128xf32>
    %reduce_max3A_94 = arith.constant dense<0xFF800000> : vector<1xf32>
    %reduce_max3A_95 = vector.multi_reduction <maximumf>, %reduce_max3A, %reduce_max3A_94 [1, 2] : vector<1x70x128xf32> to vector<1xf32>
    %reduce_max3A_96 = vector.shape_cast %reduce_max3A_95 : vector<1xf32> to vector<1x1x1xf32>
    %reduce_max3A_97 = vector.extract %reduce_max3A_96[0, 0, 0] : f32 from vector<1x1x1xf32>
    %eq3A = vector.broadcast %reduce_max3A_97 : f32 to vector<70x128xf32>
    %eq3A_98 = arith.cmpf oeq, %select_n3A_93, %eq3A : vector<70x128xf32>
    %jit3A_99 = arith.constant 1073741824 : i32
    %broadcast_in_dim3A_100 = vector.broadcast %jit3A_99 : i32 to vector<70x128xi32>
    %select_n3A_101 = arith.select %eq3A_98, %add3A_37, %broadcast_in_dim3A_100 : vector<70x128xi1>, vector<70x128xi32>
    %reduce_min3A = vector.shape_cast %select_n3A_101 : vector<70x128xi32> to vector<1x70x128xi32>
    %reduce_min3A_102 = arith.constant dense<2147483647> : vector<1xi32>
    %reduce_min3A_103 = vector.multi_reduction <minsi>, %reduce_min3A, %reduce_min3A_102 [1, 2] : vector<1x70x128xi32> to vector<1xi32>
    %reduce_min3A_104 = vector.shape_cast %reduce_min3A_103 : vector<1xi32> to vector<1x1x1xi32>
    %reduce_min3A_105 = vector.extract %reduce_min3A_104[0, 0, 0] : i32 from vector<1x1x1xi32>
    %get3A_106 = arith.constant 0 : index
    %get3A_107 = arith.constant 0 : index
    %get3A_108 = arith.constant 1 : index
    %get3A_109 = arith.constant 0 : index
    %get3A_110 = memref.load %arg5[%get3A_106, %get3A_107, %get3A_108, %get3A_109] : memref<2x1x8x6xf32, #tpu.memory_space<smem>>
    %get3A_111 = arith.constant 0 : index
    %get3A_112 = arith.constant 0 : index
    %get3A_113 = arith.constant 1 : index
    %get3A_114 = arith.constant 1 : index
    %get3A_115 = memref.load %arg5[%get3A_111, %get3A_112, %get3A_113, %get3A_114] : memref<2x1x8x6xf32, #tpu.memory_space<smem>>
    %get3A_116 = arith.constant 0 : index
    %get3A_117 = arith.constant 0 : index
    %get3A_118 = arith.constant 1 : index
    %get3A_119 = arith.constant 2 : index
    %get3A_120 = memref.load %arg5[%get3A_116, %get3A_117, %get3A_118, %get3A_119] : memref<2x1x8x6xf32, #tpu.memory_space<smem>>
    %get3A_121 = arith.constant 0 : index
    %get3A_122 = arith.constant 0 : index
    %get3A_123 = arith.constant 1 : index
    %get3A_124 = arith.constant 3 : index
    %get3A_125 = memref.load %arg5[%get3A_121, %get3A_122, %get3A_123, %get3A_124] : memref<2x1x8x6xf32, #tpu.memory_space<smem>>
    %get3A_126 = arith.constant 0 : index
    %get3A_127 = arith.constant 0 : index
    %get3A_128 = arith.constant 1 : index
    %get3A_129 = arith.constant 4 : index
    %get3A_130 = memref.load %arg5[%get3A_126, %get3A_127, %get3A_128, %get3A_129] : memref<2x1x8x6xf32, #tpu.memory_space<smem>>
    %min3A_131 = vector.broadcast %get3A_120 : f32 to vector<70x128xf32>
    %min3A_132 = arith.minimumf %min3A_131, %add3A : vector<70x128xf32>
    %max3A_133 = vector.broadcast %get3A_110 : f32 to vector<70x128xf32>
    %max3A_134 = arith.maximumf %max3A_133, %sub3A : vector<70x128xf32>
    %sub3A_135 = arith.subf %min3A_132, %max3A_134 : vector<70x128xf32>
    %max3A_136 = arith.constant 0.000000e+00 : f32
    %max3A_137 = vector.broadcast %max3A_136 : f32 to vector<70x128xf32>
    %max3A_138 = arith.maximumf %sub3A_135, %max3A_137 : vector<70x128xf32>
    %min3A_139 = vector.broadcast %get3A_125 : f32 to vector<70x128xf32>
    %min3A_140 = arith.minimumf %min3A_139, %add3A_31 : vector<70x128xf32>
    %max3A_141 = vector.broadcast %get3A_115 : f32 to vector<70x128xf32>
    %max3A_142 = arith.maximumf %max3A_141, %sub3A_24 : vector<70x128xf32>
    %sub3A_143 = arith.subf %min3A_140, %max3A_142 : vector<70x128xf32>
    %max3A_144 = arith.constant 0.000000e+00 : f32
    %max3A_145 = vector.broadcast %max3A_144 : f32 to vector<70x128xf32>
    %max3A_146 = arith.maximumf %sub3A_143, %max3A_145 : vector<70x128xf32>
    %mul3A_147 = arith.mulf %max3A_138, %max3A_146 : vector<70x128xf32>
    %sub3A_148 = arith.subf %get3A_120, %get3A_110 : f32
    %sub3A_149 = arith.subf %get3A_125, %get3A_115 : f32
    %mul3A_150 = arith.mulf %sub3A_148, %sub3A_149 : f32
    %add3A_151 = vector.broadcast %mul3A_150 : f32 to vector<70x128xf32>
    %add3A_152 = arith.addf %add3A_151, %mul3A_32 : vector<70x128xf32>
    %sub3A_153 = arith.subf %add3A_152, %mul3A_147 : vector<70x128xf32>
    %div3A_154 = arith.divf %mul3A_147, %sub3A_153 : vector<70x128xf32>
    %gt3A_155 = arith.cmpf ogt, %div3A_154, %select_n3A : vector<70x128xf32>
    %select_n3A_156 = arith.select %gt3A_155, %div3A_154, %select_n3A : vector<70x128xi1>, vector<70x128xf32>
    %jit3A_157 = arith.constant 1 : i32
    %broadcast_in_dim3A_158 = vector.broadcast %jit3A_157 : i32 to vector<70x128xi32>
    %select_n3A_159 = arith.select %gt3A_155, %broadcast_in_dim3A_158, %select_n3A_90 : vector<70x128xi1>, vector<70x128xi32>
    %jit3A_160 = arith.constant -1.000000e+00 : f32
    %broadcast_in_dim3A_161 = vector.broadcast %jit3A_160 : f32 to vector<70x128xf32>
    %select_n3A_162 = arith.select %lt3A_39, %div3A_154, %broadcast_in_dim3A_161 : vector<70x128xi1>, vector<70x128xf32>
    %reduce_max3A_163 = vector.shape_cast %select_n3A_162 : vector<70x128xf32> to vector<1x70x128xf32>
    %reduce_max3A_164 = arith.constant dense<0xFF800000> : vector<1xf32>
    %reduce_max3A_165 = vector.multi_reduction <maximumf>, %reduce_max3A_163, %reduce_max3A_164 [1, 2] : vector<1x70x128xf32> to vector<1xf32>
    %reduce_max3A_166 = vector.shape_cast %reduce_max3A_165 : vector<1xf32> to vector<1x1x1xf32>
    %reduce_max3A_167 = vector.extract %reduce_max3A_166[0, 0, 0] : f32 from vector<1x1x1xf32>
    %eq3A_168 = vector.broadcast %reduce_max3A_167 : f32 to vector<70x128xf32>
    %eq3A_169 = arith.cmpf oeq, %select_n3A_162, %eq3A_168 : vector<70x128xf32>
    %jit3A_170 = arith.constant 1073741824 : i32
    %broadcast_in_dim3A_171 = vector.broadcast %jit3A_170 : i32 to vector<70x128xi32>
    %select_n3A_172 = arith.select %eq3A_169, %add3A_37, %broadcast_in_dim3A_171 : vector<70x128xi1>, vector<70x128xi32>
    %reduce_min3A_173 = vector.shape_cast %select_n3A_172 : vector<70x128xi32> to vector<1x70x128xi32>
    %reduce_min3A_174 = arith.constant dense<2147483647> : vector<1xi32>
    %reduce_min3A_175 = vector.multi_reduction <minsi>, %reduce_min3A_173, %reduce_min3A_174 [1, 2] : vector<1x70x128xi32> to vector<1xi32>
    %reduce_min3A_176 = vector.shape_cast %reduce_min3A_175 : vector<1xi32> to vector<1x1x1xi32>
    %reduce_min3A_177 = vector.extract %reduce_min3A_176[0, 0, 0] : i32 from vector<1x1x1xi32>
    %get3A_178 = arith.constant 0 : index
    %get3A_179 = arith.constant 0 : index
    %get3A_180 = arith.constant 2 : index
    %get3A_181 = arith.constant 0 : index
    %get3A_182 = memref.load %arg5[%get3A_178, %get3A_179, %get3A_180, %get3A_181] : memref<2x1x8x6xf32, #tpu.memory_space<smem>>
    %get3A_183 = arith.constant 0 : index
    %get3A_184 = arith.constant 0 : index
    %get3A_185 = arith.constant 2 : index
    %get3A_186 = arith.constant 1 : index
    %get3A_187 = memref.load %arg5[%get3A_183, %get3A_184, %get3A_185, %get3A_186] : memref<2x1x8x6xf32, #tpu.memory_space<smem>>
    %get3A_188 = arith.constant 0 : index
    %get3A_189 = arith.constant 0 : index
    %get3A_190 = arith.constant 2 : index
    %get3A_191 = arith.constant 2 : index
    %get3A_192 = memref.load %arg5[%get3A_188, %get3A_189, %get3A_190, %get3A_191] : memref<2x1x8x6xf32, #tpu.memory_space<smem>>
    %get3A_193 = arith.constant 0 : index
    %get3A_194 = arith.constant 0 : index
    %get3A_195 = arith.constant 2 : index
    %get3A_196 = arith.constant 3 : index
    %get3A_197 = memref.load %arg5[%get3A_193, %get3A_194, %get3A_195, %get3A_196] : memref<2x1x8x6xf32, #tpu.memory_space<smem>>
    %get3A_198 = arith.constant 0 : index
    %get3A_199 = arith.constant 0 : index
    %get3A_200 = arith.constant 2 : index
    %get3A_201 = arith.constant 4 : index
    %get3A_202 = memref.load %arg5[%get3A_198, %get3A_199, %get3A_200, %get3A_201] : memref<2x1x8x6xf32, #tpu.memory_space<smem>>
    %min3A_203 = vector.broadcast %get3A_192 : f32 to vector<70x128xf32>
    %min3A_204 = arith.minimumf %min3A_203, %add3A : vector<70x128xf32>
    %max3A_205 = vector.broadcast %get3A_182 : f32 to vector<70x128xf32>
    %max3A_206 = arith.maximumf %max3A_205, %sub3A : vector<70x128xf32>
    %sub3A_207 = arith.subf %min3A_204, %max3A_206 : vector<70x128xf32>
    %max3A_208 = arith.constant 0.000000e+00 : f32
    %max3A_209 = vector.broadcast %max3A_208 : f32 to vector<70x128xf32>
    %max3A_210 = arith.maximumf %sub3A_207, %max3A_209 : vector<70x128xf32>
    %min3A_211 = vector.broadcast %get3A_197 : f32 to vector<70x128xf32>
    %min3A_212 = arith.minimumf %min3A_211, %add3A_31 : vector<70x128xf32>
    %max3A_213 = vector.broadcast %get3A_187 : f32 to vector<70x128xf32>
    %max3A_214 = arith.maximumf %max3A_213, %sub3A_24 : vector<70x128xf32>
    %sub3A_215 = arith.subf %min3A_212, %max3A_214 : vector<70x128xf32>
    %max3A_216 = arith.constant 0.000000e+00 : f32
    %max3A_217 = vector.broadcast %max3A_216 : f32 to vector<70x128xf32>
    %max3A_218 = arith.maximumf %sub3A_215, %max3A_217 : vector<70x128xf32>
    %mul3A_219 = arith.mulf %max3A_210, %max3A_218 : vector<70x128xf32>
    %sub3A_220 = arith.subf %get3A_192, %get3A_182 : f32
    %sub3A_221 = arith.subf %get3A_197, %get3A_187 : f32
    %mul3A_222 = arith.mulf %sub3A_220, %sub3A_221 : f32
    %add3A_223 = vector.broadcast %mul3A_222 : f32 to vector<70x128xf32>
    %add3A_224 = arith.addf %add3A_223, %mul3A_32 : vector<70x128xf32>
    %sub3A_225 = arith.subf %add3A_224, %mul3A_219 : vector<70x128xf32>
    %div3A_226 = arith.divf %mul3A_219, %sub3A_225 : vector<70x128xf32>
    %gt3A_227 = arith.cmpf ogt, %div3A_226, %select_n3A_156 : vector<70x128xf32>
    %select_n3A_228 = arith.select %gt3A_227, %div3A_226, %select_n3A_156 : vector<70x128xi1>, vector<70x128xf32>
    %jit3A_229 = arith.constant 2 : i32
    %broadcast_in_dim3A_230 = vector.broadcast %jit3A_229 : i32 to vector<70x128xi32>
    %select_n3A_231 = arith.select %gt3A_227, %broadcast_in_dim3A_230, %select_n3A_159 : vector<70x128xi1>, vector<70x128xi32>
    %jit3A_232 = arith.constant -1.000000e+00 : f32
    %broadcast_in_dim3A_233 = vector.broadcast %jit3A_232 : f32 to vector<70x128xf32>
    %select_n3A_234 = arith.select %lt3A_39, %div3A_226, %broadcast_in_dim3A_233 : vector<70x128xi1>, vector<70x128xf32>
    %reduce_max3A_235 = vector.shape_cast %select_n3A_234 : vector<70x128xf32> to vector<1x70x128xf32>
    %reduce_max3A_236 = arith.constant dense<0xFF800000> : vector<1xf32>
    %reduce_max3A_237 = vector.multi_reduction <maximumf>, %reduce_max3A_235, %reduce_max3A_236 [1, 2] : vector<1x70x128xf32> to vector<1xf32>
    %reduce_max3A_238 = vector.shape_cast %reduce_max3A_237 : vector<1xf32> to vector<1x1x1xf32>
    %reduce_max3A_239 = vector.extract %reduce_max3A_238[0, 0, 0] : f32 from vector<1x1x1xf32>
    %eq3A_240 = vector.broadcast %reduce_max3A_239 : f32 to vector<70x128xf32>
    %eq3A_241 = arith.cmpf oeq, %select_n3A_234, %eq3A_240 : vector<70x128xf32>
    %jit3A_242 = arith.constant 1073741824 : i32
    %broadcast_in_dim3A_243 = vector.broadcast %jit3A_242 : i32 to vector<70x128xi32>
    %select_n3A_244 = arith.select %eq3A_241, %add3A_37, %broadcast_in_dim3A_243 : vector<70x128xi1>, vector<70x128xi32>
    %reduce_min3A_245 = vector.shape_cast %select_n3A_244 : vector<70x128xi32> to vector<1x70x128xi32>
    %reduce_min3A_246 = arith.constant dense<2147483647> : vector<1xi32>
    %reduce_min3A_247 = vector.multi_reduction <minsi>, %reduce_min3A_245, %reduce_min3A_246 [1, 2] : vector<1x70x128xi32> to vector<1xi32>
    %reduce_min3A_248 = vector.shape_cast %reduce_min3A_247 : vector<1xi32> to vector<1x1x1xi32>
    %reduce_min3A_249 = vector.extract %reduce_min3A_248[0, 0, 0] : i32 from vector<1x1x1xi32>
    %get3A_250 = arith.constant 0 : index
    %get3A_251 = arith.constant 0 : index
    %get3A_252 = arith.constant 3 : index
    %get3A_253 = arith.constant 0 : index
    %get3A_254 = memref.load %arg5[%get3A_250, %get3A_251, %get3A_252, %get3A_253] : memref<2x1x8x6xf32, #tpu.memory_space<smem>>
    %get3A_255 = arith.constant 0 : index
    %get3A_256 = arith.constant 0 : index
    %get3A_257 = arith.constant 3 : index
    %get3A_258 = arith.constant 1 : index
    %get3A_259 = memref.load %arg5[%get3A_255, %get3A_256, %get3A_257, %get3A_258] : memref<2x1x8x6xf32, #tpu.memory_space<smem>>
    %get3A_260 = arith.constant 0 : index
    %get3A_261 = arith.constant 0 : index
    %get3A_262 = arith.constant 3 : index
    %get3A_263 = arith.constant 2 : index
    %get3A_264 = memref.load %arg5[%get3A_260, %get3A_261, %get3A_262, %get3A_263] : memref<2x1x8x6xf32, #tpu.memory_space<smem>>
    %get3A_265 = arith.constant 0 : index
    %get3A_266 = arith.constant 0 : index
    %get3A_267 = arith.constant 3 : index
    %get3A_268 = arith.constant 3 : index
    %get3A_269 = memref.load %arg5[%get3A_265, %get3A_266, %get3A_267, %get3A_268] : memref<2x1x8x6xf32, #tpu.memory_space<smem>>
    %get3A_270 = arith.constant 0 : index
    %get3A_271 = arith.constant 0 : index
    %get3A_272 = arith.constant 3 : index
    %get3A_273 = arith.constant 4 : index
    %get3A_274 = memref.load %arg5[%get3A_270, %get3A_271, %get3A_272, %get3A_273] : memref<2x1x8x6xf32, #tpu.memory_space<smem>>
    %min3A_275 = vector.broadcast %get3A_264 : f32 to vector<70x128xf32>
    %min3A_276 = arith.minimumf %min3A_275, %add3A : vector<70x128xf32>
    %max3A_277 = vector.broadcast %get3A_254 : f32 to vector<70x128xf32>
    %max3A_278 = arith.maximumf %max3A_277, %sub3A : vector<70x128xf32>
    %sub3A_279 = arith.subf %min3A_276, %max3A_278 : vector<70x128xf32>
    %max3A_280 = arith.constant 0.000000e+00 : f32
    %max3A_281 = vector.broadcast %max3A_280 : f32 to vector<70x128xf32>
    %max3A_282 = arith.maximumf %sub3A_279, %max3A_281 : vector<70x128xf32>
    %min3A_283 = vector.broadcast %get3A_269 : f32 to vector<70x128xf32>
    %min3A_284 = arith.minimumf %min3A_283, %add3A_31 : vector<70x128xf32>
    %max3A_285 = vector.broadcast %get3A_259 : f32 to vector<70x128xf32>
    %max3A_286 = arith.maximumf %max3A_285, %sub3A_24 : vector<70x128xf32>
    %sub3A_287 = arith.subf %min3A_284, %max3A_286 : vector<70x128xf32>
    %max3A_288 = arith.constant 0.000000e+00 : f32
    %max3A_289 = vector.broadcast %max3A_288 : f32 to vector<70x128xf32>
    %max3A_290 = arith.maximumf %sub3A_287, %max3A_289 : vector<70x128xf32>
    %mul3A_291 = arith.mulf %max3A_282, %max3A_290 : vector<70x128xf32>
    %sub3A_292 = arith.subf %get3A_264, %get3A_254 : f32
    %sub3A_293 = arith.subf %get3A_269, %get3A_259 : f32
    %mul3A_294 = arith.mulf %sub3A_292, %sub3A_293 : f32
    %add3A_295 = vector.broadcast %mul3A_294 : f32 to vector<70x128xf32>
    %add3A_296 = arith.addf %add3A_295, %mul3A_32 : vector<70x128xf32>
    %sub3A_297 = arith.subf %add3A_296, %mul3A_291 : vector<70x128xf32>
    %div3A_298 = arith.divf %mul3A_291, %sub3A_297 : vector<70x128xf32>
    %gt3A_299 = arith.cmpf ogt, %div3A_298, %select_n3A_228 : vector<70x128xf32>
    %select_n3A_300 = arith.select %gt3A_299, %div3A_298, %select_n3A_228 : vector<70x128xi1>, vector<70x128xf32>
    %jit3A_301 = arith.constant 3 : i32
    %broadcast_in_dim3A_302 = vector.broadcast %jit3A_301 : i32 to vector<70x128xi32>
    %select_n3A_303 = arith.select %gt3A_299, %broadcast_in_dim3A_302, %select_n3A_231 : vector<70x128xi1>, vector<70x128xi32>
    %jit3A_304 = arith.constant -1.000000e+00 : f32
    %broadcast_in_dim3A_305 = vector.broadcast %jit3A_304 : f32 to vector<70x128xf32>
    %select_n3A_306 = arith.select %lt3A_39, %div3A_298, %broadcast_in_dim3A_305 : vector<70x128xi1>, vector<70x128xf32>
    %reduce_max3A_307 = vector.shape_cast %select_n3A_306 : vector<70x128xf32> to vector<1x70x128xf32>
    %reduce_max3A_308 = arith.constant dense<0xFF800000> : vector<1xf32>
    %reduce_max3A_309 = vector.multi_reduction <maximumf>, %reduce_max3A_307, %reduce_max3A_308 [1, 2] : vector<1x70x128xf32> to vector<1xf32>
    %reduce_max3A_310 = vector.shape_cast %reduce_max3A_309 : vector<1xf32> to vector<1x1x1xf32>
    %reduce_max3A_311 = vector.extract %reduce_max3A_310[0, 0, 0] : f32 from vector<1x1x1xf32>
    %eq3A_312 = vector.broadcast %reduce_max3A_311 : f32 to vector<70x128xf32>
    %eq3A_313 = arith.cmpf oeq, %select_n3A_306, %eq3A_312 : vector<70x128xf32>
    %jit3A_314 = arith.constant 1073741824 : i32
    %broadcast_in_dim3A_315 = vector.broadcast %jit3A_314 : i32 to vector<70x128xi32>
    %select_n3A_316 = arith.select %eq3A_313, %add3A_37, %broadcast_in_dim3A_315 : vector<70x128xi1>, vector<70x128xi32>
    %reduce_min3A_317 = vector.shape_cast %select_n3A_316 : vector<70x128xi32> to vector<1x70x128xi32>
    %reduce_min3A_318 = arith.constant dense<2147483647> : vector<1xi32>
    %reduce_min3A_319 = vector.multi_reduction <minsi>, %reduce_min3A_317, %reduce_min3A_318 [1, 2] : vector<1x70x128xi32> to vector<1xi32>
    %reduce_min3A_320 = vector.shape_cast %reduce_min3A_319 : vector<1xi32> to vector<1x1x1xi32>
    %reduce_min3A_321 = vector.extract %reduce_min3A_320[0, 0, 0] : i32 from vector<1x1x1xi32>
    %get3A_322 = arith.constant 0 : index
    %get3A_323 = arith.constant 0 : index
    %get3A_324 = arith.constant 4 : index
    %get3A_325 = arith.constant 0 : index
    %get3A_326 = memref.load %arg5[%get3A_322, %get3A_323, %get3A_324, %get3A_325] : memref<2x1x8x6xf32, #tpu.memory_space<smem>>
    %get3A_327 = arith.constant 0 : index
    %get3A_328 = arith.constant 0 : index
    %get3A_329 = arith.constant 4 : index
    %get3A_330 = arith.constant 1 : index
    %get3A_331 = memref.load %arg5[%get3A_327, %get3A_328, %get3A_329, %get3A_330] : memref<2x1x8x6xf32, #tpu.memory_space<smem>>
    %get3A_332 = arith.constant 0 : index
    %get3A_333 = arith.constant 0 : index
    %get3A_334 = arith.constant 4 : index
    %get3A_335 = arith.constant 2 : index
    %get3A_336 = memref.load %arg5[%get3A_332, %get3A_333, %get3A_334, %get3A_335] : memref<2x1x8x6xf32, #tpu.memory_space<smem>>
    %get3A_337 = arith.constant 0 : index
    %get3A_338 = arith.constant 0 : index
    %get3A_339 = arith.constant 4 : index
    %get3A_340 = arith.constant 3 : index
    %get3A_341 = memref.load %arg5[%get3A_337, %get3A_338, %get3A_339, %get3A_340] : memref<2x1x8x6xf32, #tpu.memory_space<smem>>
    %get3A_342 = arith.constant 0 : index
    %get3A_343 = arith.constant 0 : index
    %get3A_344 = arith.constant 4 : index
    %get3A_345 = arith.constant 4 : index
    %get3A_346 = memref.load %arg5[%get3A_342, %get3A_343, %get3A_344, %get3A_345] : memref<2x1x8x6xf32, #tpu.memory_space<smem>>
    %min3A_347 = vector.broadcast %get3A_336 : f32 to vector<70x128xf32>
    %min3A_348 = arith.minimumf %min3A_347, %add3A : vector<70x128xf32>
    %max3A_349 = vector.broadcast %get3A_326 : f32 to vector<70x128xf32>
    %max3A_350 = arith.maximumf %max3A_349, %sub3A : vector<70x128xf32>
    %sub3A_351 = arith.subf %min3A_348, %max3A_350 : vector<70x128xf32>
    %max3A_352 = arith.constant 0.000000e+00 : f32
    %max3A_353 = vector.broadcast %max3A_352 : f32 to vector<70x128xf32>
    %max3A_354 = arith.maximumf %sub3A_351, %max3A_353 : vector<70x128xf32>
    %min3A_355 = vector.broadcast %get3A_341 : f32 to vector<70x128xf32>
    %min3A_356 = arith.minimumf %min3A_355, %add3A_31 : vector<70x128xf32>
    %max3A_357 = vector.broadcast %get3A_331 : f32 to vector<70x128xf32>
    %max3A_358 = arith.maximumf %max3A_357, %sub3A_24 : vector<70x128xf32>
    %sub3A_359 = arith.subf %min3A_356, %max3A_358 : vector<70x128xf32>
    %max3A_360 = arith.constant 0.000000e+00 : f32
    %max3A_361 = vector.broadcast %max3A_360 : f32 to vector<70x128xf32>
    %max3A_362 = arith.maximumf %sub3A_359, %max3A_361 : vector<70x128xf32>
    %mul3A_363 = arith.mulf %max3A_354, %max3A_362 : vector<70x128xf32>
    %sub3A_364 = arith.subf %get3A_336, %get3A_326 : f32
    %sub3A_365 = arith.subf %get3A_341, %get3A_331 : f32
    %mul3A_366 = arith.mulf %sub3A_364, %sub3A_365 : f32
    %add3A_367 = vector.broadcast %mul3A_366 : f32 to vector<70x128xf32>
    %add3A_368 = arith.addf %add3A_367, %mul3A_32 : vector<70x128xf32>
    %sub3A_369 = arith.subf %add3A_368, %mul3A_363 : vector<70x128xf32>
    %div3A_370 = arith.divf %mul3A_363, %sub3A_369 : vector<70x128xf32>
    %gt3A_371 = arith.cmpf ogt, %div3A_370, %select_n3A_300 : vector<70x128xf32>
    %select_n3A_372 = arith.select %gt3A_371, %div3A_370, %select_n3A_300 : vector<70x128xi1>, vector<70x128xf32>
    %jit3A_373 = arith.constant 4 : i32
    %broadcast_in_dim3A_374 = vector.broadcast %jit3A_373 : i32 to vector<70x128xi32>
    %select_n3A_375 = arith.select %gt3A_371, %broadcast_in_dim3A_374, %select_n3A_303 : vector<70x128xi1>, vector<70x128xi32>
    %jit3A_376 = arith.constant -1.000000e+00 : f32
    %broadcast_in_dim3A_377 = vector.broadcast %jit3A_376 : f32 to vector<70x128xf32>
    %select_n3A_378 = arith.select %lt3A_39, %div3A_370, %broadcast_in_dim3A_377 : vector<70x128xi1>, vector<70x128xf32>
    %reduce_max3A_379 = vector.shape_cast %select_n3A_378 : vector<70x128xf32> to vector<1x70x128xf32>
    %reduce_max3A_380 = arith.constant dense<0xFF800000> : vector<1xf32>
    %reduce_max3A_381 = vector.multi_reduction <maximumf>, %reduce_max3A_379, %reduce_max3A_380 [1, 2] : vector<1x70x128xf32> to vector<1xf32>
    %reduce_max3A_382 = vector.shape_cast %reduce_max3A_381 : vector<1xf32> to vector<1x1x1xf32>
    %reduce_max3A_383 = vector.extract %reduce_max3A_382[0, 0, 0] : f32 from vector<1x1x1xf32>
    %eq3A_384 = vector.broadcast %reduce_max3A_383 : f32 to vector<70x128xf32>
    %eq3A_385 = arith.cmpf oeq, %select_n3A_378, %eq3A_384 : vector<70x128xf32>
    %jit3A_386 = arith.constant 1073741824 : i32
    %broadcast_in_dim3A_387 = vector.broadcast %jit3A_386 : i32 to vector<70x128xi32>
    %select_n3A_388 = arith.select %eq3A_385, %add3A_37, %broadcast_in_dim3A_387 : vector<70x128xi1>, vector<70x128xi32>
    %reduce_min3A_389 = vector.shape_cast %select_n3A_388 : vector<70x128xi32> to vector<1x70x128xi32>
    %reduce_min3A_390 = arith.constant dense<2147483647> : vector<1xi32>
    %reduce_min3A_391 = vector.multi_reduction <minsi>, %reduce_min3A_389, %reduce_min3A_390 [1, 2] : vector<1x70x128xi32> to vector<1xi32>
    %reduce_min3A_392 = vector.shape_cast %reduce_min3A_391 : vector<1xi32> to vector<1x1x1xi32>
    %reduce_min3A_393 = vector.extract %reduce_min3A_392[0, 0, 0] : i32 from vector<1x1x1xi32>
    %get3A_394 = arith.constant 0 : index
    %get3A_395 = arith.constant 0 : index
    %get3A_396 = arith.constant 5 : index
    %get3A_397 = arith.constant 0 : index
    %get3A_398 = memref.load %arg5[%get3A_394, %get3A_395, %get3A_396, %get3A_397] : memref<2x1x8x6xf32, #tpu.memory_space<smem>>
    %get3A_399 = arith.constant 0 : index
    %get3A_400 = arith.constant 0 : index
    %get3A_401 = arith.constant 5 : index
    %get3A_402 = arith.constant 1 : index
    %get3A_403 = memref.load %arg5[%get3A_399, %get3A_400, %get3A_401, %get3A_402] : memref<2x1x8x6xf32, #tpu.memory_space<smem>>
    %get3A_404 = arith.constant 0 : index
    %get3A_405 = arith.constant 0 : index
    %get3A_406 = arith.constant 5 : index
    %get3A_407 = arith.constant 2 : index
    %get3A_408 = memref.load %arg5[%get3A_404, %get3A_405, %get3A_406, %get3A_407] : memref<2x1x8x6xf32, #tpu.memory_space<smem>>
    %get3A_409 = arith.constant 0 : index
    %get3A_410 = arith.constant 0 : index
    %get3A_411 = arith.constant 5 : index
    %get3A_412 = arith.constant 3 : index
    %get3A_413 = memref.load %arg5[%get3A_409, %get3A_410, %get3A_411, %get3A_412] : memref<2x1x8x6xf32, #tpu.memory_space<smem>>
    %get3A_414 = arith.constant 0 : index
    %get3A_415 = arith.constant 0 : index
    %get3A_416 = arith.constant 5 : index
    %get3A_417 = arith.constant 4 : index
    %get3A_418 = memref.load %arg5[%get3A_414, %get3A_415, %get3A_416, %get3A_417] : memref<2x1x8x6xf32, #tpu.memory_space<smem>>
    %min3A_419 = vector.broadcast %get3A_408 : f32 to vector<70x128xf32>
    %min3A_420 = arith.minimumf %min3A_419, %add3A : vector<70x128xf32>
    %max3A_421 = vector.broadcast %get3A_398 : f32 to vector<70x128xf32>
    %max3A_422 = arith.maximumf %max3A_421, %sub3A : vector<70x128xf32>
    %sub3A_423 = arith.subf %min3A_420, %max3A_422 : vector<70x128xf32>
    %max3A_424 = arith.constant 0.000000e+00 : f32
    %max3A_425 = vector.broadcast %max3A_424 : f32 to vector<70x128xf32>
    %max3A_426 = arith.maximumf %sub3A_423, %max3A_425 : vector<70x128xf32>
    %min3A_427 = vector.broadcast %get3A_413 : f32 to vector<70x128xf32>
    %min3A_428 = arith.minimumf %min3A_427, %add3A_31 : vector<70x128xf32>
    %max3A_429 = vector.broadcast %get3A_403 : f32 to vector<70x128xf32>
    %max3A_430 = arith.maximumf %max3A_429, %sub3A_24 : vector<70x128xf32>
    %sub3A_431 = arith.subf %min3A_428, %max3A_430 : vector<70x128xf32>
    %max3A_432 = arith.constant 0.000000e+00 : f32
    %max3A_433 = vector.broadcast %max3A_432 : f32 to vector<70x128xf32>
    %max3A_434 = arith.maximumf %sub3A_431, %max3A_433 : vector<70x128xf32>
    %mul3A_435 = arith.mulf %max3A_426, %max3A_434 : vector<70x128xf32>
    %sub3A_436 = arith.subf %get3A_408, %get3A_398 : f32
    %sub3A_437 = arith.subf %get3A_413, %get3A_403 : f32
    %mul3A_438 = arith.mulf %sub3A_436, %sub3A_437 : f32
    %add3A_439 = vector.broadcast %mul3A_438 : f32 to vector<70x128xf32>
    %add3A_440 = arith.addf %add3A_439, %mul3A_32 : vector<70x128xf32>
    %sub3A_441 = arith.subf %add3A_440, %mul3A_435 : vector<70x128xf32>
    %div3A_442 = arith.divf %mul3A_435, %sub3A_441 : vector<70x128xf32>
    %gt3A_443 = arith.cmpf ogt, %div3A_442, %select_n3A_372 : vector<70x128xf32>
    %select_n3A_444 = arith.select %gt3A_443, %div3A_442, %select_n3A_372 : vector<70x128xi1>, vector<70x128xf32>
    %jit3A_445 = arith.constant 5 : i32
    %broadcast_in_dim3A_446 = vector.broadcast %jit3A_445 : i32 to vector<70x128xi32>
    %select_n3A_447 = arith.select %gt3A_443, %broadcast_in_dim3A_446, %select_n3A_375 : vector<70x128xi1>, vector<70x128xi32>
    %jit3A_448 = arith.constant -1.000000e+00 : f32
    %broadcast_in_dim3A_449 = vector.broadcast %jit3A_448 : f32 to vector<70x128xf32>
    %select_n3A_450 = arith.select %lt3A_39, %div3A_442, %broadcast_in_dim3A_449 : vector<70x128xi1>, vector<70x128xf32>
    %reduce_max3A_451 = vector.shape_cast %select_n3A_450 : vector<70x128xf32> to vector<1x70x128xf32>
    %reduce_max3A_452 = arith.constant dense<0xFF800000> : vector<1xf32>
    %reduce_max3A_453 = vector.multi_reduction <maximumf>, %reduce_max3A_451, %reduce_max3A_452 [1, 2] : vector<1x70x128xf32> to vector<1xf32>
    %reduce_max3A_454 = vector.shape_cast %reduce_max3A_453 : vector<1xf32> to vector<1x1x1xf32>
    %reduce_max3A_455 = vector.extract %reduce_max3A_454[0, 0, 0] : f32 from vector<1x1x1xf32>
    %eq3A_456 = vector.broadcast %reduce_max3A_455 : f32 to vector<70x128xf32>
    %eq3A_457 = arith.cmpf oeq, %select_n3A_450, %eq3A_456 : vector<70x128xf32>
    %jit3A_458 = arith.constant 1073741824 : i32
    %broadcast_in_dim3A_459 = vector.broadcast %jit3A_458 : i32 to vector<70x128xi32>
    %select_n3A_460 = arith.select %eq3A_457, %add3A_37, %broadcast_in_dim3A_459 : vector<70x128xi1>, vector<70x128xi32>
    %reduce_min3A_461 = vector.shape_cast %select_n3A_460 : vector<70x128xi32> to vector<1x70x128xi32>
    %reduce_min3A_462 = arith.constant dense<2147483647> : vector<1xi32>
    %reduce_min3A_463 = vector.multi_reduction <minsi>, %reduce_min3A_461, %reduce_min3A_462 [1, 2] : vector<1x70x128xi32> to vector<1xi32>
    %reduce_min3A_464 = vector.shape_cast %reduce_min3A_463 : vector<1xi32> to vector<1x1x1xi32>
    %reduce_min3A_465 = vector.extract %reduce_min3A_464[0, 0, 0] : i32 from vector<1x1x1xi32>
    %get3A_466 = arith.constant 0 : index
    %get3A_467 = arith.constant 0 : index
    %get3A_468 = arith.constant 6 : index
    %get3A_469 = arith.constant 0 : index
    %get3A_470 = memref.load %arg5[%get3A_466, %get3A_467, %get3A_468, %get3A_469] : memref<2x1x8x6xf32, #tpu.memory_space<smem>>
    %get3A_471 = arith.constant 0 : index
    %get3A_472 = arith.constant 0 : index
    %get3A_473 = arith.constant 6 : index
    %get3A_474 = arith.constant 1 : index
    %get3A_475 = memref.load %arg5[%get3A_471, %get3A_472, %get3A_473, %get3A_474] : memref<2x1x8x6xf32, #tpu.memory_space<smem>>
    %get3A_476 = arith.constant 0 : index
    %get3A_477 = arith.constant 0 : index
    %get3A_478 = arith.constant 6 : index
    %get3A_479 = arith.constant 2 : index
    %get3A_480 = memref.load %arg5[%get3A_476, %get3A_477, %get3A_478, %get3A_479] : memref<2x1x8x6xf32, #tpu.memory_space<smem>>
    %get3A_481 = arith.constant 0 : index
    %get3A_482 = arith.constant 0 : index
    %get3A_483 = arith.constant 6 : index
    %get3A_484 = arith.constant 3 : index
    %get3A_485 = memref.load %arg5[%get3A_481, %get3A_482, %get3A_483, %get3A_484] : memref<2x1x8x6xf32, #tpu.memory_space<smem>>
    %get3A_486 = arith.constant 0 : index
    %get3A_487 = arith.constant 0 : index
    %get3A_488 = arith.constant 6 : index
    %get3A_489 = arith.constant 4 : index
    %get3A_490 = memref.load %arg5[%get3A_486, %get3A_487, %get3A_488, %get3A_489] : memref<2x1x8x6xf32, #tpu.memory_space<smem>>
    %min3A_491 = vector.broadcast %get3A_480 : f32 to vector<70x128xf32>
    %min3A_492 = arith.minimumf %min3A_491, %add3A : vector<70x128xf32>
    %max3A_493 = vector.broadcast %get3A_470 : f32 to vector<70x128xf32>
    %max3A_494 = arith.maximumf %max3A_493, %sub3A : vector<70x128xf32>
    %sub3A_495 = arith.subf %min3A_492, %max3A_494 : vector<70x128xf32>
    %max3A_496 = arith.constant 0.000000e+00 : f32
    %max3A_497 = vector.broadcast %max3A_496 : f32 to vector<70x128xf32>
    %max3A_498 = arith.maximumf %sub3A_495, %max3A_497 : vector<70x128xf32>
    %min3A_499 = vector.broadcast %get3A_485 : f32 to vector<70x128xf32>
    %min3A_500 = arith.minimumf %min3A_499, %add3A_31 : vector<70x128xf32>
    %max3A_501 = vector.broadcast %get3A_475 : f32 to vector<70x128xf32>
    %max3A_502 = arith.maximumf %max3A_501, %sub3A_24 : vector<70x128xf32>
    %sub3A_503 = arith.subf %min3A_500, %max3A_502 : vector<70x128xf32>
    %max3A_504 = arith.constant 0.000000e+00 : f32
    %max3A_505 = vector.broadcast %max3A_504 : f32 to vector<70x128xf32>
    %max3A_506 = arith.maximumf %sub3A_503, %max3A_505 : vector<70x128xf32>
    %mul3A_507 = arith.mulf %max3A_498, %max3A_506 : vector<70x128xf32>
    %sub3A_508 = arith.subf %get3A_480, %get3A_470 : f32
    %sub3A_509 = arith.subf %get3A_485, %get3A_475 : f32
    %mul3A_510 = arith.mulf %sub3A_508, %sub3A_509 : f32
    %add3A_511 = vector.broadcast %mul3A_510 : f32 to vector<70x128xf32>
    %add3A_512 = arith.addf %add3A_511, %mul3A_32 : vector<70x128xf32>
    %sub3A_513 = arith.subf %add3A_512, %mul3A_507 : vector<70x128xf32>
    %div3A_514 = arith.divf %mul3A_507, %sub3A_513 : vector<70x128xf32>
    %gt3A_515 = arith.cmpf ogt, %div3A_514, %select_n3A_444 : vector<70x128xf32>
    %select_n3A_516 = arith.select %gt3A_515, %div3A_514, %select_n3A_444 : vector<70x128xi1>, vector<70x128xf32>
    %jit3A_517 = arith.constant 6 : i32
    %broadcast_in_dim3A_518 = vector.broadcast %jit3A_517 : i32 to vector<70x128xi32>
    %select_n3A_519 = arith.select %gt3A_515, %broadcast_in_dim3A_518, %select_n3A_447 : vector<70x128xi1>, vector<70x128xi32>
    %jit3A_520 = arith.constant -1.000000e+00 : f32
    %broadcast_in_dim3A_521 = vector.broadcast %jit3A_520 : f32 to vector<70x128xf32>
    %select_n3A_522 = arith.select %lt3A_39, %div3A_514, %broadcast_in_dim3A_521 : vector<70x128xi1>, vector<70x128xf32>
    %reduce_max3A_523 = vector.shape_cast %select_n3A_522 : vector<70x128xf32> to vector<1x70x128xf32>
    %reduce_max3A_524 = arith.constant dense<0xFF800000> : vector<1xf32>
    %reduce_max3A_525 = vector.multi_reduction <maximumf>, %reduce_max3A_523, %reduce_max3A_524 [1, 2] : vector<1x70x128xf32> to vector<1xf32>
    %reduce_max3A_526 = vector.shape_cast %reduce_max3A_525 : vector<1xf32> to vector<1x1x1xf32>
    %reduce_max3A_527 = vector.extract %reduce_max3A_526[0, 0, 0] : f32 from vector<1x1x1xf32>
    %eq3A_528 = vector.broadcast %reduce_max3A_527 : f32 to vector<70x128xf32>
    %eq3A_529 = arith.cmpf oeq, %select_n3A_522, %eq3A_528 : vector<70x128xf32>
    %jit3A_530 = arith.constant 1073741824 : i32
    %broadcast_in_dim3A_531 = vector.broadcast %jit3A_530 : i32 to vector<70x128xi32>
    %select_n3A_532 = arith.select %eq3A_529, %add3A_37, %broadcast_in_dim3A_531 : vector<70x128xi1>, vector<70x128xi32>
    %reduce_min3A_533 = vector.shape_cast %select_n3A_532 : vector<70x128xi32> to vector<1x70x128xi32>
    %reduce_min3A_534 = arith.constant dense<2147483647> : vector<1xi32>
    %reduce_min3A_535 = vector.multi_reduction <minsi>, %reduce_min3A_533, %reduce_min3A_534 [1, 2] : vector<1x70x128xi32> to vector<1xi32>
    %reduce_min3A_536 = vector.shape_cast %reduce_min3A_535 : vector<1xi32> to vector<1x1x1xi32>
    %reduce_min3A_537 = vector.extract %reduce_min3A_536[0, 0, 0] : i32 from vector<1x1x1xi32>
    %get3A_538 = arith.constant 0 : index
    %get3A_539 = arith.constant 0 : index
    %get3A_540 = arith.constant 7 : index
    %get3A_541 = arith.constant 0 : index
    %get3A_542 = memref.load %arg5[%get3A_538, %get3A_539, %get3A_540, %get3A_541] : memref<2x1x8x6xf32, #tpu.memory_space<smem>>
    %get3A_543 = arith.constant 0 : index
    %get3A_544 = arith.constant 0 : index
    %get3A_545 = arith.constant 7 : index
    %get3A_546 = arith.constant 1 : index
    %get3A_547 = memref.load %arg5[%get3A_543, %get3A_544, %get3A_545, %get3A_546] : memref<2x1x8x6xf32, #tpu.memory_space<smem>>
    %get3A_548 = arith.constant 0 : index
    %get3A_549 = arith.constant 0 : index
    %get3A_550 = arith.constant 7 : index
    %get3A_551 = arith.constant 2 : index
    %get3A_552 = memref.load %arg5[%get3A_548, %get3A_549, %get3A_550, %get3A_551] : memref<2x1x8x6xf32, #tpu.memory_space<smem>>
    %get3A_553 = arith.constant 0 : index
    %get3A_554 = arith.constant 0 : index
    %get3A_555 = arith.constant 7 : index
    %get3A_556 = arith.constant 3 : index
    %get3A_557 = memref.load %arg5[%get3A_553, %get3A_554, %get3A_555, %get3A_556] : memref<2x1x8x6xf32, #tpu.memory_space<smem>>
    %get3A_558 = arith.constant 0 : index
    %get3A_559 = arith.constant 0 : index
    %get3A_560 = arith.constant 7 : index
    %get3A_561 = arith.constant 4 : index
    %get3A_562 = memref.load %arg5[%get3A_558, %get3A_559, %get3A_560, %get3A_561] : memref<2x1x8x6xf32, #tpu.memory_space<smem>>
    %min3A_563 = vector.broadcast %get3A_552 : f32 to vector<70x128xf32>
    %min3A_564 = arith.minimumf %min3A_563, %add3A : vector<70x128xf32>
    %max3A_565 = vector.broadcast %get3A_542 : f32 to vector<70x128xf32>
    %max3A_566 = arith.maximumf %max3A_565, %sub3A : vector<70x128xf32>
    %sub3A_567 = arith.subf %min3A_564, %max3A_566 : vector<70x128xf32>
    %max3A_568 = arith.constant 0.000000e+00 : f32
    %max3A_569 = vector.broadcast %max3A_568 : f32 to vector<70x128xf32>
    %max3A_570 = arith.maximumf %sub3A_567, %max3A_569 : vector<70x128xf32>
    %min3A_571 = vector.broadcast %get3A_557 : f32 to vector<70x128xf32>
    %min3A_572 = arith.minimumf %min3A_571, %add3A_31 : vector<70x128xf32>
    %max3A_573 = vector.broadcast %get3A_547 : f32 to vector<70x128xf32>
    %max3A_574 = arith.maximumf %max3A_573, %sub3A_24 : vector<70x128xf32>
    %sub3A_575 = arith.subf %min3A_572, %max3A_574 : vector<70x128xf32>
    %max3A_576 = arith.constant 0.000000e+00 : f32
    %max3A_577 = vector.broadcast %max3A_576 : f32 to vector<70x128xf32>
    %max3A_578 = arith.maximumf %sub3A_575, %max3A_577 : vector<70x128xf32>
    %mul3A_579 = arith.mulf %max3A_570, %max3A_578 : vector<70x128xf32>
    %sub3A_580 = arith.subf %get3A_552, %get3A_542 : f32
    %sub3A_581 = arith.subf %get3A_557, %get3A_547 : f32
    %mul3A_582 = arith.mulf %sub3A_580, %sub3A_581 : f32
    %add3A_583 = vector.broadcast %mul3A_582 : f32 to vector<70x128xf32>
    %add3A_584 = arith.addf %add3A_583, %mul3A_32 : vector<70x128xf32>
    %sub3A_585 = arith.subf %add3A_584, %mul3A_579 : vector<70x128xf32>
    %div3A_586 = arith.divf %mul3A_579, %sub3A_585 : vector<70x128xf32>
    %gt3A_587 = arith.cmpf ogt, %div3A_586, %select_n3A_516 : vector<70x128xf32>
    %select_n3A_588 = arith.select %gt3A_587, %div3A_586, %select_n3A_516 : vector<70x128xi1>, vector<70x128xf32>
    %jit3A_589 = arith.constant 7 : i32
    %broadcast_in_dim3A_590 = vector.broadcast %jit3A_589 : i32 to vector<70x128xi32>
    %select_n3A_591 = arith.select %gt3A_587, %broadcast_in_dim3A_590, %select_n3A_519 : vector<70x128xi1>, vector<70x128xi32>
    %jit3A_592 = arith.constant -1.000000e+00 : f32
    %broadcast_in_dim3A_593 = vector.broadcast %jit3A_592 : f32 to vector<70x128xf32>
    %select_n3A_594 = arith.select %lt3A_39, %div3A_586, %broadcast_in_dim3A_593 : vector<70x128xi1>, vector<70x128xf32>
    %reduce_max3A_595 = vector.shape_cast %select_n3A_594 : vector<70x128xf32> to vector<1x70x128xf32>
    %reduce_max3A_596 = arith.constant dense<0xFF800000> : vector<1xf32>
    %reduce_max3A_597 = vector.multi_reduction <maximumf>, %reduce_max3A_595, %reduce_max3A_596 [1, 2] : vector<1x70x128xf32> to vector<1xf32>
    %reduce_max3A_598 = vector.shape_cast %reduce_max3A_597 : vector<1xf32> to vector<1x1x1xf32>
    %reduce_max3A_599 = vector.extract %reduce_max3A_598[0, 0, 0] : f32 from vector<1x1x1xf32>
    %eq3A_600 = vector.broadcast %reduce_max3A_599 : f32 to vector<70x128xf32>
    %eq3A_601 = arith.cmpf oeq, %select_n3A_594, %eq3A_600 : vector<70x128xf32>
    %jit3A_602 = arith.constant 1073741824 : i32
    %broadcast_in_dim3A_603 = vector.broadcast %jit3A_602 : i32 to vector<70x128xi32>
    %select_n3A_604 = arith.select %eq3A_601, %add3A_37, %broadcast_in_dim3A_603 : vector<70x128xi1>, vector<70x128xi32>
    %reduce_min3A_605 = vector.shape_cast %select_n3A_604 : vector<70x128xi32> to vector<1x70x128xi32>
    %reduce_min3A_606 = arith.constant dense<2147483647> : vector<1xi32>
    %reduce_min3A_607 = vector.multi_reduction <minsi>, %reduce_min3A_605, %reduce_min3A_606 [1, 2] : vector<1x70x128xi32> to vector<1xi32>
    %reduce_min3A_608 = vector.shape_cast %reduce_min3A_607 : vector<1xi32> to vector<1x1x1xi32>
    %reduce_min3A_609 = vector.extract %reduce_min3A_608[0, 0, 0] : i32 from vector<1x1x1xi32>
    %eq3A_610 = vector.broadcast %reduce_min3A_105 : i32 to vector<70x128xi32>
    %eq3A_611 = arith.cmpi eq, %add3A_37, %eq3A_610 : vector<70x128xi32>
    %jit3A_612 = arith.constant 2.000000e+00 : f32
    %broadcast_in_dim3A_613 = vector.broadcast %jit3A_612 : f32 to vector<70x128xf32>
    %select_n3A_614 = arith.select %eq3A_611, %broadcast_in_dim3A_613, %select_n3A_588 : vector<70x128xi1>, vector<70x128xf32>
    %jit3A_615 = arith.constant 0 : i32
    %broadcast_in_dim3A_616 = vector.broadcast %jit3A_615 : i32 to vector<70x128xi32>
    %select_n3A_617 = arith.select %eq3A_611, %broadcast_in_dim3A_616, %select_n3A_591 : vector<70x128xi1>, vector<70x128xi32>
    %eq3A_618 = vector.broadcast %reduce_min3A_177 : i32 to vector<70x128xi32>
    %eq3A_619 = arith.cmpi eq, %add3A_37, %eq3A_618 : vector<70x128xi32>
    %jit3A_620 = arith.constant 2.000000e+00 : f32
    %broadcast_in_dim3A_621 = vector.broadcast %jit3A_620 : f32 to vector<70x128xf32>
    %select_n3A_622 = arith.select %eq3A_619, %broadcast_in_dim3A_621, %select_n3A_614 : vector<70x128xi1>, vector<70x128xf32>
    %jit3A_623 = arith.constant 1 : i32
    %broadcast_in_dim3A_624 = vector.broadcast %jit3A_623 : i32 to vector<70x128xi32>
    %select_n3A_625 = arith.select %eq3A_619, %broadcast_in_dim3A_624, %select_n3A_617 : vector<70x128xi1>, vector<70x128xi32>
    %eq3A_626 = vector.broadcast %reduce_min3A_249 : i32 to vector<70x128xi32>
    %eq3A_627 = arith.cmpi eq, %add3A_37, %eq3A_626 : vector<70x128xi32>
    %jit3A_628 = arith.constant 2.000000e+00 : f32
    %broadcast_in_dim3A_629 = vector.broadcast %jit3A_628 : f32 to vector<70x128xf32>
    %select_n3A_630 = arith.select %eq3A_627, %broadcast_in_dim3A_629, %select_n3A_622 : vector<70x128xi1>, vector<70x128xf32>
    %jit3A_631 = arith.constant 2 : i32
    %broadcast_in_dim3A_632 = vector.broadcast %jit3A_631 : i32 to vector<70x128xi32>
    %select_n3A_633 = arith.select %eq3A_627, %broadcast_in_dim3A_632, %select_n3A_625 : vector<70x128xi1>, vector<70x128xi32>
    %eq3A_634 = vector.broadcast %reduce_min3A_321 : i32 to vector<70x128xi32>
    %eq3A_635 = arith.cmpi eq, %add3A_37, %eq3A_634 : vector<70x128xi32>
    %jit3A_636 = arith.constant 2.000000e+00 : f32
    %broadcast_in_dim3A_637 = vector.broadcast %jit3A_636 : f32 to vector<70x128xf32>
    %select_n3A_638 = arith.select %eq3A_635, %broadcast_in_dim3A_637, %select_n3A_630 : vector<70x128xi1>, vector<70x128xf32>
    %jit3A_639 = arith.constant 3 : i32
    %broadcast_in_dim3A_640 = vector.broadcast %jit3A_639 : i32 to vector<70x128xi32>
    %select_n3A_641 = arith.select %eq3A_635, %broadcast_in_dim3A_640, %select_n3A_633 : vector<70x128xi1>, vector<70x128xi32>
    %eq3A_642 = vector.broadcast %reduce_min3A_393 : i32 to vector<70x128xi32>
    %eq3A_643 = arith.cmpi eq, %add3A_37, %eq3A_642 : vector<70x128xi32>
    %jit3A_644 = arith.constant 2.000000e+00 : f32
    %broadcast_in_dim3A_645 = vector.broadcast %jit3A_644 : f32 to vector<70x128xf32>
    %select_n3A_646 = arith.select %eq3A_643, %broadcast_in_dim3A_645, %select_n3A_638 : vector<70x128xi1>, vector<70x128xf32>
    %jit3A_647 = arith.constant 4 : i32
    %broadcast_in_dim3A_648 = vector.broadcast %jit3A_647 : i32 to vector<70x128xi32>
    %select_n3A_649 = arith.select %eq3A_643, %broadcast_in_dim3A_648, %select_n3A_641 : vector<70x128xi1>, vector<70x128xi32>
    %eq3A_650 = vector.broadcast %reduce_min3A_465 : i32 to vector<70x128xi32>
    %eq3A_651 = arith.cmpi eq, %add3A_37, %eq3A_650 : vector<70x128xi32>
    %jit3A_652 = arith.constant 2.000000e+00 : f32
    %broadcast_in_dim3A_653 = vector.broadcast %jit3A_652 : f32 to vector<70x128xf32>
    %select_n3A_654 = arith.select %eq3A_651, %broadcast_in_dim3A_653, %select_n3A_646 : vector<70x128xi1>, vector<70x128xf32>
    %jit3A_655 = arith.constant 5 : i32
    %broadcast_in_dim3A_656 = vector.broadcast %jit3A_655 : i32 to vector<70x128xi32>
    %select_n3A_657 = arith.select %eq3A_651, %broadcast_in_dim3A_656, %select_n3A_649 : vector<70x128xi1>, vector<70x128xi32>
    %eq3A_658 = vector.broadcast %reduce_min3A_537 : i32 to vector<70x128xi32>
    %eq3A_659 = arith.cmpi eq, %add3A_37, %eq3A_658 : vector<70x128xi32>
    %jit3A_660 = arith.constant 2.000000e+00 : f32
    %broadcast_in_dim3A_661 = vector.broadcast %jit3A_660 : f32 to vector<70x128xf32>
    %select_n3A_662 = arith.select %eq3A_659, %broadcast_in_dim3A_661, %select_n3A_654 : vector<70x128xi1>, vector<70x128xf32>
    %jit3A_663 = arith.constant 6 : i32
    %broadcast_in_dim3A_664 = vector.broadcast %jit3A_663 : i32 to vector<70x128xi32>
    %select_n3A_665 = arith.select %eq3A_659, %broadcast_in_dim3A_664, %select_n3A_657 : vector<70x128xi1>, vector<70x128xi32>
    %eq3A_666 = vector.broadcast %reduce_min3A_609 : i32 to vector<70x128xi32>
    %eq3A_667 = arith.cmpi eq, %add3A_37, %eq3A_666 : vector<70x128xi32>
    %jit3A_668 = arith.constant 2.000000e+00 : f32
    %broadcast_in_dim3A_669 = vector.broadcast %jit3A_668 : f32 to vector<70x128xf32>
    %select_n3A_670 = arith.select %eq3A_667, %broadcast_in_dim3A_669, %select_n3A_662 : vector<70x128xi1>, vector<70x128xf32>
    %jit3A_671 = arith.constant 7 : i32
    %broadcast_in_dim3A_672 = vector.broadcast %jit3A_671 : i32 to vector<70x128xi32>
    %select_n3A_673 = arith.select %eq3A_667, %broadcast_in_dim3A_672, %select_n3A_665 : vector<70x128xi1>, vector<70x128xi32>
    %ge3A = arith.constant 5.000000e-01 : f32
    %ge3A_674 = vector.broadcast %ge3A : f32 to vector<70x128xf32>
    %ge3A_675 = arith.cmpf oge, %select_n3A_670, %ge3A_674 : vector<70x128xf32>
    %jit3A_676 = arith.constant 1 : i32
    %jit3A_677 = arith.constant 0 : i32
    %broadcast_in_dim3A_678 = vector.broadcast %jit3A_676 : i32 to vector<70x128xi32>
    %broadcast_in_dim3A_679 = vector.broadcast %jit3A_677 : i32 to vector<70x128xi32>
    %select_n3A_680 = arith.select %ge3A_675, %broadcast_in_dim3A_678, %broadcast_in_dim3A_679 : vector<70x128xi1>, vector<70x128xi32>
    %reduce_sum3A = vector.shape_cast %select_n3A_680 : vector<70x128xi32> to vector<1x70x128xi32>
    %reduce_sum3A_681 = arith.constant dense<0> : vector<1xi32>
    %reduce_sum3A_682 = vector.multi_reduction <add>, %reduce_sum3A, %reduce_sum3A_681 [1, 2] : vector<1x70x128xi32> to vector<1xi32>
    %reduce_sum3A_683 = vector.shape_cast %reduce_sum3A_682 : vector<1xi32> to vector<1x1x1xi32>
    %reduce_sum3A_684 = vector.extract %reduce_sum3A_683[0, 0, 0] : i32 from vector<1x1x1xi32>
    %broadcast_in_dim3A_685 = arith.constant 0.000000e+00 : f32
    %broadcast_in_dim3A_686 = vector.broadcast %broadcast_in_dim3A_685 : f32 to vector<70x128xf32>
    %broadcast_in_dim3A_687 = arith.constant 0.000000e+00 : f32
    %broadcast_in_dim3A_688 = vector.broadcast %broadcast_in_dim3A_687 : f32 to vector<70x128xf32>
    %broadcast_in_dim3A_689 = arith.constant 0.000000e+00 : f32
    %broadcast_in_dim3A_690 = vector.broadcast %broadcast_in_dim3A_689 : f32 to vector<70x128xf32>
    %broadcast_in_dim3A_691 = arith.constant 0.000000e+00 : f32
    %broadcast_in_dim3A_692 = vector.broadcast %broadcast_in_dim3A_691 : f32 to vector<70x128xf32>
    %broadcast_in_dim3A_693 = arith.constant 0.000000e+00 : f32
    %broadcast_in_dim3A_694 = vector.broadcast %broadcast_in_dim3A_693 : f32 to vector<70x128xf32>
    %eq3A_695 = arith.constant 0 : i32
    %eq3A_696 = vector.broadcast %eq3A_695 : i32 to vector<70x128xi32>
    %eq3A_697 = arith.cmpi eq, %select_n3A_673, %eq3A_696 : vector<70x128xi32>
    %broadcast_in_dim3A_698 = vector.broadcast %get3A_47 : f32 to vector<70x128xf32>
    %select_n3A_699 = arith.select %eq3A_697, %broadcast_in_dim3A_698, %broadcast_in_dim3A_686 : vector<70x128xi1>, vector<70x128xf32>
    %broadcast_in_dim3A_700 = vector.broadcast %get3A_52 : f32 to vector<70x128xf32>
    %select_n3A_701 = arith.select %eq3A_697, %broadcast_in_dim3A_700, %broadcast_in_dim3A_688 : vector<70x128xi1>, vector<70x128xf32>
    %broadcast_in_dim3A_702 = vector.broadcast %get3A_57 : f32 to vector<70x128xf32>
    %select_n3A_703 = arith.select %eq3A_697, %broadcast_in_dim3A_702, %broadcast_in_dim3A_690 : vector<70x128xi1>, vector<70x128xf32>
    %broadcast_in_dim3A_704 = vector.broadcast %get3A_62 : f32 to vector<70x128xf32>
    %select_n3A_705 = arith.select %eq3A_697, %broadcast_in_dim3A_704, %broadcast_in_dim3A_692 : vector<70x128xi1>, vector<70x128xf32>
    %add3A_706 = arith.constant 1.000000e+00 : f32
    %add3A_707 = arith.addf %get3A_67, %add3A_706 : f32
    %broadcast_in_dim3A_708 = vector.broadcast %add3A_707 : f32 to vector<70x128xf32>
    %select_n3A_709 = arith.select %eq3A_697, %broadcast_in_dim3A_708, %broadcast_in_dim3A_694 : vector<70x128xi1>, vector<70x128xf32>
    %eq3A_710 = arith.constant 1 : i32
    %eq3A_711 = vector.broadcast %eq3A_710 : i32 to vector<70x128xi32>
    %eq3A_712 = arith.cmpi eq, %select_n3A_673, %eq3A_711 : vector<70x128xi32>
    %broadcast_in_dim3A_713 = vector.broadcast %get3A_110 : f32 to vector<70x128xf32>
    %select_n3A_714 = arith.select %eq3A_712, %broadcast_in_dim3A_713, %select_n3A_699 : vector<70x128xi1>, vector<70x128xf32>
    %broadcast_in_dim3A_715 = vector.broadcast %get3A_115 : f32 to vector<70x128xf32>
    %select_n3A_716 = arith.select %eq3A_712, %broadcast_in_dim3A_715, %select_n3A_701 : vector<70x128xi1>, vector<70x128xf32>
    %broadcast_in_dim3A_717 = vector.broadcast %get3A_120 : f32 to vector<70x128xf32>
    %select_n3A_718 = arith.select %eq3A_712, %broadcast_in_dim3A_717, %select_n3A_703 : vector<70x128xi1>, vector<70x128xf32>
    %broadcast_in_dim3A_719 = vector.broadcast %get3A_125 : f32 to vector<70x128xf32>
    %select_n3A_720 = arith.select %eq3A_712, %broadcast_in_dim3A_719, %select_n3A_705 : vector<70x128xi1>, vector<70x128xf32>
    %add3A_721 = arith.constant 1.000000e+00 : f32
    %add3A_722 = arith.addf %get3A_130, %add3A_721 : f32
    %broadcast_in_dim3A_723 = vector.broadcast %add3A_722 : f32 to vector<70x128xf32>
    %select_n3A_724 = arith.select %eq3A_712, %broadcast_in_dim3A_723, %select_n3A_709 : vector<70x128xi1>, vector<70x128xf32>
    %eq3A_725 = arith.constant 2 : i32
    %eq3A_726 = vector.broadcast %eq3A_725 : i32 to vector<70x128xi32>
    %eq3A_727 = arith.cmpi eq, %select_n3A_673, %eq3A_726 : vector<70x128xi32>
    %broadcast_in_dim3A_728 = vector.broadcast %get3A_182 : f32 to vector<70x128xf32>
    %select_n3A_729 = arith.select %eq3A_727, %broadcast_in_dim3A_728, %select_n3A_714 : vector<70x128xi1>, vector<70x128xf32>
    %broadcast_in_dim3A_730 = vector.broadcast %get3A_187 : f32 to vector<70x128xf32>
    %select_n3A_731 = arith.select %eq3A_727, %broadcast_in_dim3A_730, %select_n3A_716 : vector<70x128xi1>, vector<70x128xf32>
    %broadcast_in_dim3A_732 = vector.broadcast %get3A_192 : f32 to vector<70x128xf32>
    %select_n3A_733 = arith.select %eq3A_727, %broadcast_in_dim3A_732, %select_n3A_718 : vector<70x128xi1>, vector<70x128xf32>
    %broadcast_in_dim3A_734 = vector.broadcast %get3A_197 : f32 to vector<70x128xf32>
    %select_n3A_735 = arith.select %eq3A_727, %broadcast_in_dim3A_734, %select_n3A_720 : vector<70x128xi1>, vector<70x128xf32>
    %add3A_736 = arith.constant 1.000000e+00 : f32
    %add3A_737 = arith.addf %get3A_202, %add3A_736 : f32
    %broadcast_in_dim3A_738 = vector.broadcast %add3A_737 : f32 to vector<70x128xf32>
    %select_n3A_739 = arith.select %eq3A_727, %broadcast_in_dim3A_738, %select_n3A_724 : vector<70x128xi1>, vector<70x128xf32>
    %eq3A_740 = arith.constant 3 : i32
    %eq3A_741 = vector.broadcast %eq3A_740 : i32 to vector<70x128xi32>
    %eq3A_742 = arith.cmpi eq, %select_n3A_673, %eq3A_741 : vector<70x128xi32>
    %broadcast_in_dim3A_743 = vector.broadcast %get3A_254 : f32 to vector<70x128xf32>
    %select_n3A_744 = arith.select %eq3A_742, %broadcast_in_dim3A_743, %select_n3A_729 : vector<70x128xi1>, vector<70x128xf32>
    %broadcast_in_dim3A_745 = vector.broadcast %get3A_259 : f32 to vector<70x128xf32>
    %select_n3A_746 = arith.select %eq3A_742, %broadcast_in_dim3A_745, %select_n3A_731 : vector<70x128xi1>, vector<70x128xf32>
    %broadcast_in_dim3A_747 = vector.broadcast %get3A_264 : f32 to vector<70x128xf32>
    %select_n3A_748 = arith.select %eq3A_742, %broadcast_in_dim3A_747, %select_n3A_733 : vector<70x128xi1>, vector<70x128xf32>
    %broadcast_in_dim3A_749 = vector.broadcast %get3A_269 : f32 to vector<70x128xf32>
    %select_n3A_750 = arith.select %eq3A_742, %broadcast_in_dim3A_749, %select_n3A_735 : vector<70x128xi1>, vector<70x128xf32>
    %add3A_751 = arith.constant 1.000000e+00 : f32
    %add3A_752 = arith.addf %get3A_274, %add3A_751 : f32
    %broadcast_in_dim3A_753 = vector.broadcast %add3A_752 : f32 to vector<70x128xf32>
    %select_n3A_754 = arith.select %eq3A_742, %broadcast_in_dim3A_753, %select_n3A_739 : vector<70x128xi1>, vector<70x128xf32>
    %eq3A_755 = arith.constant 4 : i32
    %eq3A_756 = vector.broadcast %eq3A_755 : i32 to vector<70x128xi32>
    %eq3A_757 = arith.cmpi eq, %select_n3A_673, %eq3A_756 : vector<70x128xi32>
    %broadcast_in_dim3A_758 = vector.broadcast %get3A_326 : f32 to vector<70x128xf32>
    %select_n3A_759 = arith.select %eq3A_757, %broadcast_in_dim3A_758, %select_n3A_744 : vector<70x128xi1>, vector<70x128xf32>
    %broadcast_in_dim3A_760 = vector.broadcast %get3A_331 : f32 to vector<70x128xf32>
    %select_n3A_761 = arith.select %eq3A_757, %broadcast_in_dim3A_760, %select_n3A_746 : vector<70x128xi1>, vector<70x128xf32>
    %broadcast_in_dim3A_762 = vector.broadcast %get3A_336 : f32 to vector<70x128xf32>
    %select_n3A_763 = arith.select %eq3A_757, %broadcast_in_dim3A_762, %select_n3A_748 : vector<70x128xi1>, vector<70x128xf32>
    %broadcast_in_dim3A_764 = vector.broadcast %get3A_341 : f32 to vector<70x128xf32>
    %select_n3A_765 = arith.select %eq3A_757, %broadcast_in_dim3A_764, %select_n3A_750 : vector<70x128xi1>, vector<70x128xf32>
    %add3A_766 = arith.constant 1.000000e+00 : f32
    %add3A_767 = arith.addf %get3A_346, %add3A_766 : f32
    %broadcast_in_dim3A_768 = vector.broadcast %add3A_767 : f32 to vector<70x128xf32>
    %select_n3A_769 = arith.select %eq3A_757, %broadcast_in_dim3A_768, %select_n3A_754 : vector<70x128xi1>, vector<70x128xf32>
    %eq3A_770 = arith.constant 5 : i32
    %eq3A_771 = vector.broadcast %eq3A_770 : i32 to vector<70x128xi32>
    %eq3A_772 = arith.cmpi eq, %select_n3A_673, %eq3A_771 : vector<70x128xi32>
    %broadcast_in_dim3A_773 = vector.broadcast %get3A_398 : f32 to vector<70x128xf32>
    %select_n3A_774 = arith.select %eq3A_772, %broadcast_in_dim3A_773, %select_n3A_759 : vector<70x128xi1>, vector<70x128xf32>
    %broadcast_in_dim3A_775 = vector.broadcast %get3A_403 : f32 to vector<70x128xf32>
    %select_n3A_776 = arith.select %eq3A_772, %broadcast_in_dim3A_775, %select_n3A_761 : vector<70x128xi1>, vector<70x128xf32>
    %broadcast_in_dim3A_777 = vector.broadcast %get3A_408 : f32 to vector<70x128xf32>
    %select_n3A_778 = arith.select %eq3A_772, %broadcast_in_dim3A_777, %select_n3A_763 : vector<70x128xi1>, vector<70x128xf32>
    %broadcast_in_dim3A_779 = vector.broadcast %get3A_413 : f32 to vector<70x128xf32>
    %select_n3A_780 = arith.select %eq3A_772, %broadcast_in_dim3A_779, %select_n3A_765 : vector<70x128xi1>, vector<70x128xf32>
    %add3A_781 = arith.constant 1.000000e+00 : f32
    %add3A_782 = arith.addf %get3A_418, %add3A_781 : f32
    %broadcast_in_dim3A_783 = vector.broadcast %add3A_782 : f32 to vector<70x128xf32>
    %select_n3A_784 = arith.select %eq3A_772, %broadcast_in_dim3A_783, %select_n3A_769 : vector<70x128xi1>, vector<70x128xf32>
    %eq3A_785 = arith.constant 6 : i32
    %eq3A_786 = vector.broadcast %eq3A_785 : i32 to vector<70x128xi32>
    %eq3A_787 = arith.cmpi eq, %select_n3A_673, %eq3A_786 : vector<70x128xi32>
    %broadcast_in_dim3A_788 = vector.broadcast %get3A_470 : f32 to vector<70x128xf32>
    %select_n3A_789 = arith.select %eq3A_787, %broadcast_in_dim3A_788, %select_n3A_774 : vector<70x128xi1>, vector<70x128xf32>
    %broadcast_in_dim3A_790 = vector.broadcast %get3A_475 : f32 to vector<70x128xf32>
    %select_n3A_791 = arith.select %eq3A_787, %broadcast_in_dim3A_790, %select_n3A_776 : vector<70x128xi1>, vector<70x128xf32>
    %broadcast_in_dim3A_792 = vector.broadcast %get3A_480 : f32 to vector<70x128xf32>
    %select_n3A_793 = arith.select %eq3A_787, %broadcast_in_dim3A_792, %select_n3A_778 : vector<70x128xi1>, vector<70x128xf32>
    %broadcast_in_dim3A_794 = vector.broadcast %get3A_485 : f32 to vector<70x128xf32>
    %select_n3A_795 = arith.select %eq3A_787, %broadcast_in_dim3A_794, %select_n3A_780 : vector<70x128xi1>, vector<70x128xf32>
    %add3A_796 = arith.constant 1.000000e+00 : f32
    %add3A_797 = arith.addf %get3A_490, %add3A_796 : f32
    %broadcast_in_dim3A_798 = vector.broadcast %add3A_797 : f32 to vector<70x128xf32>
    %select_n3A_799 = arith.select %eq3A_787, %broadcast_in_dim3A_798, %select_n3A_784 : vector<70x128xi1>, vector<70x128xf32>
    %eq3A_800 = arith.constant 7 : i32
    %eq3A_801 = vector.broadcast %eq3A_800 : i32 to vector<70x128xi32>
    %eq3A_802 = arith.cmpi eq, %select_n3A_673, %eq3A_801 : vector<70x128xi32>
    %broadcast_in_dim3A_803 = vector.broadcast %get3A_542 : f32 to vector<70x128xf32>
    %select_n3A_804 = arith.select %eq3A_802, %broadcast_in_dim3A_803, %select_n3A_789 : vector<70x128xi1>, vector<70x128xf32>
    %broadcast_in_dim3A_805 = vector.broadcast %get3A_547 : f32 to vector<70x128xf32>
    %select_n3A_806 = arith.select %eq3A_802, %broadcast_in_dim3A_805, %select_n3A_791 : vector<70x128xi1>, vector<70x128xf32>
    %broadcast_in_dim3A_807 = vector.broadcast %get3A_552 : f32 to vector<70x128xf32>
    %select_n3A_808 = arith.select %eq3A_802, %broadcast_in_dim3A_807, %select_n3A_793 : vector<70x128xi1>, vector<70x128xf32>
    %broadcast_in_dim3A_809 = vector.broadcast %get3A_557 : f32 to vector<70x128xf32>
    %select_n3A_810 = arith.select %eq3A_802, %broadcast_in_dim3A_809, %select_n3A_795 : vector<70x128xi1>, vector<70x128xf32>
    %add3A_811 = arith.constant 1.000000e+00 : f32
    %add3A_812 = arith.addf %get3A_562, %add3A_811 : f32
    %broadcast_in_dim3A_813 = vector.broadcast %add3A_812 : f32 to vector<70x128xf32>
    %select_n3A_814 = arith.select %eq3A_802, %broadcast_in_dim3A_813, %select_n3A_799 : vector<70x128xi1>, vector<70x128xf32>
    %jit3A_815 = arith.constant 0.000000e+00 : f32
    %broadcast_in_dim3A_816 = vector.broadcast %jit3A_815 : f32 to vector<70x128xf32>
    %select_n3A_817 = arith.select %ge3A_675, %select_n3A_814, %broadcast_in_dim3A_816 : vector<70x128xi1>, vector<70x128xf32>
    %add3A_818 = arith.addf %select_n3A_804, %select_n3A_808 : vector<70x128xf32>
    %mul3A_819 = arith.constant 5.000000e-01 : f32
    %mul3A_820 = vector.broadcast %mul3A_819 : f32 to vector<70x128xf32>
    %mul3A_821 = arith.mulf %add3A_818, %mul3A_820 : vector<70x128xf32>
    %sub3A_822 = arith.subf %mul3A_821, %get3A_3 : vector<70x128xf32>
    %mul3A_823 = arith.constant 1.000000e-01 : f32
    %mul3A_824 = vector.broadcast %mul3A_823 : f32 to vector<70x128xf32>
    %mul3A_825 = arith.mulf %mul3A_824, %get3A_13 : vector<70x128xf32>
    %div3A_826 = arith.divf %sub3A_822, %mul3A_825 : vector<70x128xf32>
    %add3A_827 = arith.addf %select_n3A_806, %select_n3A_810 : vector<70x128xf32>
    %mul3A_828 = arith.constant 5.000000e-01 : f32
    %mul3A_829 = vector.broadcast %mul3A_828 : f32 to vector<70x128xf32>
    %mul3A_830 = arith.mulf %add3A_827, %mul3A_829 : vector<70x128xf32>
    %sub3A_831 = arith.subf %mul3A_830, %get3A_8 : vector<70x128xf32>
    %mul3A_832 = arith.constant 1.000000e-01 : f32
    %mul3A_833 = vector.broadcast %mul3A_832 : f32 to vector<70x128xf32>
    %mul3A_834 = arith.mulf %mul3A_833, %get3A_18 : vector<70x128xf32>
    %div3A_835 = arith.divf %sub3A_831, %mul3A_834 : vector<70x128xf32>
    %sub3A_836 = arith.subf %select_n3A_808, %select_n3A_804 : vector<70x128xf32>
    %div3A_837 = arith.divf %sub3A_836, %get3A_13 : vector<70x128xf32>
    %log3A = math.log %div3A_837 : vector<70x128xf32>
    %div3A_838 = arith.constant 2.000000e-01 : f32
    %div3A_839 = vector.broadcast %div3A_838 : f32 to vector<70x128xf32>
    %div3A_840 = arith.divf %log3A, %div3A_839 : vector<70x128xf32>
    %sub3A_841 = arith.subf %select_n3A_810, %select_n3A_806 : vector<70x128xf32>
    %div3A_842 = arith.divf %sub3A_841, %get3A_18 : vector<70x128xf32>
    %log3A_843 = math.log %div3A_842 : vector<70x128xf32>
    %div3A_844 = arith.constant 2.000000e-01 : f32
    %div3A_845 = vector.broadcast %div3A_844 : f32 to vector<70x128xf32>
    %div3A_846 = arith.divf %log3A_843, %div3A_845 : vector<70x128xf32>
    %get3A_847 = arith.constant 0 : index
    %get3A_848 = arith.constant 0 : index
    %get3A_849 = arith.constant 0 : index
    %get3A_850 = arith.constant 0 : index
    %get3A_851 = arith.constant 0 : index
    %get3A_852 = vector.load %arg3[%get3A_847, %get3A_848, %get3A_849, %get3A_850, %get3A_851] : memref<1x2x4x70x128xf32, #tpu.memory_space<vmem>>, vector<1x1x1x70x128xf32>
    %get3A_853 = vector.shape_cast %get3A_852 : vector<1x1x1x70x128xf32> to vector<70x128xf32>
    %sub3A_854 = arith.subf %get3A_853, %div3A_826 : vector<70x128xf32>
    %abs3A = math.absf %sub3A_854 : vector<70x128xf32>
    %lt3A_855 = arith.constant 1.000000e+00 : f32
    %lt3A_856 = vector.broadcast %lt3A_855 : f32 to vector<70x128xf32>
    %lt3A_857 = arith.cmpf olt, %abs3A, %lt3A_856 : vector<70x128xf32>
    %mul3A_858 = arith.constant 5.000000e-01 : f32
    %mul3A_859 = vector.broadcast %mul3A_858 : f32 to vector<70x128xf32>
    %mul3A_860 = arith.mulf %mul3A_859, %sub3A_854 : vector<70x128xf32>
    %mul3A_861 = arith.mulf %mul3A_860, %sub3A_854 : vector<70x128xf32>
    %sub3A_862 = arith.constant 5.000000e-01 : f32
    %sub3A_863 = vector.broadcast %sub3A_862 : f32 to vector<70x128xf32>
    %sub3A_864 = arith.subf %abs3A, %sub3A_863 : vector<70x128xf32>
    %select_n3A_865 = arith.select %lt3A_857, %mul3A_861, %sub3A_864 : vector<70x128xi1>, vector<70x128xf32>
    %jit3A_866 = arith.constant 0.000000e+00 : f32
    %broadcast_in_dim3A_867 = vector.broadcast %jit3A_866 : f32 to vector<70x128xf32>
    %select_n3A_868 = arith.select %ge3A_675, %select_n3A_865, %broadcast_in_dim3A_867 : vector<70x128xi1>, vector<70x128xf32>
    %reduce_sum3A_869 = vector.shape_cast %select_n3A_868 : vector<70x128xf32> to vector<1x70x128xf32>
    %reduce_sum3A_870 = arith.constant dense<0.000000e+00> : vector<1xf32>
    %reduce_sum3A_871 = vector.multi_reduction <add>, %reduce_sum3A_869, %reduce_sum3A_870 [1, 2] : vector<1x70x128xf32> to vector<1xf32>
    %reduce_sum3A_872 = vector.shape_cast %reduce_sum3A_871 : vector<1xf32> to vector<1x1x1xf32>
    %reduce_sum3A_873 = vector.extract %reduce_sum3A_872[0, 0, 0] : f32 from vector<1x1x1xf32>
    %add3A_874 = arith.constant 0.000000e+00 : f32
    %add3A_875 = arith.addf %add3A_874, %reduce_sum3A_873 : f32
    %get3A_876 = arith.constant 0 : index
    %get3A_877 = arith.constant 0 : index
    %get3A_878 = arith.constant 1 : index
    %get3A_879 = arith.constant 0 : index
    %get3A_880 = arith.constant 0 : index
    %get3A_881 = vector.load %arg3[%get3A_876, %get3A_877, %get3A_878, %get3A_879, %get3A_880] : memref<1x2x4x70x128xf32, #tpu.memory_space<vmem>>, vector<1x1x1x70x128xf32>
    %get3A_882 = vector.shape_cast %get3A_881 : vector<1x1x1x70x128xf32> to vector<70x128xf32>
    %sub3A_883 = arith.subf %get3A_882, %div3A_835 : vector<70x128xf32>
    %abs3A_884 = math.absf %sub3A_883 : vector<70x128xf32>
    %lt3A_885 = arith.constant 1.000000e+00 : f32
    %lt3A_886 = vector.broadcast %lt3A_885 : f32 to vector<70x128xf32>
    %lt3A_887 = arith.cmpf olt, %abs3A_884, %lt3A_886 : vector<70x128xf32>
    %mul3A_888 = arith.constant 5.000000e-01 : f32
    %mul3A_889 = vector.broadcast %mul3A_888 : f32 to vector<70x128xf32>
    %mul3A_890 = arith.mulf %mul3A_889, %sub3A_883 : vector<70x128xf32>
    %mul3A_891 = arith.mulf %mul3A_890, %sub3A_883 : vector<70x128xf32>
    %sub3A_892 = arith.constant 5.000000e-01 : f32
    %sub3A_893 = vector.broadcast %sub3A_892 : f32 to vector<70x128xf32>
    %sub3A_894 = arith.subf %abs3A_884, %sub3A_893 : vector<70x128xf32>
    %select_n3A_895 = arith.select %lt3A_887, %mul3A_891, %sub3A_894 : vector<70x128xi1>, vector<70x128xf32>
    %jit3A_896 = arith.constant 0.000000e+00 : f32
    %broadcast_in_dim3A_897 = vector.broadcast %jit3A_896 : f32 to vector<70x128xf32>
    %select_n3A_898 = arith.select %ge3A_675, %select_n3A_895, %broadcast_in_dim3A_897 : vector<70x128xi1>, vector<70x128xf32>
    %reduce_sum3A_899 = vector.shape_cast %select_n3A_898 : vector<70x128xf32> to vector<1x70x128xf32>
    %reduce_sum3A_900 = arith.constant dense<0.000000e+00> : vector<1xf32>
    %reduce_sum3A_901 = vector.multi_reduction <add>, %reduce_sum3A_899, %reduce_sum3A_900 [1, 2] : vector<1x70x128xf32> to vector<1xf32>
    %reduce_sum3A_902 = vector.shape_cast %reduce_sum3A_901 : vector<1xf32> to vector<1x1x1xf32>
    %reduce_sum3A_903 = vector.extract %reduce_sum3A_902[0, 0, 0] : f32 from vector<1x1x1xf32>
    %add3A_904 = arith.addf %add3A_875, %reduce_sum3A_903 : f32
    %get3A_905 = arith.constant 0 : index
    %get3A_906 = arith.constant 0 : index
    %get3A_907 = arith.constant 2 : index
    %get3A_908 = arith.constant 0 : index
    %get3A_909 = arith.constant 0 : index
    %get3A_910 = vector.load %arg3[%get3A_905, %get3A_906, %get3A_907, %get3A_908, %get3A_909] : memref<1x2x4x70x128xf32, #tpu.memory_space<vmem>>, vector<1x1x1x70x128xf32>
    %get3A_911 = vector.shape_cast %get3A_910 : vector<1x1x1x70x128xf32> to vector<70x128xf32>
    %sub3A_912 = arith.subf %get3A_911, %div3A_840 : vector<70x128xf32>
    %abs3A_913 = math.absf %sub3A_912 : vector<70x128xf32>
    %lt3A_914 = arith.constant 1.000000e+00 : f32
    %lt3A_915 = vector.broadcast %lt3A_914 : f32 to vector<70x128xf32>
    %lt3A_916 = arith.cmpf olt, %abs3A_913, %lt3A_915 : vector<70x128xf32>
    %mul3A_917 = arith.constant 5.000000e-01 : f32
    %mul3A_918 = vector.broadcast %mul3A_917 : f32 to vector<70x128xf32>
    %mul3A_919 = arith.mulf %mul3A_918, %sub3A_912 : vector<70x128xf32>
    %mul3A_920 = arith.mulf %mul3A_919, %sub3A_912 : vector<70x128xf32>
    %sub3A_921 = arith.constant 5.000000e-01 : f32
    %sub3A_922 = vector.broadcast %sub3A_921 : f32 to vector<70x128xf32>
    %sub3A_923 = arith.subf %abs3A_913, %sub3A_922 : vector<70x128xf32>
    %select_n3A_924 = arith.select %lt3A_916, %mul3A_920, %sub3A_923 : vector<70x128xi1>, vector<70x128xf32>
    %jit3A_925 = arith.constant 0.000000e+00 : f32
    %broadcast_in_dim3A_926 = vector.broadcast %jit3A_925 : f32 to vector<70x128xf32>
    %select_n3A_927 = arith.select %ge3A_675, %select_n3A_924, %broadcast_in_dim3A_926 : vector<70x128xi1>, vector<70x128xf32>
    %reduce_sum3A_928 = vector.shape_cast %select_n3A_927 : vector<70x128xf32> to vector<1x70x128xf32>
    %reduce_sum3A_929 = arith.constant dense<0.000000e+00> : vector<1xf32>
    %reduce_sum3A_930 = vector.multi_reduction <add>, %reduce_sum3A_928, %reduce_sum3A_929 [1, 2] : vector<1x70x128xf32> to vector<1xf32>
    %reduce_sum3A_931 = vector.shape_cast %reduce_sum3A_930 : vector<1xf32> to vector<1x1x1xf32>
    %reduce_sum3A_932 = vector.extract %reduce_sum3A_931[0, 0, 0] : f32 from vector<1x1x1xf32>
    %add3A_933 = arith.addf %add3A_904, %reduce_sum3A_932 : f32
    %get3A_934 = arith.constant 0 : index
    %get3A_935 = arith.constant 0 : index
    %get3A_936 = arith.constant 3 : index
    %get3A_937 = arith.constant 0 : index
    %get3A_938 = arith.constant 0 : index
    %get3A_939 = vector.load %arg3[%get3A_934, %get3A_935, %get3A_936, %get3A_937, %get3A_938] : memref<1x2x4x70x128xf32, #tpu.memory_space<vmem>>, vector<1x1x1x70x128xf32>
    %get3A_940 = vector.shape_cast %get3A_939 : vector<1x1x1x70x128xf32> to vector<70x128xf32>
    %sub3A_941 = arith.subf %get3A_940, %div3A_846 : vector<70x128xf32>
    %abs3A_942 = math.absf %sub3A_941 : vector<70x128xf32>
    %lt3A_943 = arith.constant 1.000000e+00 : f32
    %lt3A_944 = vector.broadcast %lt3A_943 : f32 to vector<70x128xf32>
    %lt3A_945 = arith.cmpf olt, %abs3A_942, %lt3A_944 : vector<70x128xf32>
    %mul3A_946 = arith.constant 5.000000e-01 : f32
    %mul3A_947 = vector.broadcast %mul3A_946 : f32 to vector<70x128xf32>
    %mul3A_948 = arith.mulf %mul3A_947, %sub3A_941 : vector<70x128xf32>
    %mul3A_949 = arith.mulf %mul3A_948, %sub3A_941 : vector<70x128xf32>
    %sub3A_950 = arith.constant 5.000000e-01 : f32
    %sub3A_951 = vector.broadcast %sub3A_950 : f32 to vector<70x128xf32>
    %sub3A_952 = arith.subf %abs3A_942, %sub3A_951 : vector<70x128xf32>
    %select_n3A_953 = arith.select %lt3A_945, %mul3A_949, %sub3A_952 : vector<70x128xi1>, vector<70x128xf32>
    %jit3A_954 = arith.constant 0.000000e+00 : f32
    %broadcast_in_dim3A_955 = vector.broadcast %jit3A_954 : f32 to vector<70x128xf32>
    %select_n3A_956 = arith.select %ge3A_675, %select_n3A_953, %broadcast_in_dim3A_955 : vector<70x128xi1>, vector<70x128xf32>
    %reduce_sum3A_957 = vector.shape_cast %select_n3A_956 : vector<70x128xf32> to vector<1x70x128xf32>
    %reduce_sum3A_958 = arith.constant dense<0.000000e+00> : vector<1xf32>
    %reduce_sum3A_959 = vector.multi_reduction <add>, %reduce_sum3A_957, %reduce_sum3A_958 [1, 2] : vector<1x70x128xf32> to vector<1xf32>
    %reduce_sum3A_960 = vector.shape_cast %reduce_sum3A_959 : vector<1xf32> to vector<1x1x1xf32>
    %reduce_sum3A_961 = vector.extract %reduce_sum3A_960[0, 0, 0] : f32 from vector<1x1x1xf32>
    %add3A_962 = arith.addf %add3A_933, %reduce_sum3A_961 : f32
    %broadcast_in_dim3A_963 = arith.constant -3.000000e+38 : f32
    %broadcast_in_dim3A_964 = vector.broadcast %broadcast_in_dim3A_963 : f32 to vector<70x128xf32>
    %get3A_965 = arith.constant 0 : index
    %get3A_966 = arith.constant 0 : index
    %get3A_967 = arith.constant 0 : index
    %get3A_968 = arith.constant 0 : index
    %get3A_969 = arith.constant 0 : index
    %get3A_970 = vector.load %arg2[%get3A_965, %get3A_966, %get3A_967, %get3A_968, %get3A_969] : memref<1x2x21x70x128xf32, #tpu.memory_space<vmem>>, vector<1x1x1x70x128xf32>
    %get3A_971 = vector.shape_cast %get3A_970 : vector<1x1x1x70x128xf32> to vector<70x128xf32>
    %max3A_972 = arith.maximumf %broadcast_in_dim3A_964, %get3A_971 : vector<70x128xf32>
    %get3A_973 = arith.constant 0 : index
    %get3A_974 = arith.constant 0 : index
    %get3A_975 = arith.constant 1 : index
    %get3A_976 = arith.constant 0 : index
    %get3A_977 = arith.constant 0 : index
    %get3A_978 = vector.load %arg2[%get3A_973, %get3A_974, %get3A_975, %get3A_976, %get3A_977] : memref<1x2x21x70x128xf32, #tpu.memory_space<vmem>>, vector<1x1x1x70x128xf32>
    %get3A_979 = vector.shape_cast %get3A_978 : vector<1x1x1x70x128xf32> to vector<70x128xf32>
    %max3A_980 = arith.maximumf %max3A_972, %get3A_979 : vector<70x128xf32>
    %get3A_981 = arith.constant 0 : index
    %get3A_982 = arith.constant 0 : index
    %get3A_983 = arith.constant 2 : index
    %get3A_984 = arith.constant 0 : index
    %get3A_985 = arith.constant 0 : index
    %get3A_986 = vector.load %arg2[%get3A_981, %get3A_982, %get3A_983, %get3A_984, %get3A_985] : memref<1x2x21x70x128xf32, #tpu.memory_space<vmem>>, vector<1x1x1x70x128xf32>
    %get3A_987 = vector.shape_cast %get3A_986 : vector<1x1x1x70x128xf32> to vector<70x128xf32>
    %max3A_988 = arith.maximumf %max3A_980, %get3A_987 : vector<70x128xf32>
    %get3A_989 = arith.constant 0 : index
    %get3A_990 = arith.constant 0 : index
    %get3A_991 = arith.constant 3 : index
    %get3A_992 = arith.constant 0 : index
    %get3A_993 = arith.constant 0 : index
    %get3A_994 = vector.load %arg2[%get3A_989, %get3A_990, %get3A_991, %get3A_992, %get3A_993] : memref<1x2x21x70x128xf32, #tpu.memory_space<vmem>>, vector<1x1x1x70x128xf32>
    %get3A_995 = vector.shape_cast %get3A_994 : vector<1x1x1x70x128xf32> to vector<70x128xf32>
    %max3A_996 = arith.maximumf %max3A_988, %get3A_995 : vector<70x128xf32>
    %get3A_997 = arith.constant 0 : index
    %get3A_998 = arith.constant 0 : index
    %get3A_999 = arith.constant 4 : index
    %get3A_1000 = arith.constant 0 : index
    %get3A_1001 = arith.constant 0 : index
    %get3A_1002 = vector.load %arg2[%get3A_997, %get3A_998, %get3A_999, %get3A_1000, %get3A_1001] : memref<1x2x21x70x128xf32, #tpu.memory_space<vmem>>, vector<1x1x1x70x128xf32>
    %get3A_1003 = vector.shape_cast %get3A_1002 : vector<1x1x1x70x128xf32> to vector<70x128xf32>
    %max3A_1004 = arith.maximumf %max3A_996, %get3A_1003 : vector<70x128xf32>
    %get3A_1005 = arith.constant 0 : index
    %get3A_1006 = arith.constant 0 : index
    %get3A_1007 = arith.constant 5 : index
    %get3A_1008 = arith.constant 0 : index
    %get3A_1009 = arith.constant 0 : index
    %get3A_1010 = vector.load %arg2[%get3A_1005, %get3A_1006, %get3A_1007, %get3A_1008, %get3A_1009] : memref<1x2x21x70x128xf32, #tpu.memory_space<vmem>>, vector<1x1x1x70x128xf32>
    %get3A_1011 = vector.shape_cast %get3A_1010 : vector<1x1x1x70x128xf32> to vector<70x128xf32>
    %max3A_1012 = arith.maximumf %max3A_1004, %get3A_1011 : vector<70x128xf32>
    %get3A_1013 = arith.constant 0 : index
    %get3A_1014 = arith.constant 0 : index
    %get3A_1015 = arith.constant 6 : index
    %get3A_1016 = arith.constant 0 : index
    %get3A_1017 = arith.constant 0 : index
    %get3A_1018 = vector.load %arg2[%get3A_1013, %get3A_1014, %get3A_1015, %get3A_1016, %get3A_1017] : memref<1x2x21x70x128xf32, #tpu.memory_space<vmem>>, vector<1x1x1x70x128xf32>
    %get3A_1019 = vector.shape_cast %get3A_1018 : vector<1x1x1x70x128xf32> to vector<70x128xf32>
    %max3A_1020 = arith.maximumf %max3A_1012, %get3A_1019 : vector<70x128xf32>
    %get3A_1021 = arith.constant 0 : index
    %get3A_1022 = arith.constant 0 : index
    %get3A_1023 = arith.constant 7 : index
    %get3A_1024 = arith.constant 0 : index
    %get3A_1025 = arith.constant 0 : index
    %get3A_1026 = vector.load %arg2[%get3A_1021, %get3A_1022, %get3A_1023, %get3A_1024, %get3A_1025] : memref<1x2x21x70x128xf32, #tpu.memory_space<vmem>>, vector<1x1x1x70x128xf32>
    %get3A_1027 = vector.shape_cast %get3A_1026 : vector<1x1x1x70x128xf32> to vector<70x128xf32>
    %max3A_1028 = arith.maximumf %max3A_1020, %get3A_1027 : vector<70x128xf32>
    %get3A_1029 = arith.constant 0 : index
    %get3A_1030 = arith.constant 0 : index
    %get3A_1031 = arith.constant 8 : index
    %get3A_1032 = arith.constant 0 : index
    %get3A_1033 = arith.constant 0 : index
    %get3A_1034 = vector.load %arg2[%get3A_1029, %get3A_1030, %get3A_1031, %get3A_1032, %get3A_1033] : memref<1x2x21x70x128xf32, #tpu.memory_space<vmem>>, vector<1x1x1x70x128xf32>
    %get3A_1035 = vector.shape_cast %get3A_1034 : vector<1x1x1x70x128xf32> to vector<70x128xf32>
    %max3A_1036 = arith.maximumf %max3A_1028, %get3A_1035 : vector<70x128xf32>
    %get3A_1037 = arith.constant 0 : index
    %get3A_1038 = arith.constant 0 : index
    %get3A_1039 = arith.constant 9 : index
    %get3A_1040 = arith.constant 0 : index
    %get3A_1041 = arith.constant 0 : index
    %get3A_1042 = vector.load %arg2[%get3A_1037, %get3A_1038, %get3A_1039, %get3A_1040, %get3A_1041] : memref<1x2x21x70x128xf32, #tpu.memory_space<vmem>>, vector<1x1x1x70x128xf32>
    %get3A_1043 = vector.shape_cast %get3A_1042 : vector<1x1x1x70x128xf32> to vector<70x128xf32>
    %max3A_1044 = arith.maximumf %max3A_1036, %get3A_1043 : vector<70x128xf32>
    %get3A_1045 = arith.constant 0 : index
    %get3A_1046 = arith.constant 0 : index
    %get3A_1047 = arith.constant 10 : index
    %get3A_1048 = arith.constant 0 : index
    %get3A_1049 = arith.constant 0 : index
    %get3A_1050 = vector.load %arg2[%get3A_1045, %get3A_1046, %get3A_1047, %get3A_1048, %get3A_1049] : memref<1x2x21x70x128xf32, #tpu.memory_space<vmem>>, vector<1x1x1x70x128xf32>
    %get3A_1051 = vector.shape_cast %get3A_1050 : vector<1x1x1x70x128xf32> to vector<70x128xf32>
    %max3A_1052 = arith.maximumf %max3A_1044, %get3A_1051 : vector<70x128xf32>
    %get3A_1053 = arith.constant 0 : index
    %get3A_1054 = arith.constant 0 : index
    %get3A_1055 = arith.constant 11 : index
    %get3A_1056 = arith.constant 0 : index
    %get3A_1057 = arith.constant 0 : index
    %get3A_1058 = vector.load %arg2[%get3A_1053, %get3A_1054, %get3A_1055, %get3A_1056, %get3A_1057] : memref<1x2x21x70x128xf32, #tpu.memory_space<vmem>>, vector<1x1x1x70x128xf32>
    %get3A_1059 = vector.shape_cast %get3A_1058 : vector<1x1x1x70x128xf32> to vector<70x128xf32>
    %max3A_1060 = arith.maximumf %max3A_1052, %get3A_1059 : vector<70x128xf32>
    %get3A_1061 = arith.constant 0 : index
    %get3A_1062 = arith.constant 0 : index
    %get3A_1063 = arith.constant 12 : index
    %get3A_1064 = arith.constant 0 : index
    %get3A_1065 = arith.constant 0 : index
    %get3A_1066 = vector.load %arg2[%get3A_1061, %get3A_1062, %get3A_1063, %get3A_1064, %get3A_1065] : memref<1x2x21x70x128xf32, #tpu.memory_space<vmem>>, vector<1x1x1x70x128xf32>
    %get3A_1067 = vector.shape_cast %get3A_1066 : vector<1x1x1x70x128xf32> to vector<70x128xf32>
    %max3A_1068 = arith.maximumf %max3A_1060, %get3A_1067 : vector<70x128xf32>
    %get3A_1069 = arith.constant 0 : index
    %get3A_1070 = arith.constant 0 : index
    %get3A_1071 = arith.constant 13 : index
    %get3A_1072 = arith.constant 0 : index
    %get3A_1073 = arith.constant 0 : index
    %get3A_1074 = vector.load %arg2[%get3A_1069, %get3A_1070, %get3A_1071, %get3A_1072, %get3A_1073] : memref<1x2x21x70x128xf32, #tpu.memory_space<vmem>>, vector<1x1x1x70x128xf32>
    %get3A_1075 = vector.shape_cast %get3A_1074 : vector<1x1x1x70x128xf32> to vector<70x128xf32>
    %max3A_1076 = arith.maximumf %max3A_1068, %get3A_1075 : vector<70x128xf32>
    %get3A_1077 = arith.constant 0 : index
    %get3A_1078 = arith.constant 0 : index
    %get3A_1079 = arith.constant 14 : index
    %get3A_1080 = arith.constant 0 : index
    %get3A_1081 = arith.constant 0 : index
    %get3A_1082 = vector.load %arg2[%get3A_1077, %get3A_1078, %get3A_1079, %get3A_1080, %get3A_1081] : memref<1x2x21x70x128xf32, #tpu.memory_space<vmem>>, vector<1x1x1x70x128xf32>
    %get3A_1083 = vector.shape_cast %get3A_1082 : vector<1x1x1x70x128xf32> to vector<70x128xf32>
    %max3A_1084 = arith.maximumf %max3A_1076, %get3A_1083 : vector<70x128xf32>
    %get3A_1085 = arith.constant 0 : index
    %get3A_1086 = arith.constant 0 : index
    %get3A_1087 = arith.constant 15 : index
    %get3A_1088 = arith.constant 0 : index
    %get3A_1089 = arith.constant 0 : index
    %get3A_1090 = vector.load %arg2[%get3A_1085, %get3A_1086, %get3A_1087, %get3A_1088, %get3A_1089] : memref<1x2x21x70x128xf32, #tpu.memory_space<vmem>>, vector<1x1x1x70x128xf32>
    %get3A_1091 = vector.shape_cast %get3A_1090 : vector<1x1x1x70x128xf32> to vector<70x128xf32>
    %max3A_1092 = arith.maximumf %max3A_1084, %get3A_1091 : vector<70x128xf32>
    %get3A_1093 = arith.constant 0 : index
    %get3A_1094 = arith.constant 0 : index
    %get3A_1095 = arith.constant 16 : index
    %get3A_1096 = arith.constant 0 : index
    %get3A_1097 = arith.constant 0 : index
    %get3A_1098 = vector.load %arg2[%get3A_1093, %get3A_1094, %get3A_1095, %get3A_1096, %get3A_1097] : memref<1x2x21x70x128xf32, #tpu.memory_space<vmem>>, vector<1x1x1x70x128xf32>
    %get3A_1099 = vector.shape_cast %get3A_1098 : vector<1x1x1x70x128xf32> to vector<70x128xf32>
    %max3A_1100 = arith.maximumf %max3A_1092, %get3A_1099 : vector<70x128xf32>
    %get3A_1101 = arith.constant 0 : index
    %get3A_1102 = arith.constant 0 : index
    %get3A_1103 = arith.constant 17 : index
    %get3A_1104 = arith.constant 0 : index
    %get3A_1105 = arith.constant 0 : index
    %get3A_1106 = vector.load %arg2[%get3A_1101, %get3A_1102, %get3A_1103, %get3A_1104, %get3A_1105] : memref<1x2x21x70x128xf32, #tpu.memory_space<vmem>>, vector<1x1x1x70x128xf32>
    %get3A_1107 = vector.shape_cast %get3A_1106 : vector<1x1x1x70x128xf32> to vector<70x128xf32>
    %max3A_1108 = arith.maximumf %max3A_1100, %get3A_1107 : vector<70x128xf32>
    %get3A_1109 = arith.constant 0 : index
    %get3A_1110 = arith.constant 0 : index
    %get3A_1111 = arith.constant 18 : index
    %get3A_1112 = arith.constant 0 : index
    %get3A_1113 = arith.constant 0 : index
    %get3A_1114 = vector.load %arg2[%get3A_1109, %get3A_1110, %get3A_1111, %get3A_1112, %get3A_1113] : memref<1x2x21x70x128xf32, #tpu.memory_space<vmem>>, vector<1x1x1x70x128xf32>
    %get3A_1115 = vector.shape_cast %get3A_1114 : vector<1x1x1x70x128xf32> to vector<70x128xf32>
    %max3A_1116 = arith.maximumf %max3A_1108, %get3A_1115 : vector<70x128xf32>
    %get3A_1117 = arith.constant 0 : index
    %get3A_1118 = arith.constant 0 : index
    %get3A_1119 = arith.constant 19 : index
    %get3A_1120 = arith.constant 0 : index
    %get3A_1121 = arith.constant 0 : index
    %get3A_1122 = vector.load %arg2[%get3A_1117, %get3A_1118, %get3A_1119, %get3A_1120, %get3A_1121] : memref<1x2x21x70x128xf32, #tpu.memory_space<vmem>>, vector<1x1x1x70x128xf32>
    %get3A_1123 = vector.shape_cast %get3A_1122 : vector<1x1x1x70x128xf32> to vector<70x128xf32>
    %max3A_1124 = arith.maximumf %max3A_1116, %get3A_1123 : vector<70x128xf32>
    %get3A_1125 = arith.constant 0 : index
    %get3A_1126 = arith.constant 0 : index
    %get3A_1127 = arith.constant 20 : index
    %get3A_1128 = arith.constant 0 : index
    %get3A_1129 = arith.constant 0 : index
    %get3A_1130 = vector.load %arg2[%get3A_1125, %get3A_1126, %get3A_1127, %get3A_1128, %get3A_1129] : memref<1x2x21x70x128xf32, #tpu.memory_space<vmem>>, vector<1x1x1x70x128xf32>
    %get3A_1131 = vector.shape_cast %get3A_1130 : vector<1x1x1x70x128xf32> to vector<70x128xf32>
    %max3A_1132 = arith.maximumf %max3A_1124, %get3A_1131 : vector<70x128xf32>
    %broadcast_in_dim3A_1133 = arith.constant 0.000000e+00 : f32
    %broadcast_in_dim3A_1134 = vector.broadcast %broadcast_in_dim3A_1133 : f32 to vector<70x128xf32>
    %broadcast_in_dim3A_1135 = arith.constant 0.000000e+00 : f32
    %broadcast_in_dim3A_1136 = vector.broadcast %broadcast_in_dim3A_1135 : f32 to vector<70x128xf32>
    %get3A_1137 = arith.constant 0 : index
    %get3A_1138 = arith.constant 0 : index
    %get3A_1139 = arith.constant 0 : index
    %get3A_1140 = arith.constant 0 : index
    %get3A_1141 = arith.constant 0 : index
    %get3A_1142 = vector.load %arg2[%get3A_1137, %get3A_1138, %get3A_1139, %get3A_1140, %get3A_1141] : memref<1x2x21x70x128xf32, #tpu.memory_space<vmem>>, vector<1x1x1x70x128xf32>
    %get3A_1143 = vector.shape_cast %get3A_1142 : vector<1x1x1x70x128xf32> to vector<70x128xf32>
    %sub3A_1144 = arith.subf %get3A_1143, %max3A_1132 : vector<70x128xf32>
    %exp3A = math.exp %sub3A_1144 : vector<70x128xf32>
    %add3A_1145 = arith.addf %broadcast_in_dim3A_1134, %exp3A : vector<70x128xf32>
    %eq3A_1146 = arith.constant 0.000000e+00 : f32
    %eq3A_1147 = vector.broadcast %eq3A_1146 : f32 to vector<70x128xf32>
    %eq3A_1148 = arith.cmpf oeq, %select_n3A_817, %eq3A_1147 : vector<70x128xf32>
    %select_n3A_1149 = arith.select %eq3A_1148, %get3A_1143, %broadcast_in_dim3A_1136 : vector<70x128xi1>, vector<70x128xf32>
    %get3A_1150 = arith.constant 0 : index
    %get3A_1151 = arith.constant 0 : index
    %get3A_1152 = arith.constant 1 : index
    %get3A_1153 = arith.constant 0 : index
    %get3A_1154 = arith.constant 0 : index
    %get3A_1155 = vector.load %arg2[%get3A_1150, %get3A_1151, %get3A_1152, %get3A_1153, %get3A_1154] : memref<1x2x21x70x128xf32, #tpu.memory_space<vmem>>, vector<1x1x1x70x128xf32>
    %get3A_1156 = vector.shape_cast %get3A_1155 : vector<1x1x1x70x128xf32> to vector<70x128xf32>
    %sub3A_1157 = arith.subf %get3A_1156, %max3A_1132 : vector<70x128xf32>
    %exp3A_1158 = math.exp %sub3A_1157 : vector<70x128xf32>
    %add3A_1159 = arith.addf %add3A_1145, %exp3A_1158 : vector<70x128xf32>
    %eq3A_1160 = arith.constant 1.000000e+00 : f32
    %eq3A_1161 = vector.broadcast %eq3A_1160 : f32 to vector<70x128xf32>
    %eq3A_1162 = arith.cmpf oeq, %select_n3A_817, %eq3A_1161 : vector<70x128xf32>
    %select_n3A_1163 = arith.select %eq3A_1162, %get3A_1156, %select_n3A_1149 : vector<70x128xi1>, vector<70x128xf32>
    %get3A_1164 = arith.constant 0 : index
    %get3A_1165 = arith.constant 0 : index
    %get3A_1166 = arith.constant 2 : index
    %get3A_1167 = arith.constant 0 : index
    %get3A_1168 = arith.constant 0 : index
    %get3A_1169 = vector.load %arg2[%get3A_1164, %get3A_1165, %get3A_1166, %get3A_1167, %get3A_1168] : memref<1x2x21x70x128xf32, #tpu.memory_space<vmem>>, vector<1x1x1x70x128xf32>
    %get3A_1170 = vector.shape_cast %get3A_1169 : vector<1x1x1x70x128xf32> to vector<70x128xf32>
    %sub3A_1171 = arith.subf %get3A_1170, %max3A_1132 : vector<70x128xf32>
    %exp3A_1172 = math.exp %sub3A_1171 : vector<70x128xf32>
    %add3A_1173 = arith.addf %add3A_1159, %exp3A_1172 : vector<70x128xf32>
    %eq3A_1174 = arith.constant 2.000000e+00 : f32
    %eq3A_1175 = vector.broadcast %eq3A_1174 : f32 to vector<70x128xf32>
    %eq3A_1176 = arith.cmpf oeq, %select_n3A_817, %eq3A_1175 : vector<70x128xf32>
    %select_n3A_1177 = arith.select %eq3A_1176, %get3A_1170, %select_n3A_1163 : vector<70x128xi1>, vector<70x128xf32>
    %get3A_1178 = arith.constant 0 : index
    %get3A_1179 = arith.constant 0 : index
    %get3A_1180 = arith.constant 3 : index
    %get3A_1181 = arith.constant 0 : index
    %get3A_1182 = arith.constant 0 : index
    %get3A_1183 = vector.load %arg2[%get3A_1178, %get3A_1179, %get3A_1180, %get3A_1181, %get3A_1182] : memref<1x2x21x70x128xf32, #tpu.memory_space<vmem>>, vector<1x1x1x70x128xf32>
    %get3A_1184 = vector.shape_cast %get3A_1183 : vector<1x1x1x70x128xf32> to vector<70x128xf32>
    %sub3A_1185 = arith.subf %get3A_1184, %max3A_1132 : vector<70x128xf32>
    %exp3A_1186 = math.exp %sub3A_1185 : vector<70x128xf32>
    %add3A_1187 = arith.addf %add3A_1173, %exp3A_1186 : vector<70x128xf32>
    %eq3A_1188 = arith.constant 3.000000e+00 : f32
    %eq3A_1189 = vector.broadcast %eq3A_1188 : f32 to vector<70x128xf32>
    %eq3A_1190 = arith.cmpf oeq, %select_n3A_817, %eq3A_1189 : vector<70x128xf32>
    %select_n3A_1191 = arith.select %eq3A_1190, %get3A_1184, %select_n3A_1177 : vector<70x128xi1>, vector<70x128xf32>
    %get3A_1192 = arith.constant 0 : index
    %get3A_1193 = arith.constant 0 : index
    %get3A_1194 = arith.constant 4 : index
    %get3A_1195 = arith.constant 0 : index
    %get3A_1196 = arith.constant 0 : index
    %get3A_1197 = vector.load %arg2[%get3A_1192, %get3A_1193, %get3A_1194, %get3A_1195, %get3A_1196] : memref<1x2x21x70x128xf32, #tpu.memory_space<vmem>>, vector<1x1x1x70x128xf32>
    %get3A_1198 = vector.shape_cast %get3A_1197 : vector<1x1x1x70x128xf32> to vector<70x128xf32>
    %sub3A_1199 = arith.subf %get3A_1198, %max3A_1132 : vector<70x128xf32>
    %exp3A_1200 = math.exp %sub3A_1199 : vector<70x128xf32>
    %add3A_1201 = arith.addf %add3A_1187, %exp3A_1200 : vector<70x128xf32>
    %eq3A_1202 = arith.constant 4.000000e+00 : f32
    %eq3A_1203 = vector.broadcast %eq3A_1202 : f32 to vector<70x128xf32>
    %eq3A_1204 = arith.cmpf oeq, %select_n3A_817, %eq3A_1203 : vector<70x128xf32>
    %select_n3A_1205 = arith.select %eq3A_1204, %get3A_1198, %select_n3A_1191 : vector<70x128xi1>, vector<70x128xf32>
    %get3A_1206 = arith.constant 0 : index
    %get3A_1207 = arith.constant 0 : index
    %get3A_1208 = arith.constant 5 : index
    %get3A_1209 = arith.constant 0 : index
    %get3A_1210 = arith.constant 0 : index
    %get3A_1211 = vector.load %arg2[%get3A_1206, %get3A_1207, %get3A_1208, %get3A_1209, %get3A_1210] : memref<1x2x21x70x128xf32, #tpu.memory_space<vmem>>, vector<1x1x1x70x128xf32>
    %get3A_1212 = vector.shape_cast %get3A_1211 : vector<1x1x1x70x128xf32> to vector<70x128xf32>
    %sub3A_1213 = arith.subf %get3A_1212, %max3A_1132 : vector<70x128xf32>
    %exp3A_1214 = math.exp %sub3A_1213 : vector<70x128xf32>
    %add3A_1215 = arith.addf %add3A_1201, %exp3A_1214 : vector<70x128xf32>
    %eq3A_1216 = arith.constant 5.000000e+00 : f32
    %eq3A_1217 = vector.broadcast %eq3A_1216 : f32 to vector<70x128xf32>
    %eq3A_1218 = arith.cmpf oeq, %select_n3A_817, %eq3A_1217 : vector<70x128xf32>
    %select_n3A_1219 = arith.select %eq3A_1218, %get3A_1212, %select_n3A_1205 : vector<70x128xi1>, vector<70x128xf32>
    %get3A_1220 = arith.constant 0 : index
    %get3A_1221 = arith.constant 0 : index
    %get3A_1222 = arith.constant 6 : index
    %get3A_1223 = arith.constant 0 : index
    %get3A_1224 = arith.constant 0 : index
    %get3A_1225 = vector.load %arg2[%get3A_1220, %get3A_1221, %get3A_1222, %get3A_1223, %get3A_1224] : memref<1x2x21x70x128xf32, #tpu.memory_space<vmem>>, vector<1x1x1x70x128xf32>
    %get3A_1226 = vector.shape_cast %get3A_1225 : vector<1x1x1x70x128xf32> to vector<70x128xf32>
    %sub3A_1227 = arith.subf %get3A_1226, %max3A_1132 : vector<70x128xf32>
    %exp3A_1228 = math.exp %sub3A_1227 : vector<70x128xf32>
    %add3A_1229 = arith.addf %add3A_1215, %exp3A_1228 : vector<70x128xf32>
    %eq3A_1230 = arith.constant 6.000000e+00 : f32
    %eq3A_1231 = vector.broadcast %eq3A_1230 : f32 to vector<70x128xf32>
    %eq3A_1232 = arith.cmpf oeq, %select_n3A_817, %eq3A_1231 : vector<70x128xf32>
    %select_n3A_1233 = arith.select %eq3A_1232, %get3A_1226, %select_n3A_1219 : vector<70x128xi1>, vector<70x128xf32>
    %get3A_1234 = arith.constant 0 : index
    %get3A_1235 = arith.constant 0 : index
    %get3A_1236 = arith.constant 7 : index
    %get3A_1237 = arith.constant 0 : index
    %get3A_1238 = arith.constant 0 : index
    %get3A_1239 = vector.load %arg2[%get3A_1234, %get3A_1235, %get3A_1236, %get3A_1237, %get3A_1238] : memref<1x2x21x70x128xf32, #tpu.memory_space<vmem>>, vector<1x1x1x70x128xf32>
    %get3A_1240 = vector.shape_cast %get3A_1239 : vector<1x1x1x70x128xf32> to vector<70x128xf32>
    %sub3A_1241 = arith.subf %get3A_1240, %max3A_1132 : vector<70x128xf32>
    %exp3A_1242 = math.exp %sub3A_1241 : vector<70x128xf32>
    %add3A_1243 = arith.addf %add3A_1229, %exp3A_1242 : vector<70x128xf32>
    %eq3A_1244 = arith.constant 7.000000e+00 : f32
    %eq3A_1245 = vector.broadcast %eq3A_1244 : f32 to vector<70x128xf32>
    %eq3A_1246 = arith.cmpf oeq, %select_n3A_817, %eq3A_1245 : vector<70x128xf32>
    %select_n3A_1247 = arith.select %eq3A_1246, %get3A_1240, %select_n3A_1233 : vector<70x128xi1>, vector<70x128xf32>
    %get3A_1248 = arith.constant 0 : index
    %get3A_1249 = arith.constant 0 : index
    %get3A_1250 = arith.constant 8 : index
    %get3A_1251 = arith.constant 0 : index
    %get3A_1252 = arith.constant 0 : index
    %get3A_1253 = vector.load %arg2[%get3A_1248, %get3A_1249, %get3A_1250, %get3A_1251, %get3A_1252] : memref<1x2x21x70x128xf32, #tpu.memory_space<vmem>>, vector<1x1x1x70x128xf32>
    %get3A_1254 = vector.shape_cast %get3A_1253 : vector<1x1x1x70x128xf32> to vector<70x128xf32>
    %sub3A_1255 = arith.subf %get3A_1254, %max3A_1132 : vector<70x128xf32>
    %exp3A_1256 = math.exp %sub3A_1255 : vector<70x128xf32>
    %add3A_1257 = arith.addf %add3A_1243, %exp3A_1256 : vector<70x128xf32>
    %eq3A_1258 = arith.constant 8.000000e+00 : f32
    %eq3A_1259 = vector.broadcast %eq3A_1258 : f32 to vector<70x128xf32>
    %eq3A_1260 = arith.cmpf oeq, %select_n3A_817, %eq3A_1259 : vector<70x128xf32>
    %select_n3A_1261 = arith.select %eq3A_1260, %get3A_1254, %select_n3A_1247 : vector<70x128xi1>, vector<70x128xf32>
    %get3A_1262 = arith.constant 0 : index
    %get3A_1263 = arith.constant 0 : index
    %get3A_1264 = arith.constant 9 : index
    %get3A_1265 = arith.constant 0 : index
    %get3A_1266 = arith.constant 0 : index
    %get3A_1267 = vector.load %arg2[%get3A_1262, %get3A_1263, %get3A_1264, %get3A_1265, %get3A_1266] : memref<1x2x21x70x128xf32, #tpu.memory_space<vmem>>, vector<1x1x1x70x128xf32>
    %get3A_1268 = vector.shape_cast %get3A_1267 : vector<1x1x1x70x128xf32> to vector<70x128xf32>
    %sub3A_1269 = arith.subf %get3A_1268, %max3A_1132 : vector<70x128xf32>
    %exp3A_1270 = math.exp %sub3A_1269 : vector<70x128xf32>
    %add3A_1271 = arith.addf %add3A_1257, %exp3A_1270 : vector<70x128xf32>
    %eq3A_1272 = arith.constant 9.000000e+00 : f32
    %eq3A_1273 = vector.broadcast %eq3A_1272 : f32 to vector<70x128xf32>
    %eq3A_1274 = arith.cmpf oeq, %select_n3A_817, %eq3A_1273 : vector<70x128xf32>
    %select_n3A_1275 = arith.select %eq3A_1274, %get3A_1268, %select_n3A_1261 : vector<70x128xi1>, vector<70x128xf32>
    %get3A_1276 = arith.constant 0 : index
    %get3A_1277 = arith.constant 0 : index
    %get3A_1278 = arith.constant 10 : index
    %get3A_1279 = arith.constant 0 : index
    %get3A_1280 = arith.constant 0 : index
    %get3A_1281 = vector.load %arg2[%get3A_1276, %get3A_1277, %get3A_1278, %get3A_1279, %get3A_1280] : memref<1x2x21x70x128xf32, #tpu.memory_space<vmem>>, vector<1x1x1x70x128xf32>
    %get3A_1282 = vector.shape_cast %get3A_1281 : vector<1x1x1x70x128xf32> to vector<70x128xf32>
    %sub3A_1283 = arith.subf %get3A_1282, %max3A_1132 : vector<70x128xf32>
    %exp3A_1284 = math.exp %sub3A_1283 : vector<70x128xf32>
    %add3A_1285 = arith.addf %add3A_1271, %exp3A_1284 : vector<70x128xf32>
    %eq3A_1286 = arith.constant 1.000000e+01 : f32
    %eq3A_1287 = vector.broadcast %eq3A_1286 : f32 to vector<70x128xf32>
    %eq3A_1288 = arith.cmpf oeq, %select_n3A_817, %eq3A_1287 : vector<70x128xf32>
    %select_n3A_1289 = arith.select %eq3A_1288, %get3A_1282, %select_n3A_1275 : vector<70x128xi1>, vector<70x128xf32>
    %get3A_1290 = arith.constant 0 : index
    %get3A_1291 = arith.constant 0 : index
    %get3A_1292 = arith.constant 11 : index
    %get3A_1293 = arith.constant 0 : index
    %get3A_1294 = arith.constant 0 : index
    %get3A_1295 = vector.load %arg2[%get3A_1290, %get3A_1291, %get3A_1292, %get3A_1293, %get3A_1294] : memref<1x2x21x70x128xf32, #tpu.memory_space<vmem>>, vector<1x1x1x70x128xf32>
    %get3A_1296 = vector.shape_cast %get3A_1295 : vector<1x1x1x70x128xf32> to vector<70x128xf32>
    %sub3A_1297 = arith.subf %get3A_1296, %max3A_1132 : vector<70x128xf32>
    %exp3A_1298 = math.exp %sub3A_1297 : vector<70x128xf32>
    %add3A_1299 = arith.addf %add3A_1285, %exp3A_1298 : vector<70x128xf32>
    %eq3A_1300 = arith.constant 1.100000e+01 : f32
    %eq3A_1301 = vector.broadcast %eq3A_1300 : f32 to vector<70x128xf32>
    %eq3A_1302 = arith.cmpf oeq, %select_n3A_817, %eq3A_1301 : vector<70x128xf32>
    %select_n3A_1303 = arith.select %eq3A_1302, %get3A_1296, %select_n3A_1289 : vector<70x128xi1>, vector<70x128xf32>
    %get3A_1304 = arith.constant 0 : index
    %get3A_1305 = arith.constant 0 : index
    %get3A_1306 = arith.constant 12 : index
    %get3A_1307 = arith.constant 0 : index
    %get3A_1308 = arith.constant 0 : index
    %get3A_1309 = vector.load %arg2[%get3A_1304, %get3A_1305, %get3A_1306, %get3A_1307, %get3A_1308] : memref<1x2x21x70x128xf32, #tpu.memory_space<vmem>>, vector<1x1x1x70x128xf32>
    %get3A_1310 = vector.shape_cast %get3A_1309 : vector<1x1x1x70x128xf32> to vector<70x128xf32>
    %sub3A_1311 = arith.subf %get3A_1310, %max3A_1132 : vector<70x128xf32>
    %exp3A_1312 = math.exp %sub3A_1311 : vector<70x128xf32>
    %add3A_1313 = arith.addf %add3A_1299, %exp3A_1312 : vector<70x128xf32>
    %eq3A_1314 = arith.constant 1.200000e+01 : f32
    %eq3A_1315 = vector.broadcast %eq3A_1314 : f32 to vector<70x128xf32>
    %eq3A_1316 = arith.cmpf oeq, %select_n3A_817, %eq3A_1315 : vector<70x128xf32>
    %select_n3A_1317 = arith.select %eq3A_1316, %get3A_1310, %select_n3A_1303 : vector<70x128xi1>, vector<70x128xf32>
    %get3A_1318 = arith.constant 0 : index
    %get3A_1319 = arith.constant 0 : index
    %get3A_1320 = arith.constant 13 : index
    %get3A_1321 = arith.constant 0 : index
    %get3A_1322 = arith.constant 0 : index
    %get3A_1323 = vector.load %arg2[%get3A_1318, %get3A_1319, %get3A_1320, %get3A_1321, %get3A_1322] : memref<1x2x21x70x128xf32, #tpu.memory_space<vmem>>, vector<1x1x1x70x128xf32>
    %get3A_1324 = vector.shape_cast %get3A_1323 : vector<1x1x1x70x128xf32> to vector<70x128xf32>
    %sub3A_1325 = arith.subf %get3A_1324, %max3A_1132 : vector<70x128xf32>
    %exp3A_1326 = math.exp %sub3A_1325 : vector<70x128xf32>
    %add3A_1327 = arith.addf %add3A_1313, %exp3A_1326 : vector<70x128xf32>
    %eq3A_1328 = arith.constant 1.300000e+01 : f32
    %eq3A_1329 = vector.broadcast %eq3A_1328 : f32 to vector<70x128xf32>
    %eq3A_1330 = arith.cmpf oeq, %select_n3A_817, %eq3A_1329 : vector<70x128xf32>
    %select_n3A_1331 = arith.select %eq3A_1330, %get3A_1324, %select_n3A_1317 : vector<70x128xi1>, vector<70x128xf32>
    %get3A_1332 = arith.constant 0 : index
    %get3A_1333 = arith.constant 0 : index
    %get3A_1334 = arith.constant 14 : index
    %get3A_1335 = arith.constant 0 : index
    %get3A_1336 = arith.constant 0 : index
    %get3A_1337 = vector.load %arg2[%get3A_1332, %get3A_1333, %get3A_1334, %get3A_1335, %get3A_1336] : memref<1x2x21x70x128xf32, #tpu.memory_space<vmem>>, vector<1x1x1x70x128xf32>
    %get3A_1338 = vector.shape_cast %get3A_1337 : vector<1x1x1x70x128xf32> to vector<70x128xf32>
    %sub3A_1339 = arith.subf %get3A_1338, %max3A_1132 : vector<70x128xf32>
    %exp3A_1340 = math.exp %sub3A_1339 : vector<70x128xf32>
    %add3A_1341 = arith.addf %add3A_1327, %exp3A_1340 : vector<70x128xf32>
    %eq3A_1342 = arith.constant 1.400000e+01 : f32
    %eq3A_1343 = vector.broadcast %eq3A_1342 : f32 to vector<70x128xf32>
    %eq3A_1344 = arith.cmpf oeq, %select_n3A_817, %eq3A_1343 : vector<70x128xf32>
    %select_n3A_1345 = arith.select %eq3A_1344, %get3A_1338, %select_n3A_1331 : vector<70x128xi1>, vector<70x128xf32>
    %get3A_1346 = arith.constant 0 : index
    %get3A_1347 = arith.constant 0 : index
    %get3A_1348 = arith.constant 15 : index
    %get3A_1349 = arith.constant 0 : index
    %get3A_1350 = arith.constant 0 : index
    %get3A_1351 = vector.load %arg2[%get3A_1346, %get3A_1347, %get3A_1348, %get3A_1349, %get3A_1350] : memref<1x2x21x70x128xf32, #tpu.memory_space<vmem>>, vector<1x1x1x70x128xf32>
    %get3A_1352 = vector.shape_cast %get3A_1351 : vector<1x1x1x70x128xf32> to vector<70x128xf32>
    %sub3A_1353 = arith.subf %get3A_1352, %max3A_1132 : vector<70x128xf32>
    %exp3A_1354 = math.exp %sub3A_1353 : vector<70x128xf32>
    %add3A_1355 = arith.addf %add3A_1341, %exp3A_1354 : vector<70x128xf32>
    %eq3A_1356 = arith.constant 1.500000e+01 : f32
    %eq3A_1357 = vector.broadcast %eq3A_1356 : f32 to vector<70x128xf32>
    %eq3A_1358 = arith.cmpf oeq, %select_n3A_817, %eq3A_1357 : vector<70x128xf32>
    %select_n3A_1359 = arith.select %eq3A_1358, %get3A_1352, %select_n3A_1345 : vector<70x128xi1>, vector<70x128xf32>
    %get3A_1360 = arith.constant 0 : index
    %get3A_1361 = arith.constant 0 : index
    %get3A_1362 = arith.constant 16 : index
    %get3A_1363 = arith.constant 0 : index
    %get3A_1364 = arith.constant 0 : index
    %get3A_1365 = vector.load %arg2[%get3A_1360, %get3A_1361, %get3A_1362, %get3A_1363, %get3A_1364] : memref<1x2x21x70x128xf32, #tpu.memory_space<vmem>>, vector<1x1x1x70x128xf32>
    %get3A_1366 = vector.shape_cast %get3A_1365 : vector<1x1x1x70x128xf32> to vector<70x128xf32>
    %sub3A_1367 = arith.subf %get3A_1366, %max3A_1132 : vector<70x128xf32>
    %exp3A_1368 = math.exp %sub3A_1367 : vector<70x128xf32>
    %add3A_1369 = arith.addf %add3A_1355, %exp3A_1368 : vector<70x128xf32>
    %eq3A_1370 = arith.constant 1.600000e+01 : f32
    %eq3A_1371 = vector.broadcast %eq3A_1370 : f32 to vector<70x128xf32>
    %eq3A_1372 = arith.cmpf oeq, %select_n3A_817, %eq3A_1371 : vector<70x128xf32>
    %select_n3A_1373 = arith.select %eq3A_1372, %get3A_1366, %select_n3A_1359 : vector<70x128xi1>, vector<70x128xf32>
    %get3A_1374 = arith.constant 0 : index
    %get3A_1375 = arith.constant 0 : index
    %get3A_1376 = arith.constant 17 : index
    %get3A_1377 = arith.constant 0 : index
    %get3A_1378 = arith.constant 0 : index
    %get3A_1379 = vector.load %arg2[%get3A_1374, %get3A_1375, %get3A_1376, %get3A_1377, %get3A_1378] : memref<1x2x21x70x128xf32, #tpu.memory_space<vmem>>, vector<1x1x1x70x128xf32>
    %get3A_1380 = vector.shape_cast %get3A_1379 : vector<1x1x1x70x128xf32> to vector<70x128xf32>
    %sub3A_1381 = arith.subf %get3A_1380, %max3A_1132 : vector<70x128xf32>
    %exp3A_1382 = math.exp %sub3A_1381 : vector<70x128xf32>
    %add3A_1383 = arith.addf %add3A_1369, %exp3A_1382 : vector<70x128xf32>
    %eq3A_1384 = arith.constant 1.700000e+01 : f32
    %eq3A_1385 = vector.broadcast %eq3A_1384 : f32 to vector<70x128xf32>
    %eq3A_1386 = arith.cmpf oeq, %select_n3A_817, %eq3A_1385 : vector<70x128xf32>
    %select_n3A_1387 = arith.select %eq3A_1386, %get3A_1380, %select_n3A_1373 : vector<70x128xi1>, vector<70x128xf32>
    %get3A_1388 = arith.constant 0 : index
    %get3A_1389 = arith.constant 0 : index
    %get3A_1390 = arith.constant 18 : index
    %get3A_1391 = arith.constant 0 : index
    %get3A_1392 = arith.constant 0 : index
    %get3A_1393 = vector.load %arg2[%get3A_1388, %get3A_1389, %get3A_1390, %get3A_1391, %get3A_1392] : memref<1x2x21x70x128xf32, #tpu.memory_space<vmem>>, vector<1x1x1x70x128xf32>
    %get3A_1394 = vector.shape_cast %get3A_1393 : vector<1x1x1x70x128xf32> to vector<70x128xf32>
    %sub3A_1395 = arith.subf %get3A_1394, %max3A_1132 : vector<70x128xf32>
    %exp3A_1396 = math.exp %sub3A_1395 : vector<70x128xf32>
    %add3A_1397 = arith.addf %add3A_1383, %exp3A_1396 : vector<70x128xf32>
    %eq3A_1398 = arith.constant 1.800000e+01 : f32
    %eq3A_1399 = vector.broadcast %eq3A_1398 : f32 to vector<70x128xf32>
    %eq3A_1400 = arith.cmpf oeq, %select_n3A_817, %eq3A_1399 : vector<70x128xf32>
    %select_n3A_1401 = arith.select %eq3A_1400, %get3A_1394, %select_n3A_1387 : vector<70x128xi1>, vector<70x128xf32>
    %get3A_1402 = arith.constant 0 : index
    %get3A_1403 = arith.constant 0 : index
    %get3A_1404 = arith.constant 19 : index
    %get3A_1405 = arith.constant 0 : index
    %get3A_1406 = arith.constant 0 : index
    %get3A_1407 = vector.load %arg2[%get3A_1402, %get3A_1403, %get3A_1404, %get3A_1405, %get3A_1406] : memref<1x2x21x70x128xf32, #tpu.memory_space<vmem>>, vector<1x1x1x70x128xf32>
    %get3A_1408 = vector.shape_cast %get3A_1407 : vector<1x1x1x70x128xf32> to vector<70x128xf32>
    %sub3A_1409 = arith.subf %get3A_1408, %max3A_1132 : vector<70x128xf32>
    %exp3A_1410 = math.exp %sub3A_1409 : vector<70x128xf32>
    %add3A_1411 = arith.addf %add3A_1397, %exp3A_1410 : vector<70x128xf32>
    %eq3A_1412 = arith.constant 1.900000e+01 : f32
    %eq3A_1413 = vector.broadcast %eq3A_1412 : f32 to vector<70x128xf32>
    %eq3A_1414 = arith.cmpf oeq, %select_n3A_817, %eq3A_1413 : vector<70x128xf32>
    %select_n3A_1415 = arith.select %eq3A_1414, %get3A_1408, %select_n3A_1401 : vector<70x128xi1>, vector<70x128xf32>
    %get3A_1416 = arith.constant 0 : index
    %get3A_1417 = arith.constant 0 : index
    %get3A_1418 = arith.constant 20 : index
    %get3A_1419 = arith.constant 0 : index
    %get3A_1420 = arith.constant 0 : index
    %get3A_1421 = vector.load %arg2[%get3A_1416, %get3A_1417, %get3A_1418, %get3A_1419, %get3A_1420] : memref<1x2x21x70x128xf32, #tpu.memory_space<vmem>>, vector<1x1x1x70x128xf32>
    %get3A_1422 = vector.shape_cast %get3A_1421 : vector<1x1x1x70x128xf32> to vector<70x128xf32>
    %sub3A_1423 = arith.subf %get3A_1422, %max3A_1132 : vector<70x128xf32>
    %exp3A_1424 = math.exp %sub3A_1423 : vector<70x128xf32>
    %add3A_1425 = arith.addf %add3A_1411, %exp3A_1424 : vector<70x128xf32>
    %eq3A_1426 = arith.constant 2.000000e+01 : f32
    %eq3A_1427 = vector.broadcast %eq3A_1426 : f32 to vector<70x128xf32>
    %eq3A_1428 = arith.cmpf oeq, %select_n3A_817, %eq3A_1427 : vector<70x128xf32>
    %select_n3A_1429 = arith.select %eq3A_1428, %get3A_1422, %select_n3A_1415 : vector<70x128xi1>, vector<70x128xf32>
    %log3A_1430 = math.log %add3A_1425 : vector<70x128xf32>
    %add3A_1431 = arith.addf %log3A_1430, %max3A_1132 : vector<70x128xf32>
    %sub3A_1432 = arith.subf %add3A_1431, %select_n3A_1429 : vector<70x128xf32>
    %jit3A_1433 = arith.constant 0.000000e+00 : f32
    %broadcast_in_dim3A_1434 = vector.broadcast %jit3A_1433 : f32 to vector<70x128xf32>
    %select_n3A_1435 = arith.select %ge3A_675, %sub3A_1432, %broadcast_in_dim3A_1434 : vector<70x128xi1>, vector<70x128xf32>
    %reduce_sum3A_1436 = vector.shape_cast %select_n3A_1435 : vector<70x128xf32> to vector<1x70x128xf32>
    %reduce_sum3A_1437 = arith.constant dense<0.000000e+00> : vector<1xf32>
    %reduce_sum3A_1438 = vector.multi_reduction <add>, %reduce_sum3A_1436, %reduce_sum3A_1437 [1, 2] : vector<1x70x128xf32> to vector<1xf32>
    %reduce_sum3A_1439 = vector.shape_cast %reduce_sum3A_1438 : vector<1xf32> to vector<1x1x1xf32>
    %reduce_sum3A_1440 = vector.extract %reduce_sum3A_1439[0, 0, 0] : f32 from vector<1x1x1xf32>
    %jit3A_1441 = arith.constant 0.000000e+00 : f32
    %broadcast_in_dim3A_1442 = vector.broadcast %jit3A_1441 : f32 to vector<70x128xf32>
    %select_n3A_1443 = arith.select %ge3A_675, %broadcast_in_dim3A_1442, %sub3A_1432 : vector<70x128xi1>, vector<70x128xf32>
    %jit3A_1444 = arith.constant -1.000000e+00 : f32
    %broadcast_in_dim3A_1445 = vector.broadcast %jit3A_1444 : f32 to vector<70x128xf32>
    %select_n3A_1446 = arith.select %lt3A_39, %select_n3A_1443, %broadcast_in_dim3A_1445 : vector<70x128xi1>, vector<70x128xf32>
    %swap3A = arith.constant 0 : index
    %swap3A_1447 = arith.constant 0 : index
    %swap3A_1448 = arith.constant 0 : index
    %swap3A_1449 = vector.load %arg6[%swap3A, %swap3A_1447, %swap3A_1448] : memref<2x70x128xf32, #tpu.memory_space<vmem>>, vector<1x70x128xf32>
    %swap3A_1450 = vector.shape_cast %swap3A_1449 : vector<1x70x128xf32> to vector<70x128xf32>
    %swap3A_1451 = vector.shape_cast %select_n3A_1446 : vector<70x128xf32> to vector<1x70x128xf32>
    tpu.vector_store %arg6[%swap3A, %swap3A_1447, %swap3A_1448], %swap3A_1451 {strides = array<i32>} : memref<2x70x128xf32, #tpu.memory_space<vmem>>, vector<1x70x128xf32>,
    %bitcast_convert_type3A = tpu.bitcast %select_n3A_1446 : vector<70x128xf32> -> vector<70x128xi32>
    %swap3A_1452 = arith.constant 0 : index
    %swap3A_1453 = arith.constant 0 : index
    %swap3A_1454 = arith.constant 0 : index
    %swap3A_1455 = vector.load %arg7[%swap3A_1452, %swap3A_1453, %swap3A_1454] : memref<2x70x128xi32, #tpu.memory_space<vmem>>, vector<1x70x128xi32>
    %swap3A_1456 = vector.shape_cast %swap3A_1455 : vector<1x70x128xi32> to vector<70x128xi32>
    %swap3A_1457 = vector.shape_cast %bitcast_convert_type3A : vector<70x128xi32> to vector<1x70x128xi32>
    tpu.vector_store %arg7[%swap3A_1452, %swap3A_1453, %swap3A_1454], %swap3A_1457 {strides = array<i32>} : memref<2x70x128xi32, #tpu.memory_space<vmem>>, vector<1x70x128xi32>,
    %convert_element_type3A = arith.sitofp %reduce_sum3A_684 : i32 to f32
    %swap3A_1458 = arith.constant 0 : index
    %swap3A_1459 = arith.constant 0 : index
    %swap3A_1460 = arith.constant 0 : index
    %swap3A_1461 = memref.load %arg8[%swap3A_1458, %swap3A_1459, %swap3A_1460] : memref<2x1x8xf32, #tpu.memory_space<smem>>
    memref.store %convert_element_type3A, %arg8[%swap3A_1458, %swap3A_1459, %swap3A_1460] : memref<2x1x8xf32, #tpu.memory_space<smem>>
    %swap3A_1462 = arith.constant 0 : index
    %swap3A_1463 = arith.constant 0 : index
    %swap3A_1464 = arith.constant 1 : index
    %swap3A_1465 = memref.load %arg8[%swap3A_1462, %swap3A_1463, %swap3A_1464] : memref<2x1x8xf32, #tpu.memory_space<smem>>
    memref.store %add3A_962, %arg8[%swap3A_1462, %swap3A_1463, %swap3A_1464] : memref<2x1x8xf32, #tpu.memory_space<smem>>
    %swap3A_1466 = arith.constant 0 : index
    %swap3A_1467 = arith.constant 0 : index
    %swap3A_1468 = arith.constant 2 : index
    %swap3A_1469 = memref.load %arg8[%swap3A_1466, %swap3A_1467, %swap3A_1468] : memref<2x1x8xf32, #tpu.memory_space<smem>>
    memref.store %reduce_sum3A_1440, %arg8[%swap3A_1466, %swap3A_1467, %swap3A_1468] : memref<2x1x8xf32, #tpu.memory_space<smem>>
    %broadcast_in_dim3A_1470 = arith.constant -1.000000e+00 : f32
    %broadcast_in_dim3A_1471 = vector.broadcast %broadcast_in_dim3A_1470 : f32 to vector<70x128xf32>
    %broadcast_in_dim3A_1472 = arith.constant 0 : i32
    %broadcast_in_dim3A_1473 = vector.broadcast %broadcast_in_dim3A_1472 : i32 to vector<70x128xi32>
    %get3A_1474 = arith.constant 1 : index
    %get3A_1475 = arith.constant 0 : index
    %get3A_1476 = arith.constant 0 : index
    %get3A_1477 = arith.constant 0 : index
    %get3A_1478 = memref.load %arg5[%get3A_1474, %get3A_1475, %get3A_1476, %get3A_1477] : memref<2x1x8x6xf32, #tpu.memory_space<smem>>
    %get3A_1479 = arith.constant 1 : index
    %get3A_1480 = arith.constant 0 : index
    %get3A_1481 = arith.constant 0 : index
    %get3A_1482 = arith.constant 1 : index
    %get3A_1483 = memref.load %arg5[%get3A_1479, %get3A_1480, %get3A_1481, %get3A_1482] : memref<2x1x8x6xf32, #tpu.memory_space<smem>>
    %get3A_1484 = arith.constant 1 : index
    %get3A_1485 = arith.constant 0 : index
    %get3A_1486 = arith.constant 0 : index
    %get3A_1487 = arith.constant 2 : index
    %get3A_1488 = memref.load %arg5[%get3A_1484, %get3A_1485, %get3A_1486, %get3A_1487] : memref<2x1x8x6xf32, #tpu.memory_space<smem>>
    %get3A_1489 = arith.constant 1 : index
    %get3A_1490 = arith.constant 0 : index
    %get3A_1491 = arith.constant 0 : index
    %get3A_1492 = arith.constant 3 : index
    %get3A_1493 = memref.load %arg5[%get3A_1489, %get3A_1490, %get3A_1491, %get3A_1492] : memref<2x1x8x6xf32, #tpu.memory_space<smem>>
    %get3A_1494 = arith.constant 1 : index
    %get3A_1495 = arith.constant 0 : index
    %get3A_1496 = arith.constant 0 : index
    %get3A_1497 = arith.constant 4 : index
    %get3A_1498 = memref.load %arg5[%get3A_1494, %get3A_1495, %get3A_1496, %get3A_1497] : memref<2x1x8x6xf32, #tpu.memory_space<smem>>
    %min3A_1499 = vector.broadcast %get3A_1488 : f32 to vector<70x128xf32>
    %min3A_1500 = arith.minimumf %min3A_1499, %add3A : vector<70x128xf32>
    %max3A_1501 = vector.broadcast %get3A_1478 : f32 to vector<70x128xf32>
    %max3A_1502 = arith.maximumf %max3A_1501, %sub3A : vector<70x128xf32>
    %sub3A_1503 = arith.subf %min3A_1500, %max3A_1502 : vector<70x128xf32>
    %max3A_1504 = arith.constant 0.000000e+00 : f32
    %max3A_1505 = vector.broadcast %max3A_1504 : f32 to vector<70x128xf32>
    %max3A_1506 = arith.maximumf %sub3A_1503, %max3A_1505 : vector<70x128xf32>
    %min3A_1507 = vector.broadcast %get3A_1493 : f32 to vector<70x128xf32>
    %min3A_1508 = arith.minimumf %min3A_1507, %add3A_31 : vector<70x128xf32>
    %max3A_1509 = vector.broadcast %get3A_1483 : f32 to vector<70x128xf32>
    %max3A_1510 = arith.maximumf %max3A_1509, %sub3A_24 : vector<70x128xf32>
    %sub3A_1511 = arith.subf %min3A_1508, %max3A_1510 : vector<70x128xf32>
    %max3A_1512 = arith.constant 0.000000e+00 : f32
    %max3A_1513 = vector.broadcast %max3A_1512 : f32 to vector<70x128xf32>
    %max3A_1514 = arith.maximumf %sub3A_1511, %max3A_1513 : vector<70x128xf32>
    %mul3A_1515 = arith.mulf %max3A_1506, %max3A_1514 : vector<70x128xf32>
    %sub3A_1516 = arith.subf %get3A_1488, %get3A_1478 : f32
    %sub3A_1517 = arith.subf %get3A_1493, %get3A_1483 : f32
    %mul3A_1518 = arith.mulf %sub3A_1516, %sub3A_1517 : f32
    %add3A_1519 = vector.broadcast %mul3A_1518 : f32 to vector<70x128xf32>
    %add3A_1520 = arith.addf %add3A_1519, %mul3A_32 : vector<70x128xf32>
    %sub3A_1521 = arith.subf %add3A_1520, %mul3A_1515 : vector<70x128xf32>
    %div3A_1522 = arith.divf %mul3A_1515, %sub3A_1521 : vector<70x128xf32>
    %gt3A_1523 = arith.cmpf ogt, %div3A_1522, %broadcast_in_dim3A_1471 : vector<70x128xf32>
    %select_n3A_1524 = arith.select %gt3A_1523, %div3A_1522, %broadcast_in_dim3A_1471 : vector<70x128xi1>, vector<70x128xf32>
    %jit3A_1525 = arith.constant 0 : i32
    %broadcast_in_dim3A_1526 = vector.broadcast %jit3A_1525 : i32 to vector<70x128xi32>
    %select_n3A_1527 = arith.select %gt3A_1523, %broadcast_in_dim3A_1526, %broadcast_in_dim3A_1473 : vector<70x128xi1>, vector<70x128xi32>
    %jit3A_1528 = arith.constant -1.000000e+00 : f32
    %broadcast_in_dim3A_1529 = vector.broadcast %jit3A_1528 : f32 to vector<70x128xf32>
    %select_n3A_1530 = arith.select %lt3A_39, %div3A_1522, %broadcast_in_dim3A_1529 : vector<70x128xi1>, vector<70x128xf32>
    %reduce_max3A_1531 = vector.shape_cast %select_n3A_1530 : vector<70x128xf32> to vector<1x70x128xf32>
    %reduce_max3A_1532 = arith.constant dense<0xFF800000> : vector<1xf32>
    %reduce_max3A_1533 = vector.multi_reduction <maximumf>, %reduce_max3A_1531, %reduce_max3A_1532 [1, 2] : vector<1x70x128xf32> to vector<1xf32>
    %reduce_max3A_1534 = vector.shape_cast %reduce_max3A_1533 : vector<1xf32> to vector<1x1x1xf32>
    %reduce_max3A_1535 = vector.extract %reduce_max3A_1534[0, 0, 0] : f32 from vector<1x1x1xf32>
    %eq3A_1536 = vector.broadcast %reduce_max3A_1535 : f32 to vector<70x128xf32>
    %eq3A_1537 = arith.cmpf oeq, %select_n3A_1530, %eq3A_1536 : vector<70x128xf32>
    %jit3A_1538 = arith.constant 1073741824 : i32
    %broadcast_in_dim3A_1539 = vector.broadcast %jit3A_1538 : i32 to vector<70x128xi32>
    %select_n3A_1540 = arith.select %eq3A_1537, %add3A_37, %broadcast_in_dim3A_1539 : vector<70x128xi1>, vector<70x128xi32>
    %reduce_min3A_1541 = vector.shape_cast %select_n3A_1540 : vector<70x128xi32> to vector<1x70x128xi32>
    %reduce_min3A_1542 = arith.constant dense<2147483647> : vector<1xi32>
    %reduce_min3A_1543 = vector.multi_reduction <minsi>, %reduce_min3A_1541, %reduce_min3A_1542 [1, 2] : vector<1x70x128xi32> to vector<1xi32>
    %reduce_min3A_1544 = vector.shape_cast %reduce_min3A_1543 : vector<1xi32> to vector<1x1x1xi32>
    %reduce_min3A_1545 = vector.extract %reduce_min3A_1544[0, 0, 0] : i32 from vector<1x1x1xi32>
    %get3A_1546 = arith.constant 1 : index
    %get3A_1547 = arith.constant 0 : index
    %get3A_1548 = arith.constant 1 : index
    %get3A_1549 = arith.constant 0 : index
    %get3A_1550 = memref.load %arg5[%get3A_1546, %get3A_1547, %get3A_1548, %get3A_1549] : memref<2x1x8x6xf32, #tpu.memory_space<smem>>
    %get3A_1551 = arith.constant 1 : index
    %get3A_1552 = arith.constant 0 : index
    %get3A_1553 = arith.constant 1 : index
    %get3A_1554 = arith.constant 1 : index
    %get3A_1555 = memref.load %arg5[%get3A_1551, %get3A_1552, %get3A_1553, %get3A_1554] : memref<2x1x8x6xf32, #tpu.memory_space<smem>>
    %get3A_1556 = arith.constant 1 : index
    %get3A_1557 = arith.constant 0 : index
    %get3A_1558 = arith.constant 1 : index
    %get3A_1559 = arith.constant 2 : index
    %get3A_1560 = memref.load %arg5[%get3A_1556, %get3A_1557, %get3A_1558, %get3A_1559] : memref<2x1x8x6xf32, #tpu.memory_space<smem>>
    %get3A_1561 = arith.constant 1 : index
    %get3A_1562 = arith.constant 0 : index
    %get3A_1563 = arith.constant 1 : index
    %get3A_1564 = arith.constant 3 : index
    %get3A_1565 = memref.load %arg5[%get3A_1561, %get3A_1562, %get3A_1563, %get3A_1564] : memref<2x1x8x6xf32, #tpu.memory_space<smem>>
    %get3A_1566 = arith.constant 1 : index
    %get3A_1567 = arith.constant 0 : index
    %get3A_1568 = arith.constant 1 : index
    %get3A_1569 = arith.constant 4 : index
    %get3A_1570 = memref.load %arg5[%get3A_1566, %get3A_1567, %get3A_1568, %get3A_1569] : memref<2x1x8x6xf32, #tpu.memory_space<smem>>
    %min3A_1571 = vector.broadcast %get3A_1560 : f32 to vector<70x128xf32>
    %min3A_1572 = arith.minimumf %min3A_1571, %add3A : vector<70x128xf32>
    %max3A_1573 = vector.broadcast %get3A_1550 : f32 to vector<70x128xf32>
    %max3A_1574 = arith.maximumf %max3A_1573, %sub3A : vector<70x128xf32>
    %sub3A_1575 = arith.subf %min3A_1572, %max3A_1574 : vector<70x128xf32>
    %max3A_1576 = arith.constant 0.000000e+00 : f32
    %max3A_1577 = vector.broadcast %max3A_1576 : f32 to vector<70x128xf32>
    %max3A_1578 = arith.maximumf %sub3A_1575, %max3A_1577 : vector<70x128xf32>
    %min3A_1579 = vector.broadcast %get3A_1565 : f32 to vector<70x128xf32>
    %min3A_1580 = arith.minimumf %min3A_1579, %add3A_31 : vector<70x128xf32>
    %max3A_1581 = vector.broadcast %get3A_1555 : f32 to vector<70x128xf32>
    %max3A_1582 = arith.maximumf %max3A_1581, %sub3A_24 : vector<70x128xf32>
    %sub3A_1583 = arith.subf %min3A_1580, %max3A_1582 : vector<70x128xf32>
    %max3A_1584 = arith.constant 0.000000e+00 : f32
    %max3A_1585 = vector.broadcast %max3A_1584 : f32 to vector<70x128xf32>
    %max3A_1586 = arith.maximumf %sub3A_1583, %max3A_1585 : vector<70x128xf32>
    %mul3A_1587 = arith.mulf %max3A_1578, %max3A_1586 : vector<70x128xf32>
    %sub3A_1588 = arith.subf %get3A_1560, %get3A_1550 : f32
    %sub3A_1589 = arith.subf %get3A_1565, %get3A_1555 : f32
    %mul3A_1590 = arith.mulf %sub3A_1588, %sub3A_1589 : f32
    %add3A_1591 = vector.broadcast %mul3A_1590 : f32 to vector<70x128xf32>
    %add3A_1592 = arith.addf %add3A_1591, %mul3A_32 : vector<70x128xf32>
    %sub3A_1593 = arith.subf %add3A_1592, %mul3A_1587 : vector<70x128xf32>
    %div3A_1594 = arith.divf %mul3A_1587, %sub3A_1593 : vector<70x128xf32>
    %gt3A_1595 = arith.cmpf ogt, %div3A_1594, %select_n3A_1524 : vector<70x128xf32>
    %select_n3A_1596 = arith.select %gt3A_1595, %div3A_1594, %select_n3A_1524 : vector<70x128xi1>, vector<70x128xf32>
    %jit3A_1597 = arith.constant 1 : i32
    %broadcast_in_dim3A_1598 = vector.broadcast %jit3A_1597 : i32 to vector<70x128xi32>
    %select_n3A_1599 = arith.select %gt3A_1595, %broadcast_in_dim3A_1598, %select_n3A_1527 : vector<70x128xi1>, vector<70x128xi32>
    %jit3A_1600 = arith.constant -1.000000e+00 : f32
    %broadcast_in_dim3A_1601 = vector.broadcast %jit3A_1600 : f32 to vector<70x128xf32>
    %select_n3A_1602 = arith.select %lt3A_39, %div3A_1594, %broadcast_in_dim3A_1601 : vector<70x128xi1>, vector<70x128xf32>
    %reduce_max3A_1603 = vector.shape_cast %select_n3A_1602 : vector<70x128xf32> to vector<1x70x128xf32>
    %reduce_max3A_1604 = arith.constant dense<0xFF800000> : vector<1xf32>
    %reduce_max3A_1605 = vector.multi_reduction <maximumf>, %reduce_max3A_1603, %reduce_max3A_1604 [1, 2] : vector<1x70x128xf32> to vector<1xf32>
    %reduce_max3A_1606 = vector.shape_cast %reduce_max3A_1605 : vector<1xf32> to vector<1x1x1xf32>
    %reduce_max3A_1607 = vector.extract %reduce_max3A_1606[0, 0, 0] : f32 from vector<1x1x1xf32>
    %eq3A_1608 = vector.broadcast %reduce_max3A_1607 : f32 to vector<70x128xf32>
    %eq3A_1609 = arith.cmpf oeq, %select_n3A_1602, %eq3A_1608 : vector<70x128xf32>
    %jit3A_1610 = arith.constant 1073741824 : i32
    %broadcast_in_dim3A_1611 = vector.broadcast %jit3A_1610 : i32 to vector<70x128xi32>
    %select_n3A_1612 = arith.select %eq3A_1609, %add3A_37, %broadcast_in_dim3A_1611 : vector<70x128xi1>, vector<70x128xi32>
    %reduce_min3A_1613 = vector.shape_cast %select_n3A_1612 : vector<70x128xi32> to vector<1x70x128xi32>
    %reduce_min3A_1614 = arith.constant dense<2147483647> : vector<1xi32>
    %reduce_min3A_1615 = vector.multi_reduction <minsi>, %reduce_min3A_1613, %reduce_min3A_1614 [1, 2] : vector<1x70x128xi32> to vector<1xi32>
    %reduce_min3A_1616 = vector.shape_cast %reduce_min3A_1615 : vector<1xi32> to vector<1x1x1xi32>
    %reduce_min3A_1617 = vector.extract %reduce_min3A_1616[0, 0, 0] : i32 from vector<1x1x1xi32>
    %get3A_1618 = arith.constant 1 : index
    %get3A_1619 = arith.constant 0 : index
    %get3A_1620 = arith.constant 2 : index
    %get3A_1621 = arith.constant 0 : index
    %get3A_1622 = memref.load %arg5[%get3A_1618, %get3A_1619, %get3A_1620, %get3A_1621] : memref<2x1x8x6xf32, #tpu.memory_space<smem>>
    %get3A_1623 = arith.constant 1 : index
    %get3A_1624 = arith.constant 0 : index
    %get3A_1625 = arith.constant 2 : index
    %get3A_1626 = arith.constant 1 : index
    %get3A_1627 = memref.load %arg5[%get3A_1623, %get3A_1624, %get3A_1625, %get3A_1626] : memref<2x1x8x6xf32, #tpu.memory_space<smem>>
    %get3A_1628 = arith.constant 1 : index
    %get3A_1629 = arith.constant 0 : index
    %get3A_1630 = arith.constant 2 : index
    %get3A_1631 = arith.constant 2 : index
    %get3A_1632 = memref.load %arg5[%get3A_1628, %get3A_1629, %get3A_1630, %get3A_1631] : memref<2x1x8x6xf32, #tpu.memory_space<smem>>
    %get3A_1633 = arith.constant 1 : index
    %get3A_1634 = arith.constant 0 : index
    %get3A_1635 = arith.constant 2 : index
    %get3A_1636 = arith.constant 3 : index
    %get3A_1637 = memref.load %arg5[%get3A_1633, %get3A_1634, %get3A_1635, %get3A_1636] : memref<2x1x8x6xf32, #tpu.memory_space<smem>>
    %get3A_1638 = arith.constant 1 : index
    %get3A_1639 = arith.constant 0 : index
    %get3A_1640 = arith.constant 2 : index
    %get3A_1641 = arith.constant 4 : index
    %get3A_1642 = memref.load %arg5[%get3A_1638, %get3A_1639, %get3A_1640, %get3A_1641] : memref<2x1x8x6xf32, #tpu.memory_space<smem>>
    %min3A_1643 = vector.broadcast %get3A_1632 : f32 to vector<70x128xf32>
    %min3A_1644 = arith.minimumf %min3A_1643, %add3A : vector<70x128xf32>
    %max3A_1645 = vector.broadcast %get3A_1622 : f32 to vector<70x128xf32>
    %max3A_1646 = arith.maximumf %max3A_1645, %sub3A : vector<70x128xf32>
    %sub3A_1647 = arith.subf %min3A_1644, %max3A_1646 : vector<70x128xf32>
    %max3A_1648 = arith.constant 0.000000e+00 : f32
    %max3A_1649 = vector.broadcast %max3A_1648 : f32 to vector<70x128xf32>
    %max3A_1650 = arith.maximumf %sub3A_1647, %max3A_1649 : vector<70x128xf32>
    %min3A_1651 = vector.broadcast %get3A_1637 : f32 to vector<70x128xf32>
    %min3A_1652 = arith.minimumf %min3A_1651, %add3A_31 : vector<70x128xf32>
    %max3A_1653 = vector.broadcast %get3A_1627 : f32 to vector<70x128xf32>
    %max3A_1654 = arith.maximumf %max3A_1653, %sub3A_24 : vector<70x128xf32>
    %sub3A_1655 = arith.subf %min3A_1652, %max3A_1654 : vector<70x128xf32>
    %max3A_1656 = arith.constant 0.000000e+00 : f32
    %max3A_1657 = vector.broadcast %max3A_1656 : f32 to vector<70x128xf32>
    %max3A_1658 = arith.maximumf %sub3A_1655, %max3A_1657 : vector<70x128xf32>
    %mul3A_1659 = arith.mulf %max3A_1650, %max3A_1658 : vector<70x128xf32>
    %sub3A_1660 = arith.subf %get3A_1632, %get3A_1622 : f32
    %sub3A_1661 = arith.subf %get3A_1637, %get3A_1627 : f32
    %mul3A_1662 = arith.mulf %sub3A_1660, %sub3A_1661 : f32
    %add3A_1663 = vector.broadcast %mul3A_1662 : f32 to vector<70x128xf32>
    %add3A_1664 = arith.addf %add3A_1663, %mul3A_32 : vector<70x128xf32>
    %sub3A_1665 = arith.subf %add3A_1664, %mul3A_1659 : vector<70x128xf32>
    %div3A_1666 = arith.divf %mul3A_1659, %sub3A_1665 : vector<70x128xf32>
    %gt3A_1667 = arith.cmpf ogt, %div3A_1666, %select_n3A_1596 : vector<70x128xf32>
    %select_n3A_1668 = arith.select %gt3A_1667, %div3A_1666, %select_n3A_1596 : vector<70x128xi1>, vector<70x128xf32>
    %jit3A_1669 = arith.constant 2 : i32
    %broadcast_in_dim3A_1670 = vector.broadcast %jit3A_1669 : i32 to vector<70x128xi32>
    %select_n3A_1671 = arith.select %gt3A_1667, %broadcast_in_dim3A_1670, %select_n3A_1599 : vector<70x128xi1>, vector<70x128xi32>
    %jit3A_1672 = arith.constant -1.000000e+00 : f32
    %broadcast_in_dim3A_1673 = vector.broadcast %jit3A_1672 : f32 to vector<70x128xf32>
    %select_n3A_1674 = arith.select %lt3A_39, %div3A_1666, %broadcast_in_dim3A_1673 : vector<70x128xi1>, vector<70x128xf32>
    %reduce_max3A_1675 = vector.shape_cast %select_n3A_1674 : vector<70x128xf32> to vector<1x70x128xf32>
    %reduce_max3A_1676 = arith.constant dense<0xFF800000> : vector<1xf32>
    %reduce_max3A_1677 = vector.multi_reduction <maximumf>, %reduce_max3A_1675, %reduce_max3A_1676 [1, 2] : vector<1x70x128xf32> to vector<1xf32>
    %reduce_max3A_1678 = vector.shape_cast %reduce_max3A_1677 : vector<1xf32> to vector<1x1x1xf32>
    %reduce_max3A_1679 = vector.extract %reduce_max3A_1678[0, 0, 0] : f32 from vector<1x1x1xf32>
    %eq3A_1680 = vector.broadcast %reduce_max3A_1679 : f32 to vector<70x128xf32>
    %eq3A_1681 = arith.cmpf oeq, %select_n3A_1674, %eq3A_1680 : vector<70x128xf32>
    %jit3A_1682 = arith.constant 1073741824 : i32
    %broadcast_in_dim3A_1683 = vector.broadcast %jit3A_1682 : i32 to vector<70x128xi32>
    %select_n3A_1684 = arith.select %eq3A_1681, %add3A_37, %broadcast_in_dim3A_1683 : vector<70x128xi1>, vector<70x128xi32>
    %reduce_min3A_1685 = vector.shape_cast %select_n3A_1684 : vector<70x128xi32> to vector<1x70x128xi32>
    %reduce_min3A_1686 = arith.constant dense<2147483647> : vector<1xi32>
    %reduce_min3A_1687 = vector.multi_reduction <minsi>, %reduce_min3A_1685, %reduce_min3A_1686 [1, 2] : vector<1x70x128xi32> to vector<1xi32>
    %reduce_min3A_1688 = vector.shape_cast %reduce_min3A_1687 : vector<1xi32> to vector<1x1x1xi32>
    %reduce_min3A_1689 = vector.extract %reduce_min3A_1688[0, 0, 0] : i32 from vector<1x1x1xi32>
    %get3A_1690 = arith.constant 1 : index
    %get3A_1691 = arith.constant 0 : index
    %get3A_1692 = arith.constant 3 : index
    %get3A_1693 = arith.constant 0 : index
    %get3A_1694 = memref.load %arg5[%get3A_1690, %get3A_1691, %get3A_1692, %get3A_1693] : memref<2x1x8x6xf32, #tpu.memory_space<smem>>
    %get3A_1695 = arith.constant 1 : index
    %get3A_1696 = arith.constant 0 : index
    %get3A_1697 = arith.constant 3 : index
    %get3A_1698 = arith.constant 1 : index
    %get3A_1699 = memref.load %arg5[%get3A_1695, %get3A_1696, %get3A_1697, %get3A_1698] : memref<2x1x8x6xf32, #tpu.memory_space<smem>>
    %get3A_1700 = arith.constant 1 : index
    %get3A_1701 = arith.constant 0 : index
    %get3A_1702 = arith.constant 3 : index
    %get3A_1703 = arith.constant 2 : index
    %get3A_1704 = memref.load %arg5[%get3A_1700, %get3A_1701, %get3A_1702, %get3A_1703] : memref<2x1x8x6xf32, #tpu.memory_space<smem>>
    %get3A_1705 = arith.constant 1 : index
    %get3A_1706 = arith.constant 0 : index
    %get3A_1707 = arith.constant 3 : index
    %get3A_1708 = arith.constant 3 : index
    %get3A_1709 = memref.load %arg5[%get3A_1705, %get3A_1706, %get3A_1707, %get3A_1708] : memref<2x1x8x6xf32, #tpu.memory_space<smem>>
    %get3A_1710 = arith.constant 1 : index
    %get3A_1711 = arith.constant 0 : index
    %get3A_1712 = arith.constant 3 : index
    %get3A_1713 = arith.constant 4 : index
    %get3A_1714 = memref.load %arg5[%get3A_1710, %get3A_1711, %get3A_1712, %get3A_1713] : memref<2x1x8x6xf32, #tpu.memory_space<smem>>
    %min3A_1715 = vector.broadcast %get3A_1704 : f32 to vector<70x128xf32>
    %min3A_1716 = arith.minimumf %min3A_1715, %add3A : vector<70x128xf32>
    %max3A_1717 = vector.broadcast %get3A_1694 : f32 to vector<70x128xf32>
    %max3A_1718 = arith.maximumf %max3A_1717, %sub3A : vector<70x128xf32>
    %sub3A_1719 = arith.subf %min3A_1716, %max3A_1718 : vector<70x128xf32>
    %max3A_1720 = arith.constant 0.000000e+00 : f32
    %max3A_1721 = vector.broadcast %max3A_1720 : f32 to vector<70x128xf32>
    %max3A_1722 = arith.maximumf %sub3A_1719, %max3A_1721 : vector<70x128xf32>
    %min3A_1723 = vector.broadcast %get3A_1709 : f32 to vector<70x128xf32>
    %min3A_1724 = arith.minimumf %min3A_1723, %add3A_31 : vector<70x128xf32>
    %max3A_1725 = vector.broadcast %get3A_1699 : f32 to vector<70x128xf32>
    %max3A_1726 = arith.maximumf %max3A_1725, %sub3A_24 : vector<70x128xf32>
    %sub3A_1727 = arith.subf %min3A_1724, %max3A_1726 : vector<70x128xf32>
    %max3A_1728 = arith.constant 0.000000e+00 : f32
    %max3A_1729 = vector.broadcast %max3A_1728 : f32 to vector<70x128xf32>
    %max3A_1730 = arith.maximumf %sub3A_1727, %max3A_1729 : vector<70x128xf32>
    %mul3A_1731 = arith.mulf %max3A_1722, %max3A_1730 : vector<70x128xf32>
    %sub3A_1732 = arith.subf %get3A_1704, %get3A_1694 : f32
    %sub3A_1733 = arith.subf %get3A_1709, %get3A_1699 : f32
    %mul3A_1734 = arith.mulf %sub3A_1732, %sub3A_1733 : f32
    %add3A_1735 = vector.broadcast %mul3A_1734 : f32 to vector<70x128xf32>
    %add3A_1736 = arith.addf %add3A_1735, %mul3A_32 : vector<70x128xf32>
    %sub3A_1737 = arith.subf %add3A_1736, %mul3A_1731 : vector<70x128xf32>
    %div3A_1738 = arith.divf %mul3A_1731, %sub3A_1737 : vector<70x128xf32>
    %gt3A_1739 = arith.cmpf ogt, %div3A_1738, %select_n3A_1668 : vector<70x128xf32>
    %select_n3A_1740 = arith.select %gt3A_1739, %div3A_1738, %select_n3A_1668 : vector<70x128xi1>, vector<70x128xf32>
    %jit3A_1741 = arith.constant 3 : i32
    %broadcast_in_dim3A_1742 = vector.broadcast %jit3A_1741 : i32 to vector<70x128xi32>
    %select_n3A_1743 = arith.select %gt3A_1739, %broadcast_in_dim3A_1742, %select_n3A_1671 : vector<70x128xi1>, vector<70x128xi32>
    %jit3A_1744 = arith.constant -1.000000e+00 : f32
    %broadcast_in_dim3A_1745 = vector.broadcast %jit3A_1744 : f32 to vector<70x128xf32>
    %select_n3A_1746 = arith.select %lt3A_39, %div3A_1738, %broadcast_in_dim3A_1745 : vector<70x128xi1>, vector<70x128xf32>
    %reduce_max3A_1747 = vector.shape_cast %select_n3A_1746 : vector<70x128xf32> to vector<1x70x128xf32>
    %reduce_max3A_1748 = arith.constant dense<0xFF800000> : vector<1xf32>
    %reduce_max3A_1749 = vector.multi_reduction <maximumf>, %reduce_max3A_1747, %reduce_max3A_1748 [1, 2] : vector<1x70x128xf32> to vector<1xf32>
    %reduce_max3A_1750 = vector.shape_cast %reduce_max3A_1749 : vector<1xf32> to vector<1x1x1xf32>
    %reduce_max3A_1751 = vector.extract %reduce_max3A_1750[0, 0, 0] : f32 from vector<1x1x1xf32>
    %eq3A_1752 = vector.broadcast %reduce_max3A_1751 : f32 to vector<70x128xf32>
    %eq3A_1753 = arith.cmpf oeq, %select_n3A_1746, %eq3A_1752 : vector<70x128xf32>
    %jit3A_1754 = arith.constant 1073741824 : i32
    %broadcast_in_dim3A_1755 = vector.broadcast %jit3A_1754 : i32 to vector<70x128xi32>
    %select_n3A_1756 = arith.select %eq3A_1753, %add3A_37, %broadcast_in_dim3A_1755 : vector<70x128xi1>, vector<70x128xi32>
    %reduce_min3A_1757 = vector.shape_cast %select_n3A_1756 : vector<70x128xi32> to vector<1x70x128xi32>
    %reduce_min3A_1758 = arith.constant dense<2147483647> : vector<1xi32>
    %reduce_min3A_1759 = vector.multi_reduction <minsi>, %reduce_min3A_1757, %reduce_min3A_1758 [1, 2] : vector<1x70x128xi32> to vector<1xi32>
    %reduce_min3A_1760 = vector.shape_cast %reduce_min3A_1759 : vector<1xi32> to vector<1x1x1xi32>
    %reduce_min3A_1761 = vector.extract %reduce_min3A_1760[0, 0, 0] : i32 from vector<1x1x1xi32>
    %get3A_1762 = arith.constant 1 : index
    %get3A_1763 = arith.constant 0 : index
    %get3A_1764 = arith.constant 4 : index
    %get3A_1765 = arith.constant 0 : index
    %get3A_1766 = memref.load %arg5[%get3A_1762, %get3A_1763, %get3A_1764, %get3A_1765] : memref<2x1x8x6xf32, #tpu.memory_space<smem>>
    %get3A_1767 = arith.constant 1 : index
    %get3A_1768 = arith.constant 0 : index
    %get3A_1769 = arith.constant 4 : index
    %get3A_1770 = arith.constant 1 : index
    %get3A_1771 = memref.load %arg5[%get3A_1767, %get3A_1768, %get3A_1769, %get3A_1770] : memref<2x1x8x6xf32, #tpu.memory_space<smem>>
    %get3A_1772 = arith.constant 1 : index
    %get3A_1773 = arith.constant 0 : index
    %get3A_1774 = arith.constant 4 : index
    %get3A_1775 = arith.constant 2 : index
    %get3A_1776 = memref.load %arg5[%get3A_1772, %get3A_1773, %get3A_1774, %get3A_1775] : memref<2x1x8x6xf32, #tpu.memory_space<smem>>
    %get3A_1777 = arith.constant 1 : index
    %get3A_1778 = arith.constant 0 : index
    %get3A_1779 = arith.constant 4 : index
    %get3A_1780 = arith.constant 3 : index
    %get3A_1781 = memref.load %arg5[%get3A_1777, %get3A_1778, %get3A_1779, %get3A_1780] : memref<2x1x8x6xf32, #tpu.memory_space<smem>>
    %get3A_1782 = arith.constant 1 : index
    %get3A_1783 = arith.constant 0 : index
    %get3A_1784 = arith.constant 4 : index
    %get3A_1785 = arith.constant 4 : index
    %get3A_1786 = memref.load %arg5[%get3A_1782, %get3A_1783, %get3A_1784, %get3A_1785] : memref<2x1x8x6xf32, #tpu.memory_space<smem>>
    %min3A_1787 = vector.broadcast %get3A_1776 : f32 to vector<70x128xf32>
    %min3A_1788 = arith.minimumf %min3A_1787, %add3A : vector<70x128xf32>
    %max3A_1789 = vector.broadcast %get3A_1766 : f32 to vector<70x128xf32>
    %max3A_1790 = arith.maximumf %max3A_1789, %sub3A : vector<70x128xf32>
    %sub3A_1791 = arith.subf %min3A_1788, %max3A_1790 : vector<70x128xf32>
    %max3A_1792 = arith.constant 0.000000e+00 : f32
    %max3A_1793 = vector.broadcast %max3A_1792 : f32 to vector<70x128xf32>
    %max3A_1794 = arith.maximumf %sub3A_1791, %max3A_1793 : vector<70x128xf32>
    %min3A_1795 = vector.broadcast %get3A_1781 : f32 to vector<70x128xf32>
    %min3A_1796 = arith.minimumf %min3A_1795, %add3A_31 : vector<70x128xf32>
    %max3A_1797 = vector.broadcast %get3A_1771 : f32 to vector<70x128xf32>
    %max3A_1798 = arith.maximumf %max3A_1797, %sub3A_24 : vector<70x128xf32>
    %sub3A_1799 = arith.subf %min3A_1796, %max3A_1798 : vector<70x128xf32>
    %max3A_1800 = arith.constant 0.000000e+00 : f32
    %max3A_1801 = vector.broadcast %max3A_1800 : f32 to vector<70x128xf32>
    %max3A_1802 = arith.maximumf %sub3A_1799, %max3A_1801 : vector<70x128xf32>
    %mul3A_1803 = arith.mulf %max3A_1794, %max3A_1802 : vector<70x128xf32>
    %sub3A_1804 = arith.subf %get3A_1776, %get3A_1766 : f32
    %sub3A_1805 = arith.subf %get3A_1781, %get3A_1771 : f32
    %mul3A_1806 = arith.mulf %sub3A_1804, %sub3A_1805 : f32
    %add3A_1807 = vector.broadcast %mul3A_1806 : f32 to vector<70x128xf32>
    %add3A_1808 = arith.addf %add3A_1807, %mul3A_32 : vector<70x128xf32>
    %sub3A_1809 = arith.subf %add3A_1808, %mul3A_1803 : vector<70x128xf32>
    %div3A_1810 = arith.divf %mul3A_1803, %sub3A_1809 : vector<70x128xf32>
    %gt3A_1811 = arith.cmpf ogt, %div3A_1810, %select_n3A_1740 : vector<70x128xf32>
    %select_n3A_1812 = arith.select %gt3A_1811, %div3A_1810, %select_n3A_1740 : vector<70x128xi1>, vector<70x128xf32>
    %jit3A_1813 = arith.constant 4 : i32
    %broadcast_in_dim3A_1814 = vector.broadcast %jit3A_1813 : i32 to vector<70x128xi32>
    %select_n3A_1815 = arith.select %gt3A_1811, %broadcast_in_dim3A_1814, %select_n3A_1743 : vector<70x128xi1>, vector<70x128xi32>
    %jit3A_1816 = arith.constant -1.000000e+00 : f32
    %broadcast_in_dim3A_1817 = vector.broadcast %jit3A_1816 : f32 to vector<70x128xf32>
    %select_n3A_1818 = arith.select %lt3A_39, %div3A_1810, %broadcast_in_dim3A_1817 : vector<70x128xi1>, vector<70x128xf32>
    %reduce_max3A_1819 = vector.shape_cast %select_n3A_1818 : vector<70x128xf32> to vector<1x70x128xf32>
    %reduce_max3A_1820 = arith.constant dense<0xFF800000> : vector<1xf32>
    %reduce_max3A_1821 = vector.multi_reduction <maximumf>, %reduce_max3A_1819, %reduce_max3A_1820 [1, 2] : vector<1x70x128xf32> to vector<1xf32>
    %reduce_max3A_1822 = vector.shape_cast %reduce_max3A_1821 : vector<1xf32> to vector<1x1x1xf32>
    %reduce_max3A_1823 = vector.extract %reduce_max3A_1822[0, 0, 0] : f32 from vector<1x1x1xf32>
    %eq3A_1824 = vector.broadcast %reduce_max3A_1823 : f32 to vector<70x128xf32>
    %eq3A_1825 = arith.cmpf oeq, %select_n3A_1818, %eq3A_1824 : vector<70x128xf32>
    %jit3A_1826 = arith.constant 1073741824 : i32
    %broadcast_in_dim3A_1827 = vector.broadcast %jit3A_1826 : i32 to vector<70x128xi32>
    %select_n3A_1828 = arith.select %eq3A_1825, %add3A_37, %broadcast_in_dim3A_1827 : vector<70x128xi1>, vector<70x128xi32>
    %reduce_min3A_1829 = vector.shape_cast %select_n3A_1828 : vector<70x128xi32> to vector<1x70x128xi32>
    %reduce_min3A_1830 = arith.constant dense<2147483647> : vector<1xi32>
    %reduce_min3A_1831 = vector.multi_reduction <minsi>, %reduce_min3A_1829, %reduce_min3A_1830 [1, 2] : vector<1x70x128xi32> to vector<1xi32>
    %reduce_min3A_1832 = vector.shape_cast %reduce_min3A_1831 : vector<1xi32> to vector<1x1x1xi32>
    %reduce_min3A_1833 = vector.extract %reduce_min3A_1832[0, 0, 0] : i32 from vector<1x1x1xi32>
    %get3A_1834 = arith.constant 1 : index
    %get3A_1835 = arith.constant 0 : index
    %get3A_1836 = arith.constant 5 : index
    %get3A_1837 = arith.constant 0 : index
    %get3A_1838 = memref.load %arg5[%get3A_1834, %get3A_1835, %get3A_1836, %get3A_1837] : memref<2x1x8x6xf32, #tpu.memory_space<smem>>
    %get3A_1839 = arith.constant 1 : index
    %get3A_1840 = arith.constant 0 : index
    %get3A_1841 = arith.constant 5 : index
    %get3A_1842 = arith.constant 1 : index
    %get3A_1843 = memref.load %arg5[%get3A_1839, %get3A_1840, %get3A_1841, %get3A_1842] : memref<2x1x8x6xf32, #tpu.memory_space<smem>>
    %get3A_1844 = arith.constant 1 : index
    %get3A_1845 = arith.constant 0 : index
    %get3A_1846 = arith.constant 5 : index
    %get3A_1847 = arith.constant 2 : index
    %get3A_1848 = memref.load %arg5[%get3A_1844, %get3A_1845, %get3A_1846, %get3A_1847] : memref<2x1x8x6xf32, #tpu.memory_space<smem>>
    %get3A_1849 = arith.constant 1 : index
    %get3A_1850 = arith.constant 0 : index
    %get3A_1851 = arith.constant 5 : index
    %get3A_1852 = arith.constant 3 : index
    %get3A_1853 = memref.load %arg5[%get3A_1849, %get3A_1850, %get3A_1851, %get3A_1852] : memref<2x1x8x6xf32, #tpu.memory_space<smem>>
    %get3A_1854 = arith.constant 1 : index
    %get3A_1855 = arith.constant 0 : index
    %get3A_1856 = arith.constant 5 : index
    %get3A_1857 = arith.constant 4 : index
    %get3A_1858 = memref.load %arg5[%get3A_1854, %get3A_1855, %get3A_1856, %get3A_1857] : memref<2x1x8x6xf32, #tpu.memory_space<smem>>
    %min3A_1859 = vector.broadcast %get3A_1848 : f32 to vector<70x128xf32>
    %min3A_1860 = arith.minimumf %min3A_1859, %add3A : vector<70x128xf32>
    %max3A_1861 = vector.broadcast %get3A_1838 : f32 to vector<70x128xf32>
    %max3A_1862 = arith.maximumf %max3A_1861, %sub3A : vector<70x128xf32>
    %sub3A_1863 = arith.subf %min3A_1860, %max3A_1862 : vector<70x128xf32>
    %max3A_1864 = arith.constant 0.000000e+00 : f32
    %max3A_1865 = vector.broadcast %max3A_1864 : f32 to vector<70x128xf32>
    %max3A_1866 = arith.maximumf %sub3A_1863, %max3A_1865 : vector<70x128xf32>
    %min3A_1867 = vector.broadcast %get3A_1853 : f32 to vector<70x128xf32>
    %min3A_1868 = arith.minimumf %min3A_1867, %add3A_31 : vector<70x128xf32>
    %max3A_1869 = vector.broadcast %get3A_1843 : f32 to vector<70x128xf32>
    %max3A_1870 = arith.maximumf %max3A_1869, %sub3A_24 : vector<70x128xf32>
    %sub3A_1871 = arith.subf %min3A_1868, %max3A_1870 : vector<70x128xf32>
    %max3A_1872 = arith.constant 0.000000e+00 : f32
    %max3A_1873 = vector.broadcast %max3A_1872 : f32 to vector<70x128xf32>
    %max3A_1874 = arith.maximumf %sub3A_1871, %max3A_1873 : vector<70x128xf32>
    %mul3A_1875 = arith.mulf %max3A_1866, %max3A_1874 : vector<70x128xf32>
    %sub3A_1876 = arith.subf %get3A_1848, %get3A_1838 : f32
    %sub3A_1877 = arith.subf %get3A_1853, %get3A_1843 : f32
    %mul3A_1878 = arith.mulf %sub3A_1876, %sub3A_1877 : f32
    %add3A_1879 = vector.broadcast %mul3A_1878 : f32 to vector<70x128xf32>
    %add3A_1880 = arith.addf %add3A_1879, %mul3A_32 : vector<70x128xf32>
    %sub3A_1881 = arith.subf %add3A_1880, %mul3A_1875 : vector<70x128xf32>
    %div3A_1882 = arith.divf %mul3A_1875, %sub3A_1881 : vector<70x128xf32>
    %gt3A_1883 = arith.cmpf ogt, %div3A_1882, %select_n3A_1812 : vector<70x128xf32>
    %select_n3A_1884 = arith.select %gt3A_1883, %div3A_1882, %select_n3A_1812 : vector<70x128xi1>, vector<70x128xf32>
    %jit3A_1885 = arith.constant 5 : i32
    %broadcast_in_dim3A_1886 = vector.broadcast %jit3A_1885 : i32 to vector<70x128xi32>
    %select_n3A_1887 = arith.select %gt3A_1883, %broadcast_in_dim3A_1886, %select_n3A_1815 : vector<70x128xi1>, vector<70x128xi32>
    %jit3A_1888 = arith.constant -1.000000e+00 : f32
    %broadcast_in_dim3A_1889 = vector.broadcast %jit3A_1888 : f32 to vector<70x128xf32>
    %select_n3A_1890 = arith.select %lt3A_39, %div3A_1882, %broadcast_in_dim3A_1889 : vector<70x128xi1>, vector<70x128xf32>
    %reduce_max3A_1891 = vector.shape_cast %select_n3A_1890 : vector<70x128xf32> to vector<1x70x128xf32>
    %reduce_max3A_1892 = arith.constant dense<0xFF800000> : vector<1xf32>
    %reduce_max3A_1893 = vector.multi_reduction <maximumf>, %reduce_max3A_1891, %reduce_max3A_1892 [1, 2] : vector<1x70x128xf32> to vector<1xf32>
    %reduce_max3A_1894 = vector.shape_cast %reduce_max3A_1893 : vector<1xf32> to vector<1x1x1xf32>
    %reduce_max3A_1895 = vector.extract %reduce_max3A_1894[0, 0, 0] : f32 from vector<1x1x1xf32>
    %eq3A_1896 = vector.broadcast %reduce_max3A_1895 : f32 to vector<70x128xf32>
    %eq3A_1897 = arith.cmpf oeq, %select_n3A_1890, %eq3A_1896 : vector<70x128xf32>
    %jit3A_1898 = arith.constant 1073741824 : i32
    %broadcast_in_dim3A_1899 = vector.broadcast %jit3A_1898 : i32 to vector<70x128xi32>
    %select_n3A_1900 = arith.select %eq3A_1897, %add3A_37, %broadcast_in_dim3A_1899 : vector<70x128xi1>, vector<70x128xi32>
    %reduce_min3A_1901 = vector.shape_cast %select_n3A_1900 : vector<70x128xi32> to vector<1x70x128xi32>
    %reduce_min3A_1902 = arith.constant dense<2147483647> : vector<1xi32>
    %reduce_min3A_1903 = vector.multi_reduction <minsi>, %reduce_min3A_1901, %reduce_min3A_1902 [1, 2] : vector<1x70x128xi32> to vector<1xi32>
    %reduce_min3A_1904 = vector.shape_cast %reduce_min3A_1903 : vector<1xi32> to vector<1x1x1xi32>
    %reduce_min3A_1905 = vector.extract %reduce_min3A_1904[0, 0, 0] : i32 from vector<1x1x1xi32>
    %get3A_1906 = arith.constant 1 : index
    %get3A_1907 = arith.constant 0 : index
    %get3A_1908 = arith.constant 6 : index
    %get3A_1909 = arith.constant 0 : index
    %get3A_1910 = memref.load %arg5[%get3A_1906, %get3A_1907, %get3A_1908, %get3A_1909] : memref<2x1x8x6xf32, #tpu.memory_space<smem>>
    %get3A_1911 = arith.constant 1 : index
    %get3A_1912 = arith.constant 0 : index
    %get3A_1913 = arith.constant 6 : index
    %get3A_1914 = arith.constant 1 : index
    %get3A_1915 = memref.load %arg5[%get3A_1911, %get3A_1912, %get3A_1913, %get3A_1914] : memref<2x1x8x6xf32, #tpu.memory_space<smem>>
    %get3A_1916 = arith.constant 1 : index
    %get3A_1917 = arith.constant 0 : index
    %get3A_1918 = arith.constant 6 : index
    %get3A_1919 = arith.constant 2 : index
    %get3A_1920 = memref.load %arg5[%get3A_1916, %get3A_1917, %get3A_1918, %get3A_1919] : memref<2x1x8x6xf32, #tpu.memory_space<smem>>
    %get3A_1921 = arith.constant 1 : index
    %get3A_1922 = arith.constant 0 : index
    %get3A_1923 = arith.constant 6 : index
    %get3A_1924 = arith.constant 3 : index
    %get3A_1925 = memref.load %arg5[%get3A_1921, %get3A_1922, %get3A_1923, %get3A_1924] : memref<2x1x8x6xf32, #tpu.memory_space<smem>>
    %get3A_1926 = arith.constant 1 : index
    %get3A_1927 = arith.constant 0 : index
    %get3A_1928 = arith.constant 6 : index
    %get3A_1929 = arith.constant 4 : index
    %get3A_1930 = memref.load %arg5[%get3A_1926, %get3A_1927, %get3A_1928, %get3A_1929] : memref<2x1x8x6xf32, #tpu.memory_space<smem>>
    %min3A_1931 = vector.broadcast %get3A_1920 : f32 to vector<70x128xf32>
    %min3A_1932 = arith.minimumf %min3A_1931, %add3A : vector<70x128xf32>
    %max3A_1933 = vector.broadcast %get3A_1910 : f32 to vector<70x128xf32>
    %max3A_1934 = arith.maximumf %max3A_1933, %sub3A : vector<70x128xf32>
    %sub3A_1935 = arith.subf %min3A_1932, %max3A_1934 : vector<70x128xf32>
    %max3A_1936 = arith.constant 0.000000e+00 : f32
    %max3A_1937 = vector.broadcast %max3A_1936 : f32 to vector<70x128xf32>
    %max3A_1938 = arith.maximumf %sub3A_1935, %max3A_1937 : vector<70x128xf32>
    %min3A_1939 = vector.broadcast %get3A_1925 : f32 to vector<70x128xf32>
    %min3A_1940 = arith.minimumf %min3A_1939, %add3A_31 : vector<70x128xf32>
    %max3A_1941 = vector.broadcast %get3A_1915 : f32 to vector<70x128xf32>
    %max3A_1942 = arith.maximumf %max3A_1941, %sub3A_24 : vector<70x128xf32>
    %sub3A_1943 = arith.subf %min3A_1940, %max3A_1942 : vector<70x128xf32>
    %max3A_1944 = arith.constant 0.000000e+00 : f32
    %max3A_1945 = vector.broadcast %max3A_1944 : f32 to vector<70x128xf32>
    %max3A_1946 = arith.maximumf %sub3A_1943, %max3A_1945 : vector<70x128xf32>
    %mul3A_1947 = arith.mulf %max3A_1938, %max3A_1946 : vector<70x128xf32>
    %sub3A_1948 = arith.subf %get3A_1920, %get3A_1910 : f32
    %sub3A_1949 = arith.subf %get3A_1925, %get3A_1915 : f32
    %mul3A_1950 = arith.mulf %sub3A_1948, %sub3A_1949 : f32
    %add3A_1951 = vector.broadcast %mul3A_1950 : f32 to vector<70x128xf32>
    %add3A_1952 = arith.addf %add3A_1951, %mul3A_32 : vector<70x128xf32>
    %sub3A_1953 = arith.subf %add3A_1952, %mul3A_1947 : vector<70x128xf32>
    %div3A_1954 = arith.divf %mul3A_1947, %sub3A_1953 : vector<70x128xf32>
    %gt3A_1955 = arith.cmpf ogt, %div3A_1954, %select_n3A_1884 : vector<70x128xf32>
    %select_n3A_1956 = arith.select %gt3A_1955, %div3A_1954, %select_n3A_1884 : vector<70x128xi1>, vector<70x128xf32>
    %jit3A_1957 = arith.constant 6 : i32
    %broadcast_in_dim3A_1958 = vector.broadcast %jit3A_1957 : i32 to vector<70x128xi32>
    %select_n3A_1959 = arith.select %gt3A_1955, %broadcast_in_dim3A_1958, %select_n3A_1887 : vector<70x128xi1>, vector<70x128xi32>
    %jit3A_1960 = arith.constant -1.000000e+00 : f32
    %broadcast_in_dim3A_1961 = vector.broadcast %jit3A_1960 : f32 to vector<70x128xf32>
    %select_n3A_1962 = arith.select %lt3A_39, %div3A_1954, %broadcast_in_dim3A_1961 : vector<70x128xi1>, vector<70x128xf32>
    %reduce_max3A_1963 = vector.shape_cast %select_n3A_1962 : vector<70x128xf32> to vector<1x70x128xf32>
    %reduce_max3A_1964 = arith.constant dense<0xFF800000> : vector<1xf32>
    %reduce_max3A_1965 = vector.multi_reduction <maximumf>, %reduce_max3A_1963, %reduce_max3A_1964 [1, 2] : vector<1x70x128xf32> to vector<1xf32>
    %reduce_max3A_1966 = vector.shape_cast %reduce_max3A_1965 : vector<1xf32> to vector<1x1x1xf32>
    %reduce_max3A_1967 = vector.extract %reduce_max3A_1966[0, 0, 0] : f32 from vector<1x1x1xf32>
    %eq3A_1968 = vector.broadcast %reduce_max3A_1967 : f32 to vector<70x128xf32>
    %eq3A_1969 = arith.cmpf oeq, %select_n3A_1962, %eq3A_1968 : vector<70x128xf32>
    %jit3A_1970 = arith.constant 1073741824 : i32
    %broadcast_in_dim3A_1971 = vector.broadcast %jit3A_1970 : i32 to vector<70x128xi32>
    %select_n3A_1972 = arith.select %eq3A_1969, %add3A_37, %broadcast_in_dim3A_1971 : vector<70x128xi1>, vector<70x128xi32>
    %reduce_min3A_1973 = vector.shape_cast %select_n3A_1972 : vector<70x128xi32> to vector<1x70x128xi32>
    %reduce_min3A_1974 = arith.constant dense<2147483647> : vector<1xi32>
    %reduce_min3A_1975 = vector.multi_reduction <minsi>, %reduce_min3A_1973, %reduce_min3A_1974 [1, 2] : vector<1x70x128xi32> to vector<1xi32>
    %reduce_min3A_1976 = vector.shape_cast %reduce_min3A_1975 : vector<1xi32> to vector<1x1x1xi32>
    %reduce_min3A_1977 = vector.extract %reduce_min3A_1976[0, 0, 0] : i32 from vector<1x1x1xi32>
    %get3A_1978 = arith.constant 1 : index
    %get3A_1979 = arith.constant 0 : index
    %get3A_1980 = arith.constant 7 : index
    %get3A_1981 = arith.constant 0 : index
    %get3A_1982 = memref.load %arg5[%get3A_1978, %get3A_1979, %get3A_1980, %get3A_1981] : memref<2x1x8x6xf32, #tpu.memory_space<smem>>
    %get3A_1983 = arith.constant 1 : index
    %get3A_1984 = arith.constant 0 : index
    %get3A_1985 = arith.constant 7 : index
    %get3A_1986 = arith.constant 1 : index
    %get3A_1987 = memref.load %arg5[%get3A_1983, %get3A_1984, %get3A_1985, %get3A_1986] : memref<2x1x8x6xf32, #tpu.memory_space<smem>>
    %get3A_1988 = arith.constant 1 : index
    %get3A_1989 = arith.constant 0 : index
    %get3A_1990 = arith.constant 7 : index
    %get3A_1991 = arith.constant 2 : index
    %get3A_1992 = memref.load %arg5[%get3A_1988, %get3A_1989, %get3A_1990, %get3A_1991] : memref<2x1x8x6xf32, #tpu.memory_space<smem>>
    %get3A_1993 = arith.constant 1 : index
    %get3A_1994 = arith.constant 0 : index
    %get3A_1995 = arith.constant 7 : index
    %get3A_1996 = arith.constant 3 : index
    %get3A_1997 = memref.load %arg5[%get3A_1993, %get3A_1994, %get3A_1995, %get3A_1996] : memref<2x1x8x6xf32, #tpu.memory_space<smem>>
    %get3A_1998 = arith.constant 1 : index
    %get3A_1999 = arith.constant 0 : index
    %get3A_2000 = arith.constant 7 : index
    %get3A_2001 = arith.constant 4 : index
    %get3A_2002 = memref.load %arg5[%get3A_1998, %get3A_1999, %get3A_2000, %get3A_2001] : memref<2x1x8x6xf32, #tpu.memory_space<smem>>
    %min3A_2003 = vector.broadcast %get3A_1992 : f32 to vector<70x128xf32>
    %min3A_2004 = arith.minimumf %min3A_2003, %add3A : vector<70x128xf32>
    %max3A_2005 = vector.broadcast %get3A_1982 : f32 to vector<70x128xf32>
    %max3A_2006 = arith.maximumf %max3A_2005, %sub3A : vector<70x128xf32>
    %sub3A_2007 = arith.subf %min3A_2004, %max3A_2006 : vector<70x128xf32>
    %max3A_2008 = arith.constant 0.000000e+00 : f32
    %max3A_2009 = vector.broadcast %max3A_2008 : f32 to vector<70x128xf32>
    %max3A_2010 = arith.maximumf %sub3A_2007, %max3A_2009 : vector<70x128xf32>
    %min3A_2011 = vector.broadcast %get3A_1997 : f32 to vector<70x128xf32>
    %min3A_2012 = arith.minimumf %min3A_2011, %add3A_31 : vector<70x128xf32>
    %max3A_2013 = vector.broadcast %get3A_1987 : f32 to vector<70x128xf32>
    %max3A_2014 = arith.maximumf %max3A_2013, %sub3A_24 : vector<70x128xf32>
    %sub3A_2015 = arith.subf %min3A_2012, %max3A_2014 : vector<70x128xf32>
    %max3A_2016 = arith.constant 0.000000e+00 : f32
    %max3A_2017 = vector.broadcast %max3A_2016 : f32 to vector<70x128xf32>
    %max3A_2018 = arith.maximumf %sub3A_2015, %max3A_2017 : vector<70x128xf32>
    %mul3A_2019 = arith.mulf %max3A_2010, %max3A_2018 : vector<70x128xf32>
    %sub3A_2020 = arith.subf %get3A_1992, %get3A_1982 : f32
    %sub3A_2021 = arith.subf %get3A_1997, %get3A_1987 : f32
    %mul3A_2022 = arith.mulf %sub3A_2020, %sub3A_2021 : f32
    %add3A_2023 = vector.broadcast %mul3A_2022 : f32 to vector<70x128xf32>
    %add3A_2024 = arith.addf %add3A_2023, %mul3A_32 : vector<70x128xf32>
    %sub3A_2025 = arith.subf %add3A_2024, %mul3A_2019 : vector<70x128xf32>
    %div3A_2026 = arith.divf %mul3A_2019, %sub3A_2025 : vector<70x128xf32>
    %gt3A_2027 = arith.cmpf ogt, %div3A_2026, %select_n3A_1956 : vector<70x128xf32>
    %select_n3A_2028 = arith.select %gt3A_2027, %div3A_2026, %select_n3A_1956 : vector<70x128xi1>, vector<70x128xf32>
    %jit3A_2029 = arith.constant 7 : i32
    %broadcast_in_dim3A_2030 = vector.broadcast %jit3A_2029 : i32 to vector<70x128xi32>
    %select_n3A_2031 = arith.select %gt3A_2027, %broadcast_in_dim3A_2030, %select_n3A_1959 : vector<70x128xi1>, vector<70x128xi32>
    %jit3A_2032 = arith.constant -1.000000e+00 : f32
    %broadcast_in_dim3A_2033 = vector.broadcast %jit3A_2032 : f32 to vector<70x128xf32>
    %select_n3A_2034 = arith.select %lt3A_39, %div3A_2026, %broadcast_in_dim3A_2033 : vector<70x128xi1>, vector<70x128xf32>
    %reduce_max3A_2035 = vector.shape_cast %select_n3A_2034 : vector<70x128xf32> to vector<1x70x128xf32>
    %reduce_max3A_2036 = arith.constant dense<0xFF800000> : vector<1xf32>
    %reduce_max3A_2037 = vector.multi_reduction <maximumf>, %reduce_max3A_2035, %reduce_max3A_2036 [1, 2] : vector<1x70x128xf32> to vector<1xf32>
    %reduce_max3A_2038 = vector.shape_cast %reduce_max3A_2037 : vector<1xf32> to vector<1x1x1xf32>
    %reduce_max3A_2039 = vector.extract %reduce_max3A_2038[0, 0, 0] : f32 from vector<1x1x1xf32>
    %eq3A_2040 = vector.broadcast %reduce_max3A_2039 : f32 to vector<70x128xf32>
    %eq3A_2041 = arith.cmpf oeq, %select_n3A_2034, %eq3A_2040 : vector<70x128xf32>
    %jit3A_2042 = arith.constant 1073741824 : i32
    %broadcast_in_dim3A_2043 = vector.broadcast %jit3A_2042 : i32 to vector<70x128xi32>
    %select_n3A_2044 = arith.select %eq3A_2041, %add3A_37, %broadcast_in_dim3A_2043 : vector<70x128xi1>, vector<70x128xi32>
    %reduce_min3A_2045 = vector.shape_cast %select_n3A_2044 : vector<70x128xi32> to vector<1x70x128xi32>
    %reduce_min3A_2046 = arith.constant dense<2147483647> : vector<1xi32>
    %reduce_min3A_2047 = vector.multi_reduction <minsi>, %reduce_min3A_2045, %reduce_min3A_2046 [1, 2] : vector<1x70x128xi32> to vector<1xi32>
    %reduce_min3A_2048 = vector.shape_cast %reduce_min3A_2047 : vector<1xi32> to vector<1x1x1xi32>
    %reduce_min3A_2049 = vector.extract %reduce_min3A_2048[0, 0, 0] : i32 from vector<1x1x1xi32>
    %eq3A_2050 = vector.broadcast %reduce_min3A_1545 : i32 to vector<70x128xi32>
    %eq3A_2051 = arith.cmpi eq, %add3A_37, %eq3A_2050 : vector<70x128xi32>
    %jit3A_2052 = arith.constant 2.000000e+00 : f32
    %broadcast_in_dim3A_2053 = vector.broadcast %jit3A_2052 : f32 to vector<70x128xf32>
    %select_n3A_2054 = arith.select %eq3A_2051, %broadcast_in_dim3A_2053, %select_n3A_2028 : vector<70x128xi1>, vector<70x128xf32>
    %jit3A_2055 = arith.constant 0 : i32
    %broadcast_in_dim3A_2056 = vector.broadcast %jit3A_2055 : i32 to vector<70x128xi32>
    %select_n3A_2057 = arith.select %eq3A_2051, %broadcast_in_dim3A_2056, %select_n3A_2031 : vector<70x128xi1>, vector<70x128xi32>
    %eq3A_2058 = vector.broadcast %reduce_min3A_1617 : i32 to vector<70x128xi32>
    %eq3A_2059 = arith.cmpi eq, %add3A_37, %eq3A_2058 : vector<70x128xi32>
    %jit3A_2060 = arith.constant 2.000000e+00 : f32
    %broadcast_in_dim3A_2061 = vector.broadcast %jit3A_2060 : f32 to vector<70x128xf32>
    %select_n3A_2062 = arith.select %eq3A_2059, %broadcast_in_dim3A_2061, %select_n3A_2054 : vector<70x128xi1>, vector<70x128xf32>
    %jit3A_2063 = arith.constant 1 : i32
    %broadcast_in_dim3A_2064 = vector.broadcast %jit3A_2063 : i32 to vector<70x128xi32>
    %select_n3A_2065 = arith.select %eq3A_2059, %broadcast_in_dim3A_2064, %select_n3A_2057 : vector<70x128xi1>, vector<70x128xi32>
    %eq3A_2066 = vector.broadcast %reduce_min3A_1689 : i32 to vector<70x128xi32>
    %eq3A_2067 = arith.cmpi eq, %add3A_37, %eq3A_2066 : vector<70x128xi32>
    %jit3A_2068 = arith.constant 2.000000e+00 : f32
    %broadcast_in_dim3A_2069 = vector.broadcast %jit3A_2068 : f32 to vector<70x128xf32>
    %select_n3A_2070 = arith.select %eq3A_2067, %broadcast_in_dim3A_2069, %select_n3A_2062 : vector<70x128xi1>, vector<70x128xf32>
    %jit3A_2071 = arith.constant 2 : i32
    %broadcast_in_dim3A_2072 = vector.broadcast %jit3A_2071 : i32 to vector<70x128xi32>
    %select_n3A_2073 = arith.select %eq3A_2067, %broadcast_in_dim3A_2072, %select_n3A_2065 : vector<70x128xi1>, vector<70x128xi32>
    %eq3A_2074 = vector.broadcast %reduce_min3A_1761 : i32 to vector<70x128xi32>
    %eq3A_2075 = arith.cmpi eq, %add3A_37, %eq3A_2074 : vector<70x128xi32>
    %jit3A_2076 = arith.constant 2.000000e+00 : f32
    %broadcast_in_dim3A_2077 = vector.broadcast %jit3A_2076 : f32 to vector<70x128xf32>
    %select_n3A_2078 = arith.select %eq3A_2075, %broadcast_in_dim3A_2077, %select_n3A_2070 : vector<70x128xi1>, vector<70x128xf32>
    %jit3A_2079 = arith.constant 3 : i32
    %broadcast_in_dim3A_2080 = vector.broadcast %jit3A_2079 : i32 to vector<70x128xi32>
    %select_n3A_2081 = arith.select %eq3A_2075, %broadcast_in_dim3A_2080, %select_n3A_2073 : vector<70x128xi1>, vector<70x128xi32>
    %eq3A_2082 = vector.broadcast %reduce_min3A_1833 : i32 to vector<70x128xi32>
    %eq3A_2083 = arith.cmpi eq, %add3A_37, %eq3A_2082 : vector<70x128xi32>
    %jit3A_2084 = arith.constant 2.000000e+00 : f32
    %broadcast_in_dim3A_2085 = vector.broadcast %jit3A_2084 : f32 to vector<70x128xf32>
    %select_n3A_2086 = arith.select %eq3A_2083, %broadcast_in_dim3A_2085, %select_n3A_2078 : vector<70x128xi1>, vector<70x128xf32>
    %jit3A_2087 = arith.constant 4 : i32
    %broadcast_in_dim3A_2088 = vector.broadcast %jit3A_2087 : i32 to vector<70x128xi32>
    %select_n3A_2089 = arith.select %eq3A_2083, %broadcast_in_dim3A_2088, %select_n3A_2081 : vector<70x128xi1>, vector<70x128xi32>
    %eq3A_2090 = vector.broadcast %reduce_min3A_1905 : i32 to vector<70x128xi32>
    %eq3A_2091 = arith.cmpi eq, %add3A_37, %eq3A_2090 : vector<70x128xi32>
    %jit3A_2092 = arith.constant 2.000000e+00 : f32
    %broadcast_in_dim3A_2093 = vector.broadcast %jit3A_2092 : f32 to vector<70x128xf32>
    %select_n3A_2094 = arith.select %eq3A_2091, %broadcast_in_dim3A_2093, %select_n3A_2086 : vector<70x128xi1>, vector<70x128xf32>
    %jit3A_2095 = arith.constant 5 : i32
    %broadcast_in_dim3A_2096 = vector.broadcast %jit3A_2095 : i32 to vector<70x128xi32>
    %select_n3A_2097 = arith.select %eq3A_2091, %broadcast_in_dim3A_2096, %select_n3A_2089 : vector<70x128xi1>, vector<70x128xi32>
    %eq3A_2098 = vector.broadcast %reduce_min3A_1977 : i32 to vector<70x128xi32>
    %eq3A_2099 = arith.cmpi eq, %add3A_37, %eq3A_2098 : vector<70x128xi32>
    %jit3A_2100 = arith.constant 2.000000e+00 : f32
    %broadcast_in_dim3A_2101 = vector.broadcast %jit3A_2100 : f32 to vector<70x128xf32>
    %select_n3A_2102 = arith.select %eq3A_2099, %broadcast_in_dim3A_2101, %select_n3A_2094 : vector<70x128xi1>, vector<70x128xf32>
    %jit3A_2103 = arith.constant 6 : i32
    %broadcast_in_dim3A_2104 = vector.broadcast %jit3A_2103 : i32 to vector<70x128xi32>
    %select_n3A_2105 = arith.select %eq3A_2099, %broadcast_in_dim3A_2104, %select_n3A_2097 : vector<70x128xi1>, vector<70x128xi32>
    %eq3A_2106 = vector.broadcast %reduce_min3A_2049 : i32 to vector<70x128xi32>
    %eq3A_2107 = arith.cmpi eq, %add3A_37, %eq3A_2106 : vector<70x128xi32>
    %jit3A_2108 = arith.constant 2.000000e+00 : f32
    %broadcast_in_dim3A_2109 = vector.broadcast %jit3A_2108 : f32 to vector<70x128xf32>
    %select_n3A_2110 = arith.select %eq3A_2107, %broadcast_in_dim3A_2109, %select_n3A_2102 : vector<70x128xi1>, vector<70x128xf32>
    %jit3A_2111 = arith.constant 7 : i32
    %broadcast_in_dim3A_2112 = vector.broadcast %jit3A_2111 : i32 to vector<70x128xi32>
    %select_n3A_2113 = arith.select %eq3A_2107, %broadcast_in_dim3A_2112, %select_n3A_2105 : vector<70x128xi1>, vector<70x128xi32>
    %ge3A_2114 = arith.constant 5.000000e-01 : f32
    %ge3A_2115 = vector.broadcast %ge3A_2114 : f32 to vector<70x128xf32>
    %ge3A_2116 = arith.cmpf oge, %select_n3A_2110, %ge3A_2115 : vector<70x128xf32>
    %jit3A_2117 = arith.constant 1 : i32
    %jit3A_2118 = arith.constant 0 : i32
    %broadcast_in_dim3A_2119 = vector.broadcast %jit3A_2117 : i32 to vector<70x128xi32>
    %broadcast_in_dim3A_2120 = vector.broadcast %jit3A_2118 : i32 to vector<70x128xi32>
    %select_n3A_2121 = arith.select %ge3A_2116, %broadcast_in_dim3A_2119, %broadcast_in_dim3A_2120 : vector<70x128xi1>, vector<70x128xi32>
    %reduce_sum3A_2122 = vector.shape_cast %select_n3A_2121 : vector<70x128xi32> to vector<1x70x128xi32>
    %reduce_sum3A_2123 = arith.constant dense<0> : vector<1xi32>
    %reduce_sum3A_2124 = vector.multi_reduction <add>, %reduce_sum3A_2122, %reduce_sum3A_2123 [1, 2] : vector<1x70x128xi32> to vector<1xi32>
    %reduce_sum3A_2125 = vector.shape_cast %reduce_sum3A_2124 : vector<1xi32> to vector<1x1x1xi32>
    %reduce_sum3A_2126 = vector.extract %reduce_sum3A_2125[0, 0, 0] : i32 from vector<1x1x1xi32>
    %broadcast_in_dim3A_2127 = arith.constant 0.000000e+00 : f32
    %broadcast_in_dim3A_2128 = vector.broadcast %broadcast_in_dim3A_2127 : f32 to vector<70x128xf32>
    %broadcast_in_dim3A_2129 = arith.constant 0.000000e+00 : f32
    %broadcast_in_dim3A_2130 = vector.broadcast %broadcast_in_dim3A_2129 : f32 to vector<70x128xf32>
    %broadcast_in_dim3A_2131 = arith.constant 0.000000e+00 : f32
    %broadcast_in_dim3A_2132 = vector.broadcast %broadcast_in_dim3A_2131 : f32 to vector<70x128xf32>
    %broadcast_in_dim3A_2133 = arith.constant 0.000000e+00 : f32
    %broadcast_in_dim3A_2134 = vector.broadcast %broadcast_in_dim3A_2133 : f32 to vector<70x128xf32>
    %broadcast_in_dim3A_2135 = arith.constant 0.000000e+00 : f32
    %broadcast_in_dim3A_2136 = vector.broadcast %broadcast_in_dim3A_2135 : f32 to vector<70x128xf32>
    %eq3A_2137 = arith.constant 0 : i32
    %eq3A_2138 = vector.broadcast %eq3A_2137 : i32 to vector<70x128xi32>
    %eq3A_2139 = arith.cmpi eq, %select_n3A_2113, %eq3A_2138 : vector<70x128xi32>
    %broadcast_in_dim3A_2140 = vector.broadcast %get3A_1478 : f32 to vector<70x128xf32>
    %select_n3A_2141 = arith.select %eq3A_2139, %broadcast_in_dim3A_2140, %broadcast_in_dim3A_2128 : vector<70x128xi1>, vector<70x128xf32>
    %broadcast_in_dim3A_2142 = vector.broadcast %get3A_1483 : f32 to vector<70x128xf32>
    %select_n3A_2143 = arith.select %eq3A_2139, %broadcast_in_dim3A_2142, %broadcast_in_dim3A_2130 : vector<70x128xi1>, vector<70x128xf32>
    %broadcast_in_dim3A_2144 = vector.broadcast %get3A_1488 : f32 to vector<70x128xf32>
    %select_n3A_2145 = arith.select %eq3A_2139, %broadcast_in_dim3A_2144, %broadcast_in_dim3A_2132 : vector<70x128xi1>, vector<70x128xf32>
    %broadcast_in_dim3A_2146 = vector.broadcast %get3A_1493 : f32 to vector<70x128xf32>
    %select_n3A_2147 = arith.select %eq3A_2139, %broadcast_in_dim3A_2146, %broadcast_in_dim3A_2134 : vector<70x128xi1>, vector<70x128xf32>
    %add3A_2148 = arith.constant 1.000000e+00 : f32
    %add3A_2149 = arith.addf %get3A_1498, %add3A_2148 : f32
    %broadcast_in_dim3A_2150 = vector.broadcast %add3A_2149 : f32 to vector<70x128xf32>
    %select_n3A_2151 = arith.select %eq3A_2139, %broadcast_in_dim3A_2150, %broadcast_in_dim3A_2136 : vector<70x128xi1>, vector<70x128xf32>
    %eq3A_2152 = arith.constant 1 : i32
    %eq3A_2153 = vector.broadcast %eq3A_2152 : i32 to vector<70x128xi32>
    %eq3A_2154 = arith.cmpi eq, %select_n3A_2113, %eq3A_2153 : vector<70x128xi32>
    %broadcast_in_dim3A_2155 = vector.broadcast %get3A_1550 : f32 to vector<70x128xf32>
    %select_n3A_2156 = arith.select %eq3A_2154, %broadcast_in_dim3A_2155, %select_n3A_2141 : vector<70x128xi1>, vector<70x128xf32>
    %broadcast_in_dim3A_2157 = vector.broadcast %get3A_1555 : f32 to vector<70x128xf32>
    %select_n3A_2158 = arith.select %eq3A_2154, %broadcast_in_dim3A_2157, %select_n3A_2143 : vector<70x128xi1>, vector<70x128xf32>
    %broadcast_in_dim3A_2159 = vector.broadcast %get3A_1560 : f32 to vector<70x128xf32>
    %select_n3A_2160 = arith.select %eq3A_2154, %broadcast_in_dim3A_2159, %select_n3A_2145 : vector<70x128xi1>, vector<70x128xf32>
    %broadcast_in_dim3A_2161 = vector.broadcast %get3A_1565 : f32 to vector<70x128xf32>
    %select_n3A_2162 = arith.select %eq3A_2154, %broadcast_in_dim3A_2161, %select_n3A_2147 : vector<70x128xi1>, vector<70x128xf32>
    %add3A_2163 = arith.constant 1.000000e+00 : f32
    %add3A_2164 = arith.addf %get3A_1570, %add3A_2163 : f32
    %broadcast_in_dim3A_2165 = vector.broadcast %add3A_2164 : f32 to vector<70x128xf32>
    %select_n3A_2166 = arith.select %eq3A_2154, %broadcast_in_dim3A_2165, %select_n3A_2151 : vector<70x128xi1>, vector<70x128xf32>
    %eq3A_2167 = arith.constant 2 : i32
    %eq3A_2168 = vector.broadcast %eq3A_2167 : i32 to vector<70x128xi32>
    %eq3A_2169 = arith.cmpi eq, %select_n3A_2113, %eq3A_2168 : vector<70x128xi32>
    %broadcast_in_dim3A_2170 = vector.broadcast %get3A_1622 : f32 to vector<70x128xf32>
    %select_n3A_2171 = arith.select %eq3A_2169, %broadcast_in_dim3A_2170, %select_n3A_2156 : vector<70x128xi1>, vector<70x128xf32>
    %broadcast_in_dim3A_2172 = vector.broadcast %get3A_1627 : f32 to vector<70x128xf32>
    %select_n3A_2173 = arith.select %eq3A_2169, %broadcast_in_dim3A_2172, %select_n3A_2158 : vector<70x128xi1>, vector<70x128xf32>
    %broadcast_in_dim3A_2174 = vector.broadcast %get3A_1632 : f32 to vector<70x128xf32>
    %select_n3A_2175 = arith.select %eq3A_2169, %broadcast_in_dim3A_2174, %select_n3A_2160 : vector<70x128xi1>, vector<70x128xf32>
    %broadcast_in_dim3A_2176 = vector.broadcast %get3A_1637 : f32 to vector<70x128xf32>
    %select_n3A_2177 = arith.select %eq3A_2169, %broadcast_in_dim3A_2176, %select_n3A_2162 : vector<70x128xi1>, vector<70x128xf32>
    %add3A_2178 = arith.constant 1.000000e+00 : f32
    %add3A_2179 = arith.addf %get3A_1642, %add3A_2178 : f32
    %broadcast_in_dim3A_2180 = vector.broadcast %add3A_2179 : f32 to vector<70x128xf32>
    %select_n3A_2181 = arith.select %eq3A_2169, %broadcast_in_dim3A_2180, %select_n3A_2166 : vector<70x128xi1>, vector<70x128xf32>
    %eq3A_2182 = arith.constant 3 : i32
    %eq3A_2183 = vector.broadcast %eq3A_2182 : i32 to vector<70x128xi32>
    %eq3A_2184 = arith.cmpi eq, %select_n3A_2113, %eq3A_2183 : vector<70x128xi32>
    %broadcast_in_dim3A_2185 = vector.broadcast %get3A_1694 : f32 to vector<70x128xf32>
    %select_n3A_2186 = arith.select %eq3A_2184, %broadcast_in_dim3A_2185, %select_n3A_2171 : vector<70x128xi1>, vector<70x128xf32>
    %broadcast_in_dim3A_2187 = vector.broadcast %get3A_1699 : f32 to vector<70x128xf32>
    %select_n3A_2188 = arith.select %eq3A_2184, %broadcast_in_dim3A_2187, %select_n3A_2173 : vector<70x128xi1>, vector<70x128xf32>
    %broadcast_in_dim3A_2189 = vector.broadcast %get3A_1704 : f32 to vector<70x128xf32>
    %select_n3A_2190 = arith.select %eq3A_2184, %broadcast_in_dim3A_2189, %select_n3A_2175 : vector<70x128xi1>, vector<70x128xf32>
    %broadcast_in_dim3A_2191 = vector.broadcast %get3A_1709 : f32 to vector<70x128xf32>
    %select_n3A_2192 = arith.select %eq3A_2184, %broadcast_in_dim3A_2191, %select_n3A_2177 : vector<70x128xi1>, vector<70x128xf32>
    %add3A_2193 = arith.constant 1.000000e+00 : f32
    %add3A_2194 = arith.addf %get3A_1714, %add3A_2193 : f32
    %broadcast_in_dim3A_2195 = vector.broadcast %add3A_2194 : f32 to vector<70x128xf32>
    %select_n3A_2196 = arith.select %eq3A_2184, %broadcast_in_dim3A_2195, %select_n3A_2181 : vector<70x128xi1>, vector<70x128xf32>
    %eq3A_2197 = arith.constant 4 : i32
    %eq3A_2198 = vector.broadcast %eq3A_2197 : i32 to vector<70x128xi32>
    %eq3A_2199 = arith.cmpi eq, %select_n3A_2113, %eq3A_2198 : vector<70x128xi32>
    %broadcast_in_dim3A_2200 = vector.broadcast %get3A_1766 : f32 to vector<70x128xf32>
    %select_n3A_2201 = arith.select %eq3A_2199, %broadcast_in_dim3A_2200, %select_n3A_2186 : vector<70x128xi1>, vector<70x128xf32>
    %broadcast_in_dim3A_2202 = vector.broadcast %get3A_1771 : f32 to vector<70x128xf32>
    %select_n3A_2203 = arith.select %eq3A_2199, %broadcast_in_dim3A_2202, %select_n3A_2188 : vector<70x128xi1>, vector<70x128xf32>
    %broadcast_in_dim3A_2204 = vector.broadcast %get3A_1776 : f32 to vector<70x128xf32>
    %select_n3A_2205 = arith.select %eq3A_2199, %broadcast_in_dim3A_2204, %select_n3A_2190 : vector<70x128xi1>, vector<70x128xf32>
    %broadcast_in_dim3A_2206 = vector.broadcast %get3A_1781 : f32 to vector<70x128xf32>
    %select_n3A_2207 = arith.select %eq3A_2199, %broadcast_in_dim3A_2206, %select_n3A_2192 : vector<70x128xi1>, vector<70x128xf32>
    %add3A_2208 = arith.constant 1.000000e+00 : f32
    %add3A_2209 = arith.addf %get3A_1786, %add3A_2208 : f32
    %broadcast_in_dim3A_2210 = vector.broadcast %add3A_2209 : f32 to vector<70x128xf32>
    %select_n3A_2211 = arith.select %eq3A_2199, %broadcast_in_dim3A_2210, %select_n3A_2196 : vector<70x128xi1>, vector<70x128xf32>
    %eq3A_2212 = arith.constant 5 : i32
    %eq3A_2213 = vector.broadcast %eq3A_2212 : i32 to vector<70x128xi32>
    %eq3A_2214 = arith.cmpi eq, %select_n3A_2113, %eq3A_2213 : vector<70x128xi32>
    %broadcast_in_dim3A_2215 = vector.broadcast %get3A_1838 : f32 to vector<70x128xf32>
    %select_n3A_2216 = arith.select %eq3A_2214, %broadcast_in_dim3A_2215, %select_n3A_2201 : vector<70x128xi1>, vector<70x128xf32>
    %broadcast_in_dim3A_2217 = vector.broadcast %get3A_1843 : f32 to vector<70x128xf32>
    %select_n3A_2218 = arith.select %eq3A_2214, %broadcast_in_dim3A_2217, %select_n3A_2203 : vector<70x128xi1>, vector<70x128xf32>
    %broadcast_in_dim3A_2219 = vector.broadcast %get3A_1848 : f32 to vector<70x128xf32>
    %select_n3A_2220 = arith.select %eq3A_2214, %broadcast_in_dim3A_2219, %select_n3A_2205 : vector<70x128xi1>, vector<70x128xf32>
    %broadcast_in_dim3A_2221 = vector.broadcast %get3A_1853 : f32 to vector<70x128xf32>
    %select_n3A_2222 = arith.select %eq3A_2214, %broadcast_in_dim3A_2221, %select_n3A_2207 : vector<70x128xi1>, vector<70x128xf32>
    %add3A_2223 = arith.constant 1.000000e+00 : f32
    %add3A_2224 = arith.addf %get3A_1858, %add3A_2223 : f32
    %broadcast_in_dim3A_2225 = vector.broadcast %add3A_2224 : f32 to vector<70x128xf32>
    %select_n3A_2226 = arith.select %eq3A_2214, %broadcast_in_dim3A_2225, %select_n3A_2211 : vector<70x128xi1>, vector<70x128xf32>
    %eq3A_2227 = arith.constant 6 : i32
    %eq3A_2228 = vector.broadcast %eq3A_2227 : i32 to vector<70x128xi32>
    %eq3A_2229 = arith.cmpi eq, %select_n3A_2113, %eq3A_2228 : vector<70x128xi32>
    %broadcast_in_dim3A_2230 = vector.broadcast %get3A_1910 : f32 to vector<70x128xf32>
    %select_n3A_2231 = arith.select %eq3A_2229, %broadcast_in_dim3A_2230, %select_n3A_2216 : vector<70x128xi1>, vector<70x128xf32>
    %broadcast_in_dim3A_2232 = vector.broadcast %get3A_1915 : f32 to vector<70x128xf32>
    %select_n3A_2233 = arith.select %eq3A_2229, %broadcast_in_dim3A_2232, %select_n3A_2218 : vector<70x128xi1>, vector<70x128xf32>
    %broadcast_in_dim3A_2234 = vector.broadcast %get3A_1920 : f32 to vector<70x128xf32>
    %select_n3A_2235 = arith.select %eq3A_2229, %broadcast_in_dim3A_2234, %select_n3A_2220 : vector<70x128xi1>, vector<70x128xf32>
    %broadcast_in_dim3A_2236 = vector.broadcast %get3A_1925 : f32 to vector<70x128xf32>
    %select_n3A_2237 = arith.select %eq3A_2229, %broadcast_in_dim3A_2236, %select_n3A_2222 : vector<70x128xi1>, vector<70x128xf32>
    %add3A_2238 = arith.constant 1.000000e+00 : f32
    %add3A_2239 = arith.addf %get3A_1930, %add3A_2238 : f32
    %broadcast_in_dim3A_2240 = vector.broadcast %add3A_2239 : f32 to vector<70x128xf32>
    %select_n3A_2241 = arith.select %eq3A_2229, %broadcast_in_dim3A_2240, %select_n3A_2226 : vector<70x128xi1>, vector<70x128xf32>
    %eq3A_2242 = arith.constant 7 : i32
    %eq3A_2243 = vector.broadcast %eq3A_2242 : i32 to vector<70x128xi32>
    %eq3A_2244 = arith.cmpi eq, %select_n3A_2113, %eq3A_2243 : vector<70x128xi32>
    %broadcast_in_dim3A_2245 = vector.broadcast %get3A_1982 : f32 to vector<70x128xf32>
    %select_n3A_2246 = arith.select %eq3A_2244, %broadcast_in_dim3A_2245, %select_n3A_2231 : vector<70x128xi1>, vector<70x128xf32>
    %broadcast_in_dim3A_2247 = vector.broadcast %get3A_1987 : f32 to vector<70x128xf32>
    %select_n3A_2248 = arith.select %eq3A_2244, %broadcast_in_dim3A_2247, %select_n3A_2233 : vector<70x128xi1>, vector<70x128xf32>
    %broadcast_in_dim3A_2249 = vector.broadcast %get3A_1992 : f32 to vector<70x128xf32>
    %select_n3A_2250 = arith.select %eq3A_2244, %broadcast_in_dim3A_2249, %select_n3A_2235 : vector<70x128xi1>, vector<70x128xf32>
    %broadcast_in_dim3A_2251 = vector.broadcast %get3A_1997 : f32 to vector<70x128xf32>
    %select_n3A_2252 = arith.select %eq3A_2244, %broadcast_in_dim3A_2251, %select_n3A_2237 : vector<70x128xi1>, vector<70x128xf32>
    %add3A_2253 = arith.constant 1.000000e+00 : f32
    %add3A_2254 = arith.addf %get3A_2002, %add3A_2253 : f32
    %broadcast_in_dim3A_2255 = vector.broadcast %add3A_2254 : f32 to vector<70x128xf32>
    %select_n3A_2256 = arith.select %eq3A_2244, %broadcast_in_dim3A_2255, %select_n3A_2241 : vector<70x128xi1>, vector<70x128xf32>
    %jit3A_2257 = arith.constant 0.000000e+00 : f32
    %broadcast_in_dim3A_2258 = vector.broadcast %jit3A_2257 : f32 to vector<70x128xf32>
    %select_n3A_2259 = arith.select %ge3A_2116, %select_n3A_2256, %broadcast_in_dim3A_2258 : vector<70x128xi1>, vector<70x128xf32>
    %add3A_2260 = arith.addf %select_n3A_2246, %select_n3A_2250 : vector<70x128xf32>
    %mul3A_2261 = arith.constant 5.000000e-01 : f32
    %mul3A_2262 = vector.broadcast %mul3A_2261 : f32 to vector<70x128xf32>
    %mul3A_2263 = arith.mulf %add3A_2260, %mul3A_2262 : vector<70x128xf32>
    %sub3A_2264 = arith.subf %mul3A_2263, %get3A_3 : vector<70x128xf32>
    %mul3A_2265 = arith.constant 1.000000e-01 : f32
    %mul3A_2266 = vector.broadcast %mul3A_2265 : f32 to vector<70x128xf32>
    %mul3A_2267 = arith.mulf %mul3A_2266, %get3A_13 : vector<70x128xf32>
    %div3A_2268 = arith.divf %sub3A_2264, %mul3A_2267 : vector<70x128xf32>
    %add3A_2269 = arith.addf %select_n3A_2248, %select_n3A_2252 : vector<70x128xf32>
    %mul3A_2270 = arith.constant 5.000000e-01 : f32
    %mul3A_2271 = vector.broadcast %mul3A_2270 : f32 to vector<70x128xf32>
    %mul3A_2272 = arith.mulf %add3A_2269, %mul3A_2271 : vector<70x128xf32>
    %sub3A_2273 = arith.subf %mul3A_2272, %get3A_8 : vector<70x128xf32>
    %mul3A_2274 = arith.constant 1.000000e-01 : f32
    %mul3A_2275 = vector.broadcast %mul3A_2274 : f32 to vector<70x128xf32>
    %mul3A_2276 = arith.mulf %mul3A_2275, %get3A_18 : vector<70x128xf32>
    %div3A_2277 = arith.divf %sub3A_2273, %mul3A_2276 : vector<70x128xf32>
    %sub3A_2278 = arith.subf %select_n3A_2250, %select_n3A_2246 : vector<70x128xf32>
    %div3A_2279 = arith.divf %sub3A_2278, %get3A_13 : vector<70x128xf32>
    %log3A_2280 = math.log %div3A_2279 : vector<70x128xf32>
    %div3A_2281 = arith.constant 2.000000e-01 : f32
    %div3A_2282 = vector.broadcast %div3A_2281 : f32 to vector<70x128xf32>
    %div3A_2283 = arith.divf %log3A_2280, %div3A_2282 : vector<70x128xf32>
    %sub3A_2284 = arith.subf %select_n3A_2252, %select_n3A_2248 : vector<70x128xf32>
    %div3A_2285 = arith.divf %sub3A_2284, %get3A_18 : vector<70x128xf32>
    %log3A_2286 = math.log %div3A_2285 : vector<70x128xf32>
    %div3A_2287 = arith.constant 2.000000e-01 : f32
    %div3A_2288 = vector.broadcast %div3A_2287 : f32 to vector<70x128xf32>
    %div3A_2289 = arith.divf %log3A_2286, %div3A_2288 : vector<70x128xf32>
    %get3A_2290 = arith.constant 0 : index
    %get3A_2291 = arith.constant 1 : index
    %get3A_2292 = arith.constant 0 : index
    %get3A_2293 = arith.constant 0 : index
    %get3A_2294 = arith.constant 0 : index
    %get3A_2295 = vector.load %arg3[%get3A_2290, %get3A_2291, %get3A_2292, %get3A_2293, %get3A_2294] : memref<1x2x4x70x128xf32, #tpu.memory_space<vmem>>, vector<1x1x1x70x128xf32>
    %get3A_2296 = vector.shape_cast %get3A_2295 : vector<1x1x1x70x128xf32> to vector<70x128xf32>
    %sub3A_2297 = arith.subf %get3A_2296, %div3A_2268 : vector<70x128xf32>
    %abs3A_2298 = math.absf %sub3A_2297 : vector<70x128xf32>
    %lt3A_2299 = arith.constant 1.000000e+00 : f32
    %lt3A_2300 = vector.broadcast %lt3A_2299 : f32 to vector<70x128xf32>
    %lt3A_2301 = arith.cmpf olt, %abs3A_2298, %lt3A_2300 : vector<70x128xf32>
    %mul3A_2302 = arith.constant 5.000000e-01 : f32
    %mul3A_2303 = vector.broadcast %mul3A_2302 : f32 to vector<70x128xf32>
    %mul3A_2304 = arith.mulf %mul3A_2303, %sub3A_2297 : vector<70x128xf32>
    %mul3A_2305 = arith.mulf %mul3A_2304, %sub3A_2297 : vector<70x128xf32>
    %sub3A_2306 = arith.constant 5.000000e-01 : f32
    %sub3A_2307 = vector.broadcast %sub3A_2306 : f32 to vector<70x128xf32>
    %sub3A_2308 = arith.subf %abs3A_2298, %sub3A_2307 : vector<70x128xf32>
    %select_n3A_2309 = arith.select %lt3A_2301, %mul3A_2305, %sub3A_2308 : vector<70x128xi1>, vector<70x128xf32>
    %jit3A_2310 = arith.constant 0.000000e+00 : f32
    %broadcast_in_dim3A_2311 = vector.broadcast %jit3A_2310 : f32 to vector<70x128xf32>
    %select_n3A_2312 = arith.select %ge3A_2116, %select_n3A_2309, %broadcast_in_dim3A_2311 : vector<70x128xi1>, vector<70x128xf32>
    %reduce_sum3A_2313 = vector.shape_cast %select_n3A_2312 : vector<70x128xf32> to vector<1x70x128xf32>
    %reduce_sum3A_2314 = arith.constant dense<0.000000e+00> : vector<1xf32>
    %reduce_sum3A_2315 = vector.multi_reduction <add>, %reduce_sum3A_2313, %reduce_sum3A_2314 [1, 2] : vector<1x70x128xf32> to vector<1xf32>
    %reduce_sum3A_2316 = vector.shape_cast %reduce_sum3A_2315 : vector<1xf32> to vector<1x1x1xf32>
    %reduce_sum3A_2317 = vector.extract %reduce_sum3A_2316[0, 0, 0] : f32 from vector<1x1x1xf32>
    %add3A_2318 = arith.constant 0.000000e+00 : f32
    %add3A_2319 = arith.addf %add3A_2318, %reduce_sum3A_2317 : f32
    %get3A_2320 = arith.constant 0 : index
    %get3A_2321 = arith.constant 1 : index
    %get3A_2322 = arith.constant 1 : index
    %get3A_2323 = arith.constant 0 : index
    %get3A_2324 = arith.constant 0 : index
    %get3A_2325 = vector.load %arg3[%get3A_2320, %get3A_2321, %get3A_2322, %get3A_2323, %get3A_2324] : memref<1x2x4x70x128xf32, #tpu.memory_space<vmem>>, vector<1x1x1x70x128xf32>
    %get3A_2326 = vector.shape_cast %get3A_2325 : vector<1x1x1x70x128xf32> to vector<70x128xf32>
    %sub3A_2327 = arith.subf %get3A_2326, %div3A_2277 : vector<70x128xf32>
    %abs3A_2328 = math.absf %sub3A_2327 : vector<70x128xf32>
    %lt3A_2329 = arith.constant 1.000000e+00 : f32
    %lt3A_2330 = vector.broadcast %lt3A_2329 : f32 to vector<70x128xf32>
    %lt3A_2331 = arith.cmpf olt, %abs3A_2328, %lt3A_2330 : vector<70x128xf32>
    %mul3A_2332 = arith.constant 5.000000e-01 : f32
    %mul3A_2333 = vector.broadcast %mul3A_2332 : f32 to vector<70x128xf32>
    %mul3A_2334 = arith.mulf %mul3A_2333, %sub3A_2327 : vector<70x128xf32>
    %mul3A_2335 = arith.mulf %mul3A_2334, %sub3A_2327 : vector<70x128xf32>
    %sub3A_2336 = arith.constant 5.000000e-01 : f32
    %sub3A_2337 = vector.broadcast %sub3A_2336 : f32 to vector<70x128xf32>
    %sub3A_2338 = arith.subf %abs3A_2328, %sub3A_2337 : vector<70x128xf32>
    %select_n3A_2339 = arith.select %lt3A_2331, %mul3A_2335, %sub3A_2338 : vector<70x128xi1>, vector<70x128xf32>
    %jit3A_2340 = arith.constant 0.000000e+00 : f32
    %broadcast_in_dim3A_2341 = vector.broadcast %jit3A_2340 : f32 to vector<70x128xf32>
    %select_n3A_2342 = arith.select %ge3A_2116, %select_n3A_2339, %broadcast_in_dim3A_2341 : vector<70x128xi1>, vector<70x128xf32>
    %reduce_sum3A_2343 = vector.shape_cast %select_n3A_2342 : vector<70x128xf32> to vector<1x70x128xf32>
    %reduce_sum3A_2344 = arith.constant dense<0.000000e+00> : vector<1xf32>
    %reduce_sum3A_2345 = vector.multi_reduction <add>, %reduce_sum3A_2343, %reduce_sum3A_2344 [1, 2] : vector<1x70x128xf32> to vector<1xf32>
    %reduce_sum3A_2346 = vector.shape_cast %reduce_sum3A_2345 : vector<1xf32> to vector<1x1x1xf32>
    %reduce_sum3A_2347 = vector.extract %reduce_sum3A_2346[0, 0, 0] : f32 from vector<1x1x1xf32>
    %add3A_2348 = arith.addf %add3A_2319, %reduce_sum3A_2347 : f32
    %get3A_2349 = arith.constant 0 : index
    %get3A_2350 = arith.constant 1 : index
    %get3A_2351 = arith.constant 2 : index
    %get3A_2352 = arith.constant 0 : index
    %get3A_2353 = arith.constant 0 : index
    %get3A_2354 = vector.load %arg3[%get3A_2349, %get3A_2350, %get3A_2351, %get3A_2352, %get3A_2353] : memref<1x2x4x70x128xf32, #tpu.memory_space<vmem>>, vector<1x1x1x70x128xf32>
    %get3A_2355 = vector.shape_cast %get3A_2354 : vector<1x1x1x70x128xf32> to vector<70x128xf32>
    %sub3A_2356 = arith.subf %get3A_2355, %div3A_2283 : vector<70x128xf32>
    %abs3A_2357 = math.absf %sub3A_2356 : vector<70x128xf32>
    %lt3A_2358 = arith.constant 1.000000e+00 : f32
    %lt3A_2359 = vector.broadcast %lt3A_2358 : f32 to vector<70x128xf32>
    %lt3A_2360 = arith.cmpf olt, %abs3A_2357, %lt3A_2359 : vector<70x128xf32>
    %mul3A_2361 = arith.constant 5.000000e-01 : f32
    %mul3A_2362 = vector.broadcast %mul3A_2361 : f32 to vector<70x128xf32>
    %mul3A_2363 = arith.mulf %mul3A_2362, %sub3A_2356 : vector<70x128xf32>
    %mul3A_2364 = arith.mulf %mul3A_2363, %sub3A_2356 : vector<70x128xf32>
    %sub3A_2365 = arith.constant 5.000000e-01 : f32
    %sub3A_2366 = vector.broadcast %sub3A_2365 : f32 to vector<70x128xf32>
    %sub3A_2367 = arith.subf %abs3A_2357, %sub3A_2366 : vector<70x128xf32>
    %select_n3A_2368 = arith.select %lt3A_2360, %mul3A_2364, %sub3A_2367 : vector<70x128xi1>, vector<70x128xf32>
    %jit3A_2369 = arith.constant 0.000000e+00 : f32
    %broadcast_in_dim3A_2370 = vector.broadcast %jit3A_2369 : f32 to vector<70x128xf32>
    %select_n3A_2371 = arith.select %ge3A_2116, %select_n3A_2368, %broadcast_in_dim3A_2370 : vector<70x128xi1>, vector<70x128xf32>
    %reduce_sum3A_2372 = vector.shape_cast %select_n3A_2371 : vector<70x128xf32> to vector<1x70x128xf32>
    %reduce_sum3A_2373 = arith.constant dense<0.000000e+00> : vector<1xf32>
    %reduce_sum3A_2374 = vector.multi_reduction <add>, %reduce_sum3A_2372, %reduce_sum3A_2373 [1, 2] : vector<1x70x128xf32> to vector<1xf32>
    %reduce_sum3A_2375 = vector.shape_cast %reduce_sum3A_2374 : vector<1xf32> to vector<1x1x1xf32>
    %reduce_sum3A_2376 = vector.extract %reduce_sum3A_2375[0, 0, 0] : f32 from vector<1x1x1xf32>
    %add3A_2377 = arith.addf %add3A_2348, %reduce_sum3A_2376 : f32
    %get3A_2378 = arith.constant 0 : index
    %get3A_2379 = arith.constant 1 : index
    %get3A_2380 = arith.constant 3 : index
    %get3A_2381 = arith.constant 0 : index
    %get3A_2382 = arith.constant 0 : index
    %get3A_2383 = vector.load %arg3[%get3A_2378, %get3A_2379, %get3A_2380, %get3A_2381, %get3A_2382] : memref<1x2x4x70x128xf32, #tpu.memory_space<vmem>>, vector<1x1x1x70x128xf32>
    %get3A_2384 = vector.shape_cast %get3A_2383 : vector<1x1x1x70x128xf32> to vector<70x128xf32>
    %sub3A_2385 = arith.subf %get3A_2384, %div3A_2289 : vector<70x128xf32>
    %abs3A_2386 = math.absf %sub3A_2385 : vector<70x128xf32>
    %lt3A_2387 = arith.constant 1.000000e+00 : f32
    %lt3A_2388 = vector.broadcast %lt3A_2387 : f32 to vector<70x128xf32>
    %lt3A_2389 = arith.cmpf olt, %abs3A_2386, %lt3A_2388 : vector<70x128xf32>
    %mul3A_2390 = arith.constant 5.000000e-01 : f32
    %mul3A_2391 = vector.broadcast %mul3A_2390 : f32 to vector<70x128xf32>
    %mul3A_2392 = arith.mulf %mul3A_2391, %sub3A_2385 : vector<70x128xf32>
    %mul3A_2393 = arith.mulf %mul3A_2392, %sub3A_2385 : vector<70x128xf32>
    %sub3A_2394 = arith.constant 5.000000e-01 : f32
    %sub3A_2395 = vector.broadcast %sub3A_2394 : f32 to vector<70x128xf32>
    %sub3A_2396 = arith.subf %abs3A_2386, %sub3A_2395 : vector<70x128xf32>
    %select_n3A_2397 = arith.select %lt3A_2389, %mul3A_2393, %sub3A_2396 : vector<70x128xi1>, vector<70x128xf32>
    %jit3A_2398 = arith.constant 0.000000e+00 : f32
    %broadcast_in_dim3A_2399 = vector.broadcast %jit3A_2398 : f32 to vector<70x128xf32>
    %select_n3A_2400 = arith.select %ge3A_2116, %select_n3A_2397, %broadcast_in_dim3A_2399 : vector<70x128xi1>, vector<70x128xf32>
    %reduce_sum3A_2401 = vector.shape_cast %select_n3A_2400 : vector<70x128xf32> to vector<1x70x128xf32>
    %reduce_sum3A_2402 = arith.constant dense<0.000000e+00> : vector<1xf32>
    %reduce_sum3A_2403 = vector.multi_reduction <add>, %reduce_sum3A_2401, %reduce_sum3A_2402 [1, 2] : vector<1x70x128xf32> to vector<1xf32>
    %reduce_sum3A_2404 = vector.shape_cast %reduce_sum3A_2403 : vector<1xf32> to vector<1x1x1xf32>
    %reduce_sum3A_2405 = vector.extract %reduce_sum3A_2404[0, 0, 0] : f32 from vector<1x1x1xf32>
    %add3A_2406 = arith.addf %add3A_2377, %reduce_sum3A_2405 : f32
    %broadcast_in_dim3A_2407 = arith.constant -3.000000e+38 : f32
    %broadcast_in_dim3A_2408 = vector.broadcast %broadcast_in_dim3A_2407 : f32 to vector<70x128xf32>
    %get3A_2409 = arith.constant 0 : index
    %get3A_2410 = arith.constant 1 : index
    %get3A_2411 = arith.constant 0 : index
    %get3A_2412 = arith.constant 0 : index
    %get3A_2413 = arith.constant 0 : index
    %get3A_2414 = vector.load %arg2[%get3A_2409, %get3A_2410, %get3A_2411, %get3A_2412, %get3A_2413] : memref<1x2x21x70x128xf32, #tpu.memory_space<vmem>>, vector<1x1x1x70x128xf32>
    %get3A_2415 = vector.shape_cast %get3A_2414 : vector<1x1x1x70x128xf32> to vector<70x128xf32>
    %max3A_2416 = arith.maximumf %broadcast_in_dim3A_2408, %get3A_2415 : vector<70x128xf32>
    %get3A_2417 = arith.constant 0 : index
    %get3A_2418 = arith.constant 1 : index
    %get3A_2419 = arith.constant 1 : index
    %get3A_2420 = arith.constant 0 : index
    %get3A_2421 = arith.constant 0 : index
    %get3A_2422 = vector.load %arg2[%get3A_2417, %get3A_2418, %get3A_2419, %get3A_2420, %get3A_2421] : memref<1x2x21x70x128xf32, #tpu.memory_space<vmem>>, vector<1x1x1x70x128xf32>
    %get3A_2423 = vector.shape_cast %get3A_2422 : vector<1x1x1x70x128xf32> to vector<70x128xf32>
    %max3A_2424 = arith.maximumf %max3A_2416, %get3A_2423 : vector<70x128xf32>
    %get3A_2425 = arith.constant 0 : index
    %get3A_2426 = arith.constant 1 : index
    %get3A_2427 = arith.constant 2 : index
    %get3A_2428 = arith.constant 0 : index
    %get3A_2429 = arith.constant 0 : index
    %get3A_2430 = vector.load %arg2[%get3A_2425, %get3A_2426, %get3A_2427, %get3A_2428, %get3A_2429] : memref<1x2x21x70x128xf32, #tpu.memory_space<vmem>>, vector<1x1x1x70x128xf32>
    %get3A_2431 = vector.shape_cast %get3A_2430 : vector<1x1x1x70x128xf32> to vector<70x128xf32>
    %max3A_2432 = arith.maximumf %max3A_2424, %get3A_2431 : vector<70x128xf32>
    %get3A_2433 = arith.constant 0 : index
    %get3A_2434 = arith.constant 1 : index
    %get3A_2435 = arith.constant 3 : index
    %get3A_2436 = arith.constant 0 : index
    %get3A_2437 = arith.constant 0 : index
    %get3A_2438 = vector.load %arg2[%get3A_2433, %get3A_2434, %get3A_2435, %get3A_2436, %get3A_2437] : memref<1x2x21x70x128xf32, #tpu.memory_space<vmem>>, vector<1x1x1x70x128xf32>
    %get3A_2439 = vector.shape_cast %get3A_2438 : vector<1x1x1x70x128xf32> to vector<70x128xf32>
    %max3A_2440 = arith.maximumf %max3A_2432, %get3A_2439 : vector<70x128xf32>
    %get3A_2441 = arith.constant 0 : index
    %get3A_2442 = arith.constant 1 : index
    %get3A_2443 = arith.constant 4 : index
    %get3A_2444 = arith.constant 0 : index
    %get3A_2445 = arith.constant 0 : index
    %get3A_2446 = vector.load %arg2[%get3A_2441, %get3A_2442, %get3A_2443, %get3A_2444, %get3A_2445] : memref<1x2x21x70x128xf32, #tpu.memory_space<vmem>>, vector<1x1x1x70x128xf32>
    %get3A_2447 = vector.shape_cast %get3A_2446 : vector<1x1x1x70x128xf32> to vector<70x128xf32>
    %max3A_2448 = arith.maximumf %max3A_2440, %get3A_2447 : vector<70x128xf32>
    %get3A_2449 = arith.constant 0 : index
    %get3A_2450 = arith.constant 1 : index
    %get3A_2451 = arith.constant 5 : index
    %get3A_2452 = arith.constant 0 : index
    %get3A_2453 = arith.constant 0 : index
    %get3A_2454 = vector.load %arg2[%get3A_2449, %get3A_2450, %get3A_2451, %get3A_2452, %get3A_2453] : memref<1x2x21x70x128xf32, #tpu.memory_space<vmem>>, vector<1x1x1x70x128xf32>
    %get3A_2455 = vector.shape_cast %get3A_2454 : vector<1x1x1x70x128xf32> to vector<70x128xf32>
    %max3A_2456 = arith.maximumf %max3A_2448, %get3A_2455 : vector<70x128xf32>
    %get3A_2457 = arith.constant 0 : index
    %get3A_2458 = arith.constant 1 : index
    %get3A_2459 = arith.constant 6 : index
    %get3A_2460 = arith.constant 0 : index
    %get3A_2461 = arith.constant 0 : index
    %get3A_2462 = vector.load %arg2[%get3A_2457, %get3A_2458, %get3A_2459, %get3A_2460, %get3A_2461] : memref<1x2x21x70x128xf32, #tpu.memory_space<vmem>>, vector<1x1x1x70x128xf32>
    %get3A_2463 = vector.shape_cast %get3A_2462 : vector<1x1x1x70x128xf32> to vector<70x128xf32>
    %max3A_2464 = arith.maximumf %max3A_2456, %get3A_2463 : vector<70x128xf32>
    %get3A_2465 = arith.constant 0 : index
    %get3A_2466 = arith.constant 1 : index
    %get3A_2467 = arith.constant 7 : index
    %get3A_2468 = arith.constant 0 : index
    %get3A_2469 = arith.constant 0 : index
    %get3A_2470 = vector.load %arg2[%get3A_2465, %get3A_2466, %get3A_2467, %get3A_2468, %get3A_2469] : memref<1x2x21x70x128xf32, #tpu.memory_space<vmem>>, vector<1x1x1x70x128xf32>
    %get3A_2471 = vector.shape_cast %get3A_2470 : vector<1x1x1x70x128xf32> to vector<70x128xf32>
    %max3A_2472 = arith.maximumf %max3A_2464, %get3A_2471 : vector<70x128xf32>
    %get3A_2473 = arith.constant 0 : index
    %get3A_2474 = arith.constant 1 : index
    %get3A_2475 = arith.constant 8 : index
    %get3A_2476 = arith.constant 0 : index
    %get3A_2477 = arith.constant 0 : index
    %get3A_2478 = vector.load %arg2[%get3A_2473, %get3A_2474, %get3A_2475, %get3A_2476, %get3A_2477] : memref<1x2x21x70x128xf32, #tpu.memory_space<vmem>>, vector<1x1x1x70x128xf32>
    %get3A_2479 = vector.shape_cast %get3A_2478 : vector<1x1x1x70x128xf32> to vector<70x128xf32>
    %max3A_2480 = arith.maximumf %max3A_2472, %get3A_2479 : vector<70x128xf32>
    %get3A_2481 = arith.constant 0 : index
    %get3A_2482 = arith.constant 1 : index
    %get3A_2483 = arith.constant 9 : index
    %get3A_2484 = arith.constant 0 : index
    %get3A_2485 = arith.constant 0 : index
    %get3A_2486 = vector.load %arg2[%get3A_2481, %get3A_2482, %get3A_2483, %get3A_2484, %get3A_2485] : memref<1x2x21x70x128xf32, #tpu.memory_space<vmem>>, vector<1x1x1x70x128xf32>
    %get3A_2487 = vector.shape_cast %get3A_2486 : vector<1x1x1x70x128xf32> to vector<70x128xf32>
    %max3A_2488 = arith.maximumf %max3A_2480, %get3A_2487 : vector<70x128xf32>
    %get3A_2489 = arith.constant 0 : index
    %get3A_2490 = arith.constant 1 : index
    %get3A_2491 = arith.constant 10 : index
    %get3A_2492 = arith.constant 0 : index
    %get3A_2493 = arith.constant 0 : index
    %get3A_2494 = vector.load %arg2[%get3A_2489, %get3A_2490, %get3A_2491, %get3A_2492, %get3A_2493] : memref<1x2x21x70x128xf32, #tpu.memory_space<vmem>>, vector<1x1x1x70x128xf32>
    %get3A_2495 = vector.shape_cast %get3A_2494 : vector<1x1x1x70x128xf32> to vector<70x128xf32>
    %max3A_2496 = arith.maximumf %max3A_2488, %get3A_2495 : vector<70x128xf32>
    %get3A_2497 = arith.constant 0 : index
    %get3A_2498 = arith.constant 1 : index
    %get3A_2499 = arith.constant 11 : index
    %get3A_2500 = arith.constant 0 : index
    %get3A_2501 = arith.constant 0 : index
    %get3A_2502 = vector.load %arg2[%get3A_2497, %get3A_2498, %get3A_2499, %get3A_2500, %get3A_2501] : memref<1x2x21x70x128xf32, #tpu.memory_space<vmem>>, vector<1x1x1x70x128xf32>
    %get3A_2503 = vector.shape_cast %get3A_2502 : vector<1x1x1x70x128xf32> to vector<70x128xf32>
    %max3A_2504 = arith.maximumf %max3A_2496, %get3A_2503 : vector<70x128xf32>
    %get3A_2505 = arith.constant 0 : index
    %get3A_2506 = arith.constant 1 : index
    %get3A_2507 = arith.constant 12 : index
    %get3A_2508 = arith.constant 0 : index
    %get3A_2509 = arith.constant 0 : index
    %get3A_2510 = vector.load %arg2[%get3A_2505, %get3A_2506, %get3A_2507, %get3A_2508, %get3A_2509] : memref<1x2x21x70x128xf32, #tpu.memory_space<vmem>>, vector<1x1x1x70x128xf32>
    %get3A_2511 = vector.shape_cast %get3A_2510 : vector<1x1x1x70x128xf32> to vector<70x128xf32>
    %max3A_2512 = arith.maximumf %max3A_2504, %get3A_2511 : vector<70x128xf32>
    %get3A_2513 = arith.constant 0 : index
    %get3A_2514 = arith.constant 1 : index
    %get3A_2515 = arith.constant 13 : index
    %get3A_2516 = arith.constant 0 : index
    %get3A_2517 = arith.constant 0 : index
    %get3A_2518 = vector.load %arg2[%get3A_2513, %get3A_2514, %get3A_2515, %get3A_2516, %get3A_2517] : memref<1x2x21x70x128xf32, #tpu.memory_space<vmem>>, vector<1x1x1x70x128xf32>
    %get3A_2519 = vector.shape_cast %get3A_2518 : vector<1x1x1x70x128xf32> to vector<70x128xf32>
    %max3A_2520 = arith.maximumf %max3A_2512, %get3A_2519 : vector<70x128xf32>
    %get3A_2521 = arith.constant 0 : index
    %get3A_2522 = arith.constant 1 : index
    %get3A_2523 = arith.constant 14 : index
    %get3A_2524 = arith.constant 0 : index
    %get3A_2525 = arith.constant 0 : index
    %get3A_2526 = vector.load %arg2[%get3A_2521, %get3A_2522, %get3A_2523, %get3A_2524, %get3A_2525] : memref<1x2x21x70x128xf32, #tpu.memory_space<vmem>>, vector<1x1x1x70x128xf32>
    %get3A_2527 = vector.shape_cast %get3A_2526 : vector<1x1x1x70x128xf32> to vector<70x128xf32>
    %max3A_2528 = arith.maximumf %max3A_2520, %get3A_2527 : vector<70x128xf32>
    %get3A_2529 = arith.constant 0 : index
    %get3A_2530 = arith.constant 1 : index
    %get3A_2531 = arith.constant 15 : index
    %get3A_2532 = arith.constant 0 : index
    %get3A_2533 = arith.constant 0 : index
    %get3A_2534 = vector.load %arg2[%get3A_2529, %get3A_2530, %get3A_2531, %get3A_2532, %get3A_2533] : memref<1x2x21x70x128xf32, #tpu.memory_space<vmem>>, vector<1x1x1x70x128xf32>
    %get3A_2535 = vector.shape_cast %get3A_2534 : vector<1x1x1x70x128xf32> to vector<70x128xf32>
    %max3A_2536 = arith.maximumf %max3A_2528, %get3A_2535 : vector<70x128xf32>
    %get3A_2537 = arith.constant 0 : index
    %get3A_2538 = arith.constant 1 : index
    %get3A_2539 = arith.constant 16 : index
    %get3A_2540 = arith.constant 0 : index
    %get3A_2541 = arith.constant 0 : index
    %get3A_2542 = vector.load %arg2[%get3A_2537, %get3A_2538, %get3A_2539, %get3A_2540, %get3A_2541] : memref<1x2x21x70x128xf32, #tpu.memory_space<vmem>>, vector<1x1x1x70x128xf32>
    %get3A_2543 = vector.shape_cast %get3A_2542 : vector<1x1x1x70x128xf32> to vector<70x128xf32>
    %max3A_2544 = arith.maximumf %max3A_2536, %get3A_2543 : vector<70x128xf32>
    %get3A_2545 = arith.constant 0 : index
    %get3A_2546 = arith.constant 1 : index
    %get3A_2547 = arith.constant 17 : index
    %get3A_2548 = arith.constant 0 : index
    %get3A_2549 = arith.constant 0 : index
    %get3A_2550 = vector.load %arg2[%get3A_2545, %get3A_2546, %get3A_2547, %get3A_2548, %get3A_2549] : memref<1x2x21x70x128xf32, #tpu.memory_space<vmem>>, vector<1x1x1x70x128xf32>
    %get3A_2551 = vector.shape_cast %get3A_2550 : vector<1x1x1x70x128xf32> to vector<70x128xf32>
    %max3A_2552 = arith.maximumf %max3A_2544, %get3A_2551 : vector<70x128xf32>
    %get3A_2553 = arith.constant 0 : index
    %get3A_2554 = arith.constant 1 : index
    %get3A_2555 = arith.constant 18 : index
    %get3A_2556 = arith.constant 0 : index
    %get3A_2557 = arith.constant 0 : index
    %get3A_2558 = vector.load %arg2[%get3A_2553, %get3A_2554, %get3A_2555, %get3A_2556, %get3A_2557] : memref<1x2x21x70x128xf32, #tpu.memory_space<vmem>>, vector<1x1x1x70x128xf32>
    %get3A_2559 = vector.shape_cast %get3A_2558 : vector<1x1x1x70x128xf32> to vector<70x128xf32>
    %max3A_2560 = arith.maximumf %max3A_2552, %get3A_2559 : vector<70x128xf32>
    %get3A_2561 = arith.constant 0 : index
    %get3A_2562 = arith.constant 1 : index
    %get3A_2563 = arith.constant 19 : index
    %get3A_2564 = arith.constant 0 : index
    %get3A_2565 = arith.constant 0 : index
    %get3A_2566 = vector.load %arg2[%get3A_2561, %get3A_2562, %get3A_2563, %get3A_2564, %get3A_2565] : memref<1x2x21x70x128xf32, #tpu.memory_space<vmem>>, vector<1x1x1x70x128xf32>
    %get3A_2567 = vector.shape_cast %get3A_2566 : vector<1x1x1x70x128xf32> to vector<70x128xf32>
    %max3A_2568 = arith.maximumf %max3A_2560, %get3A_2567 : vector<70x128xf32>
    %get3A_2569 = arith.constant 0 : index
    %get3A_2570 = arith.constant 1 : index
    %get3A_2571 = arith.constant 20 : index
    %get3A_2572 = arith.constant 0 : index
    %get3A_2573 = arith.constant 0 : index
    %get3A_2574 = vector.load %arg2[%get3A_2569, %get3A_2570, %get3A_2571, %get3A_2572, %get3A_2573] : memref<1x2x21x70x128xf32, #tpu.memory_space<vmem>>, vector<1x1x1x70x128xf32>
    %get3A_2575 = vector.shape_cast %get3A_2574 : vector<1x1x1x70x128xf32> to vector<70x128xf32>
    %max3A_2576 = arith.maximumf %max3A_2568, %get3A_2575 : vector<70x128xf32>
    %broadcast_in_dim3A_2577 = arith.constant 0.000000e+00 : f32
    %broadcast_in_dim3A_2578 = vector.broadcast %broadcast_in_dim3A_2577 : f32 to vector<70x128xf32>
    %broadcast_in_dim3A_2579 = arith.constant 0.000000e+00 : f32
    %broadcast_in_dim3A_2580 = vector.broadcast %broadcast_in_dim3A_2579 : f32 to vector<70x128xf32>
    %get3A_2581 = arith.constant 0 : index
    %get3A_2582 = arith.constant 1 : index
    %get3A_2583 = arith.constant 0 : index
    %get3A_2584 = arith.constant 0 : index
    %get3A_2585 = arith.constant 0 : index
    %get3A_2586 = vector.load %arg2[%get3A_2581, %get3A_2582, %get3A_2583, %get3A_2584, %get3A_2585] : memref<1x2x21x70x128xf32, #tpu.memory_space<vmem>>, vector<1x1x1x70x128xf32>
    %get3A_2587 = vector.shape_cast %get3A_2586 : vector<1x1x1x70x128xf32> to vector<70x128xf32>
    %sub3A_2588 = arith.subf %get3A_2587, %max3A_2576 : vector<70x128xf32>
    %exp3A_2589 = math.exp %sub3A_2588 : vector<70x128xf32>
    %add3A_2590 = arith.addf %broadcast_in_dim3A_2578, %exp3A_2589 : vector<70x128xf32>
    %eq3A_2591 = arith.constant 0.000000e+00 : f32
    %eq3A_2592 = vector.broadcast %eq3A_2591 : f32 to vector<70x128xf32>
    %eq3A_2593 = arith.cmpf oeq, %select_n3A_2259, %eq3A_2592 : vector<70x128xf32>
    %select_n3A_2594 = arith.select %eq3A_2593, %get3A_2587, %broadcast_in_dim3A_2580 : vector<70x128xi1>, vector<70x128xf32>
    %get3A_2595 = arith.constant 0 : index
    %get3A_2596 = arith.constant 1 : index
    %get3A_2597 = arith.constant 1 : index
    %get3A_2598 = arith.constant 0 : index
    %get3A_2599 = arith.constant 0 : index
    %get3A_2600 = vector.load %arg2[%get3A_2595, %get3A_2596, %get3A_2597, %get3A_2598, %get3A_2599] : memref<1x2x21x70x128xf32, #tpu.memory_space<vmem>>, vector<1x1x1x70x128xf32>
    %get3A_2601 = vector.shape_cast %get3A_2600 : vector<1x1x1x70x128xf32> to vector<70x128xf32>
    %sub3A_2602 = arith.subf %get3A_2601, %max3A_2576 : vector<70x128xf32>
    %exp3A_2603 = math.exp %sub3A_2602 : vector<70x128xf32>
    %add3A_2604 = arith.addf %add3A_2590, %exp3A_2603 : vector<70x128xf32>
    %eq3A_2605 = arith.constant 1.000000e+00 : f32
    %eq3A_2606 = vector.broadcast %eq3A_2605 : f32 to vector<70x128xf32>
    %eq3A_2607 = arith.cmpf oeq, %select_n3A_2259, %eq3A_2606 : vector<70x128xf32>
    %select_n3A_2608 = arith.select %eq3A_2607, %get3A_2601, %select_n3A_2594 : vector<70x128xi1>, vector<70x128xf32>
    %get3A_2609 = arith.constant 0 : index
    %get3A_2610 = arith.constant 1 : index
    %get3A_2611 = arith.constant 2 : index
    %get3A_2612 = arith.constant 0 : index
    %get3A_2613 = arith.constant 0 : index
    %get3A_2614 = vector.load %arg2[%get3A_2609, %get3A_2610, %get3A_2611, %get3A_2612, %get3A_2613] : memref<1x2x21x70x128xf32, #tpu.memory_space<vmem>>, vector<1x1x1x70x128xf32>
    %get3A_2615 = vector.shape_cast %get3A_2614 : vector<1x1x1x70x128xf32> to vector<70x128xf32>
    %sub3A_2616 = arith.subf %get3A_2615, %max3A_2576 : vector<70x128xf32>
    %exp3A_2617 = math.exp %sub3A_2616 : vector<70x128xf32>
    %add3A_2618 = arith.addf %add3A_2604, %exp3A_2617 : vector<70x128xf32>
    %eq3A_2619 = arith.constant 2.000000e+00 : f32
    %eq3A_2620 = vector.broadcast %eq3A_2619 : f32 to vector<70x128xf32>
    %eq3A_2621 = arith.cmpf oeq, %select_n3A_2259, %eq3A_2620 : vector<70x128xf32>
    %select_n3A_2622 = arith.select %eq3A_2621, %get3A_2615, %select_n3A_2608 : vector<70x128xi1>, vector<70x128xf32>
    %get3A_2623 = arith.constant 0 : index
    %get3A_2624 = arith.constant 1 : index
    %get3A_2625 = arith.constant 3 : index
    %get3A_2626 = arith.constant 0 : index
    %get3A_2627 = arith.constant 0 : index
    %get3A_2628 = vector.load %arg2[%get3A_2623, %get3A_2624, %get3A_2625, %get3A_2626, %get3A_2627] : memref<1x2x21x70x128xf32, #tpu.memory_space<vmem>>, vector<1x1x1x70x128xf32>
    %get3A_2629 = vector.shape_cast %get3A_2628 : vector<1x1x1x70x128xf32> to vector<70x128xf32>
    %sub3A_2630 = arith.subf %get3A_2629, %max3A_2576 : vector<70x128xf32>
    %exp3A_2631 = math.exp %sub3A_2630 : vector<70x128xf32>
    %add3A_2632 = arith.addf %add3A_2618, %exp3A_2631 : vector<70x128xf32>
    %eq3A_2633 = arith.constant 3.000000e+00 : f32
    %eq3A_2634 = vector.broadcast %eq3A_2633 : f32 to vector<70x128xf32>
    %eq3A_2635 = arith.cmpf oeq, %select_n3A_2259, %eq3A_2634 : vector<70x128xf32>
    %select_n3A_2636 = arith.select %eq3A_2635, %get3A_2629, %select_n3A_2622 : vector<70x128xi1>, vector<70x128xf32>
    %get3A_2637 = arith.constant 0 : index
    %get3A_2638 = arith.constant 1 : index
    %get3A_2639 = arith.constant 4 : index
    %get3A_2640 = arith.constant 0 : index
    %get3A_2641 = arith.constant 0 : index
    %get3A_2642 = vector.load %arg2[%get3A_2637, %get3A_2638, %get3A_2639, %get3A_2640, %get3A_2641] : memref<1x2x21x70x128xf32, #tpu.memory_space<vmem>>, vector<1x1x1x70x128xf32>
    %get3A_2643 = vector.shape_cast %get3A_2642 : vector<1x1x1x70x128xf32> to vector<70x128xf32>
    %sub3A_2644 = arith.subf %get3A_2643, %max3A_2576 : vector<70x128xf32>
    %exp3A_2645 = math.exp %sub3A_2644 : vector<70x128xf32>
    %add3A_2646 = arith.addf %add3A_2632, %exp3A_2645 : vector<70x128xf32>
    %eq3A_2647 = arith.constant 4.000000e+00 : f32
    %eq3A_2648 = vector.broadcast %eq3A_2647 : f32 to vector<70x128xf32>
    %eq3A_2649 = arith.cmpf oeq, %select_n3A_2259, %eq3A_2648 : vector<70x128xf32>
    %select_n3A_2650 = arith.select %eq3A_2649, %get3A_2643, %select_n3A_2636 : vector<70x128xi1>, vector<70x128xf32>
    %get3A_2651 = arith.constant 0 : index
    %get3A_2652 = arith.constant 1 : index
    %get3A_2653 = arith.constant 5 : index
    %get3A_2654 = arith.constant 0 : index
    %get3A_2655 = arith.constant 0 : index
    %get3A_2656 = vector.load %arg2[%get3A_2651, %get3A_2652, %get3A_2653, %get3A_2654, %get3A_2655] : memref<1x2x21x70x128xf32, #tpu.memory_space<vmem>>, vector<1x1x1x70x128xf32>
    %get3A_2657 = vector.shape_cast %get3A_2656 : vector<1x1x1x70x128xf32> to vector<70x128xf32>
    %sub3A_2658 = arith.subf %get3A_2657, %max3A_2576 : vector<70x128xf32>
    %exp3A_2659 = math.exp %sub3A_2658 : vector<70x128xf32>
    %add3A_2660 = arith.addf %add3A_2646, %exp3A_2659 : vector<70x128xf32>
    %eq3A_2661 = arith.constant 5.000000e+00 : f32
    %eq3A_2662 = vector.broadcast %eq3A_2661 : f32 to vector<70x128xf32>
    %eq3A_2663 = arith.cmpf oeq, %select_n3A_2259, %eq3A_2662 : vector<70x128xf32>
    %select_n3A_2664 = arith.select %eq3A_2663, %get3A_2657, %select_n3A_2650 : vector<70x128xi1>, vector<70x128xf32>
    %get3A_2665 = arith.constant 0 : index
    %get3A_2666 = arith.constant 1 : index
    %get3A_2667 = arith.constant 6 : index
    %get3A_2668 = arith.constant 0 : index
    %get3A_2669 = arith.constant 0 : index
    %get3A_2670 = vector.load %arg2[%get3A_2665, %get3A_2666, %get3A_2667, %get3A_2668, %get3A_2669] : memref<1x2x21x70x128xf32, #tpu.memory_space<vmem>>, vector<1x1x1x70x128xf32>
    %get3A_2671 = vector.shape_cast %get3A_2670 : vector<1x1x1x70x128xf32> to vector<70x128xf32>
    %sub3A_2672 = arith.subf %get3A_2671, %max3A_2576 : vector<70x128xf32>
    %exp3A_2673 = math.exp %sub3A_2672 : vector<70x128xf32>
    %add3A_2674 = arith.addf %add3A_2660, %exp3A_2673 : vector<70x128xf32>
    %eq3A_2675 = arith.constant 6.000000e+00 : f32
    %eq3A_2676 = vector.broadcast %eq3A_2675 : f32 to vector<70x128xf32>
    %eq3A_2677 = arith.cmpf oeq, %select_n3A_2259, %eq3A_2676 : vector<70x128xf32>
    %select_n3A_2678 = arith.select %eq3A_2677, %get3A_2671, %select_n3A_2664 : vector<70x128xi1>, vector<70x128xf32>
    %get3A_2679 = arith.constant 0 : index
    %get3A_2680 = arith.constant 1 : index
    %get3A_2681 = arith.constant 7 : index
    %get3A_2682 = arith.constant 0 : index
    %get3A_2683 = arith.constant 0 : index
    %get3A_2684 = vector.load %arg2[%get3A_2679, %get3A_2680, %get3A_2681, %get3A_2682, %get3A_2683] : memref<1x2x21x70x128xf32, #tpu.memory_space<vmem>>, vector<1x1x1x70x128xf32>
    %get3A_2685 = vector.shape_cast %get3A_2684 : vector<1x1x1x70x128xf32> to vector<70x128xf32>
    %sub3A_2686 = arith.subf %get3A_2685, %max3A_2576 : vector<70x128xf32>
    %exp3A_2687 = math.exp %sub3A_2686 : vector<70x128xf32>
    %add3A_2688 = arith.addf %add3A_2674, %exp3A_2687 : vector<70x128xf32>
    %eq3A_2689 = arith.constant 7.000000e+00 : f32
    %eq3A_2690 = vector.broadcast %eq3A_2689 : f32 to vector<70x128xf32>
    %eq3A_2691 = arith.cmpf oeq, %select_n3A_2259, %eq3A_2690 : vector<70x128xf32>
    %select_n3A_2692 = arith.select %eq3A_2691, %get3A_2685, %select_n3A_2678 : vector<70x128xi1>, vector<70x128xf32>
    %get3A_2693 = arith.constant 0 : index
    %get3A_2694 = arith.constant 1 : index
    %get3A_2695 = arith.constant 8 : index
    %get3A_2696 = arith.constant 0 : index
    %get3A_2697 = arith.constant 0 : index
    %get3A_2698 = vector.load %arg2[%get3A_2693, %get3A_2694, %get3A_2695, %get3A_2696, %get3A_2697] : memref<1x2x21x70x128xf32, #tpu.memory_space<vmem>>, vector<1x1x1x70x128xf32>
    %get3A_2699 = vector.shape_cast %get3A_2698 : vector<1x1x1x70x128xf32> to vector<70x128xf32>
    %sub3A_2700 = arith.subf %get3A_2699, %max3A_2576 : vector<70x128xf32>
    %exp3A_2701 = math.exp %sub3A_2700 : vector<70x128xf32>
    %add3A_2702 = arith.addf %add3A_2688, %exp3A_2701 : vector<70x128xf32>
    %eq3A_2703 = arith.constant 8.000000e+00 : f32
    %eq3A_2704 = vector.broadcast %eq3A_2703 : f32 to vector<70x128xf32>
    %eq3A_2705 = arith.cmpf oeq, %select_n3A_2259, %eq3A_2704 : vector<70x128xf32>
    %select_n3A_2706 = arith.select %eq3A_2705, %get3A_2699, %select_n3A_2692 : vector<70x128xi1>, vector<70x128xf32>
    %get3A_2707 = arith.constant 0 : index
    %get3A_2708 = arith.constant 1 : index
    %get3A_2709 = arith.constant 9 : index
    %get3A_2710 = arith.constant 0 : index
    %get3A_2711 = arith.constant 0 : index
    %get3A_2712 = vector.load %arg2[%get3A_2707, %get3A_2708, %get3A_2709, %get3A_2710, %get3A_2711] : memref<1x2x21x70x128xf32, #tpu.memory_space<vmem>>, vector<1x1x1x70x128xf32>
    %get3A_2713 = vector.shape_cast %get3A_2712 : vector<1x1x1x70x128xf32> to vector<70x128xf32>
    %sub3A_2714 = arith.subf %get3A_2713, %max3A_2576 : vector<70x128xf32>
    %exp3A_2715 = math.exp %sub3A_2714 : vector<70x128xf32>
    %add3A_2716 = arith.addf %add3A_2702, %exp3A_2715 : vector<70x128xf32>
    %eq3A_2717 = arith.constant 9.000000e+00 : f32
    %eq3A_2718 = vector.broadcast %eq3A_2717 : f32 to vector<70x128xf32>
    %eq3A_2719 = arith.cmpf oeq, %select_n3A_2259, %eq3A_2718 : vector<70x128xf32>
    %select_n3A_2720 = arith.select %eq3A_2719, %get3A_2713, %select_n3A_2706 : vector<70x128xi1>, vector<70x128xf32>
    %get3A_2721 = arith.constant 0 : index
    %get3A_2722 = arith.constant 1 : index
    %get3A_2723 = arith.constant 10 : index
    %get3A_2724 = arith.constant 0 : index
    %get3A_2725 = arith.constant 0 : index
    %get3A_2726 = vector.load %arg2[%get3A_2721, %get3A_2722, %get3A_2723, %get3A_2724, %get3A_2725] : memref<1x2x21x70x128xf32, #tpu.memory_space<vmem>>, vector<1x1x1x70x128xf32>
    %get3A_2727 = vector.shape_cast %get3A_2726 : vector<1x1x1x70x128xf32> to vector<70x128xf32>
    %sub3A_2728 = arith.subf %get3A_2727, %max3A_2576 : vector<70x128xf32>
    %exp3A_2729 = math.exp %sub3A_2728 : vector<70x128xf32>
    %add3A_2730 = arith.addf %add3A_2716, %exp3A_2729 : vector<70x128xf32>
    %eq3A_2731 = arith.constant 1.000000e+01 : f32
    %eq3A_2732 = vector.broadcast %eq3A_2731 : f32 to vector<70x128xf32>
    %eq3A_2733 = arith.cmpf oeq, %select_n3A_2259, %eq3A_2732 : vector<70x128xf32>
    %select_n3A_2734 = arith.select %eq3A_2733, %get3A_2727, %select_n3A_2720 : vector<70x128xi1>, vector<70x128xf32>
    %get3A_2735 = arith.constant 0 : index
    %get3A_2736 = arith.constant 1 : index
    %get3A_2737 = arith.constant 11 : index
    %get3A_2738 = arith.constant 0 : index
    %get3A_2739 = arith.constant 0 : index
    %get3A_2740 = vector.load %arg2[%get3A_2735, %get3A_2736, %get3A_2737, %get3A_2738, %get3A_2739] : memref<1x2x21x70x128xf32, #tpu.memory_space<vmem>>, vector<1x1x1x70x128xf32>
    %get3A_2741 = vector.shape_cast %get3A_2740 : vector<1x1x1x70x128xf32> to vector<70x128xf32>
    %sub3A_2742 = arith.subf %get3A_2741, %max3A_2576 : vector<70x128xf32>
    %exp3A_2743 = math.exp %sub3A_2742 : vector<70x128xf32>
    %add3A_2744 = arith.addf %add3A_2730, %exp3A_2743 : vector<70x128xf32>
    %eq3A_2745 = arith.constant 1.100000e+01 : f32
    %eq3A_2746 = vector.broadcast %eq3A_2745 : f32 to vector<70x128xf32>
    %eq3A_2747 = arith.cmpf oeq, %select_n3A_2259, %eq3A_2746 : vector<70x128xf32>
    %select_n3A_2748 = arith.select %eq3A_2747, %get3A_2741, %select_n3A_2734 : vector<70x128xi1>, vector<70x128xf32>
    %get3A_2749 = arith.constant 0 : index
    %get3A_2750 = arith.constant 1 : index
    %get3A_2751 = arith.constant 12 : index
    %get3A_2752 = arith.constant 0 : index
    %get3A_2753 = arith.constant 0 : index
    %get3A_2754 = vector.load %arg2[%get3A_2749, %get3A_2750, %get3A_2751, %get3A_2752, %get3A_2753] : memref<1x2x21x70x128xf32, #tpu.memory_space<vmem>>, vector<1x1x1x70x128xf32>
    %get3A_2755 = vector.shape_cast %get3A_2754 : vector<1x1x1x70x128xf32> to vector<70x128xf32>
    %sub3A_2756 = arith.subf %get3A_2755, %max3A_2576 : vector<70x128xf32>
    %exp3A_2757 = math.exp %sub3A_2756 : vector<70x128xf32>
    %add3A_2758 = arith.addf %add3A_2744, %exp3A_2757 : vector<70x128xf32>
    %eq3A_2759 = arith.constant 1.200000e+01 : f32
    %eq3A_2760 = vector.broadcast %eq3A_2759 : f32 to vector<70x128xf32>
    %eq3A_2761 = arith.cmpf oeq, %select_n3A_2259, %eq3A_2760 : vector<70x128xf32>
    %select_n3A_2762 = arith.select %eq3A_2761, %get3A_2755, %select_n3A_2748 : vector<70x128xi1>, vector<70x128xf32>
    %get3A_2763 = arith.constant 0 : index
    %get3A_2764 = arith.constant 1 : index
    %get3A_2765 = arith.constant 13 : index
    %get3A_2766 = arith.constant 0 : index
    %get3A_2767 = arith.constant 0 : index
    %get3A_2768 = vector.load %arg2[%get3A_2763, %get3A_2764, %get3A_2765, %get3A_2766, %get3A_2767] : memref<1x2x21x70x128xf32, #tpu.memory_space<vmem>>, vector<1x1x1x70x128xf32>
    %get3A_2769 = vector.shape_cast %get3A_2768 : vector<1x1x1x70x128xf32> to vector<70x128xf32>
    %sub3A_2770 = arith.subf %get3A_2769, %max3A_2576 : vector<70x128xf32>
    %exp3A_2771 = math.exp %sub3A_2770 : vector<70x128xf32>
    %add3A_2772 = arith.addf %add3A_2758, %exp3A_2771 : vector<70x128xf32>
    %eq3A_2773 = arith.constant 1.300000e+01 : f32
    %eq3A_2774 = vector.broadcast %eq3A_2773 : f32 to vector<70x128xf32>
    %eq3A_2775 = arith.cmpf oeq, %select_n3A_2259, %eq3A_2774 : vector<70x128xf32>
    %select_n3A_2776 = arith.select %eq3A_2775, %get3A_2769, %select_n3A_2762 : vector<70x128xi1>, vector<70x128xf32>
    %get3A_2777 = arith.constant 0 : index
    %get3A_2778 = arith.constant 1 : index
    %get3A_2779 = arith.constant 14 : index
    %get3A_2780 = arith.constant 0 : index
    %get3A_2781 = arith.constant 0 : index
    %get3A_2782 = vector.load %arg2[%get3A_2777, %get3A_2778, %get3A_2779, %get3A_2780, %get3A_2781] : memref<1x2x21x70x128xf32, #tpu.memory_space<vmem>>, vector<1x1x1x70x128xf32>
    %get3A_2783 = vector.shape_cast %get3A_2782 : vector<1x1x1x70x128xf32> to vector<70x128xf32>
    %sub3A_2784 = arith.subf %get3A_2783, %max3A_2576 : vector<70x128xf32>
    %exp3A_2785 = math.exp %sub3A_2784 : vector<70x128xf32>
    %add3A_2786 = arith.addf %add3A_2772, %exp3A_2785 : vector<70x128xf32>
    %eq3A_2787 = arith.constant 1.400000e+01 : f32
    %eq3A_2788 = vector.broadcast %eq3A_2787 : f32 to vector<70x128xf32>
    %eq3A_2789 = arith.cmpf oeq, %select_n3A_2259, %eq3A_2788 : vector<70x128xf32>
    %select_n3A_2790 = arith.select %eq3A_2789, %get3A_2783, %select_n3A_2776 : vector<70x128xi1>, vector<70x128xf32>
    %get3A_2791 = arith.constant 0 : index
    %get3A_2792 = arith.constant 1 : index
    %get3A_2793 = arith.constant 15 : index
    %get3A_2794 = arith.constant 0 : index
    %get3A_2795 = arith.constant 0 : index
    %get3A_2796 = vector.load %arg2[%get3A_2791, %get3A_2792, %get3A_2793, %get3A_2794, %get3A_2795] : memref<1x2x21x70x128xf32, #tpu.memory_space<vmem>>, vector<1x1x1x70x128xf32>
    %get3A_2797 = vector.shape_cast %get3A_2796 : vector<1x1x1x70x128xf32> to vector<70x128xf32>
    %sub3A_2798 = arith.subf %get3A_2797, %max3A_2576 : vector<70x128xf32>
    %exp3A_2799 = math.exp %sub3A_2798 : vector<70x128xf32>
    %add3A_2800 = arith.addf %add3A_2786, %exp3A_2799 : vector<70x128xf32>
    %eq3A_2801 = arith.constant 1.500000e+01 : f32
    %eq3A_2802 = vector.broadcast %eq3A_2801 : f32 to vector<70x128xf32>
    %eq3A_2803 = arith.cmpf oeq, %select_n3A_2259, %eq3A_2802 : vector<70x128xf32>
    %select_n3A_2804 = arith.select %eq3A_2803, %get3A_2797, %select_n3A_2790 : vector<70x128xi1>, vector<70x128xf32>
    %get3A_2805 = arith.constant 0 : index
    %get3A_2806 = arith.constant 1 : index
    %get3A_2807 = arith.constant 16 : index
    %get3A_2808 = arith.constant 0 : index
    %get3A_2809 = arith.constant 0 : index
    %get3A_2810 = vector.load %arg2[%get3A_2805, %get3A_2806, %get3A_2807, %get3A_2808, %get3A_2809] : memref<1x2x21x70x128xf32, #tpu.memory_space<vmem>>, vector<1x1x1x70x128xf32>
    %get3A_2811 = vector.shape_cast %get3A_2810 : vector<1x1x1x70x128xf32> to vector<70x128xf32>
    %sub3A_2812 = arith.subf %get3A_2811, %max3A_2576 : vector<70x128xf32>
    %exp3A_2813 = math.exp %sub3A_2812 : vector<70x128xf32>
    %add3A_2814 = arith.addf %add3A_2800, %exp3A_2813 : vector<70x128xf32>
    %eq3A_2815 = arith.constant 1.600000e+01 : f32
    %eq3A_2816 = vector.broadcast %eq3A_2815 : f32 to vector<70x128xf32>
    %eq3A_2817 = arith.cmpf oeq, %select_n3A_2259, %eq3A_2816 : vector<70x128xf32>
    %select_n3A_2818 = arith.select %eq3A_2817, %get3A_2811, %select_n3A_2804 : vector<70x128xi1>, vector<70x128xf32>
    %get3A_2819 = arith.constant 0 : index
    %get3A_2820 = arith.constant 1 : index
    %get3A_2821 = arith.constant 17 : index
    %get3A_2822 = arith.constant 0 : index
    %get3A_2823 = arith.constant 0 : index
    %get3A_2824 = vector.load %arg2[%get3A_2819, %get3A_2820, %get3A_2821, %get3A_2822, %get3A_2823] : memref<1x2x21x70x128xf32, #tpu.memory_space<vmem>>, vector<1x1x1x70x128xf32>
    %get3A_2825 = vector.shape_cast %get3A_2824 : vector<1x1x1x70x128xf32> to vector<70x128xf32>
    %sub3A_2826 = arith.subf %get3A_2825, %max3A_2576 : vector<70x128xf32>
    %exp3A_2827 = math.exp %sub3A_2826 : vector<70x128xf32>
    %add3A_2828 = arith.addf %add3A_2814, %exp3A_2827 : vector<70x128xf32>
    %eq3A_2829 = arith.constant 1.700000e+01 : f32
    %eq3A_2830 = vector.broadcast %eq3A_2829 : f32 to vector<70x128xf32>
    %eq3A_2831 = arith.cmpf oeq, %select_n3A_2259, %eq3A_2830 : vector<70x128xf32>
    %select_n3A_2832 = arith.select %eq3A_2831, %get3A_2825, %select_n3A_2818 : vector<70x128xi1>, vector<70x128xf32>
    %get3A_2833 = arith.constant 0 : index
    %get3A_2834 = arith.constant 1 : index
    %get3A_2835 = arith.constant 18 : index
    %get3A_2836 = arith.constant 0 : index
    %get3A_2837 = arith.constant 0 : index
    %get3A_2838 = vector.load %arg2[%get3A_2833, %get3A_2834, %get3A_2835, %get3A_2836, %get3A_2837] : memref<1x2x21x70x128xf32, #tpu.memory_space<vmem>>, vector<1x1x1x70x128xf32>
    %get3A_2839 = vector.shape_cast %get3A_2838 : vector<1x1x1x70x128xf32> to vector<70x128xf32>
    %sub3A_2840 = arith.subf %get3A_2839, %max3A_2576 : vector<70x128xf32>
    %exp3A_2841 = math.exp %sub3A_2840 : vector<70x128xf32>
    %add3A_2842 = arith.addf %add3A_2828, %exp3A_2841 : vector<70x128xf32>
    %eq3A_2843 = arith.constant 1.800000e+01 : f32
    %eq3A_2844 = vector.broadcast %eq3A_2843 : f32 to vector<70x128xf32>
    %eq3A_2845 = arith.cmpf oeq, %select_n3A_2259, %eq3A_2844 : vector<70x128xf32>
    %select_n3A_2846 = arith.select %eq3A_2845, %get3A_2839, %select_n3A_2832 : vector<70x128xi1>, vector<70x128xf32>
    %get3A_2847 = arith.constant 0 : index
    %get3A_2848 = arith.constant 1 : index
    %get3A_2849 = arith.constant 19 : index
    %get3A_2850 = arith.constant 0 : index
    %get3A_2851 = arith.constant 0 : index
    %get3A_2852 = vector.load %arg2[%get3A_2847, %get3A_2848, %get3A_2849, %get3A_2850, %get3A_2851] : memref<1x2x21x70x128xf32, #tpu.memory_space<vmem>>, vector<1x1x1x70x128xf32>
    %get3A_2853 = vector.shape_cast %get3A_2852 : vector<1x1x1x70x128xf32> to vector<70x128xf32>
    %sub3A_2854 = arith.subf %get3A_2853, %max3A_2576 : vector<70x128xf32>
    %exp3A_2855 = math.exp %sub3A_2854 : vector<70x128xf32>
    %add3A_2856 = arith.addf %add3A_2842, %exp3A_2855 : vector<70x128xf32>
    %eq3A_2857 = arith.constant 1.900000e+01 : f32
    %eq3A_2858 = vector.broadcast %eq3A_2857 : f32 to vector<70x128xf32>
    %eq3A_2859 = arith.cmpf oeq, %select_n3A_2259, %eq3A_2858 : vector<70x128xf32>
    %select_n3A_2860 = arith.select %eq3A_2859, %get3A_2853, %select_n3A_2846 : vector<70x128xi1>, vector<70x128xf32>
    %get3A_2861 = arith.constant 0 : index
    %get3A_2862 = arith.constant 1 : index
    %get3A_2863 = arith.constant 20 : index
    %get3A_2864 = arith.constant 0 : index
    %get3A_2865 = arith.constant 0 : index
    %get3A_2866 = vector.load %arg2[%get3A_2861, %get3A_2862, %get3A_2863, %get3A_2864, %get3A_2865] : memref<1x2x21x70x128xf32, #tpu.memory_space<vmem>>, vector<1x1x1x70x128xf32>
    %get3A_2867 = vector.shape_cast %get3A_2866 : vector<1x1x1x70x128xf32> to vector<70x128xf32>
    %sub3A_2868 = arith.subf %get3A_2867, %max3A_2576 : vector<70x128xf32>
    %exp3A_2869 = math.exp %sub3A_2868 : vector<70x128xf32>
    %add3A_2870 = arith.addf %add3A_2856, %exp3A_2869 : vector<70x128xf32>
    %eq3A_2871 = arith.constant 2.000000e+01 : f32
    %eq3A_2872 = vector.broadcast %eq3A_2871 : f32 to vector<70x128xf32>
    %eq3A_2873 = arith.cmpf oeq, %select_n3A_2259, %eq3A_2872 : vector<70x128xf32>
    %select_n3A_2874 = arith.select %eq3A_2873, %get3A_2867, %select_n3A_2860 : vector<70x128xi1>, vector<70x128xf32>
    %log3A_2875 = math.log %add3A_2870 : vector<70x128xf32>
    %add3A_2876 = arith.addf %log3A_2875, %max3A_2576 : vector<70x128xf32>
    %sub3A_2877 = arith.subf %add3A_2876, %select_n3A_2874 : vector<70x128xf32>
    %jit3A_2878 = arith.constant 0.000000e+00 : f32
    %broadcast_in_dim3A_2879 = vector.broadcast %jit3A_2878 : f32 to vector<70x128xf32>
    %select_n3A_2880 = arith.select %ge3A_2116, %sub3A_2877, %broadcast_in_dim3A_2879 : vector<70x128xi1>, vector<70x128xf32>
    %reduce_sum3A_2881 = vector.shape_cast %select_n3A_2880 : vector<70x128xf32> to vector<1x70x128xf32>
    %reduce_sum3A_2882 = arith.constant dense<0.000000e+00> : vector<1xf32>
    %reduce_sum3A_2883 = vector.multi_reduction <add>, %reduce_sum3A_2881, %reduce_sum3A_2882 [1, 2] : vector<1x70x128xf32> to vector<1xf32>
    %reduce_sum3A_2884 = vector.shape_cast %reduce_sum3A_2883 : vector<1xf32> to vector<1x1x1xf32>
    %reduce_sum3A_2885 = vector.extract %reduce_sum3A_2884[0, 0, 0] : f32 from vector<1x1x1xf32>
    %jit3A_2886 = arith.constant 0.000000e+00 : f32
    %broadcast_in_dim3A_2887 = vector.broadcast %jit3A_2886 : f32 to vector<70x128xf32>
    %select_n3A_2888 = arith.select %ge3A_2116, %broadcast_in_dim3A_2887, %sub3A_2877 : vector<70x128xi1>, vector<70x128xf32>
    %jit3A_2889 = arith.constant -1.000000e+00 : f32
    %broadcast_in_dim3A_2890 = vector.broadcast %jit3A_2889 : f32 to vector<70x128xf32>
    %select_n3A_2891 = arith.select %lt3A_39, %select_n3A_2888, %broadcast_in_dim3A_2890 : vector<70x128xi1>, vector<70x128xf32>
    %swap3A_2892 = arith.constant 1 : index
    %swap3A_2893 = arith.constant 0 : index
    %swap3A_2894 = arith.constant 0 : index
    %swap3A_2895 = vector.load %arg6[%swap3A_2892, %swap3A_2893, %swap3A_2894] : memref<2x70x128xf32, #tpu.memory_space<vmem>>, vector<1x70x128xf32>
    %swap3A_2896 = vector.shape_cast %swap3A_2895 : vector<1x70x128xf32> to vector<70x128xf32>
    %swap3A_2897 = vector.shape_cast %select_n3A_2891 : vector<70x128xf32> to vector<1x70x128xf32>
    tpu.vector_store %arg6[%swap3A_2892, %swap3A_2893, %swap3A_2894], %swap3A_2897 {strides = array<i32>} : memref<2x70x128xf32, #tpu.memory_space<vmem>>, vector<1x70x128xf32>,
    %bitcast_convert_type3A_2898 = tpu.bitcast %select_n3A_2891 : vector<70x128xf32> -> vector<70x128xi32>
    %swap3A_2899 = arith.constant 1 : index
    %swap3A_2900 = arith.constant 0 : index
    %swap3A_2901 = arith.constant 0 : index
    %swap3A_2902 = vector.load %arg7[%swap3A_2899, %swap3A_2900, %swap3A_2901] : memref<2x70x128xi32, #tpu.memory_space<vmem>>, vector<1x70x128xi32>
    %swap3A_2903 = vector.shape_cast %swap3A_2902 : vector<1x70x128xi32> to vector<70x128xi32>
    %swap3A_2904 = vector.shape_cast %bitcast_convert_type3A_2898 : vector<70x128xi32> to vector<1x70x128xi32>
    tpu.vector_store %arg7[%swap3A_2899, %swap3A_2900, %swap3A_2901], %swap3A_2904 {strides = array<i32>} : memref<2x70x128xi32, #tpu.memory_space<vmem>>, vector<1x70x128xi32>,
    %convert_element_type3A_2905 = arith.sitofp %reduce_sum3A_2126 : i32 to f32
    %swap3A_2906 = arith.constant 1 : index
    %swap3A_2907 = arith.constant 0 : index
    %swap3A_2908 = arith.constant 0 : index
    %swap3A_2909 = memref.load %arg8[%swap3A_2906, %swap3A_2907, %swap3A_2908] : memref<2x1x8xf32, #tpu.memory_space<smem>>
    memref.store %convert_element_type3A_2905, %arg8[%swap3A_2906, %swap3A_2907, %swap3A_2908] : memref<2x1x8xf32, #tpu.memory_space<smem>>
    %swap3A_2910 = arith.constant 1 : index
    %swap3A_2911 = arith.constant 0 : index
    %swap3A_2912 = arith.constant 1 : index
    %swap3A_2913 = memref.load %arg8[%swap3A_2910, %swap3A_2911, %swap3A_2912] : memref<2x1x8xf32, #tpu.memory_space<smem>>
    memref.store %add3A_2406, %arg8[%swap3A_2910, %swap3A_2911, %swap3A_2912] : memref<2x1x8xf32, #tpu.memory_space<smem>>
    %swap3A_2914 = arith.constant 1 : index
    %swap3A_2915 = arith.constant 0 : index
    %swap3A_2916 = arith.constant 2 : index
    %swap3A_2917 = memref.load %arg8[%swap3A_2914, %swap3A_2915, %swap3A_2916] : memref<2x1x8xf32, #tpu.memory_space<smem>>
    memref.store %reduce_sum3A_2885, %arg8[%swap3A_2914, %swap3A_2915, %swap3A_2916] : memref<2x1x8xf32, #tpu.memory_space<smem>>
    return
  }
  func.func @transform_0(%arg0: i32, %arg1: i32) -> (i32, i32, i32, i32, i32) {
    %c0_i32 = arith.constant 0 : i32
    %c0_i32_0 = arith.constant 0 : i32
    %c0_i32_1 = arith.constant 0 : i32
    %c0_i32_2 = arith.constant 0 : i32
    return %arg0, %arg1, %c0_i32, %c0_i32_0, %c0_i32_1 : i32, i32, i32, i32, i32
  }
  func.func @transform_1(%arg0: i32, %arg1: i32) -> (i32, i32, i32, i32, i32) {
    %c0_i32 = arith.constant 0 : i32
    %c0_i32_0 = arith.constant 0 : i32
    %c0_i32_1 = arith.constant 0 : i32
    %c0_i32_2 = arith.constant 0 : i32
    return %arg0, %arg1, %c0_i32, %c0_i32_0, %c0_i32_1 : i32, i32, i32, i32, i32
  }
  func.func @transform_2(%arg0: i32, %arg1: i32) -> (i32, i32, i32) {
    %c0_i32 = arith.constant 0 : i32
    %c0_i32_0 = arith.constant 0 : i32
    %c0_i32_1 = arith.constant 0 : i32
    %c0_i32_2 = arith.constant 0 : i32
    return %c0_i32, %c0_i32_0, %c0_i32_1 : i32, i32, i32
  }
  func.func @transform_3(%arg0: i32, %arg1: i32) -> (i32, i32, i32, i32) {
    %c0_i32 = arith.constant 0 : i32
    %c0_i32_0 = arith.constant 0 : i32
    %c0_i32_1 = arith.constant 0 : i32
    return %arg1, %arg0, %c0_i32, %c0_i32_0 : i32, i32, i32, i32
  }
  func.func @transform_4(%arg0: i32, %arg1: i32) -> (i32, i32, i32) {
    %mul3A = arith.constant 2 : i32
    %mul3A_0 = arith.muli %arg0, %mul3A : i32
    %add3A = arith.addi %mul3A_0, %arg1 : i32
    %c0_i32 = arith.constant 0 : i32
    %c0_i32_1 = arith.constant 0 : i32
    %c0_i32_2 = arith.constant 0 : i32
    return %add3A, %c0_i32, %c0_i32_1 : i32, i32, i32
  }
  func.func @transform_5(%arg0: i32, %arg1: i32) -> (i32, i32, i32) {
    %mul3A = arith.constant 2 : i32
    %mul3A_0 = arith.muli %arg0, %mul3A : i32
    %add3A = arith.addi %mul3A_0, %arg1 : i32
    %c0_i32 = arith.constant 0 : i32
    %c0_i32_1 = arith.constant 0 : i32
    %c0_i32_2 = arith.constant 0 : i32
    return %add3A, %c0_i32, %c0_i32_1 : i32, i32, i32
  }
  func.func @transform_6(%arg0: i32, %arg1: i32) -> (i32, i32, i32) {
    %mul3A = arith.constant 2 : i32
    %mul3A_0 = arith.muli %arg0, %mul3A : i32
    %add3A = arith.addi %mul3A_0, %arg1 : i32
    %c0_i32 = arith.constant 0 : i32
    %c0_i32_1 = arith.constant 0 : i32
    %c0_i32_2 = arith.constant 0 : i32
    return %add3A, %c0_i32, %c0_i32_1 : i32, i32, i32
  }
}

</mosaic_0001>

<sc_bundles>
// kernel: kernel.4.cloned.1.call-start
scs
__scs_entry_jumppad:
0x0: {  	(pc) =	sbr.rel $0x88, $3  }
0x1: {  	(tag) =	ssettag $0x0;
	lr =	simm.s32 $0x1  }
0x2: {  	[smem:$0x3F9D] =	sst lr;
	_ =	strace $0xD0000000  }
0x3: {  	_ = 	snop  }
0x4: {  	_ = 	snop  }
0x5: {  	_ = 	snop  }
0x6: {  	_ = 	snop  }
0x7: {  	_ = 	snop  }
__scs_overlays_trampoline_lowered:
0x8: {  	[smem:$0x3FAC] =	sst s0  }
0x9: {  	[smem:$0x3FAD] =	sst s1  }
0xa: {  	[smem:$0x3FAE] =	sst s2  }
0xb: {  	[smem:$0x3FAF] =	sst s3  }
0xc: {  	[smem:$0x3FB0] =	sst s4  }
0xd: {  	[smem:$0x3FB1] =	sst s5  }
0xe: {  	[smem:$0x3FB2] =	sst s6  }
0xf: {  	[smem:$0x3FB3] =	sst s7  }
0x10: {  	[smem:$0x3FB4] =	sst s8  }
0x11: {  	[smem:$0x3FB5] =	sst s9;
	s0 =	simm.s32 @!p0 $0x0  }
0x12: {  	s1 =	sld [smem:$0x3F9B];
	s0 =	simm.s32 @p0 $0x1  }
0x13: {  	[smem:$0x3FB6] =	sst s0;
	s0 =	simm.s32 @!p1 $0x0  }
0x14: {  	s2 =	sld [smem:$0x3F9A];
	s0 =	simm.s32 @p1 $0x1  }
0x15: {  	[smem:$0x3FB7] =	sst s0;
	s0 =	simm.s32 @!p2 $0x0  }
0x16: {  	s3 =	sld [smem:$0x3FDB];
	s0 =	simm.s32 @p2 $0x1  }
0x17: {  	s4 =	simm.s32 $0x1BF5;
	[smem:$0x3FB9] =	sst s0  }
0x18: {  	s0 =	sld [smem:$0x3F9C];
	_ =	swait.ge [sflag:s4], $0x0  }
0x19: {  	s7 =	sld [smem:$0x3F9D]  }
0x1a: {  	s8 =	sadd.s32 $0xFFFFE003, lr  }
0x1b: {  	s9 =	sadd.s32 $0xFFFFFEF7, lr;
	s5 =	simm.s32 $0xFFFFFFFF;
	p2 =	slt.u32 s8, $0xFFFFF086  }
0x1c: {  	p1 =	slt.u32 s9, $0xF7A;
	s5 =	simm.s32 @!p2 $0x0  }
0x1d: {  	s5 =	simm.s32 @p1 $0x1;
	p0 =	seq.s32 s7, s2  }
0x1e: {  	s7 =	smul.u32 @!p0 $0xF7A, s2;
	p2 =	seq.s32 @!p0 s5, $0x0  }
0x1f: {  	s9 =	smul.u32 $0xF7A, s1;
	s8 =	simm.s32 @!p0 $0x1BF5;
	p2 =	por !p2, p0  }
0x20: {  	[sflag:s8] =	ssyncset.s32 @!p0 $0xFFFFF086;
	s6 =	sadd.s32 @!p0 s3, s7;
	s7 =	simm.s32 @!p0 $0x108  }
0x21: {  	s3 =	sadd.s32 s3, s9;
	s6 =	sadd.s32 @!p0 $0x88, s6;
	s7 =	simm.s32 @p2 $0x1082  }
0x22: {  	[simem:s7], [sflag:s8] =	dma.local @!p0 [hbm:s6], $0xF7A  }
0x23: {  	s9 =	sor.u32 $0xD0000000, s2;
	s6 =	simm.s32 $0x108;
	_ =	swait.ge @!p0 [sflag:s8], $0x0  }
0x24: {  	s3 =	sadd.s32 $0x88, s3;
	s6 =	simm.s32 @!p1 $0x1082;
	[sflag:s4] =	ssyncset.s32 $0xFFFFF086  }
0x25: {  	[simem:s6], [sflag:s4] =	dma.local [hbm:s3], $0xF7A  }
0x26: {  	[smem:$0x3F9D] =	sst s1;
	(tag) =	ssettag s2;
	_ =	strace s9  }
0x27: {  	s1 =	sld [smem:$0x3FAD]  }
0x28: {  	s2 =	sld [smem:$0x3FAE]  }
0x29: {  	s4 =	sld [smem:$0x3FB0]  }
0x2a: {  	p0 =	seq.s32 s5, $0x0;
	s5 =	sld [smem:$0x3FB1]  }
0x2b: {  	s6 =	sld [smem:$0x3FB2]  }
0x2c: {  	s7 =	sld [smem:$0x3FB3]  }
0x2d: {  	s3 =	simm.s32 $0x108;
	s8 =	sld [smem:$0x3FB4]  }
0x2e: {  	s3 =	simm.s32 @!p0 $0x1082;
	s9 =	sld [smem:$0x3FB5]  }
0x2f: {  	lr =	sadd.s32 s0, s3;
	s0 =	sld [smem:$0x3FAC]  }
0x30: {  	s3 =	sld [smem:$0x3FAF]  }
0x31: {  	[smem:$0x3FB8] =	sst s10  }
0x32: {  	s10 =	sld [smem:$0x3FB6];
	_ =	sdelay $0x3  }
0x33: {  	p0 =	seq.s32 s10, $0x1;
	s10 =	sld [smem:$0x3FB8];
	_ =	sdelay $0x3  }
0x34: {  	[smem:$0x3FB8] =	sst s10  }
0x35: {  	s10 =	sld [smem:$0x3FB7];
	_ =	sdelay $0x3  }
0x36: {  	p1 =	seq.s32 s10, $0x1;
	s10 =	sld [smem:$0x3FB8];
	_ =	sdelay $0x3  }
0x37: {  	[smem:$0x3FB8] =	sst s10  }
0x38: {  	s10 =	sld [smem:$0x3FB9]  }
0x39: {  	_ = 	snop;
	(pc) =	sbr.ind lr, $3  }
0x3a: {  	_ = 	snop  }
0x3b: {  	_ = 	snop  }
0x3c: {  	p2 =	seq.s32 s10, $0x1;
	s10 =	sld [smem:$0x3FB8]  }
0x3d: {  	_ =	shalt  }
0x3e: {  	_ =	shalt  }
0x3f: {  	_ =	shalt  }
0x40: {  	_ =	shalt  }
0x41: {  	_ =	shalt  }
0x42: {  	_ =	shalt  }
0x43: {  	_ =	shalt  }
0x44: {  	_ =	shalt  }
0x45: {  	_ =	shalt  }
0x46: {  	_ =	shalt  }
0x47: {  	_ =	shalt  }
0x48: {  	_ =	shalt  }
0x49: {  	_ =	shalt  }
0x4a: {  	_ =	shalt  }
0x4b: {  	_ =	shalt  }
0x4c: {  	_ =	shalt  }
0x4d: {  	_ =	shalt  }
0x4e: {  	_ =	shalt  }
0x4f: {  	_ =	shalt  }
0x50: {  	_ =	shalt  }
0x51: {  	_ =	shalt  }
0x52: {  	_ =	shalt  }
0x53: {  	_ =	shalt  }
0x54: {  	_ =	shalt  }
0x55: {  	_ =	shalt  }
0x56: {  	_ =	shalt  }
0x57: {  	_ =	shalt  }
0x58: {  	_ =	shalt  }
0x59: {  	_ =	shalt  }
0x5a: {  	_ =	shalt  }
0x5b: {  	_ =	shalt  }
0x5c: {  	_ =	shalt  }
0x5d: {  	_ =	shalt  }
0x5e: {  	_ =	shalt  }
0x5f: {  	_ =	shalt  }
0x60: {  	_ =	shalt  }
0x61: {  	_ =	shalt  }
0x62: {  	_ =	shalt  }
0x63: {  	_ =	shalt  }
0x64: {  	_ =	shalt  }
0x65: {  	_ =	shalt  }
0x66: {  	_ =	shalt  }
0x67: {  	_ =	shalt  }
0x68: {  	_ =	shalt  }
0x69: {  	_ =	shalt  }
0x6a: {  	_ =	shalt  }
0x6b: {  	_ =	shalt  }
0x6c: {  	_ =	shalt  }
0x6d: {  	_ =	shalt  }
0x6e: {  	_ =	shalt  }
0x6f: {  	_ =	shalt  }
0x70: {  	_ =	shalt  }
0x71: {  	_ =	shalt  }
0x72: {  	_ =	shalt  }
0x73: {  	_ =	shalt  }
0x74: {  	_ =	shalt  }
0x75: {  	_ =	shalt  }
0x76: {  	_ =	shalt  }
0x77: {  	_ =	shalt  }
0x78: {  	_ =	shalt  }
0x79: {  	_ =	shalt  }
0x7a: {  	_ =	shalt  }
0x7b: {  	_ =	shalt  }
0x7c: {  	_ =	shalt  }
0x7d: {  	_ =	shalt  }
0x7e: {  	_ =	shalt  }
0x7f: {  	_ =	shalt  }
0x80: {  	_ =	shalt  }
0x81: {  	_ =	shalt  }
0x82: {  	_ =	shalt  }
0x83: {  	_ =	shalt  }
0x84: {  	_ =	shalt  }
0x85: {  	_ =	shalt  }
0x86: {  	_ =	shalt  }
0x87: {  	_ =	shalt  }
.Lfunc_end0:
.L_simem_size_0:
called_computation_lowered:
.L_overlay_start_0:
0x88: {  	s2 =	sld [smem:$0x3FD9]  }
0x89: {  	s3 =	sld [smem:$0x3FFE];
	_ =	sdelay $0x1  }
0x8a: {  	s1 =	srdreg.scid  }
0x8b: {  	s0 =	sand.u32 $0x1, s1  }
0x8c: {  	s16 =	sshll.u32 s0, $0xA;
	s2 =	sadd.s32 s3, s2  }
0x8d: {  	s2 =	sadd.s32 s2, s16  }
0x8e: {  	[smem:$0x3FC4] =	sst s2  }
0x8f: {  	_ = 	snop  }
0x90: {  	(tm) =	ssettm $0x1  }
0x91: {  	s17 =	sld [smem:$0x3FFB];
	_ =	sdelay $0x3  }
0x92: {  	_ =	strace s17  }
0x93: {  	s2 =	sld [smem:$0x3FFC];
	_ =	sdelay $0x3  }
0x94: {  	_ =	strace s2  }
0x95: {  	s2 =	sld [smem:$0x3FFD];
	_ =	sdelay $0x3  }
0x96: {  	_ =	strace s2  }
0x97: {  	_ =	strace $0x8FFFFFFF  }
0x98: {  	s18 =	sld [smem:$0x3FDB];
	_ =	sdelay $0x1  }
0x99: {  	s19 =	simm.s32 $_scs_section_size  }
0x9a: {  	s4 =	simm.s32 $_size__tile_overlayer_lowered;
	s5 =	simm.s32 $_tile_overlayer_lowered  }
0x9b: {  	s22 =	simm.s32 $0x1BFF;
	s21 =	sshll.u32 s5, $0x1;
	s2 =	sadd.s32 s19, s18  }
0x9c: {  	s6 =	simm.s32 $0x0;
	s20 =	sshll.u32 s4, $0x1;
	s4 =	sadd.s32 s21, s2  }
0x9d: {  	[timem:s6], [sflag:s22] =	dma.local [hbm:s4], s20  }
0x9e: {  	_ =	swait.ge [sflag:s22], s20  }
0x9f: {  	s3 =	ssub.s32 $0x0, s20;
	[sflag:s22] =	ssyncset.done $0x0  }
0xa0: {  	[sflag:s22] =	ssyncadd.s32 s3;
	_ =	sdelay $0x1  }
0xa1: {  	s23 =	simm.s32 $0x1B8B  }
0xa2: {  	_ =	swait.ge [sflag:s23], $0x1  }
0xa3: {  	[sflag:s23] =	ssyncset.done $0x0  }
0xa4: {  	s25 =	simm.s32 $0x1B8E;
	s24 =	sld [smem:$0x3FFE];
	[sflag:s23] =	ssyncadd.s32 $0xFFFFFFFF  }
0xa5: {  	s26 =	simm.s32 $execute0_lowered;
	[smem:$0x3FD2] =	sst s25  }
0xa6: {  	s4 =	sshll.u32 s26, $0x1;
	_ =	strace $0x80000046;
	[dreg:$0x1] =	wrdreg $0xFFFFFFFF  }
0xa7: {  	s28 =	simm.s32 $_size_execute0_lowered;
	s2 =	sadd.s32 s2, s4;
	[dreg:$0x0] =	wrdreg $0x0  }
0xa8: {  	s4 =	sshll.u32 s28, $0x1;
	[dreg:$0x2] =	wrdreg s2  }
0xa9: {  	[dreg:$0x3] =	wrdreg s4  }
0xaa: {  	[dreg:$0x4] =	wrdreg $0xC0  }
0xab: {  	_ =	task [dreg:s6], $0x5FFFF  }
0xac: {  	[dreg:$0x1] =	wrdreg $0xFFFFFFFF  }
0xad: {  	[dreg:$0x0] =	wrdreg $0x60  }
0xae: {  	[dreg:$0x2] =	wrdreg s24  }
0xaf: {  	[dreg:$0x3] =	wrdreg $0x9  }
0xb0: {  	_ =	task.clear_ibuf [dreg:s6], $0x4FFFF;
	_ =	strace $0x90000046  }
0xb1: {  	s29 =	simm.s32 $0x9;
	_ =	strace $0x80000048  }
0xb2: {  	_ =	swait.ge [sflag:s29], $0x1  }
0xb3: {  	[sflag:s29] =	ssyncadd.s32 $0xFFFFFFFF  }
0xb4: {  	_ =	strace $0x90000048  }
0xb5: {  	_ =	sfence  }
0xb6: {  	s30 =	sld [smem:$0x0];
	_ =	sdelay $0x2  }
0xb7: {  	s31 =	sshll.u32 s1, $0xD;
	s1 =	sshrl.u32 s1, $0x2  }
0xb8: {  	s3 =	sand.u32 $0x4000, s31;
	s1 =	sadd.s32 s1, s30  }
0xb9: {  	s0 =	sor.u32 s3, s0;
	s1 =	sshll.u32 s1, $0x11  }
0xba: {  	s0 =	sor.u32 s1, s0  }
0xbb: {  	s0 =	sadd.s32 $0x8F2B, s0  }
0xbc: {  	[sflag:s0] =	ssyncadd.remote.s32 $0x1  }
0xbd: {  	_ =	sfence.sel $0xFFFF  }
0xbe: {  	[dreg:$0x0] =	wrdreg $0xFFFFFFFF;
	(pc) =	sbr.abs _section_cstart, $3  }
0xbf: {  	[dreg:$0x1] =	wrdreg $0xFFFFFFFF  }
0xc0: {  	_ =	task.clear_ibuf [dreg:s6], $0x2FFFF;
	_ =	strace $0x9FFFFFFF  }
0xc1: {  	(tm) =	ssettm $0x7FFFFFFF  }
tec
execute0_lowered:
.L_overlay_start_1:
0x0: {  	(tag) =	ssettag $0x1  }
0x1: {  	s10 =	rddreg [dreg:$0x0]  }
0x2: {  	s0 =	rddreg [dreg:$0x1];
	s1 =	simm.s32 $0x0  }
0x3: {  	s3 =	srdreg.scid;
	s2 =	stileid.u32;
	s19 =	simm.s32 $0x2300  }
0x4: {  	s20 =	simm.s32 $0x4600;
	s21 =	simm.s32 $0x4680;
	s22 =	simm.s32 $0x4700  }
0x5: {  	s23 =	simm.s32 $0x4780;
	s24 =	simm.s32 $0x0;
	[smem:$0x7FF] =	sst s1  }
0x6: {  	s9 =	sadd.s32 $0x11800, s10;
	s11 =	sadd.s32 $0x23000, s10;
	s3 =	sand.u32 $0x1, s3  }
0x7: {  	s4 =	sshll.u32 s2, $0x9;
	s5 =	sshrl.u32 s2, $0x1;
	s12 =	sadd.s32 $0x23800, s10  }
0x8: {  	s13 =	sadd.s32 $0x23400, s10;
	s14 =	sadd.s32 $0x23C00, s10;
	s6 =	sshll.u32 s3, $0x8  }
0x9: {  	v0 =	vimm.s32 $0xEFCDAB89;
	v1 =	vimm.s32 $0x67452301;
	s4 =	sand.u32 $0x200, s4;
	s7 =	smul.u32 $0x11800, s5;
	s3 =	ssub.s32 $0x2, s3  }
0xa: {  	v2 =	vimm.s32 $0xDCFE98BA;
	v3 =	vimm.s32 $0x54761032;
	_ =	strace $0x80000047;
	s6 =	sor.u32 s6, s4;
	s8 =	sshrl.u32 s3, $0x1  }
0xb: {  	v4 =	vimm.s32 $0xBA98FEDC;
	v5 =	vimm.s32 $0xFEDCBA98;
	s15 =	sshll.u32 s5, $0xA;
	s4 =	sor.u32 s7, s6;
	s16 =	ssub.s32 s3, s8  }
0xc: {  	v6 =	vimm.s32 $0x32107654;
	v7 =	vimm.s32 $0x76543210;
	v0 =	vunpack.c.l.s4.s8 v0;
	s5 =	sor.u32 s15, s6;
	s17 =	sor.u32 $0x80, s6;
	s4 =	sshrl.u32 s4, $0x3  }
0xd: {  	v1 =	vunpack.c.l.s4.s8 v1;
	v2 =	vunpack.c.l.s4.s8 v2;
	v3 =	vunpack.c.l.s4.s8 v3;
	s31 =	sshrl.u32 s5, $0x3;
	s18 =	sor.u32 s7, s17;
	s15 =	sor.u32 s15, s17  }
0xe: {  	v5 =	vunpack.c.l.s4.s8 v5;
	v4 =	vunpack.c.l.s4.s8 v4;
	v6 =	vunpack.c.l.s4.s8 v6;
	s17 =	simm.s32 $0x400;
	s3 =	sadd.s32 s9, s4;
	s4 =	sadd.s32 s10, s4  }
0xf: {  	v7 =	vunpack.c.l.s4.s8 v7;
	v0 =	vunpack.c.0.s8.s32 v0;
	v1 =	vunpack.c.0.s8.s32 v1;
	s5 =	sadd.s32 s11, s31;
	s6 =	sadd.s32 s12, s31;
	s7 =	sadd.s32 s13, s31  }
0x10: {  	v2 =	vunpack.c.0.s8.s32 v2;
	v3 =	vunpack.c.0.s8.s32 v3;
	v5 =	vunpack.c.0.s8.s32 v5;
	s18 =	sshrl.u32 s18, $0x3;
	s8 =	sadd.s32 s14, s31;
	s15 =	sshrl.u32 s15, $0x3  }
0x11: {  	v4 =	vunpack.c.0.s8.s32 v4;
	v6 =	vunpack.c.0.s8.s32 v6;
	v7 =	vunpack.c.0.s8.s32 v7;
	s9 =	sadd.s32 s9, s18;
	s10 =	sadd.s32 s10, s18;
	s11 =	sadd.s32 s11, s15  }
0x12: {  	v0 =	vcombine.low v1, v0;
	v1 =	vcombine.low v3, v2;
	v5 =	vand.u32 $0xF, v5;
	s12 =	sadd.s32 s12, s15;
	s13 =	sadd.s32 s13, s15;
	s14 =	sadd.s32 s14, s15  }
0x13: {  	v2 =	vcombine.low v6, v4;
	v3 =	vimm.s32 $0x0;
	v4 =	vcombine.low v5, v7;
	s15 =	smax.u32 s16, $0x1;
	s16 =	simm.s32 $0x80;
	s18 =	simm.s32 $0x1  }
.LBB2_1:
0x14: {  	[tilespmem:s1], [sflag:$0x1] =	stream.strided.gather [hbm4b:s3+s16], $0x2300, s17, s16, $0x38;
	[tilespmem:$0x4800] =	vst v63  }
0x15: {  	_ =	swait.ge [sflag:s18], $0x2300  }
0x16: {  	[sflag:s18] =	ssyncset.done $0x0  }
0x17: {  	[sflag:s18] =	ssyncadd.s32 $0xFFFFDD00  }
0x18: {  	[tilespmem:s19], [sflag:$0x1] =	stream.strided.gather [hbm4b:s4+s16], $0x2300, s17, s16, $0x38;
	[tilespmem:$0x4800] =	vst v63  }
0x19: {  	_ =	swait.ge [sflag:s18], $0x2300  }
0x1a: {  	[sflag:s18] =	ssyncset.done $0x0  }
0x1b: {  	[sflag:s18] =	ssyncadd.s32 $0xFFFFDD00  }
0x1c: {  	[tilespmem:s20], [sflag:$0x1] =	stream.linear.gather [hbm4b:s5+s1], $0x80, $0x38;
	[tilespmem:$0x4800] =	vst v63  }
0x1d: {  	_ =	swait.ge [sflag:s18], $0x80  }
0x1e: {  	[sflag:s18] =	ssyncset.done $0x0  }
0x1f: {  	[sflag:s18] =	ssyncadd.s32 $0xFFFFFF80  }
0x20: {  	v6 =	vimm.s32 $0x7FFFFFFF;
	v5 =	vimm.s32 $0x0;
	s25 =	simm.s32 $0x0;
	v7 =	vld [tilespmem:$0x4600]  }
.LBB2_2:
0x21: {  	s29 =	simm.s32 $0x0  }
0x22: {  	v9 =	vld [tilespmem:s29+$0x2300]  }
0x23: {  	v8 =	vsub.s32 v6, v5;
	v11 =	vld [tilespmem:s29+$0x2310]  }
0x24: {  	v10 =	vshra.s32 v8, $0x1;
	v13 =	vld [tilespmem:s29+$0x2320]  }
0x25: {  	v8 =	vand.u32 $0x1, v8;
	v12 =	vld [tilespmem:s29+$0x2330];
	v10 =	vadd.s32 v5, v10  }
0x26: {  	v8 =	vadd.s32 v8, v10;
	v10 =	vld [tilespmem:s29+$0x2340]  }
0x27: {  	vm0 =	vge.s32 v9, v8;
	v9 =	vld [tilespmem:s29+$0x2350]  }
0x28: {  	v14 =	vimm.s32 $0x0;
	v15 =	vsel vm0, $0x1, v3;
	vm0 =	vge.s32 v11, v8;
	v11 =	vld [tilespmem:s29+$0x2360]  }
0x29: {  	s26 =	simm.s32 $0x80;
	s28 =	simm.s32 $0x400;
	v14 =	vadd.s32 v15, v14;
	v15 =	vsel vm0, $0x1, v3;
	vm0 =	vge.s32 v13, v8;
	v13 =	vld [tilespmem:s29+$0x2370]  }
.LBB2_3:
0x2a: {  	p0 =	sne.s32 s28, $0x8A00;
	v16 =	vld [tilespmem:s26+$0x2300];
	v14 =	vadd.s32 v15, v14;
	v15 =	vsel vm0, $0x1, v3;
	vm0 =	vge.s32 v12, v8  }
0x2b: {  	v17 =	vld [tilespmem:s26+$0x2310];
	v12 =	vadd.s32 v15, v14;
	v14 =	vsel vm0, $0x1, v3;
	vm0 =	vge.s32 v10, v8  }
0x2c: {  	v18 =	vld [tilespmem:s26+$0x2320];
	v10 =	vadd.s32 v14, v12;
	v14 =	vsel vm0, $0x1, v3;
	vm0 =	vge.s32 v9, v8  }
.Ltmp0:
0x2d: {  	v12 =	vld [tilespmem:s26+$0x2330];
	v9 =	vadd.s32 v14, v10;
	v14 =	vsel vm0, $0x1, v3;
	vm0 =	vge.s32 v11, v8;
	(pc) =	sbr.rel @p0 .LBB2_3-.Ltmp0, $4  }
0x2e: {  	v10 =	vld [tilespmem:s26+$0x2340];
	v11 =	vadd.s32 v14, v9;
	v14 =	vsel vm0, $0x1, v3;
	vm0 =	vge.s32 v13, v8  }
0x2f: {  	vm1 =	vge.s32 v16, v8;
	v9 =	vld [tilespmem:s26+$0x2350];
	v13 =	vadd.s32 v14, v11;
	v14 =	vsel vm0, $0x1, v3  }
0x30: {  	v15 =	vsel vm1, $0x1, v3;
	vm0 =	vge.s32 v17, v8;
	v11 =	vld [tilespmem:s26+$0x2360];
	v13 =	vadd.s32 v14, v13  }
0x31: {  	v14 =	vadd.s32 v15, v13;
	v15 =	vsel vm0, $0x1, v3;
	vm0 =	vge.s32 v18, v8;
	v13 =	vld [tilespmem:s26+$0x2370];
	s26 =	sshra.s32 s28, $0x2;
	s28 =	sadd.s32 $0x200, s28  }
0x32: {  	v16 =	vld [tilespmem:s26+$0x2300];
	v14 =	vadd.s32 v15, v14;
	v44 =	vsel vm0, $0x1, v3;
	vm15 =	vge.s32 v12, v8  }
0x33: {  	v45 =	vld [tilespmem:s26+$0x2310];
	v14 =	vadd.s32 v44, v14;
	v46 =	vsel vm15, $0x1, v3;
	vm4 =	vge.s32 v10, v8  }
0x34: {  	v47 =	vld [tilespmem:s26+$0x2320];
	v14 =	vadd.s32 v46, v14;
	v48 =	vsel vm4, $0x1, v3;
	vm5 =	vge.s32 v9, v8  }
0x35: {  	v49 =	vld [tilespmem:s26+$0x2330];
	v14 =	vadd.s32 v48, v14;
	v50 =	vsel vm5, $0x1, v3;
	vm6 =	vge.s32 v11, v8  }
0x36: {  	v51 =	vld [tilespmem:s26+$0x2340];
	v14 =	vadd.s32 v50, v14;
	v52 =	vsel vm6, $0x1, v3;
	vm7 =	vge.s32 v13, v8  }
0x37: {  	v53 =	vld [tilespmem:s26+$0x2350];
	vm1 =	vge.s32 v16, v8;
	v14 =	vadd.s32 v52, v14;
	v54 =	vsel vm7, $0x1, v3  }
0x38: {  	v55 =	vld [tilespmem:s26+$0x2360];
	vm8 =	vge.s32 v45, v8;
	v16 =	vsel vm1, $0x1, v3;
	v14 =	vadd.s32 v54, v14  }
0x39: {  	v57 =	vld [tilespmem:s26+$0x2370];
	vm9 =	vge.s32 v47, v8;
	v56 =	vsel vm8, $0x1, v3;
	v14 =	vadd.s32 v16, v14  }
0x3a: {  	vm10 =	vge.s32 v49, v8;
	v58 =	vsel vm9, $0x1, v3;
	v14 =	vadd.s32 v56, v14  }
0x3b: {  	vm11 =	vge.s32 v51, v8;
	v60 =	vsel vm10, $0x1, v3;
	v59 =	vadd.s32 v58, v14  }
0x3c: {  	vm12 =	vge.s32 v53, v8;
	v11 =	vsel vm11, $0x1, v3;
	v9 =	vadd.s32 v60, v59  }
0x3d: {  	vm13 =	vge.s32 v55, v8;
	v61 =	vsel vm12, $0x1, v3;
	v9 =	vadd.s32 v11, v9  }
0x3e: {  	vm14 =	vge.s32 v57, v8;
	v62 =	vsel vm13, $0x1, v3;
	v9 =	vadd.s32 v61, v9  }
0x3f: {  	v10 =	vsel vm14, $0x1, v3;
	v9 =	vadd.s32 v62, v9  }
0x40: {  	v9 =	vadd.s32 v10, v9  }
0x41: {  	v10 =	vperm.xlane v9, v0;
	_ =	sdelay $0x1  }
0x42: {  	v9 =	vadd.s32 v9, v10  }
0x43: {  	v10 =	vperm.xlane v9, v1;
	_ =	sdelay $0x1  }
0x44: {  	v9 =	vadd.s32 v10, v9  }
0x45: {  	v10 =	vperm.xlane v9, v2  }
0x46: {  	s25 =	sadd.s32 $0x1, s25  }
0x47: {  	p0 =	sne.s32 s25, $0x1F;
	v9 =	vadd.s32 v10, v9  }
.Ltmp1:
0x48: {  	v10 =	vperm.xlane v9, v4;
	(pc) =	sbr.rel @p0 .LBB2_2-.Ltmp1, $4  }
0x49: {  	_ = 	snop  }
0x4a: {  	v9 =	vadd.s32 v10, v9  }
0x4b: {  	v63 =	vadd.s32 $0xFFFFFFFF, v8;
	vm15 =	vlt.s32 v9, v7  }
0x4c: {  	v5 =	vsel vm15, v5, v8;
	v6 =	vsel vm15, v63, v6  }
0x4d: {  	s26 =	simm.s32 $0x0  }
0x4e: {  	v6 =	vld [tilespmem:s26+$0x2370]  }
0x4f: {  	v7 =	vld [tilespmem:s26+$0x2360]  }
0x50: {  	v8 =	vld [tilespmem:s26+$0x2350]  }
0x51: {  	v9 =	vld [tilespmem:s26+$0x2300]  }
0x52: {  	v10 =	vld [tilespmem:s26+$0x0]  }
0x53: {  	v11 =	vld [tilespmem:s26+$0x2310]  }
0x54: {  	v12 =	vld [tilespmem:s26+$0x10]  }
0x55: {  	v13 =	vld [tilespmem:s26+$0x2320]  }
0x56: {  	vm4 =	vgt.s32 v9, v5;
	v9 =	vld [tilespmem:s26+$0x20]  }
0x57: {  	v14 =	vimm.f32 $0.0e+00;
	v15 =	vld [tilespmem:s26+$0x2330];
	v10 =	vnsel vm4, $0x0, v10  }
0x58: {  	vm5 =	vgt.s32 v11, v5;
	v11 =	vld [tilespmem:s26+$0x30];
	v10 =	vadd.f32 v10, v14  }
0x59: {  	v12 =	vnsel vm5, $0x0, v12;
	v14 =	vld [tilespmem:s26+$0x2340]  }
0x5a: {  	s25 =	simm.s32 $0x80;
	vm6 =	vgt.s32 v13, v5;
	v10 =	vadd.f32 v12, v10;
	v12 =	vld [tilespmem:s26+$0x40]  }
0x5b: {  	vm0 =	vgt.s32 v6, v5;
	v6 =	vld [tilespmem:s25+$0x2370];
	v16 =	vnsel vm6, $0x0, v9  }
0x5c: {  	v13 =	vimm.s32 $0x0;
	vm3 =	vgt.s32 v15, v5;
	v16 =	vadd.f32 v16, v10;
	v10 =	vld [tilespmem:s26+$0x50]  }
0x5d: {  	vm2 =	vgt.s32 v8, v5;
	vm1 =	vgt.s32 v7, v5;
	v7 =	vld [tilespmem:s25+$0x2360];
	v11 =	vnsel vm3, $0x0, v11  }
0x5e: {  	v8 =	vsel vm4, $0x1, v3;
	vm4 =	vgt.s32 v14, v5;
	v15 =	vadd.f32 v11, v16;
	v11 =	vld [tilespmem:s26+$0x60]  }
0x5f: {  	v13 =	vadd.s32 v8, v13;
	v8 =	vld [tilespmem:s25+$0x2350];
	v14 =	vsel vm5, $0x1, v3;
	v63 =	vnsel vm4, $0x0, v12  }
0x60: {  	v9 =	vld [tilespmem:s26+$0x70];
	s26 =	simm.s32 $0x400;
	v12 =	vadd.s32 v14, v13;
	v13 =	vsel vm6, $0x1, v3;
	v14 =	vadd.f32 v63, v15  }
.LBB2_6:
0x61: {  	p0 =	sne.s32 s26, $0x8A00;
	v15 =	vld [tilespmem:s25+$0x2300];
	v12 =	vadd.s32 v13, v12;
	v13 =	vsel vm3, $0x1, v3;
	v10 =	vnsel vm2, $0x0, v10  }
0x62: {  	v16 =	vld [tilespmem:s25+$0x0];
	v12 =	vadd.s32 v13, v12;
	v13 =	vsel vm4, $0x1, v3;
	v10 =	vadd.f32 v10, v14  }
0x63: {  	v14 =	vld [tilespmem:s25+$0x2310];
	v12 =	vadd.s32 v13, v12;
	v13 =	vsel vm2, $0x1, v3;
	v11 =	vnsel vm1, $0x0, v11  }
0x64: {  	v17 =	vld [tilespmem:s25+$0x10];
	v12 =	vadd.s32 v13, v12;
	v13 =	vsel vm1, $0x1, v3;
	v10 =	vadd.f32 v11, v10  }
0x65: {  	v9 =	vnsel vm0, $0x0, v9;
	v11 =	vld [tilespmem:s25+$0x2320];
	v12 =	vadd.s32 v13, v12;
	v13 =	vsel vm0, $0x1, v3  }
0x66: {  	vm4 =	vgt.s32 v15, v5;
	v15 =	vld [tilespmem:s25+$0x20];
	v12 =	vadd.s32 v13, v12;
	v9 =	vadd.f32 v9, v10  }
0x67: {  	v10 =	vnsel vm4, $0x0, v16;
	v13 =	vld [tilespmem:s25+$0x2330]  }
0x68: {  	v9 =	vadd.f32 v10, v9;
	vm5 =	vgt.s32 v14, v5;
	v14 =	vld [tilespmem:s25+$0x30]  }
0x69: {  	v10 =	vnsel vm5, $0x0, v17;
	v16 =	vld [tilespmem:s25+$0x2340]  }
0x6a: {  	v10 =	vadd.f32 v10, v9;
	vm6 =	vgt.s32 v11, v5;
	v17 =	vld [tilespmem:s25+$0x40]  }
0x6b: {  	v11 =	vnsel vm6, $0x0, v15;
	v9 =	vld [tilespmem:s25+$0x70]  }
.Ltmp2:
0x6c: {  	s28 =	sshra.s32 s26, $0x2;
	vm0 =	vgt.s32 v6, v5;
	v11 =	vadd.f32 v11, v10;
	vm3 =	vgt.s32 v13, v5;
	v10 =	vld [tilespmem:s25+$0x50];
	(pc) =	sbr.rel @p0 .LBB2_6-.Ltmp2, $4  }
0x6d: {  	vm1 =	vgt.s32 v7, v5;
	vm2 =	vgt.s32 v8, v5;
	v6 =	vld [tilespmem:s28+$0x2370];
	v13 =	vnsel vm3, $0x0, v14  }
0x6e: {  	v8 =	vsel vm4, $0x1, v3;
	v14 =	vadd.f32 v13, v11;
	vm4 =	vgt.s32 v16, v5;
	v11 =	vld [tilespmem:s25+$0x60];
	s25 =	smov.u32 s28  }
0x6f: {  	v12 =	vadd.s32 v8, v12;
	v13 =	vsel vm5, $0x1, v3;
	v7 =	vld [tilespmem:s25+$0x2360];
	v15 =	vnsel vm4, $0x0, v17  }
0x70: {  	s26 =	sadd.s32 $0x200, s26;
	v12 =	vadd.s32 v13, v12;
	v13 =	vsel vm6, $0x1, v3;
	v8 =	vld [tilespmem:s25+$0x2350];
	v14 =	vadd.f32 v15, v14  }
0x71: {  	v15 =	vld [tilespmem:s25+$0x2300];
	v10 =	vnsel vm2, $0x0, v10  }
0x72: {  	v16 =	vld [tilespmem:s25+$0x0];
	v10 =	vadd.f32 v10, v14  }
0x73: {  	v52 =	vld [tilespmem:s25+$0x2310];
	v11 =	vnsel vm1, $0x0, v11  }
0x74: {  	v10 =	vadd.f32 v11, v10;
	v11 =	vld [tilespmem:s25+$0x10]  }
0x75: {  	v53 =	vld [tilespmem:s25+$0x2320];
	v9 =	vnsel vm0, $0x0, v9  }
0x76: {  	vm10 =	vgt.s32 v15, v5;
	v9 =	vadd.f32 v9, v10;
	v10 =	vld [tilespmem:s25+$0x20]  }
0x77: {  	v12 =	vadd.s32 v13, v12;
	v54 =	vld [tilespmem:s25+$0x2330];
	v15 =	vnsel vm10, $0x0, v16  }
0x78: {  	v17 =	vsel vm3, $0x1, v3;
	v56 =	vld [tilespmem:s25+$0x30];
	vm11 =	vgt.s32 v52, v5;
	v9 =	vadd.f32 v15, v9  }
0x79: {  	v55 =	vsel vm4, $0x1, v3;
	v57 =	vld [tilespmem:s25+$0x2340];
	v58 =	vsel vm2, $0x1, v3;
	v11 =	vnsel vm11, $0x0, v11  }
0x7a: {  	v59 =	vsel vm1, $0x1, v3;
	vm12 =	vgt.s32 v53, v5;
	v9 =	vadd.f32 v11, v9;
	v11 =	vld [tilespmem:s25+$0x40]  }
0x7b: {  	v61 =	vsel vm0, $0x1, v3;
	v12 =	vadd.s32 v17, v12;
	v10 =	vnsel vm12, $0x0, v10  }
0x7c: {  	v12 =	vadd.s32 v55, v12;
	vm13 =	vgt.s32 v54, v5;
	v9 =	vadd.f32 v10, v9;
	v10 =	vld [tilespmem:s25+$0x50]  }
0x7d: {  	vm5 =	vgt.s32 v6, v5;
	v12 =	vadd.s32 v58, v12;
	v60 =	vnsel vm13, $0x0, v56  }
0x7e: {  	v62 =	vld [tilespmem:s25+$0x60];
	vm15 =	vgt.s32 v7, v5;
	vm14 =	vgt.s32 v57, v5;
	v9 =	vadd.f32 v60, v9  }
0x7f: {  	v12 =	vadd.s32 v59, v12;
	vm6 =	vgt.s32 v8, v5;
	v11 =	vnsel vm14, $0x0, v11  }
0x80: {  	v63 =	vld [tilespmem:s25+$0x70];
	v12 =	vadd.s32 v61, v12;
	v8 =	vsel vm10, $0x1, v3;
	v6 =	vadd.f32 v11, v9  }
0x81: {  	v8 =	vadd.s32 v8, v12;
	v9 =	vsel vm11, $0x1, v3;
	v7 =	vnsel vm6, $0x0, v10  }
0x82: {  	v6 =	vadd.f32 v7, v6;
	v7 =	vadd.s32 v9, v8;
	v8 =	vsel vm12, $0x1, v3  }
0x83: {  	v9 =	vnsel vm15, $0x0, v62;
	v7 =	vadd.s32 v8, v7;
	v8 =	vsel vm13, $0x1, v3  }
0x84: {  	v6 =	vadd.f32 v9, v6;
	v7 =	vadd.s32 v8, v7;
	v8 =	vsel vm14, $0x1, v3  }
0x85: {  	v9 =	vnsel vm5, $0x0, v63;
	v7 =	vadd.s32 v8, v7;
	v8 =	vsel vm6, $0x1, v3  }
0x86: {  	v6 =	vadd.f32 v9, v6;
	v7 =	vadd.s32 v8, v7;
	v8 =	vsel vm15, $0x1, v3  }
0x87: {  	[tilespmem:$0x4700] =	vst v5;
	v7 =	vadd.s32 v8, v7;
	v8 =	vsel vm5, $0x1, v3  }
0x88: {  	[tilespmem:$0x4680] =	vst v6;
	v6 =	vadd.s32 v8, v7  }
0x89: {  	s25 =	simm.s32 $0x0;
	[tilespmem:$0x4780] =	vst v6  }
0x8a: {  	[hbm4b:s6+s25] =	stream.linear.scatter [tilespmem:s21], [sflag:$0x1], $0x80, $0x38;
	[tilespmem:$0x4800] =	vst v63  }
0x8b: {  	_ =	swait.ge [sflag:s18], $0x80  }
0x8c: {  	[sflag:s18] =	ssyncset.done $0x0  }
0x8d: {  	[sflag:s18] =	ssyncadd.s32 $0xFFFFFF80  }
0x8e: {  	[hbm4b:s7+s25] =	stream.linear.scatter [tilespmem:s22], [sflag:$0x1], $0x80, $0x38;
	[tilespmem:$0x4800] =	vst v63  }
0x8f: {  	_ =	swait.ge [sflag:s18], $0x80  }
0x90: {  	[sflag:s18] =	ssyncset.done $0x0  }
0x91: {  	[sflag:s18] =	ssyncadd.s32 $0xFFFFFF80  }
0x92: {  	[hbm4b:s8+s25] =	stream.linear.scatter [tilespmem:s23], [sflag:$0x1], $0x80, $0x38;
	[tilespmem:$0x4800] =	vst v63  }
0x93: {  	_ =	swait.ge [sflag:s18], $0x80  }
0x94: {  	[sflag:s18] =	ssyncset.done $0x0  }
0x95: {  	[sflag:s18] =	ssyncadd.s32 $0xFFFFFF80  }
0x96: {  	[tilespmem:s25], [sflag:$0x1] =	stream.strided.gather [hbm4b:s9+s16], $0x2300, s17, s16, $0x38;
	[tilespmem:$0x4800] =	vst v63  }
0x97: {  	_ =	swait.ge [sflag:s18], $0x2300  }
0x98: {  	[sflag:s18] =	ssyncset.done $0x0  }
0x99: {  	[sflag:s18] =	ssyncadd.s32 $0xFFFFDD00  }
0x9a: {  	[tilespmem:s19], [sflag:$0x1] =	stream.strided.gather [hbm4b:s10+s16], $0x2300, s17, s16, $0x38;
	[tilespmem:$0x4800] =	vst v63  }
0x9b: {  	_ =	swait.ge [sflag:s18], $0x2300  }
0x9c: {  	[sflag:s18] =	ssyncset.done $0x0  }
0x9d: {  	[sflag:s18] =	ssyncadd.s32 $0xFFFFDD00  }
0x9e: {  	[tilespmem:s20], [sflag:$0x1] =	stream.linear.gather [hbm4b:s11+s25], $0x80, $0x38;
	[tilespmem:$0x4800] =	vst v63  }
0x9f: {  	_ =	swait.ge [sflag:s18], $0x80  }
0xa0: {  	[sflag:s18] =	ssyncset.done $0x0  }
0xa1: {  	[sflag:s18] =	ssyncadd.s32 $0xFFFFFF80  }
0xa2: {  	v5 =	vimm.s32 $0x0;
	v7 =	vimm.s32 $0x7FFFFFFF;
	v6 =	vimm.s32 $0x0;
	v8 =	vld [tilespmem:$0x4600]  }
.LBB2_8:
0xa3: {  	s29 =	simm.s32 $0x0  }
0xa4: {  	v10 =	vld [tilespmem:s29+$0x2300]  }
0xa5: {  	v9 =	vsub.s32 v7, v5;
	v11 =	vld [tilespmem:s29+$0x2310]  }
0xa6: {  	v12 =	vshra.s32 v9, $0x1;
	v14 =	vld [tilespmem:s29+$0x2320]  }
0xa7: {  	v9 =	vand.u32 $0x1, v9;
	v13 =	vld [tilespmem:s29+$0x2330];
	v12 =	vadd.s32 v5, v12  }
0xa8: {  	v9 =	vadd.s32 v9, v12;
	v12 =	vld [tilespmem:s29+$0x2340]  }
0xa9: {  	vm0 =	vge.s32 v10, v9;
	v10 =	vld [tilespmem:s29+$0x2350]  }
0xaa: {  	v15 =	vsel vm0, $0x1, v3;
	vm0 =	vge.s32 v11, v9;
	v11 =	vld [tilespmem:s29+$0x2360]  }
0xab: {  	s26 =	simm.s32 $0x80;
	s28 =	simm.s32 $0x400;
	v15 =	vadd.s32 v15, v6;
	v16 =	vsel vm0, $0x1, v3;
	vm0 =	vge.s32 v14, v9;
	v14 =	vld [tilespmem:s29+$0x2370]  }
.LBB2_9:
0xac: {  	p0 =	sne.s32 s28, $0x8A00;
	v17 =	vld [tilespmem:s26+$0x2300];
	v15 =	vadd.s32 v16, v15;
	v16 =	vsel vm0, $0x1, v3;
	vm0 =	vge.s32 v13, v9  }
0xad: {  	v18 =	vld [tilespmem:s26+$0x2310];
	v13 =	vadd.s32 v16, v15;
	v15 =	vsel vm0, $0x1, v3;
	vm0 =	vge.s32 v12, v9  }
0xae: {  	v19 =	vld [tilespmem:s26+$0x2320];
	v12 =	vadd.s32 v15, v13;
	v15 =	vsel vm0, $0x1, v3;
	vm0 =	vge.s32 v10, v9  }
.Ltmp3:
0xaf: {  	v13 =	vld [tilespmem:s26+$0x2330];
	v10 =	vadd.s32 v15, v12;
	v15 =	vsel vm0, $0x1, v3;
	vm0 =	vge.s32 v11, v9;
	(pc) =	sbr.rel @p0 .LBB2_9-.Ltmp3, $4  }
0xb0: {  	v12 =	vld [tilespmem:s26+$0x2340];
	v11 =	vadd.s32 v15, v10;
	v15 =	vsel vm0, $0x1, v3;
	vm0 =	vge.s32 v14, v9  }
0xb1: {  	vm1 =	vge.s32 v17, v9;
	v10 =	vld [tilespmem:s26+$0x2350];
	v14 =	vadd.s32 v15, v11;
	v15 =	vsel vm0, $0x1, v3  }
0xb2: {  	v16 =	vsel vm1, $0x1, v3;
	vm0 =	vge.s32 v18, v9;
	v11 =	vld [tilespmem:s26+$0x2360];
	v14 =	vadd.s32 v15, v14  }
0xb3: {  	v15 =	vadd.s32 v16, v14;
	v16 =	vsel vm0, $0x1, v3;
	vm0 =	vge.s32 v19, v9;
	v14 =	vld [tilespmem:s26+$0x2370];
	s26 =	sshra.s32 s28, $0x2;
	s28 =	sadd.s32 $0x200, s28  }
0xb4: {  	v17 =	vld [tilespmem:s26+$0x2300];
	v15 =	vadd.s32 v16, v15;
	v50 =	vsel vm0, $0x1, v3;
	vm15 =	vge.s32 v13, v9  }
0xb5: {  	v51 =	vld [tilespmem:s26+$0x2310];
	v15 =	vadd.s32 v50, v15;
	v52 =	vsel vm15, $0x1, v3;
	vm4 =	vge.s32 v12, v9  }
0xb6: {  	v53 =	vld [tilespmem:s26+$0x2320];
	v15 =	vadd.s32 v52, v15;
	v54 =	vsel vm4, $0x1, v3;
	vm5 =	vge.s32 v10, v9  }
0xb7: {  	v10 =	vld [tilespmem:s26+$0x2330];
	v15 =	vadd.s32 v54, v15;
	v55 =	vsel vm5, $0x1, v3;
	vm6 =	vge.s32 v11, v9  }
0xb8: {  	v11 =	vld [tilespmem:s26+$0x2340];
	v15 =	vadd.s32 v55, v15;
	v56 =	vsel vm6, $0x1, v3;
	vm7 =	vge.s32 v14, v9  }
0xb9: {  	v57 =	vld [tilespmem:s26+$0x2350];
	vm1 =	vge.s32 v17, v9;
	v15 =	vadd.s32 v56, v15;
	v58 =	vsel vm7, $0x1, v3  }
0xba: {  	v59 =	vld [tilespmem:s26+$0x2360];
	vm8 =	vge.s32 v51, v9;
	v17 =	vsel vm1, $0x1, v3;
	v15 =	vadd.s32 v58, v15  }
0xbb: {  	v61 =	vld [tilespmem:s26+$0x2370];
	vm9 =	vge.s32 v53, v9;
	v60 =	vsel vm8, $0x1, v3;
	v15 =	vadd.s32 v17, v15  }
0xbc: {  	v62 =	vsel vm9, $0x1, v3;
	vm10 =	vge.s32 v10, v9;
	v15 =	vadd.s32 v60, v15  }
0xbd: {  	v63 =	vsel vm10, $0x1, v3;
	vm11 =	vge.s32 v11, v9;
	v10 =	vadd.s32 v62, v15  }
0xbe: {  	vm12 =	vge.s32 v57, v9;
	v11 =	vsel vm11, $0x1, v3;
	v10 =	vadd.s32 v63, v10  }
0xbf: {  	vm13 =	vge.s32 v59, v9;
	v10 =	vadd.s32 v11, v10;
	v11 =	vsel vm12, $0x1, v3  }
0xc0: {  	vm14 =	vge.s32 v61, v9;
	v10 =	vadd.s32 v11, v10;
	v11 =	vsel vm13, $0x1, v3  }
0xc1: {  	v10 =	vadd.s32 v11, v10;
	v11 =	vsel vm14, $0x1, v3  }
0xc2: {  	v10 =	vadd.s32 v11, v10  }
0xc3: {  	v11 =	vperm.xlane v10, v0;
	_ =	sdelay $0x1  }
0xc4: {  	v10 =	vadd.s32 v10, v11  }
0xc5: {  	v11 =	vperm.xlane v10, v1;
	_ =	sdelay $0x1  }
0xc6: {  	v10 =	vadd.s32 v11, v10  }
0xc7: {  	v11 =	vperm.xlane v10, v2  }
0xc8: {  	s25 =	sadd.s32 $0x1, s25  }
0xc9: {  	p0 =	sne.s32 s25, $0x1F;
	v10 =	vadd.s32 v11, v10  }
.Ltmp4:
0xca: {  	v11 =	vperm.xlane v10, v4;
	(pc) =	sbr.rel @p0 .LBB2_8-.Ltmp4, $4  }
0xcb: {  	_ = 	snop  }
0xcc: {  	v10 =	vadd.s32 v11, v10  }
0xcd: {  	vm15 =	vlt.s32 v10, v8;
	v10 =	vadd.s32 $0xFFFFFFFF, v9  }
0xce: {  	v5 =	vsel vm15, v5, v9;
	v7 =	vsel vm15, v10, v7  }
0xcf: {  	s26 =	simm.s32 $0x0  }
0xd0: {  	v6 =	vld [tilespmem:s26+$0x2370]  }
0xd1: {  	v7 =	vld [tilespmem:s26+$0x2360]  }
0xd2: {  	v8 =	vld [tilespmem:s26+$0x2350]  }
0xd3: {  	v9 =	vld [tilespmem:s26+$0x2300]  }
0xd4: {  	v10 =	vld [tilespmem:s26+$0x0]  }
0xd5: {  	v11 =	vld [tilespmem:s26+$0x2310]  }
0xd6: {  	v12 =	vld [tilespmem:s26+$0x10]  }
0xd7: {  	v13 =	vld [tilespmem:s26+$0x2320]  }
0xd8: {  	vm4 =	vgt.s32 v9, v5;
	v9 =	vld [tilespmem:s26+$0x20]  }
0xd9: {  	v14 =	vimm.f32 $0.0e+00;
	v15 =	vld [tilespmem:s26+$0x2330];
	v10 =	vnsel vm4, $0x0, v10  }
0xda: {  	vm5 =	vgt.s32 v11, v5;
	v11 =	vld [tilespmem:s26+$0x30];
	v10 =	vadd.f32 v10, v14  }
0xdb: {  	v12 =	vnsel vm5, $0x0, v12;
	v14 =	vld [tilespmem:s26+$0x2340]  }
0xdc: {  	s25 =	simm.s32 $0x80;
	vm6 =	vgt.s32 v13, v5;
	v10 =	vadd.f32 v12, v10;
	v12 =	vld [tilespmem:s26+$0x40]  }
0xdd: {  	vm0 =	vgt.s32 v6, v5;
	v6 =	vld [tilespmem:s25+$0x2370];
	v16 =	vnsel vm6, $0x0, v9  }
0xde: {  	v13 =	vimm.s32 $0x0;
	vm3 =	vgt.s32 v15, v5;
	v16 =	vadd.f32 v16, v10;
	v10 =	vld [tilespmem:s26+$0x50]  }
0xdf: {  	vm2 =	vgt.s32 v8, v5;
	vm1 =	vgt.s32 v7, v5;
	v7 =	vld [tilespmem:s25+$0x2360];
	v11 =	vnsel vm3, $0x0, v11  }
0xe0: {  	v8 =	vsel vm4, $0x1, v3;
	vm4 =	vgt.s32 v14, v5;
	v15 =	vadd.f32 v11, v16;
	v11 =	vld [tilespmem:s26+$0x60]  }
0xe1: {  	v13 =	vadd.s32 v8, v13;
	v8 =	vld [tilespmem:s25+$0x2350];
	v14 =	vsel vm5, $0x1, v3;
	v63 =	vnsel vm4, $0x0, v12  }
0xe2: {  	v9 =	vld [tilespmem:s26+$0x70];
	s26 =	simm.s32 $0x400;
	v12 =	vadd.s32 v14, v13;
	v13 =	vsel vm6, $0x1, v3;
	v14 =	vadd.f32 v63, v15  }
.LBB2_12:
0xe3: {  	p0 =	sne.s32 s26, $0x8A00;
	v15 =	vld [tilespmem:s25+$0x2300];
	v12 =	vadd.s32 v13, v12;
	v13 =	vsel vm3, $0x1, v3;
	v10 =	vnsel vm2, $0x0, v10  }
0xe4: {  	v16 =	vld [tilespmem:s25+$0x0];
	v12 =	vadd.s32 v13, v12;
	v13 =	vsel vm4, $0x1, v3;
	v10 =	vadd.f32 v10, v14  }
0xe5: {  	v14 =	vld [tilespmem:s25+$0x2310];
	v12 =	vadd.s32 v13, v12;
	v13 =	vsel vm2, $0x1, v3;
	v11 =	vnsel vm1, $0x0, v11  }
0xe6: {  	v17 =	vld [tilespmem:s25+$0x10];
	v12 =	vadd.s32 v13, v12;
	v13 =	vsel vm1, $0x1, v3;
	v10 =	vadd.f32 v11, v10  }
0xe7: {  	v9 =	vnsel vm0, $0x0, v9;
	v11 =	vld [tilespmem:s25+$0x2320];
	v12 =	vadd.s32 v13, v12;
	v13 =	vsel vm0, $0x1, v3  }
0xe8: {  	vm4 =	vgt.s32 v15, v5;
	v15 =	vld [tilespmem:s25+$0x20];
	v12 =	vadd.s32 v13, v12;
	v9 =	vadd.f32 v9, v10  }
0xe9: {  	v10 =	vnsel vm4, $0x0, v16;
	v13 =	vld [tilespmem:s25+$0x2330]  }
0xea: {  	v9 =	vadd.f32 v10, v9;
	vm5 =	vgt.s32 v14, v5;
	v14 =	vld [tilespmem:s25+$0x30]  }
0xeb: {  	v10 =	vnsel vm5, $0x0, v17;
	v16 =	vld [tilespmem:s25+$0x2340]  }
0xec: {  	v10 =	vadd.f32 v10, v9;
	vm6 =	vgt.s32 v11, v5;
	v17 =	vld [tilespmem:s25+$0x40]  }
0xed: {  	v11 =	vnsel vm6, $0x0, v15;
	v9 =	vld [tilespmem:s25+$0x70]  }
.Ltmp5:
0xee: {  	s28 =	sshra.s32 s26, $0x2;
	vm0 =	vgt.s32 v6, v5;
	v11 =	vadd.f32 v11, v10;
	vm3 =	vgt.s32 v13, v5;
	v10 =	vld [tilespmem:s25+$0x50];
	(pc) =	sbr.rel @p0 .LBB2_12-.Ltmp5, $4  }
0xef: {  	vm1 =	vgt.s32 v7, v5;
	vm2 =	vgt.s32 v8, v5;
	v6 =	vld [tilespmem:s28+$0x2370];
	v13 =	vnsel vm3, $0x0, v14  }
0xf0: {  	v8 =	vsel vm4, $0x1, v3;
	v14 =	vadd.f32 v13, v11;
	vm4 =	vgt.s32 v16, v5;
	v11 =	vld [tilespmem:s25+$0x60];
	s25 =	smov.u32 s28  }
0xf1: {  	v12 =	vadd.s32 v8, v12;
	v13 =	vsel vm5, $0x1, v3;
	v7 =	vld [tilespmem:s25+$0x2360];
	v15 =	vnsel vm4, $0x0, v17  }
0xf2: {  	s26 =	sadd.s32 $0x200, s26;
	v12 =	vadd.s32 v13, v12;
	v13 =	vsel vm6, $0x1, v3;
	v8 =	vld [tilespmem:s25+$0x2350];
	v14 =	vadd.f32 v15, v14  }
0xf3: {  	v15 =	vld [tilespmem:s25+$0x2300];
	v10 =	vnsel vm2, $0x0, v10  }
0xf4: {  	v16 =	vld [tilespmem:s25+$0x0];
	v10 =	vadd.f32 v10, v14  }
0xf5: {  	v38 =	vld [tilespmem:s25+$0x2310];
	v11 =	vnsel vm1, $0x0, v11  }
0xf6: {  	v39 =	vld [tilespmem:s25+$0x10];
	v10 =	vadd.f32 v11, v10  }
0xf7: {  	v40 =	vld [tilespmem:s25+$0x2320];
	v9 =	vnsel vm0, $0x0, v9  }
0xf8: {  	v41 =	vld [tilespmem:s25+$0x20];
	vm10 =	vgt.s32 v15, v5;
	v9 =	vadd.f32 v9, v10  }
0xf9: {  	v12 =	vadd.s32 v13, v12;
	v42 =	vld [tilespmem:s25+$0x2330];
	v15 =	vnsel vm10, $0x0, v16  }
0xfa: {  	v17 =	vsel vm3, $0x1, v3;
	v44 =	vld [tilespmem:s25+$0x30];
	vm11 =	vgt.s32 v38, v5;
	v9 =	vadd.f32 v15, v9  }
0xfb: {  	v43 =	vsel vm4, $0x1, v3;
	v45 =	vld [tilespmem:s25+$0x2340];
	v46 =	vsel vm2, $0x1, v3;
	v11 =	vnsel vm11, $0x0, v39  }
0xfc: {  	v47 =	vld [tilespmem:s25+$0x40];
	v48 =	vsel vm1, $0x1, v3;
	vm12 =	vgt.s32 v40, v5;
	v9 =	vadd.f32 v11, v9  }
0xfd: {  	v51 =	vsel vm0, $0x1, v3;
	v12 =	vadd.s32 v17, v12;
	v10 =	vnsel vm12, $0x0, v41  }
0xfe: {  	v49 =	vld [tilespmem:s25+$0x50];
	v12 =	vadd.s32 v43, v12;
	vm13 =	vgt.s32 v42, v5;
	v9 =	vadd.f32 v10, v9  }
0xff: {  	vm5 =	vgt.s32 v6, v5;
	v12 =	vadd.s32 v46, v12;
	v50 =	vnsel vm13, $0x0, v44  }
0x100: {  	v52 =	vld [tilespmem:s25+$0x60];
	vm15 =	vgt.s32 v7, v5;
	vm14 =	vgt.s32 v45, v5;
	v9 =	vadd.f32 v50, v9  }
0x101: {  	v12 =	vadd.s32 v48, v12;
	vm6 =	vgt.s32 v8, v5;
	v11 =	vnsel vm14, $0x0, v47  }
0x102: {  	v53 =	vld [tilespmem:s25+$0x70];
	v12 =	vadd.s32 v51, v12;
	v54 =	vsel vm10, $0x1, v3;
	v6 =	vadd.f32 v11, v9  }
0x103: {  	v7 =	vnsel vm6, $0x0, v49;
	v55 =	vsel vm11, $0x1, v3;
	v8 =	vadd.s32 v54, v12  }
0x104: {  	v56 =	vsel vm12, $0x1, v3;
	v6 =	vadd.f32 v7, v6;
	v7 =	vadd.s32 v55, v8  }
0x105: {  	v57 =	vnsel vm15, $0x0, v52;
	v58 =	vsel vm13, $0x1, v3;
	v7 =	vadd.s32 v56, v7  }
0x106: {  	v59 =	vsel vm14, $0x1, v3;
	v6 =	vadd.f32 v57, v6;
	v7 =	vadd.s32 v58, v7  }
0x107: {  	v60 =	vnsel vm5, $0x0, v53;
	v61 =	vsel vm6, $0x1, v3;
	v7 =	vadd.s32 v59, v7  }
0x108: {  	v62 =	vsel vm15, $0x1, v3;
	v6 =	vadd.f32 v60, v6;
	v7 =	vadd.s32 v61, v7  }
0x109: {  	[tilespmem:$0x4700] =	vst v5;
	v63 =	vsel vm5, $0x1, v3;
	v7 =	vadd.s32 v62, v7  }
0x10a: {  	[tilespmem:$0x4680] =	vst v6;
	v6 =	vadd.s32 v63, v7  }
0x10b: {  	[tilespmem:$0x4780] =	vst v6  }
0x10c: {  	[hbm4b:s12+s1] =	stream.linear.scatter [tilespmem:s21], [sflag:$0x1], $0x80, $0x38;
	[tilespmem:$0x4800] =	vst v63  }
0x10d: {  	_ =	swait.ge [sflag:s18], $0x80  }
0x10e: {  	[sflag:s18] =	ssyncset.done $0x0  }
0x10f: {  	[sflag:s18] =	ssyncadd.s32 $0xFFFFFF80  }
0x110: {  	[hbm4b:s13+s1] =	stream.linear.scatter [tilespmem:s22], [sflag:$0x1], $0x80, $0x38;
	[tilespmem:$0x4800] =	vst v63  }
0x111: {  	s24 =	sadd.s32 $0x1, s24;
	_ =	swait.ge [sflag:s18], $0x80  }
0x112: {  	p0 =	sne.s32 s24, s15;
	[sflag:s18] =	ssyncset.done $0x0  }
.Ltmp6:
0x113: {  	[sflag:s18] =	ssyncadd.s32 $0xFFFFFF80;
	(pc) =	sbr.rel @p0 .LBB2_1-.Ltmp6, $4  }
0x114: {  	[hbm4b:s14+s1] =	stream.linear.scatter [tilespmem:s23], [sflag:$0x1], $0x80, $0x38;
	[tilespmem:$0x4800] =	vst v63  }
0x115: {  	_ =	swait.ge [sflag:s18], $0x80  }
0x116: {  	[sflag:s18] =	ssyncset.done $0x0  }
0x117: {  	[sflag:s18] =	ssyncadd.s32 $0xFFFFFF80  }
0x118: {  	_ =	sfence.sel $0x180000  }
0x119: {  	[bflag:$0x0] =	sbarrier.arrive $0xFFFF  }
0x11a: {  	p0 =	sne.s32 s2, $0x0;
	_ =	strace $0x90000047  }
0x11b: {  	s0 =	sadd.s32 @!p0 $0x100000, s0;
	[bflag:$0x2] =	sbarrier.arrive $0xFFFF  }
0x11c: {  	[sflag:s0] =	ssyncadd.tile.s32 @!p0 $0x1;
	_ =	shalt  }
.Lfunc_end2:
_tile_overlayer_lowered:
.L_overlay_start_2:
0x11d: {  	(tag) =	ssettag $0x2  }
0x11e: {  	s0 =	rddreg [dreg:$0x0];
	s2 =	stileid.u32  }
0x11f: {  	s1 =	rddreg [dreg:$0x1];
	p0 =	sne.s32 s2, $0x0  }
0x120: {  	s3 =	rddreg [dreg:$0x2];
	[bflag:$0x3] =	sbarrier.arrive $0xFFFF;
	s2 =	simm.s32 @!p0 $0x1C01  }
0x121: {  	[timem:s3], [sflag:s2] =	dma.local @!p0 [hbm:s0], s1  }
0x122: {  	s0 =	simm.s32 @!p0 $0x1  }
0x123: {  	_ =	swait.ge @!p0 [sflag:s0], s1  }
0x124: {  	s1 =	ssub.s32 @!p0 $0x0, s1;
	[sflag:s0] =	ssyncset.done @!p0 $0x0  }
0x125: {  	[sflag:s0] =	ssyncadd.s32 @!p0 s1  }
0x126: {  	[bflag:$0x3] =	sbarrier.arrive $0xFFFF  }
0x127: {  	_ =	shalt  }

</sc_bundles>
